<compile_context>
chip_gen: v7x
topology: tpu7x:2x2x1
jax: 0.10.2.dev20260603
libtpu: 0.0.44.dev20260713+nightly
codegen_flags: <defaults>
</compile_context>

<pallas_src>
import functools

import jax
import jax.numpy as jnp
from jax import lax
from jax.experimental import pallas as pl
from jax.experimental.pallas import tpu as pltpu
from jax.experimental.pallas import tpu_sc as plsc

_VOCAB = 8192
_DIM = 256
_BETA = 0.25

_TM = 2048
_TK = 8192


def _argmin_body(x_ref, e_ref, e2_ref, idx_ref, loss_ref,
                 bv_ref, bi_ref, iota_ref):
    k = pl.program_id(1)
    nk = pl.num_programs(1)
    i = pl.program_id(0)

    @pl.when((k == 0) & (i == 0))
    def _():
        iota_ref[:, :] = lax.broadcasted_iota(
            jnp.int32, (1, 128), 1).astype(jnp.float32)
    nj = _TK // 128
    rb = 512
    lv_parts = []
    li_parts = []
    for r in range(_TM // rb):
        rs = slice(r * rb, (r + 1) * rb)
        sr = lax.dot_general(
            -2.0 * x_ref[rs, :], e_ref[:, :], (((1,), (1,)), ((), ())),
            preferred_element_type=jnp.float32,
        )
        xr = x_ref[rs, :]
        x2r = jnp.sum(xr * xr, axis=1, keepdims=True)
        acc_v = (x2r + sr[:, 0:128]) + e2_ref[:, 0:128]
        acc_j = jnp.zeros_like(acc_v)
        for j in range(1, nj):
            dj = (x2r + sr[:, j * 128:(j + 1) * 128]) + e2_ref[:, j * 128:(j + 1) * 128]
            m = dj < acc_v
            acc_v = jnp.where(m, dj, acc_v)
            acc_j = jnp.where(m, jnp.float32(j), acc_j)
        lvr = jnp.min(acc_v, axis=1, keepdims=True)
        idxf = acc_j * 128.0 + iota_ref[:, :]
        lir = jnp.min(jnp.where(acc_v == lvr, idxf, jnp.float32(_VOCAB)),
                      axis=1, keepdims=True)
        lv_parts.append(lvr)
        li_parts.append(lir)
    lv = jnp.concatenate(lv_parts, axis=0)
    li = jnp.concatenate(li_parts, axis=0) + jnp.float32(k * _TK)

    @pl.when(k == 0)
    def _():
        bv_ref[:, :] = lv
        bi_ref[:, :] = li

    @pl.when(k > 0)
    def _():
        take = lv < bv_ref[:, :]
        bi_ref[:, :] = jnp.where(take, li, bi_ref[:, :])
        bv_ref[:, :] = jnp.where(take, lv, bv_ref[:, :])

    @pl.when(k == nk - 1)
    def _():
        idx_ref[:, :] = bi_ref[:, :].astype(jnp.int32)
        part = jnp.sum(bv_ref[:, :], keepdims=True)
        i = pl.program_id(0)

        @pl.when(i == 0)
        def _():
            loss_ref[:, :] = part

        @pl.when(i > 0)
        def _():
            loss_ref[:, :] = loss_ref[:, :] + part


def _argmin_call(x, e, e2):
    m = x.shape[0]
    grid = (m // _TM, _VOCAB // _TK)
    return pl.pallas_call(
        _argmin_body,
        grid=grid,
        in_specs=[
            pl.BlockSpec((_TM, _DIM), lambda i, k: (i, 0)),
            pl.BlockSpec((_TK, _DIM), lambda i, k: (k, 0)),
            pl.BlockSpec((1, _TK), lambda i, k: (0, k)),
        ],
        out_specs=[
            pl.BlockSpec((_TM, 1), lambda i, k: (i, 0)),
            pl.BlockSpec((1, 1), lambda i, k: (0, 0)),
        ],
        out_shape=[
            jax.ShapeDtypeStruct((m, 1), jnp.int32),
            jax.ShapeDtypeStruct((1, 1), jnp.float32),
        ],
        scratch_shapes=[
            pltpu.VMEM((_TM, 1), jnp.float32),
            pltpu.VMEM((_TM, 1), jnp.float32),
            pltpu.VMEM((1, 128), jnp.float32),
        ],
    )(x, e, e2)


def _perp_body(h_ref, out_ref):
    c = h_ref[0:1, :] + h_ref[1:2, :]
    p = c * (1.0 / 8192.0)
    t = p * jnp.log(p + 1e-10)
    out_ref[:, :] = jnp.exp(-jnp.sum(t, axis=1, keepdims=True))


def _perp_call(hist):
    return pl.pallas_call(
        _perp_body,
        out_shape=jax.ShapeDtypeStruct((1, 1), jnp.float32),
    )(hist)


def _sc_gather_hist(e, idx, zeros_k, ones_h):
    info = plsc.get_sparse_core_info()
    nc, ns = info.num_cores, info.num_subcores
    nw = nc * ns
    m = idx.shape[0]
    bpw = m // nw
    half = bpw // 2
    mesh = plsc.VectorSubcoreMesh(core_axis_name="c", subcore_axis_name="s")

    @functools.partial(
        pl.kernel,
        mesh=mesh,
        out_type=[
            jax.ShapeDtypeStruct((m, _DIM), jnp.float32),
            jax.ShapeDtypeStruct((nc, _VOCAB), jnp.float32),
        ],
        scratch_types=[
            pltpu.VMEM((2, half), jnp.int32),
            pltpu.VMEM((half, _DIM), jnp.float32),
            pltpu.VMEM((half, _DIM), jnp.float32),
            pltpu.VMEM((half,), jnp.float32),
            pltpu.VMEM_SHARED((_VOCAB,), jnp.float32),
            pltpu.SemaphoreType.DMA,
            pltpu.SemaphoreType.DMA,
            pltpu.SemaphoreType.DMA,
            pltpu.SemaphoreType.DMA,
        ],
    )
    def body(e_hbm, idx_hbm, zeros_hbm, ones_hbm, q_hbm, hist_hbm,
             idx_v, rows_a, rows_b, ones_v, hist_s, sem_a, sem_b,
             sem_wa, sem_wb):
        cid = lax.axis_index("c")
        sid = lax.axis_index("s")
        wid = sid * nc + cid
        base = wid * bpw
        pltpu.sync_copy(idx_hbm.at[pl.ds(base, half)], idx_v.at[0])
        pltpu.sync_copy(idx_hbm.at[pl.ds(base + half, half)], idx_v.at[1])
        cp_a = pltpu.async_copy(e_hbm.at[idx_v.at[0]], rows_a, sem_a)
        cp_b = pltpu.async_copy(e_hbm.at[idx_v.at[1]], rows_b, sem_b)
        pltpu.sync_copy(ones_hbm, ones_v)

        @pl.when(sid == 0)
        def _():
            pltpu.sync_copy(zeros_hbm, hist_s)

        cp_a.wait()
        wr_a = pltpu.async_copy(rows_a, q_hbm.at[pl.ds(base, half)], sem_wa)
        cp_b.wait()
        wr_b = pltpu.async_copy(rows_b, q_hbm.at[pl.ds(base + half, half)], sem_wb)
        plsc.subcore_barrier()
        pltpu.sync_copy(ones_v, hist_s.at[idx_v.at[0]], add=True)
        pltpu.sync_copy(ones_v, hist_s.at[idx_v.at[1]], add=True)
        plsc.subcore_barrier()

        @pl.when(sid == 0)
        def _():
            pltpu.sync_copy(hist_s, hist_hbm.at[cid])

        wr_a.wait()
        wr_b.wait()

    return body(e, idx, zeros_k, ones_h)


def kernel(inputs, dictionary, counts):
    c = inputs.shape[-1]
    x = inputs.reshape(-1, c)
    m = x.shape[0]
    e = dictionary / counts[:, None]
    e2 = (e ** 2).sum(axis=1).reshape(1, -1)

    idx, loss_sum = _argmin_call(x, e, e2)

    zeros_k = jnp.zeros((_VOCAB,), jnp.float32)
    ones_h = jnp.ones((m // 64,), jnp.float32)
    quantized, hist = _sc_gather_hist(e, idx.reshape(m), zeros_k, ones_h)

    perp = _perp_call(hist)

    loss_vq = loss_sum.reshape(()) * ((1.0 + _BETA) / (m * c))
    return (quantized.reshape(inputs.shape), loss_vq, perp.reshape(()))

# --- scband reference (transcript-rebuilt; emitter-appended) ---
"""Pipeline reference for scband-vector-quantizer-46797963657238 (READ-ONLY COPY).

The authoritative reference and input builder live on the scoring server;
editing this copy changes nothing except your own understanding.
"""

import jax, jax.numpy as jnp
import numpy as np

VOCAB_SIZE = 8192
DIM = 256
BETA = 0.25


def setup_inputs(seed: int = 0) -> dict:
    key = jax.random.key(seed)
    k1, k2 = jax.random.split(key)
    inputs = jax.random.normal(k1, (8, 1024, DIM), dtype=jnp.float32)
    # learned state per setup(): dictionary ~ normal(stddev=1/sqrt(K)), counts = ones
    dictionary = jax.random.normal(k2, (VOCAB_SIZE, DIM), dtype=jnp.float32) * (1.0 / VOCAB_SIZE ** 0.5)
    counts = jnp.ones((VOCAB_SIZE,), dtype=jnp.float32)
    return {"inputs": inputs, "dictionary": dictionary, "counts": counts}


def reference(inputs, dictionary, counts):
    C = inputs.shape[-1]
    x = inputs.reshape(-1, C)
    # get_codewords: e = dictionary / counts[:, None]
    e = dictionary / counts[:, None]
    # quantize: pairwise squared distances + argmin
    distances = (x ** 2).sum(axis=1, keepdims=True) - 2.0 * jnp.einsum('mc,kc->mk', x, e) + (e ** 2).sum(axis=1)
    encoding_indices = jnp.argmin(distances, axis=-1)
    encodings = jax.nn.one_hot(encoding_indices, e.shape[0], dtype=x.dtype)
    quantized = jnp.einsum('mk,kc->mc', encodings, e)
    # VQ losses
    e_latent_loss = ((jax.lax.stop_gradient(quantized) - x) ** 2).mean()
    q_latent_loss = ((quantized - jax.lax.stop_gradient(x)) ** 2).mean()
    loss_vq = q_latent_loss + BETA * e_latent_loss
    # straight-through estimator
    quantized = x + jax.lax.stop_gradient(quantized - x)
    # perplexity (eval path: no pmean / running average)
    avg_probs = encodings.mean(axis=0)
    perplexity = jnp.exp(-jnp.sum(avg_probs * jnp.log(avg_probs + 1e-10)))
    quantized = quantized.reshape(inputs.shape)
    return (quantized, loss_vq, perplexity)

if __name__ == "__main__":
    import jax
    _d = setup_inputs()
    print(jax.jit(kernel)(*tuple(_d.values())))

</pallas_src>

<mosaic_0001>
#map = affine_map<(d0, d1) -> (0, 0)>
#map1 = affine_map<(d0, d1) -> (0)>
module attributes {stable_mosaic.version = 14 : i64} {
  func.func @body(%arg0: i32, %arg1: i32, %arg2: memref<8192x256xf32, #tpu.memory_space<hbm>>, %arg3: memref<8192xi32, #tpu.memory_space<hbm>>, %arg4: memref<8192xf32, #tpu.memory_space<hbm>>, %arg5: memref<128xf32, #tpu.memory_space<hbm>>, %arg6: memref<8192x256xf32, #tpu.memory_space<hbm>>, %arg7: memref<2x8192xf32, #tpu.memory_space<hbm>>, %arg8: memref<2x128xi32, #tpu.memory_space<vmem>>, %arg9: memref<128x256xf32, #tpu.memory_space<vmem>>, %arg10: memref<128x256xf32, #tpu.memory_space<vmem>>, %arg11: memref<128xf32, #tpu.memory_space<vmem>>, %arg12: memref<8192xf32, #tpu.memory_space<vmem_shared>>, %arg13: memref<!tpu.dma_semaphore, #tpu.memory_space<semaphore_mem>>, %arg14: memref<!tpu.dma_semaphore, #tpu.memory_space<semaphore_mem>>, %arg15: memref<!tpu.dma_semaphore, #tpu.memory_space<semaphore_mem>>, %arg16: memref<!tpu.dma_semaphore, #tpu.memory_space<semaphore_mem>>) attributes {dimension_semantics = [#tpu.dimension_semantics<core_parallel>, #tpu.dimension_semantics<subcore_parallel>], iteration_bounds = array<i64: 2, 16>, scalar_prefetch = 0 : i64, scratch_operands = 9 : i64, tpu.core_type = #tpu.core_type<sc_vector_subcore>, window_params = [{transform_indices = #map}, {transform_indices = #map1}, {transform_indices = #map1}, {transform_indices = #map1}, {transform_indices = #map}, {transform_indices = #map}]} {
    %mul3A = arith.constant 2 : i32
    %mul3A_0 = arith.muli %arg1, %mul3A : i32
    %add3A = arith.addi %mul3A_0, %arg0 : i32
    %mul3A_1 = arith.constant 256 : i32
    %mul3A_2 = arith.muli %add3A, %mul3A_1 : i32
    %run_scoped3A = arith.constant 0 : i32
    "tpu.region"() ({
      %run_scoped3A_60 = tpu.sem_alloc : memref<!tpu.dma_semaphore, #tpu.memory_space<semaphore_mem>>
      %dma_start3A_61 = arith.constant 0 : i32
      %dma_start3A_62 = tpu.memref_slice %arg8[%run_scoped3A, %dma_start3A_61] : memref<2x128xi32, #tpu.memory_space<vmem>> -> memref<1x128xi32, #tpu.memory_space<vmem>>
      %dma_start3A_63 = tpu.memref_squeeze %dma_start3A_62 : memref<1x128xi32, #tpu.memory_space<vmem>> -> memref<128xi32, #tpu.memory_space<vmem>>
      %dma_start3A_64 = tpu.memref_slice %arg3[%mul3A_2] : memref<8192xi32, #tpu.memory_space<hbm>> -> memref<128xi32, #tpu.memory_space<hbm>>
      %dma_start3A_65 = arith.constant 0 : i32
      %dma_start3A_66 = tpu.memref_slice %arg8[%run_scoped3A, %dma_start3A_65] : memref<2x128xi32, #tpu.memory_space<vmem>> -> memref<1x128xi32, #tpu.memory_space<vmem>>
      %dma_start3A_67 = tpu.memref_squeeze %dma_start3A_66 : memref<1x128xi32, #tpu.memory_space<vmem>> -> memref<128xi32, #tpu.memory_space<vmem>>
      %dma_start3A_68 = tpu.memref_slice %arg3[%mul3A_2] : memref<8192xi32, #tpu.memory_space<hbm>> -> memref<128xi32, #tpu.memory_space<hbm>>
      tpu.enqueue_dma source(%dma_start3A_68 : memref<128xi32, #tpu.memory_space<hbm>>) target(%dma_start3A_67 : memref<128xi32, #tpu.memory_space<vmem>>) target_semaphore(%run_scoped3A_60 : memref<!tpu.dma_semaphore, #tpu.memory_space<semaphore_mem>>)
      %dma_wait3A_69 = arith.constant 0 : i32
      %dma_wait3A_70 = tpu.memref_slice %arg8[%run_scoped3A, %dma_wait3A_69] : memref<2x128xi32, #tpu.memory_space<vmem>> -> memref<1x128xi32, #tpu.memory_space<vmem>>
      %dma_wait3A_71 = tpu.memref_squeeze %dma_wait3A_70 : memref<1x128xi32, #tpu.memory_space<vmem>> -> memref<128xi32, #tpu.memory_space<vmem>>
      %dma_wait3A_72 = tpu.memref_slice %arg3[%mul3A_2] : memref<8192xi32, #tpu.memory_space<hbm>> -> memref<128xi32, #tpu.memory_space<hbm>>
      %dma_wait3A_73 = arith.constant 0 : i32
      %dma_wait3A_74 = tpu.memref_slice %arg8[%run_scoped3A, %dma_wait3A_73] : memref<2x128xi32, #tpu.memory_space<vmem>> -> memref<1x128xi32, #tpu.memory_space<vmem>>
      %dma_wait3A_75 = tpu.memref_squeeze %dma_wait3A_74 : memref<1x128xi32, #tpu.memory_space<vmem>> -> memref<128xi32, #tpu.memory_space<vmem>>
      %dma_wait3A_76 = tpu.memref_slice %arg3[%mul3A_2] : memref<8192xi32, #tpu.memory_space<hbm>> -> memref<128xi32, #tpu.memory_space<hbm>>
      tpu.wait_dma2 semaphore(%run_scoped3A_60 : memref<!tpu.dma_semaphore, #tpu.memory_space<semaphore_mem>>) src(%dma_wait3A_76 : memref<128xi32, #tpu.memory_space<hbm>>) dst(%dma_wait3A_75 : memref<128xi32, #tpu.memory_space<vmem>>)
      tpu.yield
    }) : () -> ()
    %add3A_3 = arith.constant 128 : i32
    %add3A_4 = arith.addi %mul3A_2, %add3A_3 : i32
    %run_scoped3A_5 = arith.constant 1 : i32
    "tpu.region"() ({
      %run_scoped3A_60 = tpu.sem_alloc : memref<!tpu.dma_semaphore, #tpu.memory_space<semaphore_mem>>
      %dma_start3A_61 = arith.constant 0 : i32
      %dma_start3A_62 = tpu.memref_slice %arg8[%run_scoped3A_5, %dma_start3A_61] : memref<2x128xi32, #tpu.memory_space<vmem>> -> memref<1x128xi32, #tpu.memory_space<vmem>>
      %dma_start3A_63 = tpu.memref_squeeze %dma_start3A_62 : memref<1x128xi32, #tpu.memory_space<vmem>> -> memref<128xi32, #tpu.memory_space<vmem>>
      %dma_start3A_64 = tpu.memref_slice %arg3[%add3A_4] : memref<8192xi32, #tpu.memory_space<hbm>> -> memref<128xi32, #tpu.memory_space<hbm>>
      %dma_start3A_65 = arith.constant 0 : i32
      %dma_start3A_66 = tpu.memref_slice %arg8[%run_scoped3A_5, %dma_start3A_65] : memref<2x128xi32, #tpu.memory_space<vmem>> -> memref<1x128xi32, #tpu.memory_space<vmem>>
      %dma_start3A_67 = tpu.memref_squeeze %dma_start3A_66 : memref<1x128xi32, #tpu.memory_space<vmem>> -> memref<128xi32, #tpu.memory_space<vmem>>
      %dma_start3A_68 = tpu.memref_slice %arg3[%add3A_4] : memref<8192xi32, #tpu.memory_space<hbm>> -> memref<128xi32, #tpu.memory_space<hbm>>
      tpu.enqueue_dma source(%dma_start3A_68 : memref<128xi32, #tpu.memory_space<hbm>>) target(%dma_start3A_67 : memref<128xi32, #tpu.memory_space<vmem>>) target_semaphore(%run_scoped3A_60 : memref<!tpu.dma_semaphore, #tpu.memory_space<semaphore_mem>>)
      %dma_wait3A_69 = arith.constant 0 : i32
      %dma_wait3A_70 = tpu.memref_slice %arg8[%run_scoped3A_5, %dma_wait3A_69] : memref<2x128xi32, #tpu.memory_space<vmem>> -> memref<1x128xi32, #tpu.memory_space<vmem>>
      %dma_wait3A_71 = tpu.memref_squeeze %dma_wait3A_70 : memref<1x128xi32, #tpu.memory_space<vmem>> -> memref<128xi32, #tpu.memory_space<vmem>>
      %dma_wait3A_72 = tpu.memref_slice %arg3[%add3A_4] : memref<8192xi32, #tpu.memory_space<hbm>> -> memref<128xi32, #tpu.memory_space<hbm>>
      %dma_wait3A_73 = arith.constant 0 : i32
      %dma_wait3A_74 = tpu.memref_slice %arg8[%run_scoped3A_5, %dma_wait3A_73] : memref<2x128xi32, #tpu.memory_space<vmem>> -> memref<1x128xi32, #tpu.memory_space<vmem>>
      %dma_wait3A_75 = tpu.memref_squeeze %dma_wait3A_74 : memref<1x128xi32, #tpu.memory_space<vmem>> -> memref<128xi32, #tpu.memory_space<vmem>>
      %dma_wait3A_76 = tpu.memref_slice %arg3[%add3A_4] : memref<8192xi32, #tpu.memory_space<hbm>> -> memref<128xi32, #tpu.memory_space<hbm>>
      tpu.wait_dma2 semaphore(%run_scoped3A_60 : memref<!tpu.dma_semaphore, #tpu.memory_space<semaphore_mem>>) src(%dma_wait3A_76 : memref<128xi32, #tpu.memory_space<hbm>>) dst(%dma_wait3A_75 : memref<128xi32, #tpu.memory_space<vmem>>)
      tpu.yield
    }) : () -> ()
    %dma_start3A = arith.constant 0 : i32
    %dma_start3A_6 = arith.constant 0 : i32
    %dma_start3A_7 = tpu.memref_slice %arg8[%dma_start3A, %dma_start3A_6] : memref<2x128xi32, #tpu.memory_space<vmem>> -> memref<1x128xi32, #tpu.memory_space<vmem>>
    %dma_start3A_8 = tpu.memref_squeeze %dma_start3A_7 : memref<1x128xi32, #tpu.memory_space<vmem>> -> memref<128xi32, #tpu.memory_space<vmem>>
    %dma_start3A_9 = arith.constant 0 : i32
    %dma_start3A_10 = arith.constant 0 : i32
    %dma_start3A_11 = tpu.memref_slice %arg2[%dma_start3A_9, %dma_start3A_10] : memref<8192x256xf32, #tpu.memory_space<hbm>> -> memref<8192x256xf32, #tpu.memory_space<hbm>>
    tpu.enqueue_indirect_dma source(%dma_start3A_11 : memref<8192x256xf32, #tpu.memory_space<hbm>>) target(%arg9 : memref<128x256xf32, #tpu.memory_space<vmem>>) offsets(%dma_start3A_8 : memref<128xi32, #tpu.memory_space<vmem>>) semaphore(%arg13 : memref<!tpu.dma_semaphore, #tpu.memory_space<semaphore_mem>>)
    %dma_start3A_12 = arith.constant 1 : i32
    %dma_start3A_13 = arith.constant 0 : i32
    %dma_start3A_14 = tpu.memref_slice %arg8[%dma_start3A_12, %dma_start3A_13] : memref<2x128xi32, #tpu.memory_space<vmem>> -> memref<1x128xi32, #tpu.memory_space<vmem>>
    %dma_start3A_15 = tpu.memref_squeeze %dma_start3A_14 : memref<1x128xi32, #tpu.memory_space<vmem>> -> memref<128xi32, #tpu.memory_space<vmem>>
    %dma_start3A_16 = arith.constant 0 : i32
    %dma_start3A_17 = arith.constant 0 : i32
    %dma_start3A_18 = tpu.memref_slice %arg2[%dma_start3A_16, %dma_start3A_17] : memref<8192x256xf32, #tpu.memory_space<hbm>> -> memref<8192x256xf32, #tpu.memory_space<hbm>>
    tpu.enqueue_indirect_dma source(%dma_start3A_18 : memref<8192x256xf32, #tpu.memory_space<hbm>>) target(%arg10 : memref<128x256xf32, #tpu.memory_space<vmem>>) offsets(%dma_start3A_15 : memref<128xi32, #tpu.memory_space<vmem>>) semaphore(%arg14 : memref<!tpu.dma_semaphore, #tpu.memory_space<semaphore_mem>>)
    "tpu.region"() ({
      %run_scoped3A_60 = tpu.sem_alloc : memref<!tpu.dma_semaphore, #tpu.memory_space<semaphore_mem>>
      tpu.enqueue_dma source(%arg5 : memref<128xf32, #tpu.memory_space<hbm>>) target(%arg11 : memref<128xf32, #tpu.memory_space<vmem>>) target_semaphore(%run_scoped3A_60 : memref<!tpu.dma_semaphore, #tpu.memory_space<semaphore_mem>>)
      tpu.wait_dma2 semaphore(%run_scoped3A_60 : memref<!tpu.dma_semaphore, #tpu.memory_space<semaphore_mem>>) src(%arg5 : memref<128xf32, #tpu.memory_space<hbm>>) dst(%arg11 : memref<128xf32, #tpu.memory_space<vmem>>)
      tpu.yield
    }) : () -> ()
    %eq3A = arith.constant 0 : i32
    %eq3A_19 = arith.cmpi eq, %arg1, %eq3A : i32
    %convert_element_type3A = arith.extui %eq3A_19 : i1 to i32
    %cond3A = arith.constant 0 : i32
    %cond3A_20 = arith.cmpi ne, %convert_element_type3A, %cond3A : i32
    scf.if %cond3A_20 {
      "tpu.region"() ({
        %run_scoped3A_60 = tpu.sem_alloc : memref<!tpu.dma_semaphore, #tpu.memory_space<semaphore_mem>>
        tpu.enqueue_dma source(%arg4 : memref<8192xf32, #tpu.memory_space<hbm>>) target(%arg12 : memref<8192xf32, #tpu.memory_space<vmem_shared>>) target_semaphore(%run_scoped3A_60 : memref<!tpu.dma_semaphore, #tpu.memory_space<semaphore_mem>>)
        tpu.wait_dma2 semaphore(%run_scoped3A_60 : memref<!tpu.dma_semaphore, #tpu.memory_space<semaphore_mem>>) src(%arg4 : memref<8192xf32, #tpu.memory_space<hbm>>) dst(%arg12 : memref<8192xf32, #tpu.memory_space<vmem_shared>>)
        tpu.yield
      }) : () -> ()
    } else {
    }
    %dma_wait3A = arith.constant 0 : i32
    %dma_wait3A_21 = arith.constant 0 : i32
    %dma_wait3A_22 = tpu.memref_slice %arg8[%dma_wait3A, %dma_wait3A_21] : memref<2x128xi32, #tpu.memory_space<vmem>> -> memref<1x128xi32, #tpu.memory_space<vmem>>
    %dma_wait3A_23 = tpu.memref_squeeze %dma_wait3A_22 : memref<1x128xi32, #tpu.memory_space<vmem>> -> memref<128xi32, #tpu.memory_space<vmem>>
    %dma_wait3A_24 = arith.constant 0 : i32
    %dma_wait3A_25 = arith.constant 0 : i32
    %dma_wait3A_26 = tpu.memref_slice %arg2[%dma_wait3A_24, %dma_wait3A_25] : memref<8192x256xf32, #tpu.memory_space<hbm>> -> memref<8192x256xf32, #tpu.memory_space<hbm>>
    tpu.wait_indirect_dma semaphore(%arg13 : memref<!tpu.dma_semaphore, #tpu.memory_space<semaphore_mem>>) src(%dma_wait3A_26 : memref<8192x256xf32, #tpu.memory_space<hbm>>) dst(%arg9 : memref<128x256xf32, #tpu.memory_space<vmem>>)
    %dma_start3A_27 = arith.constant 0 : i32
    %dma_start3A_28 = tpu.memref_slice %arg6[%mul3A_2, %dma_start3A_27] : memref<8192x256xf32, #tpu.memory_space<hbm>> -> memref<128x256xf32, #tpu.memory_space<hbm>>
    %dma_start3A_29 = arith.constant 0 : i32
    %dma_start3A_30 = tpu.memref_slice %arg6[%mul3A_2, %dma_start3A_29] : memref<8192x256xf32, #tpu.memory_space<hbm>> -> memref<128x256xf32, #tpu.memory_space<hbm>>
    tpu.enqueue_dma source(%arg9 : memref<128x256xf32, #tpu.memory_space<vmem>>) target(%dma_start3A_30 : memref<128x256xf32, #tpu.memory_space<hbm>>) target_semaphore(%arg15 : memref<!tpu.dma_semaphore, #tpu.memory_space<semaphore_mem>>)
    %dma_wait3A_31 = arith.constant 1 : i32
    %dma_wait3A_32 = arith.constant 0 : i32
    %dma_wait3A_33 = tpu.memref_slice %arg8[%dma_wait3A_31, %dma_wait3A_32] : memref<2x128xi32, #tpu.memory_space<vmem>> -> memref<1x128xi32, #tpu.memory_space<vmem>>
    %dma_wait3A_34 = tpu.memref_squeeze %dma_wait3A_33 : memref<1x128xi32, #tpu.memory_space<vmem>> -> memref<128xi32, #tpu.memory_space<vmem>>
    %dma_wait3A_35 = arith.constant 0 : i32
    %dma_wait3A_36 = arith.constant 0 : i32
    %dma_wait3A_37 = tpu.memref_slice %arg2[%dma_wait3A_35, %dma_wait3A_36] : memref<8192x256xf32, #tpu.memory_space<hbm>> -> memref<8192x256xf32, #tpu.memory_space<hbm>>
    tpu.wait_indirect_dma semaphore(%arg14 : memref<!tpu.dma_semaphore, #tpu.memory_space<semaphore_mem>>) src(%dma_wait3A_37 : memref<8192x256xf32, #tpu.memory_space<hbm>>) dst(%arg10 : memref<128x256xf32, #tpu.memory_space<vmem>>)
    %add3A_38 = arith.constant 128 : i32
    %add3A_39 = arith.addi %mul3A_2, %add3A_38 : i32
    %dma_start3A_40 = arith.constant 0 : i32
    %dma_start3A_41 = tpu.memref_slice %arg6[%add3A_39, %dma_start3A_40] : memref<8192x256xf32, #tpu.memory_space<hbm>> -> memref<128x256xf32, #tpu.memory_space<hbm>>
    %dma_start3A_42 = arith.constant 0 : i32
    %dma_start3A_43 = tpu.memref_slice %arg6[%add3A_39, %dma_start3A_42] : memref<8192x256xf32, #tpu.memory_space<hbm>> -> memref<128x256xf32, #tpu.memory_space<hbm>>
    tpu.enqueue_dma source(%arg10 : memref<128x256xf32, #tpu.memory_space<vmem>>) target(%dma_start3A_43 : memref<128x256xf32, #tpu.memory_space<hbm>>) target_semaphore(%arg16 : memref<!tpu.dma_semaphore, #tpu.memory_space<semaphore_mem>>)
    %barrier3A = arith.constant 0 : index
    tpu.barrier barrier_id(%barrier3A)
    %run_scoped3A_44 = arith.constant 0 : i32
    "tpu.region"() ({
      %run_scoped3A_60 = tpu.sem_alloc : memref<!tpu.dma_semaphore, #tpu.memory_space<semaphore_mem>>
      %dma_start3A_61 = arith.constant 0 : i32
      %dma_start3A_62 = tpu.memref_slice %arg8[%run_scoped3A_44, %dma_start3A_61] : memref<2x128xi32, #tpu.memory_space<vmem>> -> memref<1x128xi32, #tpu.memory_space<vmem>>
      %dma_start3A_63 = tpu.memref_squeeze %dma_start3A_62 : memref<1x128xi32, #tpu.memory_space<vmem>> -> memref<128xi32, #tpu.memory_space<vmem>>
      %dma_start3A_64 = arith.constant 0 : i32
      %dma_start3A_65 = tpu.memref_slice %arg12[%dma_start3A_64] : memref<8192xf32, #tpu.memory_space<vmem_shared>> -> memref<8192xf32, #tpu.memory_space<vmem_shared>>
      tpu.enqueue_indirect_dma source(%arg11 : memref<128xf32, #tpu.memory_space<vmem>>) target(%dma_start3A_65 : memref<8192xf32, #tpu.memory_space<vmem_shared>>) offsets(%dma_start3A_63 : memref<128xi32, #tpu.memory_space<vmem>>) semaphore(%run_scoped3A_60 : memref<!tpu.dma_semaphore, #tpu.memory_space<semaphore_mem>>) {add = true}
      %dma_wait3A_66 = arith.constant 0 : i32
      %dma_wait3A_67 = tpu.memref_slice %arg8[%run_scoped3A_44, %dma_wait3A_66] : memref<2x128xi32, #tpu.memory_space<vmem>> -> memref<1x128xi32, #tpu.memory_space<vmem>>
      %dma_wait3A_68 = tpu.memref_squeeze %dma_wait3A_67 : memref<1x128xi32, #tpu.memory_space<vmem>> -> memref<128xi32, #tpu.memory_space<vmem>>
      %dma_wait3A_69 = arith.constant 0 : i32
      %dma_wait3A_70 = tpu.memref_slice %arg12[%dma_wait3A_69] : memref<8192xf32, #tpu.memory_space<vmem_shared>> -> memref<8192xf32, #tpu.memory_space<vmem_shared>>
      tpu.wait_indirect_dma semaphore(%run_scoped3A_60 : memref<!tpu.dma_semaphore, #tpu.memory_space<semaphore_mem>>) src(%arg11 : memref<128xf32, #tpu.memory_space<vmem>>) dst(%dma_wait3A_70 : memref<8192xf32, #tpu.memory_space<vmem_shared>>)
      tpu.yield
    }) : () -> ()
    %run_scoped3A_45 = arith.constant 1 : i32
    "tpu.region"() ({
      %run_scoped3A_60 = tpu.sem_alloc : memref<!tpu.dma_semaphore, #tpu.memory_space<semaphore_mem>>
      %dma_start3A_61 = arith.constant 0 : i32
      %dma_start3A_62 = tpu.memref_slice %arg8[%run_scoped3A_45, %dma_start3A_61] : memref<2x128xi32, #tpu.memory_space<vmem>> -> memref<1x128xi32, #tpu.memory_space<vmem>>
      %dma_start3A_63 = tpu.memref_squeeze %dma_start3A_62 : memref<1x128xi32, #tpu.memory_space<vmem>> -> memref<128xi32, #tpu.memory_space<vmem>>
      %dma_start3A_64 = arith.constant 0 : i32
      %dma_start3A_65 = tpu.memref_slice %arg12[%dma_start3A_64] : memref<8192xf32, #tpu.memory_space<vmem_shared>> -> memref<8192xf32, #tpu.memory_space<vmem_shared>>
      tpu.enqueue_indirect_dma source(%arg11 : memref<128xf32, #tpu.memory_space<vmem>>) target(%dma_start3A_65 : memref<8192xf32, #tpu.memory_space<vmem_shared>>) offsets(%dma_start3A_63 : memref<128xi32, #tpu.memory_space<vmem>>) semaphore(%run_scoped3A_60 : memref<!tpu.dma_semaphore, #tpu.memory_space<semaphore_mem>>) {add = true}
      %dma_wait3A_66 = arith.constant 0 : i32
      %dma_wait3A_67 = tpu.memref_slice %arg8[%run_scoped3A_45, %dma_wait3A_66] : memref<2x128xi32, #tpu.memory_space<vmem>> -> memref<1x128xi32, #tpu.memory_space<vmem>>
      %dma_wait3A_68 = tpu.memref_squeeze %dma_wait3A_67 : memref<1x128xi32, #tpu.memory_space<vmem>> -> memref<128xi32, #tpu.memory_space<vmem>>
      %dma_wait3A_69 = arith.constant 0 : i32
      %dma_wait3A_70 = tpu.memref_slice %arg12[%dma_wait3A_69] : memref<8192xf32, #tpu.memory_space<vmem_shared>> -> memref<8192xf32, #tpu.memory_space<vmem_shared>>
      tpu.wait_indirect_dma semaphore(%run_scoped3A_60 : memref<!tpu.dma_semaphore, #tpu.memory_space<semaphore_mem>>) src(%arg11 : memref<128xf32, #tpu.memory_space<vmem>>) dst(%dma_wait3A_70 : memref<8192xf32, #tpu.memory_space<vmem_shared>>)
      tpu.yield
    }) : () -> ()
    %barrier3A_46 = arith.constant 0 : index
    tpu.barrier barrier_id(%barrier3A_46)
    %eq3A_47 = arith.constant 0 : i32
    %eq3A_48 = arith.cmpi eq, %arg1, %eq3A_47 : i32
    %convert_element_type3A_49 = arith.extui %eq3A_48 : i1 to i32
    %cond3A_50 = arith.constant 0 : i32
    %cond3A_51 = arith.cmpi ne, %convert_element_type3A_49, %cond3A_50 : i32
    scf.if %cond3A_51 {
      "tpu.region"() ({
        %run_scoped3A_60 = tpu.sem_alloc : memref<!tpu.dma_semaphore, #tpu.memory_space<semaphore_mem>>
        %dma_start3A_61 = arith.constant 0 : i32
        %dma_start3A_62 = tpu.memref_slice %arg7[%arg0, %dma_start3A_61] : memref<2x8192xf32, #tpu.memory_space<hbm>> -> memref<1x8192xf32, #tpu.memory_space<hbm>>
        %dma_start3A_63 = tpu.memref_squeeze %dma_start3A_62 : memref<1x8192xf32, #tpu.memory_space<hbm>> -> memref<8192xf32, #tpu.memory_space<hbm>>
        tpu.enqueue_dma source(%arg12 : memref<8192xf32, #tpu.memory_space<vmem_shared>>) target(%dma_start3A_63 : memref<8192xf32, #tpu.memory_space<hbm>>) target_semaphore(%run_scoped3A_60 : memref<!tpu.dma_semaphore, #tpu.memory_space<semaphore_mem>>)
        %dma_wait3A_64 = arith.constant 0 : i32
        %dma_wait3A_65 = tpu.memref_slice %arg7[%arg0, %dma_wait3A_64] : memref<2x8192xf32, #tpu.memory_space<hbm>> -> memref<1x8192xf32, #tpu.memory_space<hbm>>
        %dma_wait3A_66 = tpu.memref_squeeze %dma_wait3A_65 : memref<1x8192xf32, #tpu.memory_space<hbm>> -> memref<8192xf32, #tpu.memory_space<hbm>>
        tpu.wait_dma2 semaphore(%run_scoped3A_60 : memref<!tpu.dma_semaphore, #tpu.memory_space<semaphore_mem>>) src(%arg12 : memref<8192xf32, #tpu.memory_space<vmem_shared>>) dst(%dma_wait3A_66 : memref<8192xf32, #tpu.memory_space<hbm>>)
        tpu.yield
      }) : () -> ()
    } else {
    }
    %dma_wait3A_52 = arith.constant 0 : i32
    %dma_wait3A_53 = tpu.memref_slice %arg6[%mul3A_2, %dma_wait3A_52] : memref<8192x256xf32, #tpu.memory_space<hbm>> -> memref<128x256xf32, #tpu.memory_space<hbm>>
    %dma_wait3A_54 = arith.constant 0 : i32
    %dma_wait3A_55 = tpu.memref_slice %arg6[%mul3A_2, %dma_wait3A_54] : memref<8192x256xf32, #tpu.memory_space<hbm>> -> memref<128x256xf32, #tpu.memory_space<hbm>>
    tpu.wait_dma2 semaphore(%arg15 : memref<!tpu.dma_semaphore, #tpu.memory_space<semaphore_mem>>) src(%arg9 : memref<128x256xf32, #tpu.memory_space<vmem>>) dst(%dma_wait3A_55 : memref<128x256xf32, #tpu.memory_space<hbm>>)
    %dma_wait3A_56 = arith.constant 0 : i32
    %dma_wait3A_57 = tpu.memref_slice %arg6[%add3A_39, %dma_wait3A_56] : memref<8192x256xf32, #tpu.memory_space<hbm>> -> memref<128x256xf32, #tpu.memory_space<hbm>>
    %dma_wait3A_58 = arith.constant 0 : i32
    %dma_wait3A_59 = tpu.memref_slice %arg6[%add3A_39, %dma_wait3A_58] : memref<8192x256xf32, #tpu.memory_space<hbm>> -> memref<128x256xf32, #tpu.memory_space<hbm>>
    tpu.wait_dma2 semaphore(%arg16 : memref<!tpu.dma_semaphore, #tpu.memory_space<semaphore_mem>>) src(%arg10 : memref<128x256xf32, #tpu.memory_space<vmem>>) dst(%dma_wait3A_59 : memref<128x256xf32, #tpu.memory_space<hbm>>)
    return
  }
}

module attributes {stable_mosaic.version = 14 : i64} {
  func.func @_perp_body(%arg0: memref<2x8192xf32, #tpu.memory_space<vmem>>, %arg1: memref<1x1xf32, #tpu.memory_space<vmem>>) attributes {dimension_semantics = [], scalar_prefetch = 0 : i64, scratch_operands = 0 : i64, tpu.core_type = #tpu.core_type<tc>} {
    %get3A = arith.constant 0 : index
    %get3A_0 = arith.constant 0 : index
    %get3A_1 = vector.load %arg0[%get3A, %get3A_0] : memref<2x8192xf32, #tpu.memory_space<vmem>>, vector<1x8192xf32>
    %get3A_2 = arith.constant 1 : index
    %get3A_3 = arith.constant 0 : index
    %get3A_4 = vector.load %arg0[%get3A_2, %get3A_3] : memref<2x8192xf32, #tpu.memory_space<vmem>>, vector<1x8192xf32>
    %add3A = arith.addf %get3A_1, %get3A_4 : vector<1x8192xf32>
    %mul3A = arith.constant 1.22070313E-4 : f32
    %mul3A_5 = vector.broadcast %mul3A : f32 to vector<1x8192xf32>
    %mul3A_6 = arith.mulf %add3A, %mul3A_5 : vector<1x8192xf32>
    %add3A_7 = arith.constant 1.000000e-10 : f32
    %add3A_8 = vector.broadcast %add3A_7 : f32 to vector<1x8192xf32>
    %add3A_9 = arith.addf %mul3A_6, %add3A_8 : vector<1x8192xf32>
    %log3A = math.log %add3A_9 : vector<1x8192xf32>
    %mul3A_10 = arith.mulf %mul3A_6, %log3A : vector<1x8192xf32>
    %reduce_sum3A = arith.constant dense<0.000000e+00> : vector<1xf32>
    %reduce_sum3A_11 = vector.multi_reduction <add>, %mul3A_10, %reduce_sum3A [1] : vector<1x8192xf32> to vector<1xf32>
    %broadcast_in_dim3A = vector.shape_cast %reduce_sum3A_11 : vector<1xf32> to vector<1x1xf32>
    %neg3A = arith.constant 0.000000e+00 : f32
    %neg3A_12 = vector.broadcast %neg3A : f32 to vector<1x1xf32>
    %neg3A_13 = arith.subf %neg3A_12, %broadcast_in_dim3A : vector<1x1xf32>
    %exp3A = math.exp %neg3A_13 : vector<1x1xf32>
    %swap3A = arith.constant 0 : index
    %swap3A_14 = arith.constant 0 : index
    %swap3A_15 = vector.load %arg1[%swap3A, %swap3A_14] : memref<1x1xf32, #tpu.memory_space<vmem>>, vector<1x1xf32>
    tpu.vector_store %arg1[%swap3A, %swap3A_14], %exp3A {strides = array<i32>} : memref<1x1xf32, #tpu.memory_space<vmem>>, vector<1x1xf32>,
    return
  }
}

module attributes {stable_mosaic.version = 14 : i64} {
  func.func @_argmin_body(%arg0: i32, %arg1: i32, %arg2: memref<2048x256xf32, #tpu.memory_space<vmem>>, %arg3: memref<8192x256xf32, #tpu.memory_space<vmem>>, %arg4: memref<1x8192xf32, #tpu.memory_space<vmem>>, %arg5: memref<2048x1xi32, #tpu.memory_space<vmem>>, %arg6: memref<1x1xf32, #tpu.memory_space<vmem>>, %arg7: memref<2048x1xf32, #tpu.memory_space<vmem>>, %arg8: memref<2048x1xf32, #tpu.memory_space<vmem>>, %arg9: memref<1x128xf32, #tpu.memory_space<vmem>>) attributes {dimension_semantics = [#tpu.dimension_semantics<arbitrary>, #tpu.dimension_semantics<arbitrary>], iteration_bounds = array<i64: 4, 1>, scalar_prefetch = 0 : i64, scratch_operands = 3 : i64, tpu.core_type = #tpu.core_type<tc>, window_params = [{transform_indices = @transform_0, window_bounds = array<i64: 2048, 256>}, {transform_indices = @transform_1, window_bounds = array<i64: 8192, 256>}, {transform_indices = @transform_2, window_bounds = array<i64: 1, 8192>}, {transform_indices = @transform_3, window_bounds = array<i64: 2048, 1>}, {pipeline_mode = #tpu.pipeline_mode<synchronous>, transform_indices = @transform_4, window_bounds = array<i64: 1, 1>}]} {
    %eq3A = arith.constant 0 : i32
    %eq3A_0 = arith.cmpi eq, %arg1, %eq3A : i32
    %eq3A_1 = arith.constant 0 : i32
    %eq3A_2 = arith.cmpi eq, %arg0, %eq3A_1 : i32
    %and3A = arith.andi %eq3A_0, %eq3A_2 : i1
    %convert_element_type3A = arith.extui %and3A : i1 to i32
    %cond3A = arith.constant 0 : i32
    %cond3A_3 = arith.cmpi ne, %convert_element_type3A, %cond3A : i32
    scf.if %cond3A_3 {
      %iota3A = tpu.iota {dimensions = array<i32: 1>} : vector<1x128xi32>
      %convert_element_type3A_3477 = arith.sitofp %iota3A : vector<1x128xi32> to vector<1x128xf32>
      %swap3A = arith.constant 0 : index
      %swap3A_3478 = arith.constant 0 : index
      %swap3A_3479 = vector.load %arg9[%swap3A, %swap3A_3478] : memref<1x128xf32, #tpu.memory_space<vmem>>, vector<1x128xf32>
      tpu.vector_store %arg9[%swap3A, %swap3A_3478], %convert_element_type3A_3477 {strides = array<i32>} : memref<1x128xf32, #tpu.memory_space<vmem>>, vector<1x128xf32>,
    } else {
    }
    %get3A = arith.constant 0 : index
    %get3A_4 = arith.constant 0 : index
    %get3A_5 = vector.load %arg2[%get3A, %get3A_4] : memref<2048x256xf32, #tpu.memory_space<vmem>>, vector<512x256xf32>
    %mul3A = arith.constant -2.000000e+00 : f32
    %mul3A_6 = vector.broadcast %mul3A : f32 to vector<512x256xf32>
    %mul3A_7 = arith.mulf %mul3A_6, %get3A_5 : vector<512x256xf32>
    %get3A_8 = arith.constant 0 : index
    %get3A_9 = arith.constant 0 : index
    %get3A_10 = vector.load %arg3[%get3A_8, %get3A_9] : memref<8192x256xf32, #tpu.memory_space<vmem>>, vector<8192x256xf32>
    %dot_general3A = arith.constant dense<0.000000e+00> : vector<512x8192xf32>
    %dot_general3A_11 = tpu.matmul %mul3A_7, %get3A_10, %dot_general3A {dimension_numbers = #tpu.dot_dimension_numbers<[1], [1], [0], [0], [0, 0, 1, 0], [], []>, transpose_lhs_hint = false} : vector<512x256xf32>, vector<8192x256xf32>, vector<512x8192xf32> -> vector<512x8192xf32>
    %get3A_12 = arith.constant 0 : index
    %get3A_13 = arith.constant 0 : index
    %get3A_14 = vector.load %arg2[%get3A_12, %get3A_13] : memref<2048x256xf32, #tpu.memory_space<vmem>>, vector<512x256xf32>
    %mul3A_15 = arith.mulf %get3A_14, %get3A_14 : vector<512x256xf32>
    %reduce_sum3A = arith.constant dense<0.000000e+00> : vector<512xf32>
    %reduce_sum3A_16 = vector.multi_reduction <add>, %mul3A_15, %reduce_sum3A [1] : vector<512x256xf32> to vector<512xf32>
    %broadcast_in_dim3A = vector.shape_cast %reduce_sum3A_16 : vector<512xf32> to vector<512x1xf32>
    %slice3A = vector.extract_strided_slice %dot_general3A_11 {offsets = [0, 0], sizes = [512, 128], strides = [1, 1]} : vector<512x8192xf32> to vector<512x128xf32>
    %add3A = vector.broadcast %broadcast_in_dim3A : vector<512x1xf32> to vector<512x128xf32>
    %add3A_17 = arith.addf %add3A, %slice3A : vector<512x128xf32>
    %get3A_18 = arith.constant 0 : index
    %get3A_19 = arith.constant 0 : index
    %get3A_20 = vector.load %arg4[%get3A_18, %get3A_19] : memref<1x8192xf32, #tpu.memory_space<vmem>>, vector<1x128xf32>
    %add3A_21 = vector.broadcast %get3A_20 : vector<1x128xf32> to vector<512x128xf32>
    %add3A_22 = arith.addf %add3A_17, %add3A_21 : vector<512x128xf32>
    %broadcast_in_dim3A_23 = arith.constant 0.000000e+00 : f32
    %broadcast_in_dim3A_24 = vector.broadcast %broadcast_in_dim3A_23 : f32 to vector<512x128xf32>
    %slice3A_25 = vector.extract_strided_slice %dot_general3A_11 {offsets = [0, 128], sizes = [512, 128], strides = [1, 1]} : vector<512x8192xf32> to vector<512x128xf32>
    %add3A_26 = vector.broadcast %broadcast_in_dim3A : vector<512x1xf32> to vector<512x128xf32>
    %add3A_27 = arith.addf %add3A_26, %slice3A_25 : vector<512x128xf32>
    %get3A_28 = arith.constant 0 : index
    %get3A_29 = arith.constant 128 : index
    %get3A_30 = vector.load %arg4[%get3A_28, %get3A_29] : memref<1x8192xf32, #tpu.memory_space<vmem>>, vector<1x128xf32>
    %add3A_31 = vector.broadcast %get3A_30 : vector<1x128xf32> to vector<512x128xf32>
    %add3A_32 = arith.addf %add3A_27, %add3A_31 : vector<512x128xf32>
    %lt3A = arith.cmpf olt, %add3A_32, %add3A_22 : vector<512x128xf32>
    %select_n3A = arith.select %lt3A, %add3A_32, %add3A_22 : vector<512x128xi1>, vector<512x128xf32>
    %jit3A = arith.constant 1.000000e+00 : f32
    %broadcast_in_dim3A_33 = vector.broadcast %jit3A : f32 to vector<512x128xf32>
    %select_n3A_34 = arith.select %lt3A, %broadcast_in_dim3A_33, %broadcast_in_dim3A_24 : vector<512x128xi1>, vector<512x128xf32>
    %slice3A_35 = vector.extract_strided_slice %dot_general3A_11 {offsets = [0, 256], sizes = [512, 128], strides = [1, 1]} : vector<512x8192xf32> to vector<512x128xf32>
    %add3A_36 = vector.broadcast %broadcast_in_dim3A : vector<512x1xf32> to vector<512x128xf32>
    %add3A_37 = arith.addf %add3A_36, %slice3A_35 : vector<512x128xf32>
    %get3A_38 = arith.constant 0 : index
    %get3A_39 = arith.constant 256 : index
    %get3A_40 = vector.load %arg4[%get3A_38, %get3A_39] : memref<1x8192xf32, #tpu.memory_space<vmem>>, vector<1x128xf32>
    %add3A_41 = vector.broadcast %get3A_40 : vector<1x128xf32> to vector<512x128xf32>
    %add3A_42 = arith.addf %add3A_37, %add3A_41 : vector<512x128xf32>
    %lt3A_43 = arith.cmpf olt, %add3A_42, %select_n3A : vector<512x128xf32>
    %select_n3A_44 = arith.select %lt3A_43, %add3A_42, %select_n3A : vector<512x128xi1>, vector<512x128xf32>
    %jit3A_45 = arith.constant 2.000000e+00 : f32
    %broadcast_in_dim3A_46 = vector.broadcast %jit3A_45 : f32 to vector<512x128xf32>
    %select_n3A_47 = arith.select %lt3A_43, %broadcast_in_dim3A_46, %select_n3A_34 : vector<512x128xi1>, vector<512x128xf32>
    %slice3A_48 = vector.extract_strided_slice %dot_general3A_11 {offsets = [0, 384], sizes = [512, 128], strides = [1, 1]} : vector<512x8192xf32> to vector<512x128xf32>
    %add3A_49 = vector.broadcast %broadcast_in_dim3A : vector<512x1xf32> to vector<512x128xf32>
    %add3A_50 = arith.addf %add3A_49, %slice3A_48 : vector<512x128xf32>
    %get3A_51 = arith.constant 0 : index
    %get3A_52 = arith.constant 384 : index
    %get3A_53 = vector.load %arg4[%get3A_51, %get3A_52] : memref<1x8192xf32, #tpu.memory_space<vmem>>, vector<1x128xf32>
    %add3A_54 = vector.broadcast %get3A_53 : vector<1x128xf32> to vector<512x128xf32>
    %add3A_55 = arith.addf %add3A_50, %add3A_54 : vector<512x128xf32>
    %lt3A_56 = arith.cmpf olt, %add3A_55, %select_n3A_44 : vector<512x128xf32>
    %select_n3A_57 = arith.select %lt3A_56, %add3A_55, %select_n3A_44 : vector<512x128xi1>, vector<512x128xf32>
    %jit3A_58 = arith.constant 3.000000e+00 : f32
    %broadcast_in_dim3A_59 = vector.broadcast %jit3A_58 : f32 to vector<512x128xf32>
    %select_n3A_60 = arith.select %lt3A_56, %broadcast_in_dim3A_59, %select_n3A_47 : vector<512x128xi1>, vector<512x128xf32>
    %slice3A_61 = vector.extract_strided_slice %dot_general3A_11 {offsets = [0, 512], sizes = [512, 128], strides = [1, 1]} : vector<512x8192xf32> to vector<512x128xf32>
    %add3A_62 = vector.broadcast %broadcast_in_dim3A : vector<512x1xf32> to vector<512x128xf32>
    %add3A_63 = arith.addf %add3A_62, %slice3A_61 : vector<512x128xf32>
    %get3A_64 = arith.constant 0 : index
    %get3A_65 = arith.constant 512 : index
    %get3A_66 = vector.load %arg4[%get3A_64, %get3A_65] : memref<1x8192xf32, #tpu.memory_space<vmem>>, vector<1x128xf32>
    %add3A_67 = vector.broadcast %get3A_66 : vector<1x128xf32> to vector<512x128xf32>
    %add3A_68 = arith.addf %add3A_63, %add3A_67 : vector<512x128xf32>
    %lt3A_69 = arith.cmpf olt, %add3A_68, %select_n3A_57 : vector<512x128xf32>
    %select_n3A_70 = arith.select %lt3A_69, %add3A_68, %select_n3A_57 : vector<512x128xi1>, vector<512x128xf32>
    %jit3A_71 = arith.constant 4.000000e+00 : f32
    %broadcast_in_dim3A_72 = vector.broadcast %jit3A_71 : f32 to vector<512x128xf32>
    %select_n3A_73 = arith.select %lt3A_69, %broadcast_in_dim3A_72, %select_n3A_60 : vector<512x128xi1>, vector<512x128xf32>
    %slice3A_74 = vector.extract_strided_slice %dot_general3A_11 {offsets = [0, 640], sizes = [512, 128], strides = [1, 1]} : vector<512x8192xf32> to vector<512x128xf32>
    %add3A_75 = vector.broadcast %broadcast_in_dim3A : vector<512x1xf32> to vector<512x128xf32>
    %add3A_76 = arith.addf %add3A_75, %slice3A_74 : vector<512x128xf32>
    %get3A_77 = arith.constant 0 : index
    %get3A_78 = arith.constant 640 : index
    %get3A_79 = vector.load %arg4[%get3A_77, %get3A_78] : memref<1x8192xf32, #tpu.memory_space<vmem>>, vector<1x128xf32>
    %add3A_80 = vector.broadcast %get3A_79 : vector<1x128xf32> to vector<512x128xf32>
    %add3A_81 = arith.addf %add3A_76, %add3A_80 : vector<512x128xf32>
    %lt3A_82 = arith.cmpf olt, %add3A_81, %select_n3A_70 : vector<512x128xf32>
    %select_n3A_83 = arith.select %lt3A_82, %add3A_81, %select_n3A_70 : vector<512x128xi1>, vector<512x128xf32>
    %jit3A_84 = arith.constant 5.000000e+00 : f32
    %broadcast_in_dim3A_85 = vector.broadcast %jit3A_84 : f32 to vector<512x128xf32>
    %select_n3A_86 = arith.select %lt3A_82, %broadcast_in_dim3A_85, %select_n3A_73 : vector<512x128xi1>, vector<512x128xf32>
    %slice3A_87 = vector.extract_strided_slice %dot_general3A_11 {offsets = [0, 768], sizes = [512, 128], strides = [1, 1]} : vector<512x8192xf32> to vector<512x128xf32>
    %add3A_88 = vector.broadcast %broadcast_in_dim3A : vector<512x1xf32> to vector<512x128xf32>
    %add3A_89 = arith.addf %add3A_88, %slice3A_87 : vector<512x128xf32>
    %get3A_90 = arith.constant 0 : index
    %get3A_91 = arith.constant 768 : index
    %get3A_92 = vector.load %arg4[%get3A_90, %get3A_91] : memref<1x8192xf32, #tpu.memory_space<vmem>>, vector<1x128xf32>
    %add3A_93 = vector.broadcast %get3A_92 : vector<1x128xf32> to vector<512x128xf32>
    %add3A_94 = arith.addf %add3A_89, %add3A_93 : vector<512x128xf32>
    %lt3A_95 = arith.cmpf olt, %add3A_94, %select_n3A_83 : vector<512x128xf32>
    %select_n3A_96 = arith.select %lt3A_95, %add3A_94, %select_n3A_83 : vector<512x128xi1>, vector<512x128xf32>
    %jit3A_97 = arith.constant 6.000000e+00 : f32
    %broadcast_in_dim3A_98 = vector.broadcast %jit3A_97 : f32 to vector<512x128xf32>
    %select_n3A_99 = arith.select %lt3A_95, %broadcast_in_dim3A_98, %select_n3A_86 : vector<512x128xi1>, vector<512x128xf32>
    %slice3A_100 = vector.extract_strided_slice %dot_general3A_11 {offsets = [0, 896], sizes = [512, 128], strides = [1, 1]} : vector<512x8192xf32> to vector<512x128xf32>
    %add3A_101 = vector.broadcast %broadcast_in_dim3A : vector<512x1xf32> to vector<512x128xf32>
    %add3A_102 = arith.addf %add3A_101, %slice3A_100 : vector<512x128xf32>
    %get3A_103 = arith.constant 0 : index
    %get3A_104 = arith.constant 896 : index
    %get3A_105 = vector.load %arg4[%get3A_103, %get3A_104] : memref<1x8192xf32, #tpu.memory_space<vmem>>, vector<1x128xf32>
    %add3A_106 = vector.broadcast %get3A_105 : vector<1x128xf32> to vector<512x128xf32>
    %add3A_107 = arith.addf %add3A_102, %add3A_106 : vector<512x128xf32>
    %lt3A_108 = arith.cmpf olt, %add3A_107, %select_n3A_96 : vector<512x128xf32>
    %select_n3A_109 = arith.select %lt3A_108, %add3A_107, %select_n3A_96 : vector<512x128xi1>, vector<512x128xf32>
    %jit3A_110 = arith.constant 7.000000e+00 : f32
    %broadcast_in_dim3A_111 = vector.broadcast %jit3A_110 : f32 to vector<512x128xf32>
    %select_n3A_112 = arith.select %lt3A_108, %broadcast_in_dim3A_111, %select_n3A_99 : vector<512x128xi1>, vector<512x128xf32>
    %slice3A_113 = vector.extract_strided_slice %dot_general3A_11 {offsets = [0, 1024], sizes = [512, 128], strides = [1, 1]} : vector<512x8192xf32> to vector<512x128xf32>
    %add3A_114 = vector.broadcast %broadcast_in_dim3A : vector<512x1xf32> to vector<512x128xf32>
    %add3A_115 = arith.addf %add3A_114, %slice3A_113 : vector<512x128xf32>
    %get3A_116 = arith.constant 0 : index
    %get3A_117 = arith.constant 1024 : index
    %get3A_118 = vector.load %arg4[%get3A_116, %get3A_117] : memref<1x8192xf32, #tpu.memory_space<vmem>>, vector<1x128xf32>
    %add3A_119 = vector.broadcast %get3A_118 : vector<1x128xf32> to vector<512x128xf32>
    %add3A_120 = arith.addf %add3A_115, %add3A_119 : vector<512x128xf32>
    %lt3A_121 = arith.cmpf olt, %add3A_120, %select_n3A_109 : vector<512x128xf32>
    %select_n3A_122 = arith.select %lt3A_121, %add3A_120, %select_n3A_109 : vector<512x128xi1>, vector<512x128xf32>
    %jit3A_123 = arith.constant 8.000000e+00 : f32
    %broadcast_in_dim3A_124 = vector.broadcast %jit3A_123 : f32 to vector<512x128xf32>
    %select_n3A_125 = arith.select %lt3A_121, %broadcast_in_dim3A_124, %select_n3A_112 : vector<512x128xi1>, vector<512x128xf32>
    %slice3A_126 = vector.extract_strided_slice %dot_general3A_11 {offsets = [0, 1152], sizes = [512, 128], strides = [1, 1]} : vector<512x8192xf32> to vector<512x128xf32>
    %add3A_127 = vector.broadcast %broadcast_in_dim3A : vector<512x1xf32> to vector<512x128xf32>
    %add3A_128 = arith.addf %add3A_127, %slice3A_126 : vector<512x128xf32>
    %get3A_129 = arith.constant 0 : index
    %get3A_130 = arith.constant 1152 : index
    %get3A_131 = vector.load %arg4[%get3A_129, %get3A_130] : memref<1x8192xf32, #tpu.memory_space<vmem>>, vector<1x128xf32>
    %add3A_132 = vector.broadcast %get3A_131 : vector<1x128xf32> to vector<512x128xf32>
    %add3A_133 = arith.addf %add3A_128, %add3A_132 : vector<512x128xf32>
    %lt3A_134 = arith.cmpf olt, %add3A_133, %select_n3A_122 : vector<512x128xf32>
    %select_n3A_135 = arith.select %lt3A_134, %add3A_133, %select_n3A_122 : vector<512x128xi1>, vector<512x128xf32>
    %jit3A_136 = arith.constant 9.000000e+00 : f32
    %broadcast_in_dim3A_137 = vector.broadcast %jit3A_136 : f32 to vector<512x128xf32>
    %select_n3A_138 = arith.select %lt3A_134, %broadcast_in_dim3A_137, %select_n3A_125 : vector<512x128xi1>, vector<512x128xf32>
    %slice3A_139 = vector.extract_strided_slice %dot_general3A_11 {offsets = [0, 1280], sizes = [512, 128], strides = [1, 1]} : vector<512x8192xf32> to vector<512x128xf32>
    %add3A_140 = vector.broadcast %broadcast_in_dim3A : vector<512x1xf32> to vector<512x128xf32>
    %add3A_141 = arith.addf %add3A_140, %slice3A_139 : vector<512x128xf32>
    %get3A_142 = arith.constant 0 : index
    %get3A_143 = arith.constant 1280 : index
    %get3A_144 = vector.load %arg4[%get3A_142, %get3A_143] : memref<1x8192xf32, #tpu.memory_space<vmem>>, vector<1x128xf32>
    %add3A_145 = vector.broadcast %get3A_144 : vector<1x128xf32> to vector<512x128xf32>
    %add3A_146 = arith.addf %add3A_141, %add3A_145 : vector<512x128xf32>
    %lt3A_147 = arith.cmpf olt, %add3A_146, %select_n3A_135 : vector<512x128xf32>
    %select_n3A_148 = arith.select %lt3A_147, %add3A_146, %select_n3A_135 : vector<512x128xi1>, vector<512x128xf32>
    %jit3A_149 = arith.constant 1.000000e+01 : f32
    %broadcast_in_dim3A_150 = vector.broadcast %jit3A_149 : f32 to vector<512x128xf32>
    %select_n3A_151 = arith.select %lt3A_147, %broadcast_in_dim3A_150, %select_n3A_138 : vector<512x128xi1>, vector<512x128xf32>
    %slice3A_152 = vector.extract_strided_slice %dot_general3A_11 {offsets = [0, 1408], sizes = [512, 128], strides = [1, 1]} : vector<512x8192xf32> to vector<512x128xf32>
    %add3A_153 = vector.broadcast %broadcast_in_dim3A : vector<512x1xf32> to vector<512x128xf32>
    %add3A_154 = arith.addf %add3A_153, %slice3A_152 : vector<512x128xf32>
    %get3A_155 = arith.constant 0 : index
    %get3A_156 = arith.constant 1408 : index
    %get3A_157 = vector.load %arg4[%get3A_155, %get3A_156] : memref<1x8192xf32, #tpu.memory_space<vmem>>, vector<1x128xf32>
    %add3A_158 = vector.broadcast %get3A_157 : vector<1x128xf32> to vector<512x128xf32>
    %add3A_159 = arith.addf %add3A_154, %add3A_158 : vector<512x128xf32>
    %lt3A_160 = arith.cmpf olt, %add3A_159, %select_n3A_148 : vector<512x128xf32>
    %select_n3A_161 = arith.select %lt3A_160, %add3A_159, %select_n3A_148 : vector<512x128xi1>, vector<512x128xf32>
    %jit3A_162 = arith.constant 1.100000e+01 : f32
    %broadcast_in_dim3A_163 = vector.broadcast %jit3A_162 : f32 to vector<512x128xf32>
    %select_n3A_164 = arith.select %lt3A_160, %broadcast_in_dim3A_163, %select_n3A_151 : vector<512x128xi1>, vector<512x128xf32>
    %slice3A_165 = vector.extract_strided_slice %dot_general3A_11 {offsets = [0, 1536], sizes = [512, 128], strides = [1, 1]} : vector<512x8192xf32> to vector<512x128xf32>
    %add3A_166 = vector.broadcast %broadcast_in_dim3A : vector<512x1xf32> to vector<512x128xf32>
    %add3A_167 = arith.addf %add3A_166, %slice3A_165 : vector<512x128xf32>
    %get3A_168 = arith.constant 0 : index
    %get3A_169 = arith.constant 1536 : index
    %get3A_170 = vector.load %arg4[%get3A_168, %get3A_169] : memref<1x8192xf32, #tpu.memory_space<vmem>>, vector<1x128xf32>
    %add3A_171 = vector.broadcast %get3A_170 : vector<1x128xf32> to vector<512x128xf32>
    %add3A_172 = arith.addf %add3A_167, %add3A_171 : vector<512x128xf32>
    %lt3A_173 = arith.cmpf olt, %add3A_172, %select_n3A_161 : vector<512x128xf32>
    %select_n3A_174 = arith.select %lt3A_173, %add3A_172, %select_n3A_161 : vector<512x128xi1>, vector<512x128xf32>
    %jit3A_175 = arith.constant 1.200000e+01 : f32
    %broadcast_in_dim3A_176 = vector.broadcast %jit3A_175 : f32 to vector<512x128xf32>
    %select_n3A_177 = arith.select %lt3A_173, %broadcast_in_dim3A_176, %select_n3A_164 : vector<512x128xi1>, vector<512x128xf32>
    %slice3A_178 = vector.extract_strided_slice %dot_general3A_11 {offsets = [0, 1664], sizes = [512, 128], strides = [1, 1]} : vector<512x8192xf32> to vector<512x128xf32>
    %add3A_179 = vector.broadcast %broadcast_in_dim3A : vector<512x1xf32> to vector<512x128xf32>
    %add3A_180 = arith.addf %add3A_179, %slice3A_178 : vector<512x128xf32>
    %get3A_181 = arith.constant 0 : index
    %get3A_182 = arith.constant 1664 : index
    %get3A_183 = vector.load %arg4[%get3A_181, %get3A_182] : memref<1x8192xf32, #tpu.memory_space<vmem>>, vector<1x128xf32>
    %add3A_184 = vector.broadcast %get3A_183 : vector<1x128xf32> to vector<512x128xf32>
    %add3A_185 = arith.addf %add3A_180, %add3A_184 : vector<512x128xf32>
    %lt3A_186 = arith.cmpf olt, %add3A_185, %select_n3A_174 : vector<512x128xf32>
    %select_n3A_187 = arith.select %lt3A_186, %add3A_185, %select_n3A_174 : vector<512x128xi1>, vector<512x128xf32>
    %jit3A_188 = arith.constant 1.300000e+01 : f32
    %broadcast_in_dim3A_189 = vector.broadcast %jit3A_188 : f32 to vector<512x128xf32>
    %select_n3A_190 = arith.select %lt3A_186, %broadcast_in_dim3A_189, %select_n3A_177 : vector<512x128xi1>, vector<512x128xf32>
    %slice3A_191 = vector.extract_strided_slice %dot_general3A_11 {offsets = [0, 1792], sizes = [512, 128], strides = [1, 1]} : vector<512x8192xf32> to vector<512x128xf32>
    %add3A_192 = vector.broadcast %broadcast_in_dim3A : vector<512x1xf32> to vector<512x128xf32>
    %add3A_193 = arith.addf %add3A_192, %slice3A_191 : vector<512x128xf32>
    %get3A_194 = arith.constant 0 : index
    %get3A_195 = arith.constant 1792 : index
    %get3A_196 = vector.load %arg4[%get3A_194, %get3A_195] : memref<1x8192xf32, #tpu.memory_space<vmem>>, vector<1x128xf32>
    %add3A_197 = vector.broadcast %get3A_196 : vector<1x128xf32> to vector<512x128xf32>
    %add3A_198 = arith.addf %add3A_193, %add3A_197 : vector<512x128xf32>
    %lt3A_199 = arith.cmpf olt, %add3A_198, %select_n3A_187 : vector<512x128xf32>
    %select_n3A_200 = arith.select %lt3A_199, %add3A_198, %select_n3A_187 : vector<512x128xi1>, vector<512x128xf32>
    %jit3A_201 = arith.constant 1.400000e+01 : f32
    %broadcast_in_dim3A_202 = vector.broadcast %jit3A_201 : f32 to vector<512x128xf32>
    %select_n3A_203 = arith.select %lt3A_199, %broadcast_in_dim3A_202, %select_n3A_190 : vector<512x128xi1>, vector<512x128xf32>
    %slice3A_204 = vector.extract_strided_slice %dot_general3A_11 {offsets = [0, 1920], sizes = [512, 128], strides = [1, 1]} : vector<512x8192xf32> to vector<512x128xf32>
    %add3A_205 = vector.broadcast %broadcast_in_dim3A : vector<512x1xf32> to vector<512x128xf32>
    %add3A_206 = arith.addf %add3A_205, %slice3A_204 : vector<512x128xf32>
    %get3A_207 = arith.constant 0 : index
    %get3A_208 = arith.constant 1920 : index
    %get3A_209 = vector.load %arg4[%get3A_207, %get3A_208] : memref<1x8192xf32, #tpu.memory_space<vmem>>, vector<1x128xf32>
    %add3A_210 = vector.broadcast %get3A_209 : vector<1x128xf32> to vector<512x128xf32>
    %add3A_211 = arith.addf %add3A_206, %add3A_210 : vector<512x128xf32>
    %lt3A_212 = arith.cmpf olt, %add3A_211, %select_n3A_200 : vector<512x128xf32>
    %select_n3A_213 = arith.select %lt3A_212, %add3A_211, %select_n3A_200 : vector<512x128xi1>, vector<512x128xf32>
    %jit3A_214 = arith.constant 1.500000e+01 : f32
    %broadcast_in_dim3A_215 = vector.broadcast %jit3A_214 : f32 to vector<512x128xf32>
    %select_n3A_216 = arith.select %lt3A_212, %broadcast_in_dim3A_215, %select_n3A_203 : vector<512x128xi1>, vector<512x128xf32>
    %slice3A_217 = vector.extract_strided_slice %dot_general3A_11 {offsets = [0, 2048], sizes = [512, 128], strides = [1, 1]} : vector<512x8192xf32> to vector<512x128xf32>
    %add3A_218 = vector.broadcast %broadcast_in_dim3A : vector<512x1xf32> to vector<512x128xf32>
    %add3A_219 = arith.addf %add3A_218, %slice3A_217 : vector<512x128xf32>
    %get3A_220 = arith.constant 0 : index
    %get3A_221 = arith.constant 2048 : index
    %get3A_222 = vector.load %arg4[%get3A_220, %get3A_221] : memref<1x8192xf32, #tpu.memory_space<vmem>>, vector<1x128xf32>
    %add3A_223 = vector.broadcast %get3A_222 : vector<1x128xf32> to vector<512x128xf32>
    %add3A_224 = arith.addf %add3A_219, %add3A_223 : vector<512x128xf32>
    %lt3A_225 = arith.cmpf olt, %add3A_224, %select_n3A_213 : vector<512x128xf32>
    %select_n3A_226 = arith.select %lt3A_225, %add3A_224, %select_n3A_213 : vector<512x128xi1>, vector<512x128xf32>
    %jit3A_227 = arith.constant 1.600000e+01 : f32
    %broadcast_in_dim3A_228 = vector.broadcast %jit3A_227 : f32 to vector<512x128xf32>
    %select_n3A_229 = arith.select %lt3A_225, %broadcast_in_dim3A_228, %select_n3A_216 : vector<512x128xi1>, vector<512x128xf32>
    %slice3A_230 = vector.extract_strided_slice %dot_general3A_11 {offsets = [0, 2176], sizes = [512, 128], strides = [1, 1]} : vector<512x8192xf32> to vector<512x128xf32>
    %add3A_231 = vector.broadcast %broadcast_in_dim3A : vector<512x1xf32> to vector<512x128xf32>
    %add3A_232 = arith.addf %add3A_231, %slice3A_230 : vector<512x128xf32>
    %get3A_233 = arith.constant 0 : index
    %get3A_234 = arith.constant 2176 : index
    %get3A_235 = vector.load %arg4[%get3A_233, %get3A_234] : memref<1x8192xf32, #tpu.memory_space<vmem>>, vector<1x128xf32>
    %add3A_236 = vector.broadcast %get3A_235 : vector<1x128xf32> to vector<512x128xf32>
    %add3A_237 = arith.addf %add3A_232, %add3A_236 : vector<512x128xf32>
    %lt3A_238 = arith.cmpf olt, %add3A_237, %select_n3A_226 : vector<512x128xf32>
    %select_n3A_239 = arith.select %lt3A_238, %add3A_237, %select_n3A_226 : vector<512x128xi1>, vector<512x128xf32>
    %jit3A_240 = arith.constant 1.700000e+01 : f32
    %broadcast_in_dim3A_241 = vector.broadcast %jit3A_240 : f32 to vector<512x128xf32>
    %select_n3A_242 = arith.select %lt3A_238, %broadcast_in_dim3A_241, %select_n3A_229 : vector<512x128xi1>, vector<512x128xf32>
    %slice3A_243 = vector.extract_strided_slice %dot_general3A_11 {offsets = [0, 2304], sizes = [512, 128], strides = [1, 1]} : vector<512x8192xf32> to vector<512x128xf32>
    %add3A_244 = vector.broadcast %broadcast_in_dim3A : vector<512x1xf32> to vector<512x128xf32>
    %add3A_245 = arith.addf %add3A_244, %slice3A_243 : vector<512x128xf32>
    %get3A_246 = arith.constant 0 : index
    %get3A_247 = arith.constant 2304 : index
    %get3A_248 = vector.load %arg4[%get3A_246, %get3A_247] : memref<1x8192xf32, #tpu.memory_space<vmem>>, vector<1x128xf32>
    %add3A_249 = vector.broadcast %get3A_248 : vector<1x128xf32> to vector<512x128xf32>
    %add3A_250 = arith.addf %add3A_245, %add3A_249 : vector<512x128xf32>
    %lt3A_251 = arith.cmpf olt, %add3A_250, %select_n3A_239 : vector<512x128xf32>
    %select_n3A_252 = arith.select %lt3A_251, %add3A_250, %select_n3A_239 : vector<512x128xi1>, vector<512x128xf32>
    %jit3A_253 = arith.constant 1.800000e+01 : f32
    %broadcast_in_dim3A_254 = vector.broadcast %jit3A_253 : f32 to vector<512x128xf32>
    %select_n3A_255 = arith.select %lt3A_251, %broadcast_in_dim3A_254, %select_n3A_242 : vector<512x128xi1>, vector<512x128xf32>
    %slice3A_256 = vector.extract_strided_slice %dot_general3A_11 {offsets = [0, 2432], sizes = [512, 128], strides = [1, 1]} : vector<512x8192xf32> to vector<512x128xf32>
    %add3A_257 = vector.broadcast %broadcast_in_dim3A : vector<512x1xf32> to vector<512x128xf32>
    %add3A_258 = arith.addf %add3A_257, %slice3A_256 : vector<512x128xf32>
    %get3A_259 = arith.constant 0 : index
    %get3A_260 = arith.constant 2432 : index
    %get3A_261 = vector.load %arg4[%get3A_259, %get3A_260] : memref<1x8192xf32, #tpu.memory_space<vmem>>, vector<1x128xf32>
    %add3A_262 = vector.broadcast %get3A_261 : vector<1x128xf32> to vector<512x128xf32>
    %add3A_263 = arith.addf %add3A_258, %add3A_262 : vector<512x128xf32>
    %lt3A_264 = arith.cmpf olt, %add3A_263, %select_n3A_252 : vector<512x128xf32>
    %select_n3A_265 = arith.select %lt3A_264, %add3A_263, %select_n3A_252 : vector<512x128xi1>, vector<512x128xf32>
    %jit3A_266 = arith.constant 1.900000e+01 : f32
    %broadcast_in_dim3A_267 = vector.broadcast %jit3A_266 : f32 to vector<512x128xf32>
    %select_n3A_268 = arith.select %lt3A_264, %broadcast_in_dim3A_267, %select_n3A_255 : vector<512x128xi1>, vector<512x128xf32>
    %slice3A_269 = vector.extract_strided_slice %dot_general3A_11 {offsets = [0, 2560], sizes = [512, 128], strides = [1, 1]} : vector<512x8192xf32> to vector<512x128xf32>
    %add3A_270 = vector.broadcast %broadcast_in_dim3A : vector<512x1xf32> to vector<512x128xf32>
    %add3A_271 = arith.addf %add3A_270, %slice3A_269 : vector<512x128xf32>
    %get3A_272 = arith.constant 0 : index
    %get3A_273 = arith.constant 2560 : index
    %get3A_274 = vector.load %arg4[%get3A_272, %get3A_273] : memref<1x8192xf32, #tpu.memory_space<vmem>>, vector<1x128xf32>
    %add3A_275 = vector.broadcast %get3A_274 : vector<1x128xf32> to vector<512x128xf32>
    %add3A_276 = arith.addf %add3A_271, %add3A_275 : vector<512x128xf32>
    %lt3A_277 = arith.cmpf olt, %add3A_276, %select_n3A_265 : vector<512x128xf32>
    %select_n3A_278 = arith.select %lt3A_277, %add3A_276, %select_n3A_265 : vector<512x128xi1>, vector<512x128xf32>
    %jit3A_279 = arith.constant 2.000000e+01 : f32
    %broadcast_in_dim3A_280 = vector.broadcast %jit3A_279 : f32 to vector<512x128xf32>
    %select_n3A_281 = arith.select %lt3A_277, %broadcast_in_dim3A_280, %select_n3A_268 : vector<512x128xi1>, vector<512x128xf32>
    %slice3A_282 = vector.extract_strided_slice %dot_general3A_11 {offsets = [0, 2688], sizes = [512, 128], strides = [1, 1]} : vector<512x8192xf32> to vector<512x128xf32>
    %add3A_283 = vector.broadcast %broadcast_in_dim3A : vector<512x1xf32> to vector<512x128xf32>
    %add3A_284 = arith.addf %add3A_283, %slice3A_282 : vector<512x128xf32>
    %get3A_285 = arith.constant 0 : index
    %get3A_286 = arith.constant 2688 : index
    %get3A_287 = vector.load %arg4[%get3A_285, %get3A_286] : memref<1x8192xf32, #tpu.memory_space<vmem>>, vector<1x128xf32>
    %add3A_288 = vector.broadcast %get3A_287 : vector<1x128xf32> to vector<512x128xf32>
    %add3A_289 = arith.addf %add3A_284, %add3A_288 : vector<512x128xf32>
    %lt3A_290 = arith.cmpf olt, %add3A_289, %select_n3A_278 : vector<512x128xf32>
    %select_n3A_291 = arith.select %lt3A_290, %add3A_289, %select_n3A_278 : vector<512x128xi1>, vector<512x128xf32>
    %jit3A_292 = arith.constant 2.100000e+01 : f32
    %broadcast_in_dim3A_293 = vector.broadcast %jit3A_292 : f32 to vector<512x128xf32>
    %select_n3A_294 = arith.select %lt3A_290, %broadcast_in_dim3A_293, %select_n3A_281 : vector<512x128xi1>, vector<512x128xf32>
    %slice3A_295 = vector.extract_strided_slice %dot_general3A_11 {offsets = [0, 2816], sizes = [512, 128], strides = [1, 1]} : vector<512x8192xf32> to vector<512x128xf32>
    %add3A_296 = vector.broadcast %broadcast_in_dim3A : vector<512x1xf32> to vector<512x128xf32>
    %add3A_297 = arith.addf %add3A_296, %slice3A_295 : vector<512x128xf32>
    %get3A_298 = arith.constant 0 : index
    %get3A_299 = arith.constant 2816 : index
    %get3A_300 = vector.load %arg4[%get3A_298, %get3A_299] : memref<1x8192xf32, #tpu.memory_space<vmem>>, vector<1x128xf32>
    %add3A_301 = vector.broadcast %get3A_300 : vector<1x128xf32> to vector<512x128xf32>
    %add3A_302 = arith.addf %add3A_297, %add3A_301 : vector<512x128xf32>
    %lt3A_303 = arith.cmpf olt, %add3A_302, %select_n3A_291 : vector<512x128xf32>
    %select_n3A_304 = arith.select %lt3A_303, %add3A_302, %select_n3A_291 : vector<512x128xi1>, vector<512x128xf32>
    %jit3A_305 = arith.constant 2.200000e+01 : f32
    %broadcast_in_dim3A_306 = vector.broadcast %jit3A_305 : f32 to vector<512x128xf32>
    %select_n3A_307 = arith.select %lt3A_303, %broadcast_in_dim3A_306, %select_n3A_294 : vector<512x128xi1>, vector<512x128xf32>
    %slice3A_308 = vector.extract_strided_slice %dot_general3A_11 {offsets = [0, 2944], sizes = [512, 128], strides = [1, 1]} : vector<512x8192xf32> to vector<512x128xf32>
    %add3A_309 = vector.broadcast %broadcast_in_dim3A : vector<512x1xf32> to vector<512x128xf32>
    %add3A_310 = arith.addf %add3A_309, %slice3A_308 : vector<512x128xf32>
    %get3A_311 = arith.constant 0 : index
    %get3A_312 = arith.constant 2944 : index
    %get3A_313 = vector.load %arg4[%get3A_311, %get3A_312] : memref<1x8192xf32, #tpu.memory_space<vmem>>, vector<1x128xf32>
    %add3A_314 = vector.broadcast %get3A_313 : vector<1x128xf32> to vector<512x128xf32>
    %add3A_315 = arith.addf %add3A_310, %add3A_314 : vector<512x128xf32>
    %lt3A_316 = arith.cmpf olt, %add3A_315, %select_n3A_304 : vector<512x128xf32>
    %select_n3A_317 = arith.select %lt3A_316, %add3A_315, %select_n3A_304 : vector<512x128xi1>, vector<512x128xf32>
    %jit3A_318 = arith.constant 2.300000e+01 : f32
    %broadcast_in_dim3A_319 = vector.broadcast %jit3A_318 : f32 to vector<512x128xf32>
    %select_n3A_320 = arith.select %lt3A_316, %broadcast_in_dim3A_319, %select_n3A_307 : vector<512x128xi1>, vector<512x128xf32>
    %slice3A_321 = vector.extract_strided_slice %dot_general3A_11 {offsets = [0, 3072], sizes = [512, 128], strides = [1, 1]} : vector<512x8192xf32> to vector<512x128xf32>
    %add3A_322 = vector.broadcast %broadcast_in_dim3A : vector<512x1xf32> to vector<512x128xf32>
    %add3A_323 = arith.addf %add3A_322, %slice3A_321 : vector<512x128xf32>
    %get3A_324 = arith.constant 0 : index
    %get3A_325 = arith.constant 3072 : index
    %get3A_326 = vector.load %arg4[%get3A_324, %get3A_325] : memref<1x8192xf32, #tpu.memory_space<vmem>>, vector<1x128xf32>
    %add3A_327 = vector.broadcast %get3A_326 : vector<1x128xf32> to vector<512x128xf32>
    %add3A_328 = arith.addf %add3A_323, %add3A_327 : vector<512x128xf32>
    %lt3A_329 = arith.cmpf olt, %add3A_328, %select_n3A_317 : vector<512x128xf32>
    %select_n3A_330 = arith.select %lt3A_329, %add3A_328, %select_n3A_317 : vector<512x128xi1>, vector<512x128xf32>
    %jit3A_331 = arith.constant 2.400000e+01 : f32
    %broadcast_in_dim3A_332 = vector.broadcast %jit3A_331 : f32 to vector<512x128xf32>
    %select_n3A_333 = arith.select %lt3A_329, %broadcast_in_dim3A_332, %select_n3A_320 : vector<512x128xi1>, vector<512x128xf32>
    %slice3A_334 = vector.extract_strided_slice %dot_general3A_11 {offsets = [0, 3200], sizes = [512, 128], strides = [1, 1]} : vector<512x8192xf32> to vector<512x128xf32>
    %add3A_335 = vector.broadcast %broadcast_in_dim3A : vector<512x1xf32> to vector<512x128xf32>
    %add3A_336 = arith.addf %add3A_335, %slice3A_334 : vector<512x128xf32>
    %get3A_337 = arith.constant 0 : index
    %get3A_338 = arith.constant 3200 : index
    %get3A_339 = vector.load %arg4[%get3A_337, %get3A_338] : memref<1x8192xf32, #tpu.memory_space<vmem>>, vector<1x128xf32>
    %add3A_340 = vector.broadcast %get3A_339 : vector<1x128xf32> to vector<512x128xf32>
    %add3A_341 = arith.addf %add3A_336, %add3A_340 : vector<512x128xf32>
    %lt3A_342 = arith.cmpf olt, %add3A_341, %select_n3A_330 : vector<512x128xf32>
    %select_n3A_343 = arith.select %lt3A_342, %add3A_341, %select_n3A_330 : vector<512x128xi1>, vector<512x128xf32>
    %jit3A_344 = arith.constant 2.500000e+01 : f32
    %broadcast_in_dim3A_345 = vector.broadcast %jit3A_344 : f32 to vector<512x128xf32>
    %select_n3A_346 = arith.select %lt3A_342, %broadcast_in_dim3A_345, %select_n3A_333 : vector<512x128xi1>, vector<512x128xf32>
    %slice3A_347 = vector.extract_strided_slice %dot_general3A_11 {offsets = [0, 3328], sizes = [512, 128], strides = [1, 1]} : vector<512x8192xf32> to vector<512x128xf32>
    %add3A_348 = vector.broadcast %broadcast_in_dim3A : vector<512x1xf32> to vector<512x128xf32>
    %add3A_349 = arith.addf %add3A_348, %slice3A_347 : vector<512x128xf32>
    %get3A_350 = arith.constant 0 : index
    %get3A_351 = arith.constant 3328 : index
    %get3A_352 = vector.load %arg4[%get3A_350, %get3A_351] : memref<1x8192xf32, #tpu.memory_space<vmem>>, vector<1x128xf32>
    %add3A_353 = vector.broadcast %get3A_352 : vector<1x128xf32> to vector<512x128xf32>
    %add3A_354 = arith.addf %add3A_349, %add3A_353 : vector<512x128xf32>
    %lt3A_355 = arith.cmpf olt, %add3A_354, %select_n3A_343 : vector<512x128xf32>
    %select_n3A_356 = arith.select %lt3A_355, %add3A_354, %select_n3A_343 : vector<512x128xi1>, vector<512x128xf32>
    %jit3A_357 = arith.constant 2.600000e+01 : f32
    %broadcast_in_dim3A_358 = vector.broadcast %jit3A_357 : f32 to vector<512x128xf32>
    %select_n3A_359 = arith.select %lt3A_355, %broadcast_in_dim3A_358, %select_n3A_346 : vector<512x128xi1>, vector<512x128xf32>
    %slice3A_360 = vector.extract_strided_slice %dot_general3A_11 {offsets = [0, 3456], sizes = [512, 128], strides = [1, 1]} : vector<512x8192xf32> to vector<512x128xf32>
    %add3A_361 = vector.broadcast %broadcast_in_dim3A : vector<512x1xf32> to vector<512x128xf32>
    %add3A_362 = arith.addf %add3A_361, %slice3A_360 : vector<512x128xf32>
    %get3A_363 = arith.constant 0 : index
    %get3A_364 = arith.constant 3456 : index
    %get3A_365 = vector.load %arg4[%get3A_363, %get3A_364] : memref<1x8192xf32, #tpu.memory_space<vmem>>, vector<1x128xf32>
    %add3A_366 = vector.broadcast %get3A_365 : vector<1x128xf32> to vector<512x128xf32>
    %add3A_367 = arith.addf %add3A_362, %add3A_366 : vector<512x128xf32>
    %lt3A_368 = arith.cmpf olt, %add3A_367, %select_n3A_356 : vector<512x128xf32>
    %select_n3A_369 = arith.select %lt3A_368, %add3A_367, %select_n3A_356 : vector<512x128xi1>, vector<512x128xf32>
    %jit3A_370 = arith.constant 2.700000e+01 : f32
    %broadcast_in_dim3A_371 = vector.broadcast %jit3A_370 : f32 to vector<512x128xf32>
    %select_n3A_372 = arith.select %lt3A_368, %broadcast_in_dim3A_371, %select_n3A_359 : vector<512x128xi1>, vector<512x128xf32>
    %slice3A_373 = vector.extract_strided_slice %dot_general3A_11 {offsets = [0, 3584], sizes = [512, 128], strides = [1, 1]} : vector<512x8192xf32> to vector<512x128xf32>
    %add3A_374 = vector.broadcast %broadcast_in_dim3A : vector<512x1xf32> to vector<512x128xf32>
    %add3A_375 = arith.addf %add3A_374, %slice3A_373 : vector<512x128xf32>
    %get3A_376 = arith.constant 0 : index
    %get3A_377 = arith.constant 3584 : index
    %get3A_378 = vector.load %arg4[%get3A_376, %get3A_377] : memref<1x8192xf32, #tpu.memory_space<vmem>>, vector<1x128xf32>
    %add3A_379 = vector.broadcast %get3A_378 : vector<1x128xf32> to vector<512x128xf32>
    %add3A_380 = arith.addf %add3A_375, %add3A_379 : vector<512x128xf32>
    %lt3A_381 = arith.cmpf olt, %add3A_380, %select_n3A_369 : vector<512x128xf32>
    %select_n3A_382 = arith.select %lt3A_381, %add3A_380, %select_n3A_369 : vector<512x128xi1>, vector<512x128xf32>
    %jit3A_383 = arith.constant 2.800000e+01 : f32
    %broadcast_in_dim3A_384 = vector.broadcast %jit3A_383 : f32 to vector<512x128xf32>
    %select_n3A_385 = arith.select %lt3A_381, %broadcast_in_dim3A_384, %select_n3A_372 : vector<512x128xi1>, vector<512x128xf32>
    %slice3A_386 = vector.extract_strided_slice %dot_general3A_11 {offsets = [0, 3712], sizes = [512, 128], strides = [1, 1]} : vector<512x8192xf32> to vector<512x128xf32>
    %add3A_387 = vector.broadcast %broadcast_in_dim3A : vector<512x1xf32> to vector<512x128xf32>
    %add3A_388 = arith.addf %add3A_387, %slice3A_386 : vector<512x128xf32>
    %get3A_389 = arith.constant 0 : index
    %get3A_390 = arith.constant 3712 : index
    %get3A_391 = vector.load %arg4[%get3A_389, %get3A_390] : memref<1x8192xf32, #tpu.memory_space<vmem>>, vector<1x128xf32>
    %add3A_392 = vector.broadcast %get3A_391 : vector<1x128xf32> to vector<512x128xf32>
    %add3A_393 = arith.addf %add3A_388, %add3A_392 : vector<512x128xf32>
    %lt3A_394 = arith.cmpf olt, %add3A_393, %select_n3A_382 : vector<512x128xf32>
    %select_n3A_395 = arith.select %lt3A_394, %add3A_393, %select_n3A_382 : vector<512x128xi1>, vector<512x128xf32>
    %jit3A_396 = arith.constant 2.900000e+01 : f32
    %broadcast_in_dim3A_397 = vector.broadcast %jit3A_396 : f32 to vector<512x128xf32>
    %select_n3A_398 = arith.select %lt3A_394, %broadcast_in_dim3A_397, %select_n3A_385 : vector<512x128xi1>, vector<512x128xf32>
    %slice3A_399 = vector.extract_strided_slice %dot_general3A_11 {offsets = [0, 3840], sizes = [512, 128], strides = [1, 1]} : vector<512x8192xf32> to vector<512x128xf32>
    %add3A_400 = vector.broadcast %broadcast_in_dim3A : vector<512x1xf32> to vector<512x128xf32>
    %add3A_401 = arith.addf %add3A_400, %slice3A_399 : vector<512x128xf32>
    %get3A_402 = arith.constant 0 : index
    %get3A_403 = arith.constant 3840 : index
    %get3A_404 = vector.load %arg4[%get3A_402, %get3A_403] : memref<1x8192xf32, #tpu.memory_space<vmem>>, vector<1x128xf32>
    %add3A_405 = vector.broadcast %get3A_404 : vector<1x128xf32> to vector<512x128xf32>
    %add3A_406 = arith.addf %add3A_401, %add3A_405 : vector<512x128xf32>
    %lt3A_407 = arith.cmpf olt, %add3A_406, %select_n3A_395 : vector<512x128xf32>
    %select_n3A_408 = arith.select %lt3A_407, %add3A_406, %select_n3A_395 : vector<512x128xi1>, vector<512x128xf32>
    %jit3A_409 = arith.constant 3.000000e+01 : f32
    %broadcast_in_dim3A_410 = vector.broadcast %jit3A_409 : f32 to vector<512x128xf32>
    %select_n3A_411 = arith.select %lt3A_407, %broadcast_in_dim3A_410, %select_n3A_398 : vector<512x128xi1>, vector<512x128xf32>
    %slice3A_412 = vector.extract_strided_slice %dot_general3A_11 {offsets = [0, 3968], sizes = [512, 128], strides = [1, 1]} : vector<512x8192xf32> to vector<512x128xf32>
    %add3A_413 = vector.broadcast %broadcast_in_dim3A : vector<512x1xf32> to vector<512x128xf32>
    %add3A_414 = arith.addf %add3A_413, %slice3A_412 : vector<512x128xf32>
    %get3A_415 = arith.constant 0 : index
    %get3A_416 = arith.constant 3968 : index
    %get3A_417 = vector.load %arg4[%get3A_415, %get3A_416] : memref<1x8192xf32, #tpu.memory_space<vmem>>, vector<1x128xf32>
    %add3A_418 = vector.broadcast %get3A_417 : vector<1x128xf32> to vector<512x128xf32>
    %add3A_419 = arith.addf %add3A_414, %add3A_418 : vector<512x128xf32>
    %lt3A_420 = arith.cmpf olt, %add3A_419, %select_n3A_408 : vector<512x128xf32>
    %select_n3A_421 = arith.select %lt3A_420, %add3A_419, %select_n3A_408 : vector<512x128xi1>, vector<512x128xf32>
    %jit3A_422 = arith.constant 3.100000e+01 : f32
    %broadcast_in_dim3A_423 = vector.broadcast %jit3A_422 : f32 to vector<512x128xf32>
    %select_n3A_424 = arith.select %lt3A_420, %broadcast_in_dim3A_423, %select_n3A_411 : vector<512x128xi1>, vector<512x128xf32>
    %slice3A_425 = vector.extract_strided_slice %dot_general3A_11 {offsets = [0, 4096], sizes = [512, 128], strides = [1, 1]} : vector<512x8192xf32> to vector<512x128xf32>
    %add3A_426 = vector.broadcast %broadcast_in_dim3A : vector<512x1xf32> to vector<512x128xf32>
    %add3A_427 = arith.addf %add3A_426, %slice3A_425 : vector<512x128xf32>
    %get3A_428 = arith.constant 0 : index
    %get3A_429 = arith.constant 4096 : index
    %get3A_430 = vector.load %arg4[%get3A_428, %get3A_429] : memref<1x8192xf32, #tpu.memory_space<vmem>>, vector<1x128xf32>
    %add3A_431 = vector.broadcast %get3A_430 : vector<1x128xf32> to vector<512x128xf32>
    %add3A_432 = arith.addf %add3A_427, %add3A_431 : vector<512x128xf32>
    %lt3A_433 = arith.cmpf olt, %add3A_432, %select_n3A_421 : vector<512x128xf32>
    %select_n3A_434 = arith.select %lt3A_433, %add3A_432, %select_n3A_421 : vector<512x128xi1>, vector<512x128xf32>
    %jit3A_435 = arith.constant 3.200000e+01 : f32
    %broadcast_in_dim3A_436 = vector.broadcast %jit3A_435 : f32 to vector<512x128xf32>
    %select_n3A_437 = arith.select %lt3A_433, %broadcast_in_dim3A_436, %select_n3A_424 : vector<512x128xi1>, vector<512x128xf32>
    %slice3A_438 = vector.extract_strided_slice %dot_general3A_11 {offsets = [0, 4224], sizes = [512, 128], strides = [1, 1]} : vector<512x8192xf32> to vector<512x128xf32>
    %add3A_439 = vector.broadcast %broadcast_in_dim3A : vector<512x1xf32> to vector<512x128xf32>
    %add3A_440 = arith.addf %add3A_439, %slice3A_438 : vector<512x128xf32>
    %get3A_441 = arith.constant 0 : index
    %get3A_442 = arith.constant 4224 : index
    %get3A_443 = vector.load %arg4[%get3A_441, %get3A_442] : memref<1x8192xf32, #tpu.memory_space<vmem>>, vector<1x128xf32>
    %add3A_444 = vector.broadcast %get3A_443 : vector<1x128xf32> to vector<512x128xf32>
    %add3A_445 = arith.addf %add3A_440, %add3A_444 : vector<512x128xf32>
    %lt3A_446 = arith.cmpf olt, %add3A_445, %select_n3A_434 : vector<512x128xf32>
    %select_n3A_447 = arith.select %lt3A_446, %add3A_445, %select_n3A_434 : vector<512x128xi1>, vector<512x128xf32>
    %jit3A_448 = arith.constant 3.300000e+01 : f32
    %broadcast_in_dim3A_449 = vector.broadcast %jit3A_448 : f32 to vector<512x128xf32>
    %select_n3A_450 = arith.select %lt3A_446, %broadcast_in_dim3A_449, %select_n3A_437 : vector<512x128xi1>, vector<512x128xf32>
    %slice3A_451 = vector.extract_strided_slice %dot_general3A_11 {offsets = [0, 4352], sizes = [512, 128], strides = [1, 1]} : vector<512x8192xf32> to vector<512x128xf32>
    %add3A_452 = vector.broadcast %broadcast_in_dim3A : vector<512x1xf32> to vector<512x128xf32>
    %add3A_453 = arith.addf %add3A_452, %slice3A_451 : vector<512x128xf32>
    %get3A_454 = arith.constant 0 : index
    %get3A_455 = arith.constant 4352 : index
    %get3A_456 = vector.load %arg4[%get3A_454, %get3A_455] : memref<1x8192xf32, #tpu.memory_space<vmem>>, vector<1x128xf32>
    %add3A_457 = vector.broadcast %get3A_456 : vector<1x128xf32> to vector<512x128xf32>
    %add3A_458 = arith.addf %add3A_453, %add3A_457 : vector<512x128xf32>
    %lt3A_459 = arith.cmpf olt, %add3A_458, %select_n3A_447 : vector<512x128xf32>
    %select_n3A_460 = arith.select %lt3A_459, %add3A_458, %select_n3A_447 : vector<512x128xi1>, vector<512x128xf32>
    %jit3A_461 = arith.constant 3.400000e+01 : f32
    %broadcast_in_dim3A_462 = vector.broadcast %jit3A_461 : f32 to vector<512x128xf32>
    %select_n3A_463 = arith.select %lt3A_459, %broadcast_in_dim3A_462, %select_n3A_450 : vector<512x128xi1>, vector<512x128xf32>
    %slice3A_464 = vector.extract_strided_slice %dot_general3A_11 {offsets = [0, 4480], sizes = [512, 128], strides = [1, 1]} : vector<512x8192xf32> to vector<512x128xf32>
    %add3A_465 = vector.broadcast %broadcast_in_dim3A : vector<512x1xf32> to vector<512x128xf32>
    %add3A_466 = arith.addf %add3A_465, %slice3A_464 : vector<512x128xf32>
    %get3A_467 = arith.constant 0 : index
    %get3A_468 = arith.constant 4480 : index
    %get3A_469 = vector.load %arg4[%get3A_467, %get3A_468] : memref<1x8192xf32, #tpu.memory_space<vmem>>, vector<1x128xf32>
    %add3A_470 = vector.broadcast %get3A_469 : vector<1x128xf32> to vector<512x128xf32>
    %add3A_471 = arith.addf %add3A_466, %add3A_470 : vector<512x128xf32>
    %lt3A_472 = arith.cmpf olt, %add3A_471, %select_n3A_460 : vector<512x128xf32>
    %select_n3A_473 = arith.select %lt3A_472, %add3A_471, %select_n3A_460 : vector<512x128xi1>, vector<512x128xf32>
    %jit3A_474 = arith.constant 3.500000e+01 : f32
    %broadcast_in_dim3A_475 = vector.broadcast %jit3A_474 : f32 to vector<512x128xf32>
    %select_n3A_476 = arith.select %lt3A_472, %broadcast_in_dim3A_475, %select_n3A_463 : vector<512x128xi1>, vector<512x128xf32>
    %slice3A_477 = vector.extract_strided_slice %dot_general3A_11 {offsets = [0, 4608], sizes = [512, 128], strides = [1, 1]} : vector<512x8192xf32> to vector<512x128xf32>
    %add3A_478 = vector.broadcast %broadcast_in_dim3A : vector<512x1xf32> to vector<512x128xf32>
    %add3A_479 = arith.addf %add3A_478, %slice3A_477 : vector<512x128xf32>
    %get3A_480 = arith.constant 0 : index
    %get3A_481 = arith.constant 4608 : index
    %get3A_482 = vector.load %arg4[%get3A_480, %get3A_481] : memref<1x8192xf32, #tpu.memory_space<vmem>>, vector<1x128xf32>
    %add3A_483 = vector.broadcast %get3A_482 : vector<1x128xf32> to vector<512x128xf32>
    %add3A_484 = arith.addf %add3A_479, %add3A_483 : vector<512x128xf32>
    %lt3A_485 = arith.cmpf olt, %add3A_484, %select_n3A_473 : vector<512x128xf32>
    %select_n3A_486 = arith.select %lt3A_485, %add3A_484, %select_n3A_473 : vector<512x128xi1>, vector<512x128xf32>
    %jit3A_487 = arith.constant 3.600000e+01 : f32
    %broadcast_in_dim3A_488 = vector.broadcast %jit3A_487 : f32 to vector<512x128xf32>
    %select_n3A_489 = arith.select %lt3A_485, %broadcast_in_dim3A_488, %select_n3A_476 : vector<512x128xi1>, vector<512x128xf32>
    %slice3A_490 = vector.extract_strided_slice %dot_general3A_11 {offsets = [0, 4736], sizes = [512, 128], strides = [1, 1]} : vector<512x8192xf32> to vector<512x128xf32>
    %add3A_491 = vector.broadcast %broadcast_in_dim3A : vector<512x1xf32> to vector<512x128xf32>
    %add3A_492 = arith.addf %add3A_491, %slice3A_490 : vector<512x128xf32>
    %get3A_493 = arith.constant 0 : index
    %get3A_494 = arith.constant 4736 : index
    %get3A_495 = vector.load %arg4[%get3A_493, %get3A_494] : memref<1x8192xf32, #tpu.memory_space<vmem>>, vector<1x128xf32>
    %add3A_496 = vector.broadcast %get3A_495 : vector<1x128xf32> to vector<512x128xf32>
    %add3A_497 = arith.addf %add3A_492, %add3A_496 : vector<512x128xf32>
    %lt3A_498 = arith.cmpf olt, %add3A_497, %select_n3A_486 : vector<512x128xf32>
    %select_n3A_499 = arith.select %lt3A_498, %add3A_497, %select_n3A_486 : vector<512x128xi1>, vector<512x128xf32>
    %jit3A_500 = arith.constant 3.700000e+01 : f32
    %broadcast_in_dim3A_501 = vector.broadcast %jit3A_500 : f32 to vector<512x128xf32>
    %select_n3A_502 = arith.select %lt3A_498, %broadcast_in_dim3A_501, %select_n3A_489 : vector<512x128xi1>, vector<512x128xf32>
    %slice3A_503 = vector.extract_strided_slice %dot_general3A_11 {offsets = [0, 4864], sizes = [512, 128], strides = [1, 1]} : vector<512x8192xf32> to vector<512x128xf32>
    %add3A_504 = vector.broadcast %broadcast_in_dim3A : vector<512x1xf32> to vector<512x128xf32>
    %add3A_505 = arith.addf %add3A_504, %slice3A_503 : vector<512x128xf32>
    %get3A_506 = arith.constant 0 : index
    %get3A_507 = arith.constant 4864 : index
    %get3A_508 = vector.load %arg4[%get3A_506, %get3A_507] : memref<1x8192xf32, #tpu.memory_space<vmem>>, vector<1x128xf32>
    %add3A_509 = vector.broadcast %get3A_508 : vector<1x128xf32> to vector<512x128xf32>
    %add3A_510 = arith.addf %add3A_505, %add3A_509 : vector<512x128xf32>
    %lt3A_511 = arith.cmpf olt, %add3A_510, %select_n3A_499 : vector<512x128xf32>
    %select_n3A_512 = arith.select %lt3A_511, %add3A_510, %select_n3A_499 : vector<512x128xi1>, vector<512x128xf32>
    %jit3A_513 = arith.constant 3.800000e+01 : f32
    %broadcast_in_dim3A_514 = vector.broadcast %jit3A_513 : f32 to vector<512x128xf32>
    %select_n3A_515 = arith.select %lt3A_511, %broadcast_in_dim3A_514, %select_n3A_502 : vector<512x128xi1>, vector<512x128xf32>
    %slice3A_516 = vector.extract_strided_slice %dot_general3A_11 {offsets = [0, 4992], sizes = [512, 128], strides = [1, 1]} : vector<512x8192xf32> to vector<512x128xf32>
    %add3A_517 = vector.broadcast %broadcast_in_dim3A : vector<512x1xf32> to vector<512x128xf32>
    %add3A_518 = arith.addf %add3A_517, %slice3A_516 : vector<512x128xf32>
    %get3A_519 = arith.constant 0 : index
    %get3A_520 = arith.constant 4992 : index
    %get3A_521 = vector.load %arg4[%get3A_519, %get3A_520] : memref<1x8192xf32, #tpu.memory_space<vmem>>, vector<1x128xf32>
    %add3A_522 = vector.broadcast %get3A_521 : vector<1x128xf32> to vector<512x128xf32>
    %add3A_523 = arith.addf %add3A_518, %add3A_522 : vector<512x128xf32>
    %lt3A_524 = arith.cmpf olt, %add3A_523, %select_n3A_512 : vector<512x128xf32>
    %select_n3A_525 = arith.select %lt3A_524, %add3A_523, %select_n3A_512 : vector<512x128xi1>, vector<512x128xf32>
    %jit3A_526 = arith.constant 3.900000e+01 : f32
    %broadcast_in_dim3A_527 = vector.broadcast %jit3A_526 : f32 to vector<512x128xf32>
    %select_n3A_528 = arith.select %lt3A_524, %broadcast_in_dim3A_527, %select_n3A_515 : vector<512x128xi1>, vector<512x128xf32>
    %slice3A_529 = vector.extract_strided_slice %dot_general3A_11 {offsets = [0, 5120], sizes = [512, 128], strides = [1, 1]} : vector<512x8192xf32> to vector<512x128xf32>
    %add3A_530 = vector.broadcast %broadcast_in_dim3A : vector<512x1xf32> to vector<512x128xf32>
    %add3A_531 = arith.addf %add3A_530, %slice3A_529 : vector<512x128xf32>
    %get3A_532 = arith.constant 0 : index
    %get3A_533 = arith.constant 5120 : index
    %get3A_534 = vector.load %arg4[%get3A_532, %get3A_533] : memref<1x8192xf32, #tpu.memory_space<vmem>>, vector<1x128xf32>
    %add3A_535 = vector.broadcast %get3A_534 : vector<1x128xf32> to vector<512x128xf32>
    %add3A_536 = arith.addf %add3A_531, %add3A_535 : vector<512x128xf32>
    %lt3A_537 = arith.cmpf olt, %add3A_536, %select_n3A_525 : vector<512x128xf32>
    %select_n3A_538 = arith.select %lt3A_537, %add3A_536, %select_n3A_525 : vector<512x128xi1>, vector<512x128xf32>
    %jit3A_539 = arith.constant 4.000000e+01 : f32
    %broadcast_in_dim3A_540 = vector.broadcast %jit3A_539 : f32 to vector<512x128xf32>
    %select_n3A_541 = arith.select %lt3A_537, %broadcast_in_dim3A_540, %select_n3A_528 : vector<512x128xi1>, vector<512x128xf32>
    %slice3A_542 = vector.extract_strided_slice %dot_general3A_11 {offsets = [0, 5248], sizes = [512, 128], strides = [1, 1]} : vector<512x8192xf32> to vector<512x128xf32>
    %add3A_543 = vector.broadcast %broadcast_in_dim3A : vector<512x1xf32> to vector<512x128xf32>
    %add3A_544 = arith.addf %add3A_543, %slice3A_542 : vector<512x128xf32>
    %get3A_545 = arith.constant 0 : index
    %get3A_546 = arith.constant 5248 : index
    %get3A_547 = vector.load %arg4[%get3A_545, %get3A_546] : memref<1x8192xf32, #tpu.memory_space<vmem>>, vector<1x128xf32>
    %add3A_548 = vector.broadcast %get3A_547 : vector<1x128xf32> to vector<512x128xf32>
    %add3A_549 = arith.addf %add3A_544, %add3A_548 : vector<512x128xf32>
    %lt3A_550 = arith.cmpf olt, %add3A_549, %select_n3A_538 : vector<512x128xf32>
    %select_n3A_551 = arith.select %lt3A_550, %add3A_549, %select_n3A_538 : vector<512x128xi1>, vector<512x128xf32>
    %jit3A_552 = arith.constant 4.100000e+01 : f32
    %broadcast_in_dim3A_553 = vector.broadcast %jit3A_552 : f32 to vector<512x128xf32>
    %select_n3A_554 = arith.select %lt3A_550, %broadcast_in_dim3A_553, %select_n3A_541 : vector<512x128xi1>, vector<512x128xf32>
    %slice3A_555 = vector.extract_strided_slice %dot_general3A_11 {offsets = [0, 5376], sizes = [512, 128], strides = [1, 1]} : vector<512x8192xf32> to vector<512x128xf32>
    %add3A_556 = vector.broadcast %broadcast_in_dim3A : vector<512x1xf32> to vector<512x128xf32>
    %add3A_557 = arith.addf %add3A_556, %slice3A_555 : vector<512x128xf32>
    %get3A_558 = arith.constant 0 : index
    %get3A_559 = arith.constant 5376 : index
    %get3A_560 = vector.load %arg4[%get3A_558, %get3A_559] : memref<1x8192xf32, #tpu.memory_space<vmem>>, vector<1x128xf32>
    %add3A_561 = vector.broadcast %get3A_560 : vector<1x128xf32> to vector<512x128xf32>
    %add3A_562 = arith.addf %add3A_557, %add3A_561 : vector<512x128xf32>
    %lt3A_563 = arith.cmpf olt, %add3A_562, %select_n3A_551 : vector<512x128xf32>
    %select_n3A_564 = arith.select %lt3A_563, %add3A_562, %select_n3A_551 : vector<512x128xi1>, vector<512x128xf32>
    %jit3A_565 = arith.constant 4.200000e+01 : f32
    %broadcast_in_dim3A_566 = vector.broadcast %jit3A_565 : f32 to vector<512x128xf32>
    %select_n3A_567 = arith.select %lt3A_563, %broadcast_in_dim3A_566, %select_n3A_554 : vector<512x128xi1>, vector<512x128xf32>
    %slice3A_568 = vector.extract_strided_slice %dot_general3A_11 {offsets = [0, 5504], sizes = [512, 128], strides = [1, 1]} : vector<512x8192xf32> to vector<512x128xf32>
    %add3A_569 = vector.broadcast %broadcast_in_dim3A : vector<512x1xf32> to vector<512x128xf32>
    %add3A_570 = arith.addf %add3A_569, %slice3A_568 : vector<512x128xf32>
    %get3A_571 = arith.constant 0 : index
    %get3A_572 = arith.constant 5504 : index
    %get3A_573 = vector.load %arg4[%get3A_571, %get3A_572] : memref<1x8192xf32, #tpu.memory_space<vmem>>, vector<1x128xf32>
    %add3A_574 = vector.broadcast %get3A_573 : vector<1x128xf32> to vector<512x128xf32>
    %add3A_575 = arith.addf %add3A_570, %add3A_574 : vector<512x128xf32>
    %lt3A_576 = arith.cmpf olt, %add3A_575, %select_n3A_564 : vector<512x128xf32>
    %select_n3A_577 = arith.select %lt3A_576, %add3A_575, %select_n3A_564 : vector<512x128xi1>, vector<512x128xf32>
    %jit3A_578 = arith.constant 4.300000e+01 : f32
    %broadcast_in_dim3A_579 = vector.broadcast %jit3A_578 : f32 to vector<512x128xf32>
    %select_n3A_580 = arith.select %lt3A_576, %broadcast_in_dim3A_579, %select_n3A_567 : vector<512x128xi1>, vector<512x128xf32>
    %slice3A_581 = vector.extract_strided_slice %dot_general3A_11 {offsets = [0, 5632], sizes = [512, 128], strides = [1, 1]} : vector<512x8192xf32> to vector<512x128xf32>
    %add3A_582 = vector.broadcast %broadcast_in_dim3A : vector<512x1xf32> to vector<512x128xf32>
    %add3A_583 = arith.addf %add3A_582, %slice3A_581 : vector<512x128xf32>
    %get3A_584 = arith.constant 0 : index
    %get3A_585 = arith.constant 5632 : index
    %get3A_586 = vector.load %arg4[%get3A_584, %get3A_585] : memref<1x8192xf32, #tpu.memory_space<vmem>>, vector<1x128xf32>
    %add3A_587 = vector.broadcast %get3A_586 : vector<1x128xf32> to vector<512x128xf32>
    %add3A_588 = arith.addf %add3A_583, %add3A_587 : vector<512x128xf32>
    %lt3A_589 = arith.cmpf olt, %add3A_588, %select_n3A_577 : vector<512x128xf32>
    %select_n3A_590 = arith.select %lt3A_589, %add3A_588, %select_n3A_577 : vector<512x128xi1>, vector<512x128xf32>
    %jit3A_591 = arith.constant 4.400000e+01 : f32
    %broadcast_in_dim3A_592 = vector.broadcast %jit3A_591 : f32 to vector<512x128xf32>
    %select_n3A_593 = arith.select %lt3A_589, %broadcast_in_dim3A_592, %select_n3A_580 : vector<512x128xi1>, vector<512x128xf32>
    %slice3A_594 = vector.extract_strided_slice %dot_general3A_11 {offsets = [0, 5760], sizes = [512, 128], strides = [1, 1]} : vector<512x8192xf32> to vector<512x128xf32>
    %add3A_595 = vector.broadcast %broadcast_in_dim3A : vector<512x1xf32> to vector<512x128xf32>
    %add3A_596 = arith.addf %add3A_595, %slice3A_594 : vector<512x128xf32>
    %get3A_597 = arith.constant 0 : index
    %get3A_598 = arith.constant 5760 : index
    %get3A_599 = vector.load %arg4[%get3A_597, %get3A_598] : memref<1x8192xf32, #tpu.memory_space<vmem>>, vector<1x128xf32>
    %add3A_600 = vector.broadcast %get3A_599 : vector<1x128xf32> to vector<512x128xf32>
    %add3A_601 = arith.addf %add3A_596, %add3A_600 : vector<512x128xf32>
    %lt3A_602 = arith.cmpf olt, %add3A_601, %select_n3A_590 : vector<512x128xf32>
    %select_n3A_603 = arith.select %lt3A_602, %add3A_601, %select_n3A_590 : vector<512x128xi1>, vector<512x128xf32>
    %jit3A_604 = arith.constant 4.500000e+01 : f32
    %broadcast_in_dim3A_605 = vector.broadcast %jit3A_604 : f32 to vector<512x128xf32>
    %select_n3A_606 = arith.select %lt3A_602, %broadcast_in_dim3A_605, %select_n3A_593 : vector<512x128xi1>, vector<512x128xf32>
    %slice3A_607 = vector.extract_strided_slice %dot_general3A_11 {offsets = [0, 5888], sizes = [512, 128], strides = [1, 1]} : vector<512x8192xf32> to vector<512x128xf32>
    %add3A_608 = vector.broadcast %broadcast_in_dim3A : vector<512x1xf32> to vector<512x128xf32>
    %add3A_609 = arith.addf %add3A_608, %slice3A_607 : vector<512x128xf32>
    %get3A_610 = arith.constant 0 : index
    %get3A_611 = arith.constant 5888 : index
    %get3A_612 = vector.load %arg4[%get3A_610, %get3A_611] : memref<1x8192xf32, #tpu.memory_space<vmem>>, vector<1x128xf32>
    %add3A_613 = vector.broadcast %get3A_612 : vector<1x128xf32> to vector<512x128xf32>
    %add3A_614 = arith.addf %add3A_609, %add3A_613 : vector<512x128xf32>
    %lt3A_615 = arith.cmpf olt, %add3A_614, %select_n3A_603 : vector<512x128xf32>
    %select_n3A_616 = arith.select %lt3A_615, %add3A_614, %select_n3A_603 : vector<512x128xi1>, vector<512x128xf32>
    %jit3A_617 = arith.constant 4.600000e+01 : f32
    %broadcast_in_dim3A_618 = vector.broadcast %jit3A_617 : f32 to vector<512x128xf32>
    %select_n3A_619 = arith.select %lt3A_615, %broadcast_in_dim3A_618, %select_n3A_606 : vector<512x128xi1>, vector<512x128xf32>
    %slice3A_620 = vector.extract_strided_slice %dot_general3A_11 {offsets = [0, 6016], sizes = [512, 128], strides = [1, 1]} : vector<512x8192xf32> to vector<512x128xf32>
    %add3A_621 = vector.broadcast %broadcast_in_dim3A : vector<512x1xf32> to vector<512x128xf32>
    %add3A_622 = arith.addf %add3A_621, %slice3A_620 : vector<512x128xf32>
    %get3A_623 = arith.constant 0 : index
    %get3A_624 = arith.constant 6016 : index
    %get3A_625 = vector.load %arg4[%get3A_623, %get3A_624] : memref<1x8192xf32, #tpu.memory_space<vmem>>, vector<1x128xf32>
    %add3A_626 = vector.broadcast %get3A_625 : vector<1x128xf32> to vector<512x128xf32>
    %add3A_627 = arith.addf %add3A_622, %add3A_626 : vector<512x128xf32>
    %lt3A_628 = arith.cmpf olt, %add3A_627, %select_n3A_616 : vector<512x128xf32>
    %select_n3A_629 = arith.select %lt3A_628, %add3A_627, %select_n3A_616 : vector<512x128xi1>, vector<512x128xf32>
    %jit3A_630 = arith.constant 4.700000e+01 : f32
    %broadcast_in_dim3A_631 = vector.broadcast %jit3A_630 : f32 to vector<512x128xf32>
    %select_n3A_632 = arith.select %lt3A_628, %broadcast_in_dim3A_631, %select_n3A_619 : vector<512x128xi1>, vector<512x128xf32>
    %slice3A_633 = vector.extract_strided_slice %dot_general3A_11 {offsets = [0, 6144], sizes = [512, 128], strides = [1, 1]} : vector<512x8192xf32> to vector<512x128xf32>
    %add3A_634 = vector.broadcast %broadcast_in_dim3A : vector<512x1xf32> to vector<512x128xf32>
    %add3A_635 = arith.addf %add3A_634, %slice3A_633 : vector<512x128xf32>
    %get3A_636 = arith.constant 0 : index
    %get3A_637 = arith.constant 6144 : index
    %get3A_638 = vector.load %arg4[%get3A_636, %get3A_637] : memref<1x8192xf32, #tpu.memory_space<vmem>>, vector<1x128xf32>
    %add3A_639 = vector.broadcast %get3A_638 : vector<1x128xf32> to vector<512x128xf32>
    %add3A_640 = arith.addf %add3A_635, %add3A_639 : vector<512x128xf32>
    %lt3A_641 = arith.cmpf olt, %add3A_640, %select_n3A_629 : vector<512x128xf32>
    %select_n3A_642 = arith.select %lt3A_641, %add3A_640, %select_n3A_629 : vector<512x128xi1>, vector<512x128xf32>
    %jit3A_643 = arith.constant 4.800000e+01 : f32
    %broadcast_in_dim3A_644 = vector.broadcast %jit3A_643 : f32 to vector<512x128xf32>
    %select_n3A_645 = arith.select %lt3A_641, %broadcast_in_dim3A_644, %select_n3A_632 : vector<512x128xi1>, vector<512x128xf32>
    %slice3A_646 = vector.extract_strided_slice %dot_general3A_11 {offsets = [0, 6272], sizes = [512, 128], strides = [1, 1]} : vector<512x8192xf32> to vector<512x128xf32>
    %add3A_647 = vector.broadcast %broadcast_in_dim3A : vector<512x1xf32> to vector<512x128xf32>
    %add3A_648 = arith.addf %add3A_647, %slice3A_646 : vector<512x128xf32>
    %get3A_649 = arith.constant 0 : index
    %get3A_650 = arith.constant 6272 : index
    %get3A_651 = vector.load %arg4[%get3A_649, %get3A_650] : memref<1x8192xf32, #tpu.memory_space<vmem>>, vector<1x128xf32>
    %add3A_652 = vector.broadcast %get3A_651 : vector<1x128xf32> to vector<512x128xf32>
    %add3A_653 = arith.addf %add3A_648, %add3A_652 : vector<512x128xf32>
    %lt3A_654 = arith.cmpf olt, %add3A_653, %select_n3A_642 : vector<512x128xf32>
    %select_n3A_655 = arith.select %lt3A_654, %add3A_653, %select_n3A_642 : vector<512x128xi1>, vector<512x128xf32>
    %jit3A_656 = arith.constant 4.900000e+01 : f32
    %broadcast_in_dim3A_657 = vector.broadcast %jit3A_656 : f32 to vector<512x128xf32>
    %select_n3A_658 = arith.select %lt3A_654, %broadcast_in_dim3A_657, %select_n3A_645 : vector<512x128xi1>, vector<512x128xf32>
    %slice3A_659 = vector.extract_strided_slice %dot_general3A_11 {offsets = [0, 6400], sizes = [512, 128], strides = [1, 1]} : vector<512x8192xf32> to vector<512x128xf32>
    %add3A_660 = vector.broadcast %broadcast_in_dim3A : vector<512x1xf32> to vector<512x128xf32>
    %add3A_661 = arith.addf %add3A_660, %slice3A_659 : vector<512x128xf32>
    %get3A_662 = arith.constant 0 : index
    %get3A_663 = arith.constant 6400 : index
    %get3A_664 = vector.load %arg4[%get3A_662, %get3A_663] : memref<1x8192xf32, #tpu.memory_space<vmem>>, vector<1x128xf32>
    %add3A_665 = vector.broadcast %get3A_664 : vector<1x128xf32> to vector<512x128xf32>
    %add3A_666 = arith.addf %add3A_661, %add3A_665 : vector<512x128xf32>
    %lt3A_667 = arith.cmpf olt, %add3A_666, %select_n3A_655 : vector<512x128xf32>
    %select_n3A_668 = arith.select %lt3A_667, %add3A_666, %select_n3A_655 : vector<512x128xi1>, vector<512x128xf32>
    %jit3A_669 = arith.constant 5.000000e+01 : f32
    %broadcast_in_dim3A_670 = vector.broadcast %jit3A_669 : f32 to vector<512x128xf32>
    %select_n3A_671 = arith.select %lt3A_667, %broadcast_in_dim3A_670, %select_n3A_658 : vector<512x128xi1>, vector<512x128xf32>
    %slice3A_672 = vector.extract_strided_slice %dot_general3A_11 {offsets = [0, 6528], sizes = [512, 128], strides = [1, 1]} : vector<512x8192xf32> to vector<512x128xf32>
    %add3A_673 = vector.broadcast %broadcast_in_dim3A : vector<512x1xf32> to vector<512x128xf32>
    %add3A_674 = arith.addf %add3A_673, %slice3A_672 : vector<512x128xf32>
    %get3A_675 = arith.constant 0 : index
    %get3A_676 = arith.constant 6528 : index
    %get3A_677 = vector.load %arg4[%get3A_675, %get3A_676] : memref<1x8192xf32, #tpu.memory_space<vmem>>, vector<1x128xf32>
    %add3A_678 = vector.broadcast %get3A_677 : vector<1x128xf32> to vector<512x128xf32>
    %add3A_679 = arith.addf %add3A_674, %add3A_678 : vector<512x128xf32>
    %lt3A_680 = arith.cmpf olt, %add3A_679, %select_n3A_668 : vector<512x128xf32>
    %select_n3A_681 = arith.select %lt3A_680, %add3A_679, %select_n3A_668 : vector<512x128xi1>, vector<512x128xf32>
    %jit3A_682 = arith.constant 5.100000e+01 : f32
    %broadcast_in_dim3A_683 = vector.broadcast %jit3A_682 : f32 to vector<512x128xf32>
    %select_n3A_684 = arith.select %lt3A_680, %broadcast_in_dim3A_683, %select_n3A_671 : vector<512x128xi1>, vector<512x128xf32>
    %slice3A_685 = vector.extract_strided_slice %dot_general3A_11 {offsets = [0, 6656], sizes = [512, 128], strides = [1, 1]} : vector<512x8192xf32> to vector<512x128xf32>
    %add3A_686 = vector.broadcast %broadcast_in_dim3A : vector<512x1xf32> to vector<512x128xf32>
    %add3A_687 = arith.addf %add3A_686, %slice3A_685 : vector<512x128xf32>
    %get3A_688 = arith.constant 0 : index
    %get3A_689 = arith.constant 6656 : index
    %get3A_690 = vector.load %arg4[%get3A_688, %get3A_689] : memref<1x8192xf32, #tpu.memory_space<vmem>>, vector<1x128xf32>
    %add3A_691 = vector.broadcast %get3A_690 : vector<1x128xf32> to vector<512x128xf32>
    %add3A_692 = arith.addf %add3A_687, %add3A_691 : vector<512x128xf32>
    %lt3A_693 = arith.cmpf olt, %add3A_692, %select_n3A_681 : vector<512x128xf32>
    %select_n3A_694 = arith.select %lt3A_693, %add3A_692, %select_n3A_681 : vector<512x128xi1>, vector<512x128xf32>
    %jit3A_695 = arith.constant 5.200000e+01 : f32
    %broadcast_in_dim3A_696 = vector.broadcast %jit3A_695 : f32 to vector<512x128xf32>
    %select_n3A_697 = arith.select %lt3A_693, %broadcast_in_dim3A_696, %select_n3A_684 : vector<512x128xi1>, vector<512x128xf32>
    %slice3A_698 = vector.extract_strided_slice %dot_general3A_11 {offsets = [0, 6784], sizes = [512, 128], strides = [1, 1]} : vector<512x8192xf32> to vector<512x128xf32>
    %add3A_699 = vector.broadcast %broadcast_in_dim3A : vector<512x1xf32> to vector<512x128xf32>
    %add3A_700 = arith.addf %add3A_699, %slice3A_698 : vector<512x128xf32>
    %get3A_701 = arith.constant 0 : index
    %get3A_702 = arith.constant 6784 : index
    %get3A_703 = vector.load %arg4[%get3A_701, %get3A_702] : memref<1x8192xf32, #tpu.memory_space<vmem>>, vector<1x128xf32>
    %add3A_704 = vector.broadcast %get3A_703 : vector<1x128xf32> to vector<512x128xf32>
    %add3A_705 = arith.addf %add3A_700, %add3A_704 : vector<512x128xf32>
    %lt3A_706 = arith.cmpf olt, %add3A_705, %select_n3A_694 : vector<512x128xf32>
    %select_n3A_707 = arith.select %lt3A_706, %add3A_705, %select_n3A_694 : vector<512x128xi1>, vector<512x128xf32>
    %jit3A_708 = arith.constant 5.300000e+01 : f32
    %broadcast_in_dim3A_709 = vector.broadcast %jit3A_708 : f32 to vector<512x128xf32>
    %select_n3A_710 = arith.select %lt3A_706, %broadcast_in_dim3A_709, %select_n3A_697 : vector<512x128xi1>, vector<512x128xf32>
    %slice3A_711 = vector.extract_strided_slice %dot_general3A_11 {offsets = [0, 6912], sizes = [512, 128], strides = [1, 1]} : vector<512x8192xf32> to vector<512x128xf32>
    %add3A_712 = vector.broadcast %broadcast_in_dim3A : vector<512x1xf32> to vector<512x128xf32>
    %add3A_713 = arith.addf %add3A_712, %slice3A_711 : vector<512x128xf32>
    %get3A_714 = arith.constant 0 : index
    %get3A_715 = arith.constant 6912 : index
    %get3A_716 = vector.load %arg4[%get3A_714, %get3A_715] : memref<1x8192xf32, #tpu.memory_space<vmem>>, vector<1x128xf32>
    %add3A_717 = vector.broadcast %get3A_716 : vector<1x128xf32> to vector<512x128xf32>
    %add3A_718 = arith.addf %add3A_713, %add3A_717 : vector<512x128xf32>
    %lt3A_719 = arith.cmpf olt, %add3A_718, %select_n3A_707 : vector<512x128xf32>
    %select_n3A_720 = arith.select %lt3A_719, %add3A_718, %select_n3A_707 : vector<512x128xi1>, vector<512x128xf32>
    %jit3A_721 = arith.constant 5.400000e+01 : f32
    %broadcast_in_dim3A_722 = vector.broadcast %jit3A_721 : f32 to vector<512x128xf32>
    %select_n3A_723 = arith.select %lt3A_719, %broadcast_in_dim3A_722, %select_n3A_710 : vector<512x128xi1>, vector<512x128xf32>
    %slice3A_724 = vector.extract_strided_slice %dot_general3A_11 {offsets = [0, 7040], sizes = [512, 128], strides = [1, 1]} : vector<512x8192xf32> to vector<512x128xf32>
    %add3A_725 = vector.broadcast %broadcast_in_dim3A : vector<512x1xf32> to vector<512x128xf32>
    %add3A_726 = arith.addf %add3A_725, %slice3A_724 : vector<512x128xf32>
    %get3A_727 = arith.constant 0 : index
    %get3A_728 = arith.constant 7040 : index
    %get3A_729 = vector.load %arg4[%get3A_727, %get3A_728] : memref<1x8192xf32, #tpu.memory_space<vmem>>, vector<1x128xf32>
    %add3A_730 = vector.broadcast %get3A_729 : vector<1x128xf32> to vector<512x128xf32>
    %add3A_731 = arith.addf %add3A_726, %add3A_730 : vector<512x128xf32>
    %lt3A_732 = arith.cmpf olt, %add3A_731, %select_n3A_720 : vector<512x128xf32>
    %select_n3A_733 = arith.select %lt3A_732, %add3A_731, %select_n3A_720 : vector<512x128xi1>, vector<512x128xf32>
    %jit3A_734 = arith.constant 5.500000e+01 : f32
    %broadcast_in_dim3A_735 = vector.broadcast %jit3A_734 : f32 to vector<512x128xf32>
    %select_n3A_736 = arith.select %lt3A_732, %broadcast_in_dim3A_735, %select_n3A_723 : vector<512x128xi1>, vector<512x128xf32>
    %slice3A_737 = vector.extract_strided_slice %dot_general3A_11 {offsets = [0, 7168], sizes = [512, 128], strides = [1, 1]} : vector<512x8192xf32> to vector<512x128xf32>
    %add3A_738 = vector.broadcast %broadcast_in_dim3A : vector<512x1xf32> to vector<512x128xf32>
    %add3A_739 = arith.addf %add3A_738, %slice3A_737 : vector<512x128xf32>
    %get3A_740 = arith.constant 0 : index
    %get3A_741 = arith.constant 7168 : index
    %get3A_742 = vector.load %arg4[%get3A_740, %get3A_741] : memref<1x8192xf32, #tpu.memory_space<vmem>>, vector<1x128xf32>
    %add3A_743 = vector.broadcast %get3A_742 : vector<1x128xf32> to vector<512x128xf32>
    %add3A_744 = arith.addf %add3A_739, %add3A_743 : vector<512x128xf32>
    %lt3A_745 = arith.cmpf olt, %add3A_744, %select_n3A_733 : vector<512x128xf32>
    %select_n3A_746 = arith.select %lt3A_745, %add3A_744, %select_n3A_733 : vector<512x128xi1>, vector<512x128xf32>
    %jit3A_747 = arith.constant 5.600000e+01 : f32
    %broadcast_in_dim3A_748 = vector.broadcast %jit3A_747 : f32 to vector<512x128xf32>
    %select_n3A_749 = arith.select %lt3A_745, %broadcast_in_dim3A_748, %select_n3A_736 : vector<512x128xi1>, vector<512x128xf32>
    %slice3A_750 = vector.extract_strided_slice %dot_general3A_11 {offsets = [0, 7296], sizes = [512, 128], strides = [1, 1]} : vector<512x8192xf32> to vector<512x128xf32>
    %add3A_751 = vector.broadcast %broadcast_in_dim3A : vector<512x1xf32> to vector<512x128xf32>
    %add3A_752 = arith.addf %add3A_751, %slice3A_750 : vector<512x128xf32>
    %get3A_753 = arith.constant 0 : index
    %get3A_754 = arith.constant 7296 : index
    %get3A_755 = vector.load %arg4[%get3A_753, %get3A_754] : memref<1x8192xf32, #tpu.memory_space<vmem>>, vector<1x128xf32>
    %add3A_756 = vector.broadcast %get3A_755 : vector<1x128xf32> to vector<512x128xf32>
    %add3A_757 = arith.addf %add3A_752, %add3A_756 : vector<512x128xf32>
    %lt3A_758 = arith.cmpf olt, %add3A_757, %select_n3A_746 : vector<512x128xf32>
    %select_n3A_759 = arith.select %lt3A_758, %add3A_757, %select_n3A_746 : vector<512x128xi1>, vector<512x128xf32>
    %jit3A_760 = arith.constant 5.700000e+01 : f32
    %broadcast_in_dim3A_761 = vector.broadcast %jit3A_760 : f32 to vector<512x128xf32>
    %select_n3A_762 = arith.select %lt3A_758, %broadcast_in_dim3A_761, %select_n3A_749 : vector<512x128xi1>, vector<512x128xf32>
    %slice3A_763 = vector.extract_strided_slice %dot_general3A_11 {offsets = [0, 7424], sizes = [512, 128], strides = [1, 1]} : vector<512x8192xf32> to vector<512x128xf32>
    %add3A_764 = vector.broadcast %broadcast_in_dim3A : vector<512x1xf32> to vector<512x128xf32>
    %add3A_765 = arith.addf %add3A_764, %slice3A_763 : vector<512x128xf32>
    %get3A_766 = arith.constant 0 : index
    %get3A_767 = arith.constant 7424 : index
    %get3A_768 = vector.load %arg4[%get3A_766, %get3A_767] : memref<1x8192xf32, #tpu.memory_space<vmem>>, vector<1x128xf32>
    %add3A_769 = vector.broadcast %get3A_768 : vector<1x128xf32> to vector<512x128xf32>
    %add3A_770 = arith.addf %add3A_765, %add3A_769 : vector<512x128xf32>
    %lt3A_771 = arith.cmpf olt, %add3A_770, %select_n3A_759 : vector<512x128xf32>
    %select_n3A_772 = arith.select %lt3A_771, %add3A_770, %select_n3A_759 : vector<512x128xi1>, vector<512x128xf32>
    %jit3A_773 = arith.constant 5.800000e+01 : f32
    %broadcast_in_dim3A_774 = vector.broadcast %jit3A_773 : f32 to vector<512x128xf32>
    %select_n3A_775 = arith.select %lt3A_771, %broadcast_in_dim3A_774, %select_n3A_762 : vector<512x128xi1>, vector<512x128xf32>
    %slice3A_776 = vector.extract_strided_slice %dot_general3A_11 {offsets = [0, 7552], sizes = [512, 128], strides = [1, 1]} : vector<512x8192xf32> to vector<512x128xf32>
    %add3A_777 = vector.broadcast %broadcast_in_dim3A : vector<512x1xf32> to vector<512x128xf32>
    %add3A_778 = arith.addf %add3A_777, %slice3A_776 : vector<512x128xf32>
    %get3A_779 = arith.constant 0 : index
    %get3A_780 = arith.constant 7552 : index
    %get3A_781 = vector.load %arg4[%get3A_779, %get3A_780] : memref<1x8192xf32, #tpu.memory_space<vmem>>, vector<1x128xf32>
    %add3A_782 = vector.broadcast %get3A_781 : vector<1x128xf32> to vector<512x128xf32>
    %add3A_783 = arith.addf %add3A_778, %add3A_782 : vector<512x128xf32>
    %lt3A_784 = arith.cmpf olt, %add3A_783, %select_n3A_772 : vector<512x128xf32>
    %select_n3A_785 = arith.select %lt3A_784, %add3A_783, %select_n3A_772 : vector<512x128xi1>, vector<512x128xf32>
    %jit3A_786 = arith.constant 5.900000e+01 : f32
    %broadcast_in_dim3A_787 = vector.broadcast %jit3A_786 : f32 to vector<512x128xf32>
    %select_n3A_788 = arith.select %lt3A_784, %broadcast_in_dim3A_787, %select_n3A_775 : vector<512x128xi1>, vector<512x128xf32>
    %slice3A_789 = vector.extract_strided_slice %dot_general3A_11 {offsets = [0, 7680], sizes = [512, 128], strides = [1, 1]} : vector<512x8192xf32> to vector<512x128xf32>
    %add3A_790 = vector.broadcast %broadcast_in_dim3A : vector<512x1xf32> to vector<512x128xf32>
    %add3A_791 = arith.addf %add3A_790, %slice3A_789 : vector<512x128xf32>
    %get3A_792 = arith.constant 0 : index
    %get3A_793 = arith.constant 7680 : index
    %get3A_794 = vector.load %arg4[%get3A_792, %get3A_793] : memref<1x8192xf32, #tpu.memory_space<vmem>>, vector<1x128xf32>
    %add3A_795 = vector.broadcast %get3A_794 : vector<1x128xf32> to vector<512x128xf32>
    %add3A_796 = arith.addf %add3A_791, %add3A_795 : vector<512x128xf32>
    %lt3A_797 = arith.cmpf olt, %add3A_796, %select_n3A_785 : vector<512x128xf32>
    %select_n3A_798 = arith.select %lt3A_797, %add3A_796, %select_n3A_785 : vector<512x128xi1>, vector<512x128xf32>
    %jit3A_799 = arith.constant 6.000000e+01 : f32
    %broadcast_in_dim3A_800 = vector.broadcast %jit3A_799 : f32 to vector<512x128xf32>
    %select_n3A_801 = arith.select %lt3A_797, %broadcast_in_dim3A_800, %select_n3A_788 : vector<512x128xi1>, vector<512x128xf32>
    %slice3A_802 = vector.extract_strided_slice %dot_general3A_11 {offsets = [0, 7808], sizes = [512, 128], strides = [1, 1]} : vector<512x8192xf32> to vector<512x128xf32>
    %add3A_803 = vector.broadcast %broadcast_in_dim3A : vector<512x1xf32> to vector<512x128xf32>
    %add3A_804 = arith.addf %add3A_803, %slice3A_802 : vector<512x128xf32>
    %get3A_805 = arith.constant 0 : index
    %get3A_806 = arith.constant 7808 : index
    %get3A_807 = vector.load %arg4[%get3A_805, %get3A_806] : memref<1x8192xf32, #tpu.memory_space<vmem>>, vector<1x128xf32>
    %add3A_808 = vector.broadcast %get3A_807 : vector<1x128xf32> to vector<512x128xf32>
    %add3A_809 = arith.addf %add3A_804, %add3A_808 : vector<512x128xf32>
    %lt3A_810 = arith.cmpf olt, %add3A_809, %select_n3A_798 : vector<512x128xf32>
    %select_n3A_811 = arith.select %lt3A_810, %add3A_809, %select_n3A_798 : vector<512x128xi1>, vector<512x128xf32>
    %jit3A_812 = arith.constant 6.100000e+01 : f32
    %broadcast_in_dim3A_813 = vector.broadcast %jit3A_812 : f32 to vector<512x128xf32>
    %select_n3A_814 = arith.select %lt3A_810, %broadcast_in_dim3A_813, %select_n3A_801 : vector<512x128xi1>, vector<512x128xf32>
    %slice3A_815 = vector.extract_strided_slice %dot_general3A_11 {offsets = [0, 7936], sizes = [512, 128], strides = [1, 1]} : vector<512x8192xf32> to vector<512x128xf32>
    %add3A_816 = vector.broadcast %broadcast_in_dim3A : vector<512x1xf32> to vector<512x128xf32>
    %add3A_817 = arith.addf %add3A_816, %slice3A_815 : vector<512x128xf32>
    %get3A_818 = arith.constant 0 : index
    %get3A_819 = arith.constant 7936 : index
    %get3A_820 = vector.load %arg4[%get3A_818, %get3A_819] : memref<1x8192xf32, #tpu.memory_space<vmem>>, vector<1x128xf32>
    %add3A_821 = vector.broadcast %get3A_820 : vector<1x128xf32> to vector<512x128xf32>
    %add3A_822 = arith.addf %add3A_817, %add3A_821 : vector<512x128xf32>
    %lt3A_823 = arith.cmpf olt, %add3A_822, %select_n3A_811 : vector<512x128xf32>
    %select_n3A_824 = arith.select %lt3A_823, %add3A_822, %select_n3A_811 : vector<512x128xi1>, vector<512x128xf32>
    %jit3A_825 = arith.constant 6.200000e+01 : f32
    %broadcast_in_dim3A_826 = vector.broadcast %jit3A_825 : f32 to vector<512x128xf32>
    %select_n3A_827 = arith.select %lt3A_823, %broadcast_in_dim3A_826, %select_n3A_814 : vector<512x128xi1>, vector<512x128xf32>
    %slice3A_828 = vector.extract_strided_slice %dot_general3A_11 {offsets = [0, 8064], sizes = [512, 128], strides = [1, 1]} : vector<512x8192xf32> to vector<512x128xf32>
    %add3A_829 = vector.broadcast %broadcast_in_dim3A : vector<512x1xf32> to vector<512x128xf32>
    %add3A_830 = arith.addf %add3A_829, %slice3A_828 : vector<512x128xf32>
    %get3A_831 = arith.constant 0 : index
    %get3A_832 = arith.constant 8064 : index
    %get3A_833 = vector.load %arg4[%get3A_831, %get3A_832] : memref<1x8192xf32, #tpu.memory_space<vmem>>, vector<1x128xf32>
    %add3A_834 = vector.broadcast %get3A_833 : vector<1x128xf32> to vector<512x128xf32>
    %add3A_835 = arith.addf %add3A_830, %add3A_834 : vector<512x128xf32>
    %lt3A_836 = arith.cmpf olt, %add3A_835, %select_n3A_824 : vector<512x128xf32>
    %select_n3A_837 = arith.select %lt3A_836, %add3A_835, %select_n3A_824 : vector<512x128xi1>, vector<512x128xf32>
    %jit3A_838 = arith.constant 6.300000e+01 : f32
    %broadcast_in_dim3A_839 = vector.broadcast %jit3A_838 : f32 to vector<512x128xf32>
    %select_n3A_840 = arith.select %lt3A_836, %broadcast_in_dim3A_839, %select_n3A_827 : vector<512x128xi1>, vector<512x128xf32>
    %reduce_min3A = arith.constant dense<0x7F800000> : vector<512xf32>
    %reduce_min3A_841 = vector.multi_reduction <minimumf>, %select_n3A_837, %reduce_min3A [1] : vector<512x128xf32> to vector<512xf32>
    %broadcast_in_dim3A_842 = vector.shape_cast %reduce_min3A_841 : vector<512xf32> to vector<512x1xf32>
    %mul3A_843 = arith.constant 1.280000e+02 : f32
    %mul3A_844 = vector.broadcast %mul3A_843 : f32 to vector<512x128xf32>
    %mul3A_845 = arith.mulf %select_n3A_840, %mul3A_844 : vector<512x128xf32>
    %get3A_846 = arith.constant 0 : index
    %get3A_847 = arith.constant 0 : index
    %get3A_848 = vector.load %arg9[%get3A_846, %get3A_847] : memref<1x128xf32, #tpu.memory_space<vmem>>, vector<1x128xf32>
    %add3A_849 = vector.broadcast %get3A_848 : vector<1x128xf32> to vector<512x128xf32>
    %add3A_850 = arith.addf %mul3A_845, %add3A_849 : vector<512x128xf32>
    %eq3A_851 = vector.broadcast %broadcast_in_dim3A_842 : vector<512x1xf32> to vector<512x128xf32>
    %eq3A_852 = arith.cmpf oeq, %select_n3A_837, %eq3A_851 : vector<512x128xf32>
    %jit3A_853 = arith.constant 8.192000e+03 : f32
    %broadcast_in_dim3A_854 = vector.broadcast %jit3A_853 : f32 to vector<512x128xf32>
    %select_n3A_855 = arith.select %eq3A_852, %add3A_850, %broadcast_in_dim3A_854 : vector<512x128xi1>, vector<512x128xf32>
    %reduce_min3A_856 = arith.constant dense<0x7F800000> : vector<512xf32>
    %reduce_min3A_857 = vector.multi_reduction <minimumf>, %select_n3A_855, %reduce_min3A_856 [1] : vector<512x128xf32> to vector<512xf32>
    %broadcast_in_dim3A_858 = vector.shape_cast %reduce_min3A_857 : vector<512xf32> to vector<512x1xf32>
    %get3A_859 = arith.constant 512 : index
    %get3A_860 = arith.constant 0 : index
    %get3A_861 = vector.load %arg2[%get3A_859, %get3A_860] : memref<2048x256xf32, #tpu.memory_space<vmem>>, vector<512x256xf32>
    %mul3A_862 = arith.constant -2.000000e+00 : f32
    %mul3A_863 = vector.broadcast %mul3A_862 : f32 to vector<512x256xf32>
    %mul3A_864 = arith.mulf %mul3A_863, %get3A_861 : vector<512x256xf32>
    %get3A_865 = arith.constant 0 : index
    %get3A_866 = arith.constant 0 : index
    %get3A_867 = vector.load %arg3[%get3A_865, %get3A_866] : memref<8192x256xf32, #tpu.memory_space<vmem>>, vector<8192x256xf32>
    %dot_general3A_868 = arith.constant dense<0.000000e+00> : vector<512x8192xf32>
    %dot_general3A_869 = tpu.matmul %mul3A_864, %get3A_867, %dot_general3A_868 {dimension_numbers = #tpu.dot_dimension_numbers<[1], [1], [0], [0], [0, 0, 1, 0], [], []>, transpose_lhs_hint = false} : vector<512x256xf32>, vector<8192x256xf32>, vector<512x8192xf32> -> vector<512x8192xf32>
    %get3A_870 = arith.constant 512 : index
    %get3A_871 = arith.constant 0 : index
    %get3A_872 = vector.load %arg2[%get3A_870, %get3A_871] : memref<2048x256xf32, #tpu.memory_space<vmem>>, vector<512x256xf32>
    %mul3A_873 = arith.mulf %get3A_872, %get3A_872 : vector<512x256xf32>
    %reduce_sum3A_874 = arith.constant dense<0.000000e+00> : vector<512xf32>
    %reduce_sum3A_875 = vector.multi_reduction <add>, %mul3A_873, %reduce_sum3A_874 [1] : vector<512x256xf32> to vector<512xf32>
    %broadcast_in_dim3A_876 = vector.shape_cast %reduce_sum3A_875 : vector<512xf32> to vector<512x1xf32>
    %slice3A_877 = vector.extract_strided_slice %dot_general3A_869 {offsets = [0, 0], sizes = [512, 128], strides = [1, 1]} : vector<512x8192xf32> to vector<512x128xf32>
    %add3A_878 = vector.broadcast %broadcast_in_dim3A_876 : vector<512x1xf32> to vector<512x128xf32>
    %add3A_879 = arith.addf %add3A_878, %slice3A_877 : vector<512x128xf32>
    %get3A_880 = arith.constant 0 : index
    %get3A_881 = arith.constant 0 : index
    %get3A_882 = vector.load %arg4[%get3A_880, %get3A_881] : memref<1x8192xf32, #tpu.memory_space<vmem>>, vector<1x128xf32>
    %add3A_883 = vector.broadcast %get3A_882 : vector<1x128xf32> to vector<512x128xf32>
    %add3A_884 = arith.addf %add3A_879, %add3A_883 : vector<512x128xf32>
    %broadcast_in_dim3A_885 = arith.constant 0.000000e+00 : f32
    %broadcast_in_dim3A_886 = vector.broadcast %broadcast_in_dim3A_885 : f32 to vector<512x128xf32>
    %slice3A_887 = vector.extract_strided_slice %dot_general3A_869 {offsets = [0, 128], sizes = [512, 128], strides = [1, 1]} : vector<512x8192xf32> to vector<512x128xf32>
    %add3A_888 = vector.broadcast %broadcast_in_dim3A_876 : vector<512x1xf32> to vector<512x128xf32>
    %add3A_889 = arith.addf %add3A_888, %slice3A_887 : vector<512x128xf32>
    %get3A_890 = arith.constant 0 : index
    %get3A_891 = arith.constant 128 : index
    %get3A_892 = vector.load %arg4[%get3A_890, %get3A_891] : memref<1x8192xf32, #tpu.memory_space<vmem>>, vector<1x128xf32>
    %add3A_893 = vector.broadcast %get3A_892 : vector<1x128xf32> to vector<512x128xf32>
    %add3A_894 = arith.addf %add3A_889, %add3A_893 : vector<512x128xf32>
    %lt3A_895 = arith.cmpf olt, %add3A_894, %add3A_884 : vector<512x128xf32>
    %select_n3A_896 = arith.select %lt3A_895, %add3A_894, %add3A_884 : vector<512x128xi1>, vector<512x128xf32>
    %jit3A_897 = arith.constant 1.000000e+00 : f32
    %broadcast_in_dim3A_898 = vector.broadcast %jit3A_897 : f32 to vector<512x128xf32>
    %select_n3A_899 = arith.select %lt3A_895, %broadcast_in_dim3A_898, %broadcast_in_dim3A_886 : vector<512x128xi1>, vector<512x128xf32>
    %slice3A_900 = vector.extract_strided_slice %dot_general3A_869 {offsets = [0, 256], sizes = [512, 128], strides = [1, 1]} : vector<512x8192xf32> to vector<512x128xf32>
    %add3A_901 = vector.broadcast %broadcast_in_dim3A_876 : vector<512x1xf32> to vector<512x128xf32>
    %add3A_902 = arith.addf %add3A_901, %slice3A_900 : vector<512x128xf32>
    %get3A_903 = arith.constant 0 : index
    %get3A_904 = arith.constant 256 : index
    %get3A_905 = vector.load %arg4[%get3A_903, %get3A_904] : memref<1x8192xf32, #tpu.memory_space<vmem>>, vector<1x128xf32>
    %add3A_906 = vector.broadcast %get3A_905 : vector<1x128xf32> to vector<512x128xf32>
    %add3A_907 = arith.addf %add3A_902, %add3A_906 : vector<512x128xf32>
    %lt3A_908 = arith.cmpf olt, %add3A_907, %select_n3A_896 : vector<512x128xf32>
    %select_n3A_909 = arith.select %lt3A_908, %add3A_907, %select_n3A_896 : vector<512x128xi1>, vector<512x128xf32>
    %jit3A_910 = arith.constant 2.000000e+00 : f32
    %broadcast_in_dim3A_911 = vector.broadcast %jit3A_910 : f32 to vector<512x128xf32>
    %select_n3A_912 = arith.select %lt3A_908, %broadcast_in_dim3A_911, %select_n3A_899 : vector<512x128xi1>, vector<512x128xf32>
    %slice3A_913 = vector.extract_strided_slice %dot_general3A_869 {offsets = [0, 384], sizes = [512, 128], strides = [1, 1]} : vector<512x8192xf32> to vector<512x128xf32>
    %add3A_914 = vector.broadcast %broadcast_in_dim3A_876 : vector<512x1xf32> to vector<512x128xf32>
    %add3A_915 = arith.addf %add3A_914, %slice3A_913 : vector<512x128xf32>
    %get3A_916 = arith.constant 0 : index
    %get3A_917 = arith.constant 384 : index
    %get3A_918 = vector.load %arg4[%get3A_916, %get3A_917] : memref<1x8192xf32, #tpu.memory_space<vmem>>, vector<1x128xf32>
    %add3A_919 = vector.broadcast %get3A_918 : vector<1x128xf32> to vector<512x128xf32>
    %add3A_920 = arith.addf %add3A_915, %add3A_919 : vector<512x128xf32>
    %lt3A_921 = arith.cmpf olt, %add3A_920, %select_n3A_909 : vector<512x128xf32>
    %select_n3A_922 = arith.select %lt3A_921, %add3A_920, %select_n3A_909 : vector<512x128xi1>, vector<512x128xf32>
    %jit3A_923 = arith.constant 3.000000e+00 : f32
    %broadcast_in_dim3A_924 = vector.broadcast %jit3A_923 : f32 to vector<512x128xf32>
    %select_n3A_925 = arith.select %lt3A_921, %broadcast_in_dim3A_924, %select_n3A_912 : vector<512x128xi1>, vector<512x128xf32>
    %slice3A_926 = vector.extract_strided_slice %dot_general3A_869 {offsets = [0, 512], sizes = [512, 128], strides = [1, 1]} : vector<512x8192xf32> to vector<512x128xf32>
    %add3A_927 = vector.broadcast %broadcast_in_dim3A_876 : vector<512x1xf32> to vector<512x128xf32>
    %add3A_928 = arith.addf %add3A_927, %slice3A_926 : vector<512x128xf32>
    %get3A_929 = arith.constant 0 : index
    %get3A_930 = arith.constant 512 : index
    %get3A_931 = vector.load %arg4[%get3A_929, %get3A_930] : memref<1x8192xf32, #tpu.memory_space<vmem>>, vector<1x128xf32>
    %add3A_932 = vector.broadcast %get3A_931 : vector<1x128xf32> to vector<512x128xf32>
    %add3A_933 = arith.addf %add3A_928, %add3A_932 : vector<512x128xf32>
    %lt3A_934 = arith.cmpf olt, %add3A_933, %select_n3A_922 : vector<512x128xf32>
    %select_n3A_935 = arith.select %lt3A_934, %add3A_933, %select_n3A_922 : vector<512x128xi1>, vector<512x128xf32>
    %jit3A_936 = arith.constant 4.000000e+00 : f32
    %broadcast_in_dim3A_937 = vector.broadcast %jit3A_936 : f32 to vector<512x128xf32>
    %select_n3A_938 = arith.select %lt3A_934, %broadcast_in_dim3A_937, %select_n3A_925 : vector<512x128xi1>, vector<512x128xf32>
    %slice3A_939 = vector.extract_strided_slice %dot_general3A_869 {offsets = [0, 640], sizes = [512, 128], strides = [1, 1]} : vector<512x8192xf32> to vector<512x128xf32>
    %add3A_940 = vector.broadcast %broadcast_in_dim3A_876 : vector<512x1xf32> to vector<512x128xf32>
    %add3A_941 = arith.addf %add3A_940, %slice3A_939 : vector<512x128xf32>
    %get3A_942 = arith.constant 0 : index
    %get3A_943 = arith.constant 640 : index
    %get3A_944 = vector.load %arg4[%get3A_942, %get3A_943] : memref<1x8192xf32, #tpu.memory_space<vmem>>, vector<1x128xf32>
    %add3A_945 = vector.broadcast %get3A_944 : vector<1x128xf32> to vector<512x128xf32>
    %add3A_946 = arith.addf %add3A_941, %add3A_945 : vector<512x128xf32>
    %lt3A_947 = arith.cmpf olt, %add3A_946, %select_n3A_935 : vector<512x128xf32>
    %select_n3A_948 = arith.select %lt3A_947, %add3A_946, %select_n3A_935 : vector<512x128xi1>, vector<512x128xf32>
    %jit3A_949 = arith.constant 5.000000e+00 : f32
    %broadcast_in_dim3A_950 = vector.broadcast %jit3A_949 : f32 to vector<512x128xf32>
    %select_n3A_951 = arith.select %lt3A_947, %broadcast_in_dim3A_950, %select_n3A_938 : vector<512x128xi1>, vector<512x128xf32>
    %slice3A_952 = vector.extract_strided_slice %dot_general3A_869 {offsets = [0, 768], sizes = [512, 128], strides = [1, 1]} : vector<512x8192xf32> to vector<512x128xf32>
    %add3A_953 = vector.broadcast %broadcast_in_dim3A_876 : vector<512x1xf32> to vector<512x128xf32>
    %add3A_954 = arith.addf %add3A_953, %slice3A_952 : vector<512x128xf32>
    %get3A_955 = arith.constant 0 : index
    %get3A_956 = arith.constant 768 : index
    %get3A_957 = vector.load %arg4[%get3A_955, %get3A_956] : memref<1x8192xf32, #tpu.memory_space<vmem>>, vector<1x128xf32>
    %add3A_958 = vector.broadcast %get3A_957 : vector<1x128xf32> to vector<512x128xf32>
    %add3A_959 = arith.addf %add3A_954, %add3A_958 : vector<512x128xf32>
    %lt3A_960 = arith.cmpf olt, %add3A_959, %select_n3A_948 : vector<512x128xf32>
    %select_n3A_961 = arith.select %lt3A_960, %add3A_959, %select_n3A_948 : vector<512x128xi1>, vector<512x128xf32>
    %jit3A_962 = arith.constant 6.000000e+00 : f32
    %broadcast_in_dim3A_963 = vector.broadcast %jit3A_962 : f32 to vector<512x128xf32>
    %select_n3A_964 = arith.select %lt3A_960, %broadcast_in_dim3A_963, %select_n3A_951 : vector<512x128xi1>, vector<512x128xf32>
    %slice3A_965 = vector.extract_strided_slice %dot_general3A_869 {offsets = [0, 896], sizes = [512, 128], strides = [1, 1]} : vector<512x8192xf32> to vector<512x128xf32>
    %add3A_966 = vector.broadcast %broadcast_in_dim3A_876 : vector<512x1xf32> to vector<512x128xf32>
    %add3A_967 = arith.addf %add3A_966, %slice3A_965 : vector<512x128xf32>
    %get3A_968 = arith.constant 0 : index
    %get3A_969 = arith.constant 896 : index
    %get3A_970 = vector.load %arg4[%get3A_968, %get3A_969] : memref<1x8192xf32, #tpu.memory_space<vmem>>, vector<1x128xf32>
    %add3A_971 = vector.broadcast %get3A_970 : vector<1x128xf32> to vector<512x128xf32>
    %add3A_972 = arith.addf %add3A_967, %add3A_971 : vector<512x128xf32>
    %lt3A_973 = arith.cmpf olt, %add3A_972, %select_n3A_961 : vector<512x128xf32>
    %select_n3A_974 = arith.select %lt3A_973, %add3A_972, %select_n3A_961 : vector<512x128xi1>, vector<512x128xf32>
    %jit3A_975 = arith.constant 7.000000e+00 : f32
    %broadcast_in_dim3A_976 = vector.broadcast %jit3A_975 : f32 to vector<512x128xf32>
    %select_n3A_977 = arith.select %lt3A_973, %broadcast_in_dim3A_976, %select_n3A_964 : vector<512x128xi1>, vector<512x128xf32>
    %slice3A_978 = vector.extract_strided_slice %dot_general3A_869 {offsets = [0, 1024], sizes = [512, 128], strides = [1, 1]} : vector<512x8192xf32> to vector<512x128xf32>
    %add3A_979 = vector.broadcast %broadcast_in_dim3A_876 : vector<512x1xf32> to vector<512x128xf32>
    %add3A_980 = arith.addf %add3A_979, %slice3A_978 : vector<512x128xf32>
    %get3A_981 = arith.constant 0 : index
    %get3A_982 = arith.constant 1024 : index
    %get3A_983 = vector.load %arg4[%get3A_981, %get3A_982] : memref<1x8192xf32, #tpu.memory_space<vmem>>, vector<1x128xf32>
    %add3A_984 = vector.broadcast %get3A_983 : vector<1x128xf32> to vector<512x128xf32>
    %add3A_985 = arith.addf %add3A_980, %add3A_984 : vector<512x128xf32>
    %lt3A_986 = arith.cmpf olt, %add3A_985, %select_n3A_974 : vector<512x128xf32>
    %select_n3A_987 = arith.select %lt3A_986, %add3A_985, %select_n3A_974 : vector<512x128xi1>, vector<512x128xf32>
    %jit3A_988 = arith.constant 8.000000e+00 : f32
    %broadcast_in_dim3A_989 = vector.broadcast %jit3A_988 : f32 to vector<512x128xf32>
    %select_n3A_990 = arith.select %lt3A_986, %broadcast_in_dim3A_989, %select_n3A_977 : vector<512x128xi1>, vector<512x128xf32>
    %slice3A_991 = vector.extract_strided_slice %dot_general3A_869 {offsets = [0, 1152], sizes = [512, 128], strides = [1, 1]} : vector<512x8192xf32> to vector<512x128xf32>
    %add3A_992 = vector.broadcast %broadcast_in_dim3A_876 : vector<512x1xf32> to vector<512x128xf32>
    %add3A_993 = arith.addf %add3A_992, %slice3A_991 : vector<512x128xf32>
    %get3A_994 = arith.constant 0 : index
    %get3A_995 = arith.constant 1152 : index
    %get3A_996 = vector.load %arg4[%get3A_994, %get3A_995] : memref<1x8192xf32, #tpu.memory_space<vmem>>, vector<1x128xf32>
    %add3A_997 = vector.broadcast %get3A_996 : vector<1x128xf32> to vector<512x128xf32>
    %add3A_998 = arith.addf %add3A_993, %add3A_997 : vector<512x128xf32>
    %lt3A_999 = arith.cmpf olt, %add3A_998, %select_n3A_987 : vector<512x128xf32>
    %select_n3A_1000 = arith.select %lt3A_999, %add3A_998, %select_n3A_987 : vector<512x128xi1>, vector<512x128xf32>
    %jit3A_1001 = arith.constant 9.000000e+00 : f32
    %broadcast_in_dim3A_1002 = vector.broadcast %jit3A_1001 : f32 to vector<512x128xf32>
    %select_n3A_1003 = arith.select %lt3A_999, %broadcast_in_dim3A_1002, %select_n3A_990 : vector<512x128xi1>, vector<512x128xf32>
    %slice3A_1004 = vector.extract_strided_slice %dot_general3A_869 {offsets = [0, 1280], sizes = [512, 128], strides = [1, 1]} : vector<512x8192xf32> to vector<512x128xf32>
    %add3A_1005 = vector.broadcast %broadcast_in_dim3A_876 : vector<512x1xf32> to vector<512x128xf32>
    %add3A_1006 = arith.addf %add3A_1005, %slice3A_1004 : vector<512x128xf32>
    %get3A_1007 = arith.constant 0 : index
    %get3A_1008 = arith.constant 1280 : index
    %get3A_1009 = vector.load %arg4[%get3A_1007, %get3A_1008] : memref<1x8192xf32, #tpu.memory_space<vmem>>, vector<1x128xf32>
    %add3A_1010 = vector.broadcast %get3A_1009 : vector<1x128xf32> to vector<512x128xf32>
    %add3A_1011 = arith.addf %add3A_1006, %add3A_1010 : vector<512x128xf32>
    %lt3A_1012 = arith.cmpf olt, %add3A_1011, %select_n3A_1000 : vector<512x128xf32>
    %select_n3A_1013 = arith.select %lt3A_1012, %add3A_1011, %select_n3A_1000 : vector<512x128xi1>, vector<512x128xf32>
    %jit3A_1014 = arith.constant 1.000000e+01 : f32
    %broadcast_in_dim3A_1015 = vector.broadcast %jit3A_1014 : f32 to vector<512x128xf32>
    %select_n3A_1016 = arith.select %lt3A_1012, %broadcast_in_dim3A_1015, %select_n3A_1003 : vector<512x128xi1>, vector<512x128xf32>
    %slice3A_1017 = vector.extract_strided_slice %dot_general3A_869 {offsets = [0, 1408], sizes = [512, 128], strides = [1, 1]} : vector<512x8192xf32> to vector<512x128xf32>
    %add3A_1018 = vector.broadcast %broadcast_in_dim3A_876 : vector<512x1xf32> to vector<512x128xf32>
    %add3A_1019 = arith.addf %add3A_1018, %slice3A_1017 : vector<512x128xf32>
    %get3A_1020 = arith.constant 0 : index
    %get3A_1021 = arith.constant 1408 : index
    %get3A_1022 = vector.load %arg4[%get3A_1020, %get3A_1021] : memref<1x8192xf32, #tpu.memory_space<vmem>>, vector<1x128xf32>
    %add3A_1023 = vector.broadcast %get3A_1022 : vector<1x128xf32> to vector<512x128xf32>
    %add3A_1024 = arith.addf %add3A_1019, %add3A_1023 : vector<512x128xf32>
    %lt3A_1025 = arith.cmpf olt, %add3A_1024, %select_n3A_1013 : vector<512x128xf32>
    %select_n3A_1026 = arith.select %lt3A_1025, %add3A_1024, %select_n3A_1013 : vector<512x128xi1>, vector<512x128xf32>
    %jit3A_1027 = arith.constant 1.100000e+01 : f32
    %broadcast_in_dim3A_1028 = vector.broadcast %jit3A_1027 : f32 to vector<512x128xf32>
    %select_n3A_1029 = arith.select %lt3A_1025, %broadcast_in_dim3A_1028, %select_n3A_1016 : vector<512x128xi1>, vector<512x128xf32>
    %slice3A_1030 = vector.extract_strided_slice %dot_general3A_869 {offsets = [0, 1536], sizes = [512, 128], strides = [1, 1]} : vector<512x8192xf32> to vector<512x128xf32>
    %add3A_1031 = vector.broadcast %broadcast_in_dim3A_876 : vector<512x1xf32> to vector<512x128xf32>
    %add3A_1032 = arith.addf %add3A_1031, %slice3A_1030 : vector<512x128xf32>
    %get3A_1033 = arith.constant 0 : index
    %get3A_1034 = arith.constant 1536 : index
    %get3A_1035 = vector.load %arg4[%get3A_1033, %get3A_1034] : memref<1x8192xf32, #tpu.memory_space<vmem>>, vector<1x128xf32>
    %add3A_1036 = vector.broadcast %get3A_1035 : vector<1x128xf32> to vector<512x128xf32>
    %add3A_1037 = arith.addf %add3A_1032, %add3A_1036 : vector<512x128xf32>
    %lt3A_1038 = arith.cmpf olt, %add3A_1037, %select_n3A_1026 : vector<512x128xf32>
    %select_n3A_1039 = arith.select %lt3A_1038, %add3A_1037, %select_n3A_1026 : vector<512x128xi1>, vector<512x128xf32>
    %jit3A_1040 = arith.constant 1.200000e+01 : f32
    %broadcast_in_dim3A_1041 = vector.broadcast %jit3A_1040 : f32 to vector<512x128xf32>
    %select_n3A_1042 = arith.select %lt3A_1038, %broadcast_in_dim3A_1041, %select_n3A_1029 : vector<512x128xi1>, vector<512x128xf32>
    %slice3A_1043 = vector.extract_strided_slice %dot_general3A_869 {offsets = [0, 1664], sizes = [512, 128], strides = [1, 1]} : vector<512x8192xf32> to vector<512x128xf32>
    %add3A_1044 = vector.broadcast %broadcast_in_dim3A_876 : vector<512x1xf32> to vector<512x128xf32>
    %add3A_1045 = arith.addf %add3A_1044, %slice3A_1043 : vector<512x128xf32>
    %get3A_1046 = arith.constant 0 : index
    %get3A_1047 = arith.constant 1664 : index
    %get3A_1048 = vector.load %arg4[%get3A_1046, %get3A_1047] : memref<1x8192xf32, #tpu.memory_space<vmem>>, vector<1x128xf32>
    %add3A_1049 = vector.broadcast %get3A_1048 : vector<1x128xf32> to vector<512x128xf32>
    %add3A_1050 = arith.addf %add3A_1045, %add3A_1049 : vector<512x128xf32>
    %lt3A_1051 = arith.cmpf olt, %add3A_1050, %select_n3A_1039 : vector<512x128xf32>
    %select_n3A_1052 = arith.select %lt3A_1051, %add3A_1050, %select_n3A_1039 : vector<512x128xi1>, vector<512x128xf32>
    %jit3A_1053 = arith.constant 1.300000e+01 : f32
    %broadcast_in_dim3A_1054 = vector.broadcast %jit3A_1053 : f32 to vector<512x128xf32>
    %select_n3A_1055 = arith.select %lt3A_1051, %broadcast_in_dim3A_1054, %select_n3A_1042 : vector<512x128xi1>, vector<512x128xf32>
    %slice3A_1056 = vector.extract_strided_slice %dot_general3A_869 {offsets = [0, 1792], sizes = [512, 128], strides = [1, 1]} : vector<512x8192xf32> to vector<512x128xf32>
    %add3A_1057 = vector.broadcast %broadcast_in_dim3A_876 : vector<512x1xf32> to vector<512x128xf32>
    %add3A_1058 = arith.addf %add3A_1057, %slice3A_1056 : vector<512x128xf32>
    %get3A_1059 = arith.constant 0 : index
    %get3A_1060 = arith.constant 1792 : index
    %get3A_1061 = vector.load %arg4[%get3A_1059, %get3A_1060] : memref<1x8192xf32, #tpu.memory_space<vmem>>, vector<1x128xf32>
    %add3A_1062 = vector.broadcast %get3A_1061 : vector<1x128xf32> to vector<512x128xf32>
    %add3A_1063 = arith.addf %add3A_1058, %add3A_1062 : vector<512x128xf32>
    %lt3A_1064 = arith.cmpf olt, %add3A_1063, %select_n3A_1052 : vector<512x128xf32>
    %select_n3A_1065 = arith.select %lt3A_1064, %add3A_1063, %select_n3A_1052 : vector<512x128xi1>, vector<512x128xf32>
    %jit3A_1066 = arith.constant 1.400000e+01 : f32
    %broadcast_in_dim3A_1067 = vector.broadcast %jit3A_1066 : f32 to vector<512x128xf32>
    %select_n3A_1068 = arith.select %lt3A_1064, %broadcast_in_dim3A_1067, %select_n3A_1055 : vector<512x128xi1>, vector<512x128xf32>
    %slice3A_1069 = vector.extract_strided_slice %dot_general3A_869 {offsets = [0, 1920], sizes = [512, 128], strides = [1, 1]} : vector<512x8192xf32> to vector<512x128xf32>
    %add3A_1070 = vector.broadcast %broadcast_in_dim3A_876 : vector<512x1xf32> to vector<512x128xf32>
    %add3A_1071 = arith.addf %add3A_1070, %slice3A_1069 : vector<512x128xf32>
    %get3A_1072 = arith.constant 0 : index
    %get3A_1073 = arith.constant 1920 : index
    %get3A_1074 = vector.load %arg4[%get3A_1072, %get3A_1073] : memref<1x8192xf32, #tpu.memory_space<vmem>>, vector<1x128xf32>
    %add3A_1075 = vector.broadcast %get3A_1074 : vector<1x128xf32> to vector<512x128xf32>
    %add3A_1076 = arith.addf %add3A_1071, %add3A_1075 : vector<512x128xf32>
    %lt3A_1077 = arith.cmpf olt, %add3A_1076, %select_n3A_1065 : vector<512x128xf32>
    %select_n3A_1078 = arith.select %lt3A_1077, %add3A_1076, %select_n3A_1065 : vector<512x128xi1>, vector<512x128xf32>
    %jit3A_1079 = arith.constant 1.500000e+01 : f32
    %broadcast_in_dim3A_1080 = vector.broadcast %jit3A_1079 : f32 to vector<512x128xf32>
    %select_n3A_1081 = arith.select %lt3A_1077, %broadcast_in_dim3A_1080, %select_n3A_1068 : vector<512x128xi1>, vector<512x128xf32>
    %slice3A_1082 = vector.extract_strided_slice %dot_general3A_869 {offsets = [0, 2048], sizes = [512, 128], strides = [1, 1]} : vector<512x8192xf32> to vector<512x128xf32>
    %add3A_1083 = vector.broadcast %broadcast_in_dim3A_876 : vector<512x1xf32> to vector<512x128xf32>
    %add3A_1084 = arith.addf %add3A_1083, %slice3A_1082 : vector<512x128xf32>
    %get3A_1085 = arith.constant 0 : index
    %get3A_1086 = arith.constant 2048 : index
    %get3A_1087 = vector.load %arg4[%get3A_1085, %get3A_1086] : memref<1x8192xf32, #tpu.memory_space<vmem>>, vector<1x128xf32>
    %add3A_1088 = vector.broadcast %get3A_1087 : vector<1x128xf32> to vector<512x128xf32>
    %add3A_1089 = arith.addf %add3A_1084, %add3A_1088 : vector<512x128xf32>
    %lt3A_1090 = arith.cmpf olt, %add3A_1089, %select_n3A_1078 : vector<512x128xf32>
    %select_n3A_1091 = arith.select %lt3A_1090, %add3A_1089, %select_n3A_1078 : vector<512x128xi1>, vector<512x128xf32>
    %jit3A_1092 = arith.constant 1.600000e+01 : f32
    %broadcast_in_dim3A_1093 = vector.broadcast %jit3A_1092 : f32 to vector<512x128xf32>
    %select_n3A_1094 = arith.select %lt3A_1090, %broadcast_in_dim3A_1093, %select_n3A_1081 : vector<512x128xi1>, vector<512x128xf32>
    %slice3A_1095 = vector.extract_strided_slice %dot_general3A_869 {offsets = [0, 2176], sizes = [512, 128], strides = [1, 1]} : vector<512x8192xf32> to vector<512x128xf32>
    %add3A_1096 = vector.broadcast %broadcast_in_dim3A_876 : vector<512x1xf32> to vector<512x128xf32>
    %add3A_1097 = arith.addf %add3A_1096, %slice3A_1095 : vector<512x128xf32>
    %get3A_1098 = arith.constant 0 : index
    %get3A_1099 = arith.constant 2176 : index
    %get3A_1100 = vector.load %arg4[%get3A_1098, %get3A_1099] : memref<1x8192xf32, #tpu.memory_space<vmem>>, vector<1x128xf32>
    %add3A_1101 = vector.broadcast %get3A_1100 : vector<1x128xf32> to vector<512x128xf32>
    %add3A_1102 = arith.addf %add3A_1097, %add3A_1101 : vector<512x128xf32>
    %lt3A_1103 = arith.cmpf olt, %add3A_1102, %select_n3A_1091 : vector<512x128xf32>
    %select_n3A_1104 = arith.select %lt3A_1103, %add3A_1102, %select_n3A_1091 : vector<512x128xi1>, vector<512x128xf32>
    %jit3A_1105 = arith.constant 1.700000e+01 : f32
    %broadcast_in_dim3A_1106 = vector.broadcast %jit3A_1105 : f32 to vector<512x128xf32>
    %select_n3A_1107 = arith.select %lt3A_1103, %broadcast_in_dim3A_1106, %select_n3A_1094 : vector<512x128xi1>, vector<512x128xf32>
    %slice3A_1108 = vector.extract_strided_slice %dot_general3A_869 {offsets = [0, 2304], sizes = [512, 128], strides = [1, 1]} : vector<512x8192xf32> to vector<512x128xf32>
    %add3A_1109 = vector.broadcast %broadcast_in_dim3A_876 : vector<512x1xf32> to vector<512x128xf32>
    %add3A_1110 = arith.addf %add3A_1109, %slice3A_1108 : vector<512x128xf32>
    %get3A_1111 = arith.constant 0 : index
    %get3A_1112 = arith.constant 2304 : index
    %get3A_1113 = vector.load %arg4[%get3A_1111, %get3A_1112] : memref<1x8192xf32, #tpu.memory_space<vmem>>, vector<1x128xf32>
    %add3A_1114 = vector.broadcast %get3A_1113 : vector<1x128xf32> to vector<512x128xf32>
    %add3A_1115 = arith.addf %add3A_1110, %add3A_1114 : vector<512x128xf32>
    %lt3A_1116 = arith.cmpf olt, %add3A_1115, %select_n3A_1104 : vector<512x128xf32>
    %select_n3A_1117 = arith.select %lt3A_1116, %add3A_1115, %select_n3A_1104 : vector<512x128xi1>, vector<512x128xf32>
    %jit3A_1118 = arith.constant 1.800000e+01 : f32
    %broadcast_in_dim3A_1119 = vector.broadcast %jit3A_1118 : f32 to vector<512x128xf32>
    %select_n3A_1120 = arith.select %lt3A_1116, %broadcast_in_dim3A_1119, %select_n3A_1107 : vector<512x128xi1>, vector<512x128xf32>
    %slice3A_1121 = vector.extract_strided_slice %dot_general3A_869 {offsets = [0, 2432], sizes = [512, 128], strides = [1, 1]} : vector<512x8192xf32> to vector<512x128xf32>
    %add3A_1122 = vector.broadcast %broadcast_in_dim3A_876 : vector<512x1xf32> to vector<512x128xf32>
    %add3A_1123 = arith.addf %add3A_1122, %slice3A_1121 : vector<512x128xf32>
    %get3A_1124 = arith.constant 0 : index
    %get3A_1125 = arith.constant 2432 : index
    %get3A_1126 = vector.load %arg4[%get3A_1124, %get3A_1125] : memref<1x8192xf32, #tpu.memory_space<vmem>>, vector<1x128xf32>
    %add3A_1127 = vector.broadcast %get3A_1126 : vector<1x128xf32> to vector<512x128xf32>
    %add3A_1128 = arith.addf %add3A_1123, %add3A_1127 : vector<512x128xf32>
    %lt3A_1129 = arith.cmpf olt, %add3A_1128, %select_n3A_1117 : vector<512x128xf32>
    %select_n3A_1130 = arith.select %lt3A_1129, %add3A_1128, %select_n3A_1117 : vector<512x128xi1>, vector<512x128xf32>
    %jit3A_1131 = arith.constant 1.900000e+01 : f32
    %broadcast_in_dim3A_1132 = vector.broadcast %jit3A_1131 : f32 to vector<512x128xf32>
    %select_n3A_1133 = arith.select %lt3A_1129, %broadcast_in_dim3A_1132, %select_n3A_1120 : vector<512x128xi1>, vector<512x128xf32>
    %slice3A_1134 = vector.extract_strided_slice %dot_general3A_869 {offsets = [0, 2560], sizes = [512, 128], strides = [1, 1]} : vector<512x8192xf32> to vector<512x128xf32>
    %add3A_1135 = vector.broadcast %broadcast_in_dim3A_876 : vector<512x1xf32> to vector<512x128xf32>
    %add3A_1136 = arith.addf %add3A_1135, %slice3A_1134 : vector<512x128xf32>
    %get3A_1137 = arith.constant 0 : index
    %get3A_1138 = arith.constant 2560 : index
    %get3A_1139 = vector.load %arg4[%get3A_1137, %get3A_1138] : memref<1x8192xf32, #tpu.memory_space<vmem>>, vector<1x128xf32>
    %add3A_1140 = vector.broadcast %get3A_1139 : vector<1x128xf32> to vector<512x128xf32>
    %add3A_1141 = arith.addf %add3A_1136, %add3A_1140 : vector<512x128xf32>
    %lt3A_1142 = arith.cmpf olt, %add3A_1141, %select_n3A_1130 : vector<512x128xf32>
    %select_n3A_1143 = arith.select %lt3A_1142, %add3A_1141, %select_n3A_1130 : vector<512x128xi1>, vector<512x128xf32>
    %jit3A_1144 = arith.constant 2.000000e+01 : f32
    %broadcast_in_dim3A_1145 = vector.broadcast %jit3A_1144 : f32 to vector<512x128xf32>
    %select_n3A_1146 = arith.select %lt3A_1142, %broadcast_in_dim3A_1145, %select_n3A_1133 : vector<512x128xi1>, vector<512x128xf32>
    %slice3A_1147 = vector.extract_strided_slice %dot_general3A_869 {offsets = [0, 2688], sizes = [512, 128], strides = [1, 1]} : vector<512x8192xf32> to vector<512x128xf32>
    %add3A_1148 = vector.broadcast %broadcast_in_dim3A_876 : vector<512x1xf32> to vector<512x128xf32>
    %add3A_1149 = arith.addf %add3A_1148, %slice3A_1147 : vector<512x128xf32>
    %get3A_1150 = arith.constant 0 : index
    %get3A_1151 = arith.constant 2688 : index
    %get3A_1152 = vector.load %arg4[%get3A_1150, %get3A_1151] : memref<1x8192xf32, #tpu.memory_space<vmem>>, vector<1x128xf32>
    %add3A_1153 = vector.broadcast %get3A_1152 : vector<1x128xf32> to vector<512x128xf32>
    %add3A_1154 = arith.addf %add3A_1149, %add3A_1153 : vector<512x128xf32>
    %lt3A_1155 = arith.cmpf olt, %add3A_1154, %select_n3A_1143 : vector<512x128xf32>
    %select_n3A_1156 = arith.select %lt3A_1155, %add3A_1154, %select_n3A_1143 : vector<512x128xi1>, vector<512x128xf32>
    %jit3A_1157 = arith.constant 2.100000e+01 : f32
    %broadcast_in_dim3A_1158 = vector.broadcast %jit3A_1157 : f32 to vector<512x128xf32>
    %select_n3A_1159 = arith.select %lt3A_1155, %broadcast_in_dim3A_1158, %select_n3A_1146 : vector<512x128xi1>, vector<512x128xf32>
    %slice3A_1160 = vector.extract_strided_slice %dot_general3A_869 {offsets = [0, 2816], sizes = [512, 128], strides = [1, 1]} : vector<512x8192xf32> to vector<512x128xf32>
    %add3A_1161 = vector.broadcast %broadcast_in_dim3A_876 : vector<512x1xf32> to vector<512x128xf32>
    %add3A_1162 = arith.addf %add3A_1161, %slice3A_1160 : vector<512x128xf32>
    %get3A_1163 = arith.constant 0 : index
    %get3A_1164 = arith.constant 2816 : index
    %get3A_1165 = vector.load %arg4[%get3A_1163, %get3A_1164] : memref<1x8192xf32, #tpu.memory_space<vmem>>, vector<1x128xf32>
    %add3A_1166 = vector.broadcast %get3A_1165 : vector<1x128xf32> to vector<512x128xf32>
    %add3A_1167 = arith.addf %add3A_1162, %add3A_1166 : vector<512x128xf32>
    %lt3A_1168 = arith.cmpf olt, %add3A_1167, %select_n3A_1156 : vector<512x128xf32>
    %select_n3A_1169 = arith.select %lt3A_1168, %add3A_1167, %select_n3A_1156 : vector<512x128xi1>, vector<512x128xf32>
    %jit3A_1170 = arith.constant 2.200000e+01 : f32
    %broadcast_in_dim3A_1171 = vector.broadcast %jit3A_1170 : f32 to vector<512x128xf32>
    %select_n3A_1172 = arith.select %lt3A_1168, %broadcast_in_dim3A_1171, %select_n3A_1159 : vector<512x128xi1>, vector<512x128xf32>
    %slice3A_1173 = vector.extract_strided_slice %dot_general3A_869 {offsets = [0, 2944], sizes = [512, 128], strides = [1, 1]} : vector<512x8192xf32> to vector<512x128xf32>
    %add3A_1174 = vector.broadcast %broadcast_in_dim3A_876 : vector<512x1xf32> to vector<512x128xf32>
    %add3A_1175 = arith.addf %add3A_1174, %slice3A_1173 : vector<512x128xf32>
    %get3A_1176 = arith.constant 0 : index
    %get3A_1177 = arith.constant 2944 : index
    %get3A_1178 = vector.load %arg4[%get3A_1176, %get3A_1177] : memref<1x8192xf32, #tpu.memory_space<vmem>>, vector<1x128xf32>
    %add3A_1179 = vector.broadcast %get3A_1178 : vector<1x128xf32> to vector<512x128xf32>
    %add3A_1180 = arith.addf %add3A_1175, %add3A_1179 : vector<512x128xf32>
    %lt3A_1181 = arith.cmpf olt, %add3A_1180, %select_n3A_1169 : vector<512x128xf32>
    %select_n3A_1182 = arith.select %lt3A_1181, %add3A_1180, %select_n3A_1169 : vector<512x128xi1>, vector<512x128xf32>
    %jit3A_1183 = arith.constant 2.300000e+01 : f32
    %broadcast_in_dim3A_1184 = vector.broadcast %jit3A_1183 : f32 to vector<512x128xf32>
    %select_n3A_1185 = arith.select %lt3A_1181, %broadcast_in_dim3A_1184, %select_n3A_1172 : vector<512x128xi1>, vector<512x128xf32>
    %slice3A_1186 = vector.extract_strided_slice %dot_general3A_869 {offsets = [0, 3072], sizes = [512, 128], strides = [1, 1]} : vector<512x8192xf32> to vector<512x128xf32>
    %add3A_1187 = vector.broadcast %broadcast_in_dim3A_876 : vector<512x1xf32> to vector<512x128xf32>
    %add3A_1188 = arith.addf %add3A_1187, %slice3A_1186 : vector<512x128xf32>
    %get3A_1189 = arith.constant 0 : index
    %get3A_1190 = arith.constant 3072 : index
    %get3A_1191 = vector.load %arg4[%get3A_1189, %get3A_1190] : memref<1x8192xf32, #tpu.memory_space<vmem>>, vector<1x128xf32>
    %add3A_1192 = vector.broadcast %get3A_1191 : vector<1x128xf32> to vector<512x128xf32>
    %add3A_1193 = arith.addf %add3A_1188, %add3A_1192 : vector<512x128xf32>
    %lt3A_1194 = arith.cmpf olt, %add3A_1193, %select_n3A_1182 : vector<512x128xf32>
    %select_n3A_1195 = arith.select %lt3A_1194, %add3A_1193, %select_n3A_1182 : vector<512x128xi1>, vector<512x128xf32>
    %jit3A_1196 = arith.constant 2.400000e+01 : f32
    %broadcast_in_dim3A_1197 = vector.broadcast %jit3A_1196 : f32 to vector<512x128xf32>
    %select_n3A_1198 = arith.select %lt3A_1194, %broadcast_in_dim3A_1197, %select_n3A_1185 : vector<512x128xi1>, vector<512x128xf32>
    %slice3A_1199 = vector.extract_strided_slice %dot_general3A_869 {offsets = [0, 3200], sizes = [512, 128], strides = [1, 1]} : vector<512x8192xf32> to vector<512x128xf32>
    %add3A_1200 = vector.broadcast %broadcast_in_dim3A_876 : vector<512x1xf32> to vector<512x128xf32>
    %add3A_1201 = arith.addf %add3A_1200, %slice3A_1199 : vector<512x128xf32>
    %get3A_1202 = arith.constant 0 : index
    %get3A_1203 = arith.constant 3200 : index
    %get3A_1204 = vector.load %arg4[%get3A_1202, %get3A_1203] : memref<1x8192xf32, #tpu.memory_space<vmem>>, vector<1x128xf32>
    %add3A_1205 = vector.broadcast %get3A_1204 : vector<1x128xf32> to vector<512x128xf32>
    %add3A_1206 = arith.addf %add3A_1201, %add3A_1205 : vector<512x128xf32>
    %lt3A_1207 = arith.cmpf olt, %add3A_1206, %select_n3A_1195 : vector<512x128xf32>
    %select_n3A_1208 = arith.select %lt3A_1207, %add3A_1206, %select_n3A_1195 : vector<512x128xi1>, vector<512x128xf32>
    %jit3A_1209 = arith.constant 2.500000e+01 : f32
    %broadcast_in_dim3A_1210 = vector.broadcast %jit3A_1209 : f32 to vector<512x128xf32>
    %select_n3A_1211 = arith.select %lt3A_1207, %broadcast_in_dim3A_1210, %select_n3A_1198 : vector<512x128xi1>, vector<512x128xf32>
    %slice3A_1212 = vector.extract_strided_slice %dot_general3A_869 {offsets = [0, 3328], sizes = [512, 128], strides = [1, 1]} : vector<512x8192xf32> to vector<512x128xf32>
    %add3A_1213 = vector.broadcast %broadcast_in_dim3A_876 : vector<512x1xf32> to vector<512x128xf32>
    %add3A_1214 = arith.addf %add3A_1213, %slice3A_1212 : vector<512x128xf32>
    %get3A_1215 = arith.constant 0 : index
    %get3A_1216 = arith.constant 3328 : index
    %get3A_1217 = vector.load %arg4[%get3A_1215, %get3A_1216] : memref<1x8192xf32, #tpu.memory_space<vmem>>, vector<1x128xf32>
    %add3A_1218 = vector.broadcast %get3A_1217 : vector<1x128xf32> to vector<512x128xf32>
    %add3A_1219 = arith.addf %add3A_1214, %add3A_1218 : vector<512x128xf32>
    %lt3A_1220 = arith.cmpf olt, %add3A_1219, %select_n3A_1208 : vector<512x128xf32>
    %select_n3A_1221 = arith.select %lt3A_1220, %add3A_1219, %select_n3A_1208 : vector<512x128xi1>, vector<512x128xf32>
    %jit3A_1222 = arith.constant 2.600000e+01 : f32
    %broadcast_in_dim3A_1223 = vector.broadcast %jit3A_1222 : f32 to vector<512x128xf32>
    %select_n3A_1224 = arith.select %lt3A_1220, %broadcast_in_dim3A_1223, %select_n3A_1211 : vector<512x128xi1>, vector<512x128xf32>
    %slice3A_1225 = vector.extract_strided_slice %dot_general3A_869 {offsets = [0, 3456], sizes = [512, 128], strides = [1, 1]} : vector<512x8192xf32> to vector<512x128xf32>
    %add3A_1226 = vector.broadcast %broadcast_in_dim3A_876 : vector<512x1xf32> to vector<512x128xf32>
    %add3A_1227 = arith.addf %add3A_1226, %slice3A_1225 : vector<512x128xf32>
    %get3A_1228 = arith.constant 0 : index
    %get3A_1229 = arith.constant 3456 : index
    %get3A_1230 = vector.load %arg4[%get3A_1228, %get3A_1229] : memref<1x8192xf32, #tpu.memory_space<vmem>>, vector<1x128xf32>
    %add3A_1231 = vector.broadcast %get3A_1230 : vector<1x128xf32> to vector<512x128xf32>
    %add3A_1232 = arith.addf %add3A_1227, %add3A_1231 : vector<512x128xf32>
    %lt3A_1233 = arith.cmpf olt, %add3A_1232, %select_n3A_1221 : vector<512x128xf32>
    %select_n3A_1234 = arith.select %lt3A_1233, %add3A_1232, %select_n3A_1221 : vector<512x128xi1>, vector<512x128xf32>
    %jit3A_1235 = arith.constant 2.700000e+01 : f32
    %broadcast_in_dim3A_1236 = vector.broadcast %jit3A_1235 : f32 to vector<512x128xf32>
    %select_n3A_1237 = arith.select %lt3A_1233, %broadcast_in_dim3A_1236, %select_n3A_1224 : vector<512x128xi1>, vector<512x128xf32>
    %slice3A_1238 = vector.extract_strided_slice %dot_general3A_869 {offsets = [0, 3584], sizes = [512, 128], strides = [1, 1]} : vector<512x8192xf32> to vector<512x128xf32>
    %add3A_1239 = vector.broadcast %broadcast_in_dim3A_876 : vector<512x1xf32> to vector<512x128xf32>
    %add3A_1240 = arith.addf %add3A_1239, %slice3A_1238 : vector<512x128xf32>
    %get3A_1241 = arith.constant 0 : index
    %get3A_1242 = arith.constant 3584 : index
    %get3A_1243 = vector.load %arg4[%get3A_1241, %get3A_1242] : memref<1x8192xf32, #tpu.memory_space<vmem>>, vector<1x128xf32>
    %add3A_1244 = vector.broadcast %get3A_1243 : vector<1x128xf32> to vector<512x128xf32>
    %add3A_1245 = arith.addf %add3A_1240, %add3A_1244 : vector<512x128xf32>
    %lt3A_1246 = arith.cmpf olt, %add3A_1245, %select_n3A_1234 : vector<512x128xf32>
    %select_n3A_1247 = arith.select %lt3A_1246, %add3A_1245, %select_n3A_1234 : vector<512x128xi1>, vector<512x128xf32>
    %jit3A_1248 = arith.constant 2.800000e+01 : f32
    %broadcast_in_dim3A_1249 = vector.broadcast %jit3A_1248 : f32 to vector<512x128xf32>
    %select_n3A_1250 = arith.select %lt3A_1246, %broadcast_in_dim3A_1249, %select_n3A_1237 : vector<512x128xi1>, vector<512x128xf32>
    %slice3A_1251 = vector.extract_strided_slice %dot_general3A_869 {offsets = [0, 3712], sizes = [512, 128], strides = [1, 1]} : vector<512x8192xf32> to vector<512x128xf32>
    %add3A_1252 = vector.broadcast %broadcast_in_dim3A_876 : vector<512x1xf32> to vector<512x128xf32>
    %add3A_1253 = arith.addf %add3A_1252, %slice3A_1251 : vector<512x128xf32>
    %get3A_1254 = arith.constant 0 : index
    %get3A_1255 = arith.constant 3712 : index
    %get3A_1256 = vector.load %arg4[%get3A_1254, %get3A_1255] : memref<1x8192xf32, #tpu.memory_space<vmem>>, vector<1x128xf32>
    %add3A_1257 = vector.broadcast %get3A_1256 : vector<1x128xf32> to vector<512x128xf32>
    %add3A_1258 = arith.addf %add3A_1253, %add3A_1257 : vector<512x128xf32>
    %lt3A_1259 = arith.cmpf olt, %add3A_1258, %select_n3A_1247 : vector<512x128xf32>
    %select_n3A_1260 = arith.select %lt3A_1259, %add3A_1258, %select_n3A_1247 : vector<512x128xi1>, vector<512x128xf32>
    %jit3A_1261 = arith.constant 2.900000e+01 : f32
    %broadcast_in_dim3A_1262 = vector.broadcast %jit3A_1261 : f32 to vector<512x128xf32>
    %select_n3A_1263 = arith.select %lt3A_1259, %broadcast_in_dim3A_1262, %select_n3A_1250 : vector<512x128xi1>, vector<512x128xf32>
    %slice3A_1264 = vector.extract_strided_slice %dot_general3A_869 {offsets = [0, 3840], sizes = [512, 128], strides = [1, 1]} : vector<512x8192xf32> to vector<512x128xf32>
    %add3A_1265 = vector.broadcast %broadcast_in_dim3A_876 : vector<512x1xf32> to vector<512x128xf32>
    %add3A_1266 = arith.addf %add3A_1265, %slice3A_1264 : vector<512x128xf32>
    %get3A_1267 = arith.constant 0 : index
    %get3A_1268 = arith.constant 3840 : index
    %get3A_1269 = vector.load %arg4[%get3A_1267, %get3A_1268] : memref<1x8192xf32, #tpu.memory_space<vmem>>, vector<1x128xf32>
    %add3A_1270 = vector.broadcast %get3A_1269 : vector<1x128xf32> to vector<512x128xf32>
    %add3A_1271 = arith.addf %add3A_1266, %add3A_1270 : vector<512x128xf32>
    %lt3A_1272 = arith.cmpf olt, %add3A_1271, %select_n3A_1260 : vector<512x128xf32>
    %select_n3A_1273 = arith.select %lt3A_1272, %add3A_1271, %select_n3A_1260 : vector<512x128xi1>, vector<512x128xf32>
    %jit3A_1274 = arith.constant 3.000000e+01 : f32
    %broadcast_in_dim3A_1275 = vector.broadcast %jit3A_1274 : f32 to vector<512x128xf32>
    %select_n3A_1276 = arith.select %lt3A_1272, %broadcast_in_dim3A_1275, %select_n3A_1263 : vector<512x128xi1>, vector<512x128xf32>
    %slice3A_1277 = vector.extract_strided_slice %dot_general3A_869 {offsets = [0, 3968], sizes = [512, 128], strides = [1, 1]} : vector<512x8192xf32> to vector<512x128xf32>
    %add3A_1278 = vector.broadcast %broadcast_in_dim3A_876 : vector<512x1xf32> to vector<512x128xf32>
    %add3A_1279 = arith.addf %add3A_1278, %slice3A_1277 : vector<512x128xf32>
    %get3A_1280 = arith.constant 0 : index
    %get3A_1281 = arith.constant 3968 : index
    %get3A_1282 = vector.load %arg4[%get3A_1280, %get3A_1281] : memref<1x8192xf32, #tpu.memory_space<vmem>>, vector<1x128xf32>
    %add3A_1283 = vector.broadcast %get3A_1282 : vector<1x128xf32> to vector<512x128xf32>
    %add3A_1284 = arith.addf %add3A_1279, %add3A_1283 : vector<512x128xf32>
    %lt3A_1285 = arith.cmpf olt, %add3A_1284, %select_n3A_1273 : vector<512x128xf32>
    %select_n3A_1286 = arith.select %lt3A_1285, %add3A_1284, %select_n3A_1273 : vector<512x128xi1>, vector<512x128xf32>
    %jit3A_1287 = arith.constant 3.100000e+01 : f32
    %broadcast_in_dim3A_1288 = vector.broadcast %jit3A_1287 : f32 to vector<512x128xf32>
    %select_n3A_1289 = arith.select %lt3A_1285, %broadcast_in_dim3A_1288, %select_n3A_1276 : vector<512x128xi1>, vector<512x128xf32>
    %slice3A_1290 = vector.extract_strided_slice %dot_general3A_869 {offsets = [0, 4096], sizes = [512, 128], strides = [1, 1]} : vector<512x8192xf32> to vector<512x128xf32>
    %add3A_1291 = vector.broadcast %broadcast_in_dim3A_876 : vector<512x1xf32> to vector<512x128xf32>
    %add3A_1292 = arith.addf %add3A_1291, %slice3A_1290 : vector<512x128xf32>
    %get3A_1293 = arith.constant 0 : index
    %get3A_1294 = arith.constant 4096 : index
    %get3A_1295 = vector.load %arg4[%get3A_1293, %get3A_1294] : memref<1x8192xf32, #tpu.memory_space<vmem>>, vector<1x128xf32>
    %add3A_1296 = vector.broadcast %get3A_1295 : vector<1x128xf32> to vector<512x128xf32>
    %add3A_1297 = arith.addf %add3A_1292, %add3A_1296 : vector<512x128xf32>
    %lt3A_1298 = arith.cmpf olt, %add3A_1297, %select_n3A_1286 : vector<512x128xf32>
    %select_n3A_1299 = arith.select %lt3A_1298, %add3A_1297, %select_n3A_1286 : vector<512x128xi1>, vector<512x128xf32>
    %jit3A_1300 = arith.constant 3.200000e+01 : f32
    %broadcast_in_dim3A_1301 = vector.broadcast %jit3A_1300 : f32 to vector<512x128xf32>
    %select_n3A_1302 = arith.select %lt3A_1298, %broadcast_in_dim3A_1301, %select_n3A_1289 : vector<512x128xi1>, vector<512x128xf32>
    %slice3A_1303 = vector.extract_strided_slice %dot_general3A_869 {offsets = [0, 4224], sizes = [512, 128], strides = [1, 1]} : vector<512x8192xf32> to vector<512x128xf32>
    %add3A_1304 = vector.broadcast %broadcast_in_dim3A_876 : vector<512x1xf32> to vector<512x128xf32>
    %add3A_1305 = arith.addf %add3A_1304, %slice3A_1303 : vector<512x128xf32>
    %get3A_1306 = arith.constant 0 : index
    %get3A_1307 = arith.constant 4224 : index
    %get3A_1308 = vector.load %arg4[%get3A_1306, %get3A_1307] : memref<1x8192xf32, #tpu.memory_space<vmem>>, vector<1x128xf32>
    %add3A_1309 = vector.broadcast %get3A_1308 : vector<1x128xf32> to vector<512x128xf32>
    %add3A_1310 = arith.addf %add3A_1305, %add3A_1309 : vector<512x128xf32>
    %lt3A_1311 = arith.cmpf olt, %add3A_1310, %select_n3A_1299 : vector<512x128xf32>
    %select_n3A_1312 = arith.select %lt3A_1311, %add3A_1310, %select_n3A_1299 : vector<512x128xi1>, vector<512x128xf32>
    %jit3A_1313 = arith.constant 3.300000e+01 : f32
    %broadcast_in_dim3A_1314 = vector.broadcast %jit3A_1313 : f32 to vector<512x128xf32>
    %select_n3A_1315 = arith.select %lt3A_1311, %broadcast_in_dim3A_1314, %select_n3A_1302 : vector<512x128xi1>, vector<512x128xf32>
    %slice3A_1316 = vector.extract_strided_slice %dot_general3A_869 {offsets = [0, 4352], sizes = [512, 128], strides = [1, 1]} : vector<512x8192xf32> to vector<512x128xf32>
    %add3A_1317 = vector.broadcast %broadcast_in_dim3A_876 : vector<512x1xf32> to vector<512x128xf32>
    %add3A_1318 = arith.addf %add3A_1317, %slice3A_1316 : vector<512x128xf32>
    %get3A_1319 = arith.constant 0 : index
    %get3A_1320 = arith.constant 4352 : index
    %get3A_1321 = vector.load %arg4[%get3A_1319, %get3A_1320] : memref<1x8192xf32, #tpu.memory_space<vmem>>, vector<1x128xf32>
    %add3A_1322 = vector.broadcast %get3A_1321 : vector<1x128xf32> to vector<512x128xf32>
    %add3A_1323 = arith.addf %add3A_1318, %add3A_1322 : vector<512x128xf32>
    %lt3A_1324 = arith.cmpf olt, %add3A_1323, %select_n3A_1312 : vector<512x128xf32>
    %select_n3A_1325 = arith.select %lt3A_1324, %add3A_1323, %select_n3A_1312 : vector<512x128xi1>, vector<512x128xf32>
    %jit3A_1326 = arith.constant 3.400000e+01 : f32
    %broadcast_in_dim3A_1327 = vector.broadcast %jit3A_1326 : f32 to vector<512x128xf32>
    %select_n3A_1328 = arith.select %lt3A_1324, %broadcast_in_dim3A_1327, %select_n3A_1315 : vector<512x128xi1>, vector<512x128xf32>
    %slice3A_1329 = vector.extract_strided_slice %dot_general3A_869 {offsets = [0, 4480], sizes = [512, 128], strides = [1, 1]} : vector<512x8192xf32> to vector<512x128xf32>
    %add3A_1330 = vector.broadcast %broadcast_in_dim3A_876 : vector<512x1xf32> to vector<512x128xf32>
    %add3A_1331 = arith.addf %add3A_1330, %slice3A_1329 : vector<512x128xf32>
    %get3A_1332 = arith.constant 0 : index
    %get3A_1333 = arith.constant 4480 : index
    %get3A_1334 = vector.load %arg4[%get3A_1332, %get3A_1333] : memref<1x8192xf32, #tpu.memory_space<vmem>>, vector<1x128xf32>
    %add3A_1335 = vector.broadcast %get3A_1334 : vector<1x128xf32> to vector<512x128xf32>
    %add3A_1336 = arith.addf %add3A_1331, %add3A_1335 : vector<512x128xf32>
    %lt3A_1337 = arith.cmpf olt, %add3A_1336, %select_n3A_1325 : vector<512x128xf32>
    %select_n3A_1338 = arith.select %lt3A_1337, %add3A_1336, %select_n3A_1325 : vector<512x128xi1>, vector<512x128xf32>
    %jit3A_1339 = arith.constant 3.500000e+01 : f32
    %broadcast_in_dim3A_1340 = vector.broadcast %jit3A_1339 : f32 to vector<512x128xf32>
    %select_n3A_1341 = arith.select %lt3A_1337, %broadcast_in_dim3A_1340, %select_n3A_1328 : vector<512x128xi1>, vector<512x128xf32>
    %slice3A_1342 = vector.extract_strided_slice %dot_general3A_869 {offsets = [0, 4608], sizes = [512, 128], strides = [1, 1]} : vector<512x8192xf32> to vector<512x128xf32>
    %add3A_1343 = vector.broadcast %broadcast_in_dim3A_876 : vector<512x1xf32> to vector<512x128xf32>
    %add3A_1344 = arith.addf %add3A_1343, %slice3A_1342 : vector<512x128xf32>
    %get3A_1345 = arith.constant 0 : index
    %get3A_1346 = arith.constant 4608 : index
    %get3A_1347 = vector.load %arg4[%get3A_1345, %get3A_1346] : memref<1x8192xf32, #tpu.memory_space<vmem>>, vector<1x128xf32>
    %add3A_1348 = vector.broadcast %get3A_1347 : vector<1x128xf32> to vector<512x128xf32>
    %add3A_1349 = arith.addf %add3A_1344, %add3A_1348 : vector<512x128xf32>
    %lt3A_1350 = arith.cmpf olt, %add3A_1349, %select_n3A_1338 : vector<512x128xf32>
    %select_n3A_1351 = arith.select %lt3A_1350, %add3A_1349, %select_n3A_1338 : vector<512x128xi1>, vector<512x128xf32>
    %jit3A_1352 = arith.constant 3.600000e+01 : f32
    %broadcast_in_dim3A_1353 = vector.broadcast %jit3A_1352 : f32 to vector<512x128xf32>
    %select_n3A_1354 = arith.select %lt3A_1350, %broadcast_in_dim3A_1353, %select_n3A_1341 : vector<512x128xi1>, vector<512x128xf32>
    %slice3A_1355 = vector.extract_strided_slice %dot_general3A_869 {offsets = [0, 4736], sizes = [512, 128], strides = [1, 1]} : vector<512x8192xf32> to vector<512x128xf32>
    %add3A_1356 = vector.broadcast %broadcast_in_dim3A_876 : vector<512x1xf32> to vector<512x128xf32>
    %add3A_1357 = arith.addf %add3A_1356, %slice3A_1355 : vector<512x128xf32>
    %get3A_1358 = arith.constant 0 : index
    %get3A_1359 = arith.constant 4736 : index
    %get3A_1360 = vector.load %arg4[%get3A_1358, %get3A_1359] : memref<1x8192xf32, #tpu.memory_space<vmem>>, vector<1x128xf32>
    %add3A_1361 = vector.broadcast %get3A_1360 : vector<1x128xf32> to vector<512x128xf32>
    %add3A_1362 = arith.addf %add3A_1357, %add3A_1361 : vector<512x128xf32>
    %lt3A_1363 = arith.cmpf olt, %add3A_1362, %select_n3A_1351 : vector<512x128xf32>
    %select_n3A_1364 = arith.select %lt3A_1363, %add3A_1362, %select_n3A_1351 : vector<512x128xi1>, vector<512x128xf32>
    %jit3A_1365 = arith.constant 3.700000e+01 : f32
    %broadcast_in_dim3A_1366 = vector.broadcast %jit3A_1365 : f32 to vector<512x128xf32>
    %select_n3A_1367 = arith.select %lt3A_1363, %broadcast_in_dim3A_1366, %select_n3A_1354 : vector<512x128xi1>, vector<512x128xf32>
    %slice3A_1368 = vector.extract_strided_slice %dot_general3A_869 {offsets = [0, 4864], sizes = [512, 128], strides = [1, 1]} : vector<512x8192xf32> to vector<512x128xf32>
    %add3A_1369 = vector.broadcast %broadcast_in_dim3A_876 : vector<512x1xf32> to vector<512x128xf32>
    %add3A_1370 = arith.addf %add3A_1369, %slice3A_1368 : vector<512x128xf32>
    %get3A_1371 = arith.constant 0 : index
    %get3A_1372 = arith.constant 4864 : index
    %get3A_1373 = vector.load %arg4[%get3A_1371, %get3A_1372] : memref<1x8192xf32, #tpu.memory_space<vmem>>, vector<1x128xf32>
    %add3A_1374 = vector.broadcast %get3A_1373 : vector<1x128xf32> to vector<512x128xf32>
    %add3A_1375 = arith.addf %add3A_1370, %add3A_1374 : vector<512x128xf32>
    %lt3A_1376 = arith.cmpf olt, %add3A_1375, %select_n3A_1364 : vector<512x128xf32>
    %select_n3A_1377 = arith.select %lt3A_1376, %add3A_1375, %select_n3A_1364 : vector<512x128xi1>, vector<512x128xf32>
    %jit3A_1378 = arith.constant 3.800000e+01 : f32
    %broadcast_in_dim3A_1379 = vector.broadcast %jit3A_1378 : f32 to vector<512x128xf32>
    %select_n3A_1380 = arith.select %lt3A_1376, %broadcast_in_dim3A_1379, %select_n3A_1367 : vector<512x128xi1>, vector<512x128xf32>
    %slice3A_1381 = vector.extract_strided_slice %dot_general3A_869 {offsets = [0, 4992], sizes = [512, 128], strides = [1, 1]} : vector<512x8192xf32> to vector<512x128xf32>
    %add3A_1382 = vector.broadcast %broadcast_in_dim3A_876 : vector<512x1xf32> to vector<512x128xf32>
    %add3A_1383 = arith.addf %add3A_1382, %slice3A_1381 : vector<512x128xf32>
    %get3A_1384 = arith.constant 0 : index
    %get3A_1385 = arith.constant 4992 : index
    %get3A_1386 = vector.load %arg4[%get3A_1384, %get3A_1385] : memref<1x8192xf32, #tpu.memory_space<vmem>>, vector<1x128xf32>
    %add3A_1387 = vector.broadcast %get3A_1386 : vector<1x128xf32> to vector<512x128xf32>
    %add3A_1388 = arith.addf %add3A_1383, %add3A_1387 : vector<512x128xf32>
    %lt3A_1389 = arith.cmpf olt, %add3A_1388, %select_n3A_1377 : vector<512x128xf32>
    %select_n3A_1390 = arith.select %lt3A_1389, %add3A_1388, %select_n3A_1377 : vector<512x128xi1>, vector<512x128xf32>
    %jit3A_1391 = arith.constant 3.900000e+01 : f32
    %broadcast_in_dim3A_1392 = vector.broadcast %jit3A_1391 : f32 to vector<512x128xf32>
    %select_n3A_1393 = arith.select %lt3A_1389, %broadcast_in_dim3A_1392, %select_n3A_1380 : vector<512x128xi1>, vector<512x128xf32>
    %slice3A_1394 = vector.extract_strided_slice %dot_general3A_869 {offsets = [0, 5120], sizes = [512, 128], strides = [1, 1]} : vector<512x8192xf32> to vector<512x128xf32>
    %add3A_1395 = vector.broadcast %broadcast_in_dim3A_876 : vector<512x1xf32> to vector<512x128xf32>
    %add3A_1396 = arith.addf %add3A_1395, %slice3A_1394 : vector<512x128xf32>
    %get3A_1397 = arith.constant 0 : index
    %get3A_1398 = arith.constant 5120 : index
    %get3A_1399 = vector.load %arg4[%get3A_1397, %get3A_1398] : memref<1x8192xf32, #tpu.memory_space<vmem>>, vector<1x128xf32>
    %add3A_1400 = vector.broadcast %get3A_1399 : vector<1x128xf32> to vector<512x128xf32>
    %add3A_1401 = arith.addf %add3A_1396, %add3A_1400 : vector<512x128xf32>
    %lt3A_1402 = arith.cmpf olt, %add3A_1401, %select_n3A_1390 : vector<512x128xf32>
    %select_n3A_1403 = arith.select %lt3A_1402, %add3A_1401, %select_n3A_1390 : vector<512x128xi1>, vector<512x128xf32>
    %jit3A_1404 = arith.constant 4.000000e+01 : f32
    %broadcast_in_dim3A_1405 = vector.broadcast %jit3A_1404 : f32 to vector<512x128xf32>
    %select_n3A_1406 = arith.select %lt3A_1402, %broadcast_in_dim3A_1405, %select_n3A_1393 : vector<512x128xi1>, vector<512x128xf32>
    %slice3A_1407 = vector.extract_strided_slice %dot_general3A_869 {offsets = [0, 5248], sizes = [512, 128], strides = [1, 1]} : vector<512x8192xf32> to vector<512x128xf32>
    %add3A_1408 = vector.broadcast %broadcast_in_dim3A_876 : vector<512x1xf32> to vector<512x128xf32>
    %add3A_1409 = arith.addf %add3A_1408, %slice3A_1407 : vector<512x128xf32>
    %get3A_1410 = arith.constant 0 : index
    %get3A_1411 = arith.constant 5248 : index
    %get3A_1412 = vector.load %arg4[%get3A_1410, %get3A_1411] : memref<1x8192xf32, #tpu.memory_space<vmem>>, vector<1x128xf32>
    %add3A_1413 = vector.broadcast %get3A_1412 : vector<1x128xf32> to vector<512x128xf32>
    %add3A_1414 = arith.addf %add3A_1409, %add3A_1413 : vector<512x128xf32>
    %lt3A_1415 = arith.cmpf olt, %add3A_1414, %select_n3A_1403 : vector<512x128xf32>
    %select_n3A_1416 = arith.select %lt3A_1415, %add3A_1414, %select_n3A_1403 : vector<512x128xi1>, vector<512x128xf32>
    %jit3A_1417 = arith.constant 4.100000e+01 : f32
    %broadcast_in_dim3A_1418 = vector.broadcast %jit3A_1417 : f32 to vector<512x128xf32>
    %select_n3A_1419 = arith.select %lt3A_1415, %broadcast_in_dim3A_1418, %select_n3A_1406 : vector<512x128xi1>, vector<512x128xf32>
    %slice3A_1420 = vector.extract_strided_slice %dot_general3A_869 {offsets = [0, 5376], sizes = [512, 128], strides = [1, 1]} : vector<512x8192xf32> to vector<512x128xf32>
    %add3A_1421 = vector.broadcast %broadcast_in_dim3A_876 : vector<512x1xf32> to vector<512x128xf32>
    %add3A_1422 = arith.addf %add3A_1421, %slice3A_1420 : vector<512x128xf32>
    %get3A_1423 = arith.constant 0 : index
    %get3A_1424 = arith.constant 5376 : index
    %get3A_1425 = vector.load %arg4[%get3A_1423, %get3A_1424] : memref<1x8192xf32, #tpu.memory_space<vmem>>, vector<1x128xf32>
    %add3A_1426 = vector.broadcast %get3A_1425 : vector<1x128xf32> to vector<512x128xf32>
    %add3A_1427 = arith.addf %add3A_1422, %add3A_1426 : vector<512x128xf32>
    %lt3A_1428 = arith.cmpf olt, %add3A_1427, %select_n3A_1416 : vector<512x128xf32>
    %select_n3A_1429 = arith.select %lt3A_1428, %add3A_1427, %select_n3A_1416 : vector<512x128xi1>, vector<512x128xf32>
    %jit3A_1430 = arith.constant 4.200000e+01 : f32
    %broadcast_in_dim3A_1431 = vector.broadcast %jit3A_1430 : f32 to vector<512x128xf32>
    %select_n3A_1432 = arith.select %lt3A_1428, %broadcast_in_dim3A_1431, %select_n3A_1419 : vector<512x128xi1>, vector<512x128xf32>
    %slice3A_1433 = vector.extract_strided_slice %dot_general3A_869 {offsets = [0, 5504], sizes = [512, 128], strides = [1, 1]} : vector<512x8192xf32> to vector<512x128xf32>
    %add3A_1434 = vector.broadcast %broadcast_in_dim3A_876 : vector<512x1xf32> to vector<512x128xf32>
    %add3A_1435 = arith.addf %add3A_1434, %slice3A_1433 : vector<512x128xf32>
    %get3A_1436 = arith.constant 0 : index
    %get3A_1437 = arith.constant 5504 : index
    %get3A_1438 = vector.load %arg4[%get3A_1436, %get3A_1437] : memref<1x8192xf32, #tpu.memory_space<vmem>>, vector<1x128xf32>
    %add3A_1439 = vector.broadcast %get3A_1438 : vector<1x128xf32> to vector<512x128xf32>
    %add3A_1440 = arith.addf %add3A_1435, %add3A_1439 : vector<512x128xf32>
    %lt3A_1441 = arith.cmpf olt, %add3A_1440, %select_n3A_1429 : vector<512x128xf32>
    %select_n3A_1442 = arith.select %lt3A_1441, %add3A_1440, %select_n3A_1429 : vector<512x128xi1>, vector<512x128xf32>
    %jit3A_1443 = arith.constant 4.300000e+01 : f32
    %broadcast_in_dim3A_1444 = vector.broadcast %jit3A_1443 : f32 to vector<512x128xf32>
    %select_n3A_1445 = arith.select %lt3A_1441, %broadcast_in_dim3A_1444, %select_n3A_1432 : vector<512x128xi1>, vector<512x128xf32>
    %slice3A_1446 = vector.extract_strided_slice %dot_general3A_869 {offsets = [0, 5632], sizes = [512, 128], strides = [1, 1]} : vector<512x8192xf32> to vector<512x128xf32>
    %add3A_1447 = vector.broadcast %broadcast_in_dim3A_876 : vector<512x1xf32> to vector<512x128xf32>
    %add3A_1448 = arith.addf %add3A_1447, %slice3A_1446 : vector<512x128xf32>
    %get3A_1449 = arith.constant 0 : index
    %get3A_1450 = arith.constant 5632 : index
    %get3A_1451 = vector.load %arg4[%get3A_1449, %get3A_1450] : memref<1x8192xf32, #tpu.memory_space<vmem>>, vector<1x128xf32>
    %add3A_1452 = vector.broadcast %get3A_1451 : vector<1x128xf32> to vector<512x128xf32>
    %add3A_1453 = arith.addf %add3A_1448, %add3A_1452 : vector<512x128xf32>
    %lt3A_1454 = arith.cmpf olt, %add3A_1453, %select_n3A_1442 : vector<512x128xf32>
    %select_n3A_1455 = arith.select %lt3A_1454, %add3A_1453, %select_n3A_1442 : vector<512x128xi1>, vector<512x128xf32>
    %jit3A_1456 = arith.constant 4.400000e+01 : f32
    %broadcast_in_dim3A_1457 = vector.broadcast %jit3A_1456 : f32 to vector<512x128xf32>
    %select_n3A_1458 = arith.select %lt3A_1454, %broadcast_in_dim3A_1457, %select_n3A_1445 : vector<512x128xi1>, vector<512x128xf32>
    %slice3A_1459 = vector.extract_strided_slice %dot_general3A_869 {offsets = [0, 5760], sizes = [512, 128], strides = [1, 1]} : vector<512x8192xf32> to vector<512x128xf32>
    %add3A_1460 = vector.broadcast %broadcast_in_dim3A_876 : vector<512x1xf32> to vector<512x128xf32>
    %add3A_1461 = arith.addf %add3A_1460, %slice3A_1459 : vector<512x128xf32>
    %get3A_1462 = arith.constant 0 : index
    %get3A_1463 = arith.constant 5760 : index
    %get3A_1464 = vector.load %arg4[%get3A_1462, %get3A_1463] : memref<1x8192xf32, #tpu.memory_space<vmem>>, vector<1x128xf32>
    %add3A_1465 = vector.broadcast %get3A_1464 : vector<1x128xf32> to vector<512x128xf32>
    %add3A_1466 = arith.addf %add3A_1461, %add3A_1465 : vector<512x128xf32>
    %lt3A_1467 = arith.cmpf olt, %add3A_1466, %select_n3A_1455 : vector<512x128xf32>
    %select_n3A_1468 = arith.select %lt3A_1467, %add3A_1466, %select_n3A_1455 : vector<512x128xi1>, vector<512x128xf32>
    %jit3A_1469 = arith.constant 4.500000e+01 : f32
    %broadcast_in_dim3A_1470 = vector.broadcast %jit3A_1469 : f32 to vector<512x128xf32>
    %select_n3A_1471 = arith.select %lt3A_1467, %broadcast_in_dim3A_1470, %select_n3A_1458 : vector<512x128xi1>, vector<512x128xf32>
    %slice3A_1472 = vector.extract_strided_slice %dot_general3A_869 {offsets = [0, 5888], sizes = [512, 128], strides = [1, 1]} : vector<512x8192xf32> to vector<512x128xf32>
    %add3A_1473 = vector.broadcast %broadcast_in_dim3A_876 : vector<512x1xf32> to vector<512x128xf32>
    %add3A_1474 = arith.addf %add3A_1473, %slice3A_1472 : vector<512x128xf32>
    %get3A_1475 = arith.constant 0 : index
    %get3A_1476 = arith.constant 5888 : index
    %get3A_1477 = vector.load %arg4[%get3A_1475, %get3A_1476] : memref<1x8192xf32, #tpu.memory_space<vmem>>, vector<1x128xf32>
    %add3A_1478 = vector.broadcast %get3A_1477 : vector<1x128xf32> to vector<512x128xf32>
    %add3A_1479 = arith.addf %add3A_1474, %add3A_1478 : vector<512x128xf32>
    %lt3A_1480 = arith.cmpf olt, %add3A_1479, %select_n3A_1468 : vector<512x128xf32>
    %select_n3A_1481 = arith.select %lt3A_1480, %add3A_1479, %select_n3A_1468 : vector<512x128xi1>, vector<512x128xf32>
    %jit3A_1482 = arith.constant 4.600000e+01 : f32
    %broadcast_in_dim3A_1483 = vector.broadcast %jit3A_1482 : f32 to vector<512x128xf32>
    %select_n3A_1484 = arith.select %lt3A_1480, %broadcast_in_dim3A_1483, %select_n3A_1471 : vector<512x128xi1>, vector<512x128xf32>
    %slice3A_1485 = vector.extract_strided_slice %dot_general3A_869 {offsets = [0, 6016], sizes = [512, 128], strides = [1, 1]} : vector<512x8192xf32> to vector<512x128xf32>
    %add3A_1486 = vector.broadcast %broadcast_in_dim3A_876 : vector<512x1xf32> to vector<512x128xf32>
    %add3A_1487 = arith.addf %add3A_1486, %slice3A_1485 : vector<512x128xf32>
    %get3A_1488 = arith.constant 0 : index
    %get3A_1489 = arith.constant 6016 : index
    %get3A_1490 = vector.load %arg4[%get3A_1488, %get3A_1489] : memref<1x8192xf32, #tpu.memory_space<vmem>>, vector<1x128xf32>
    %add3A_1491 = vector.broadcast %get3A_1490 : vector<1x128xf32> to vector<512x128xf32>
    %add3A_1492 = arith.addf %add3A_1487, %add3A_1491 : vector<512x128xf32>
    %lt3A_1493 = arith.cmpf olt, %add3A_1492, %select_n3A_1481 : vector<512x128xf32>
    %select_n3A_1494 = arith.select %lt3A_1493, %add3A_1492, %select_n3A_1481 : vector<512x128xi1>, vector<512x128xf32>
    %jit3A_1495 = arith.constant 4.700000e+01 : f32
    %broadcast_in_dim3A_1496 = vector.broadcast %jit3A_1495 : f32 to vector<512x128xf32>
    %select_n3A_1497 = arith.select %lt3A_1493, %broadcast_in_dim3A_1496, %select_n3A_1484 : vector<512x128xi1>, vector<512x128xf32>
    %slice3A_1498 = vector.extract_strided_slice %dot_general3A_869 {offsets = [0, 6144], sizes = [512, 128], strides = [1, 1]} : vector<512x8192xf32> to vector<512x128xf32>
    %add3A_1499 = vector.broadcast %broadcast_in_dim3A_876 : vector<512x1xf32> to vector<512x128xf32>
    %add3A_1500 = arith.addf %add3A_1499, %slice3A_1498 : vector<512x128xf32>
    %get3A_1501 = arith.constant 0 : index
    %get3A_1502 = arith.constant 6144 : index
    %get3A_1503 = vector.load %arg4[%get3A_1501, %get3A_1502] : memref<1x8192xf32, #tpu.memory_space<vmem>>, vector<1x128xf32>
    %add3A_1504 = vector.broadcast %get3A_1503 : vector<1x128xf32> to vector<512x128xf32>
    %add3A_1505 = arith.addf %add3A_1500, %add3A_1504 : vector<512x128xf32>
    %lt3A_1506 = arith.cmpf olt, %add3A_1505, %select_n3A_1494 : vector<512x128xf32>
    %select_n3A_1507 = arith.select %lt3A_1506, %add3A_1505, %select_n3A_1494 : vector<512x128xi1>, vector<512x128xf32>
    %jit3A_1508 = arith.constant 4.800000e+01 : f32
    %broadcast_in_dim3A_1509 = vector.broadcast %jit3A_1508 : f32 to vector<512x128xf32>
    %select_n3A_1510 = arith.select %lt3A_1506, %broadcast_in_dim3A_1509, %select_n3A_1497 : vector<512x128xi1>, vector<512x128xf32>
    %slice3A_1511 = vector.extract_strided_slice %dot_general3A_869 {offsets = [0, 6272], sizes = [512, 128], strides = [1, 1]} : vector<512x8192xf32> to vector<512x128xf32>
    %add3A_1512 = vector.broadcast %broadcast_in_dim3A_876 : vector<512x1xf32> to vector<512x128xf32>
    %add3A_1513 = arith.addf %add3A_1512, %slice3A_1511 : vector<512x128xf32>
    %get3A_1514 = arith.constant 0 : index
    %get3A_1515 = arith.constant 6272 : index
    %get3A_1516 = vector.load %arg4[%get3A_1514, %get3A_1515] : memref<1x8192xf32, #tpu.memory_space<vmem>>, vector<1x128xf32>
    %add3A_1517 = vector.broadcast %get3A_1516 : vector<1x128xf32> to vector<512x128xf32>
    %add3A_1518 = arith.addf %add3A_1513, %add3A_1517 : vector<512x128xf32>
    %lt3A_1519 = arith.cmpf olt, %add3A_1518, %select_n3A_1507 : vector<512x128xf32>
    %select_n3A_1520 = arith.select %lt3A_1519, %add3A_1518, %select_n3A_1507 : vector<512x128xi1>, vector<512x128xf32>
    %jit3A_1521 = arith.constant 4.900000e+01 : f32
    %broadcast_in_dim3A_1522 = vector.broadcast %jit3A_1521 : f32 to vector<512x128xf32>
    %select_n3A_1523 = arith.select %lt3A_1519, %broadcast_in_dim3A_1522, %select_n3A_1510 : vector<512x128xi1>, vector<512x128xf32>
    %slice3A_1524 = vector.extract_strided_slice %dot_general3A_869 {offsets = [0, 6400], sizes = [512, 128], strides = [1, 1]} : vector<512x8192xf32> to vector<512x128xf32>
    %add3A_1525 = vector.broadcast %broadcast_in_dim3A_876 : vector<512x1xf32> to vector<512x128xf32>
    %add3A_1526 = arith.addf %add3A_1525, %slice3A_1524 : vector<512x128xf32>
    %get3A_1527 = arith.constant 0 : index
    %get3A_1528 = arith.constant 6400 : index
    %get3A_1529 = vector.load %arg4[%get3A_1527, %get3A_1528] : memref<1x8192xf32, #tpu.memory_space<vmem>>, vector<1x128xf32>
    %add3A_1530 = vector.broadcast %get3A_1529 : vector<1x128xf32> to vector<512x128xf32>
    %add3A_1531 = arith.addf %add3A_1526, %add3A_1530 : vector<512x128xf32>
    %lt3A_1532 = arith.cmpf olt, %add3A_1531, %select_n3A_1520 : vector<512x128xf32>
    %select_n3A_1533 = arith.select %lt3A_1532, %add3A_1531, %select_n3A_1520 : vector<512x128xi1>, vector<512x128xf32>
    %jit3A_1534 = arith.constant 5.000000e+01 : f32
    %broadcast_in_dim3A_1535 = vector.broadcast %jit3A_1534 : f32 to vector<512x128xf32>
    %select_n3A_1536 = arith.select %lt3A_1532, %broadcast_in_dim3A_1535, %select_n3A_1523 : vector<512x128xi1>, vector<512x128xf32>
    %slice3A_1537 = vector.extract_strided_slice %dot_general3A_869 {offsets = [0, 6528], sizes = [512, 128], strides = [1, 1]} : vector<512x8192xf32> to vector<512x128xf32>
    %add3A_1538 = vector.broadcast %broadcast_in_dim3A_876 : vector<512x1xf32> to vector<512x128xf32>
    %add3A_1539 = arith.addf %add3A_1538, %slice3A_1537 : vector<512x128xf32>
    %get3A_1540 = arith.constant 0 : index
    %get3A_1541 = arith.constant 6528 : index
    %get3A_1542 = vector.load %arg4[%get3A_1540, %get3A_1541] : memref<1x8192xf32, #tpu.memory_space<vmem>>, vector<1x128xf32>
    %add3A_1543 = vector.broadcast %get3A_1542 : vector<1x128xf32> to vector<512x128xf32>
    %add3A_1544 = arith.addf %add3A_1539, %add3A_1543 : vector<512x128xf32>
    %lt3A_1545 = arith.cmpf olt, %add3A_1544, %select_n3A_1533 : vector<512x128xf32>
    %select_n3A_1546 = arith.select %lt3A_1545, %add3A_1544, %select_n3A_1533 : vector<512x128xi1>, vector<512x128xf32>
    %jit3A_1547 = arith.constant 5.100000e+01 : f32
    %broadcast_in_dim3A_1548 = vector.broadcast %jit3A_1547 : f32 to vector<512x128xf32>
    %select_n3A_1549 = arith.select %lt3A_1545, %broadcast_in_dim3A_1548, %select_n3A_1536 : vector<512x128xi1>, vector<512x128xf32>
    %slice3A_1550 = vector.extract_strided_slice %dot_general3A_869 {offsets = [0, 6656], sizes = [512, 128], strides = [1, 1]} : vector<512x8192xf32> to vector<512x128xf32>
    %add3A_1551 = vector.broadcast %broadcast_in_dim3A_876 : vector<512x1xf32> to vector<512x128xf32>
    %add3A_1552 = arith.addf %add3A_1551, %slice3A_1550 : vector<512x128xf32>
    %get3A_1553 = arith.constant 0 : index
    %get3A_1554 = arith.constant 6656 : index
    %get3A_1555 = vector.load %arg4[%get3A_1553, %get3A_1554] : memref<1x8192xf32, #tpu.memory_space<vmem>>, vector<1x128xf32>
    %add3A_1556 = vector.broadcast %get3A_1555 : vector<1x128xf32> to vector<512x128xf32>
    %add3A_1557 = arith.addf %add3A_1552, %add3A_1556 : vector<512x128xf32>
    %lt3A_1558 = arith.cmpf olt, %add3A_1557, %select_n3A_1546 : vector<512x128xf32>
    %select_n3A_1559 = arith.select %lt3A_1558, %add3A_1557, %select_n3A_1546 : vector<512x128xi1>, vector<512x128xf32>
    %jit3A_1560 = arith.constant 5.200000e+01 : f32
    %broadcast_in_dim3A_1561 = vector.broadcast %jit3A_1560 : f32 to vector<512x128xf32>
    %select_n3A_1562 = arith.select %lt3A_1558, %broadcast_in_dim3A_1561, %select_n3A_1549 : vector<512x128xi1>, vector<512x128xf32>
    %slice3A_1563 = vector.extract_strided_slice %dot_general3A_869 {offsets = [0, 6784], sizes = [512, 128], strides = [1, 1]} : vector<512x8192xf32> to vector<512x128xf32>
    %add3A_1564 = vector.broadcast %broadcast_in_dim3A_876 : vector<512x1xf32> to vector<512x128xf32>
    %add3A_1565 = arith.addf %add3A_1564, %slice3A_1563 : vector<512x128xf32>
    %get3A_1566 = arith.constant 0 : index
    %get3A_1567 = arith.constant 6784 : index
    %get3A_1568 = vector.load %arg4[%get3A_1566, %get3A_1567] : memref<1x8192xf32, #tpu.memory_space<vmem>>, vector<1x128xf32>
    %add3A_1569 = vector.broadcast %get3A_1568 : vector<1x128xf32> to vector<512x128xf32>
    %add3A_1570 = arith.addf %add3A_1565, %add3A_1569 : vector<512x128xf32>
    %lt3A_1571 = arith.cmpf olt, %add3A_1570, %select_n3A_1559 : vector<512x128xf32>
    %select_n3A_1572 = arith.select %lt3A_1571, %add3A_1570, %select_n3A_1559 : vector<512x128xi1>, vector<512x128xf32>
    %jit3A_1573 = arith.constant 5.300000e+01 : f32
    %broadcast_in_dim3A_1574 = vector.broadcast %jit3A_1573 : f32 to vector<512x128xf32>
    %select_n3A_1575 = arith.select %lt3A_1571, %broadcast_in_dim3A_1574, %select_n3A_1562 : vector<512x128xi1>, vector<512x128xf32>
    %slice3A_1576 = vector.extract_strided_slice %dot_general3A_869 {offsets = [0, 6912], sizes = [512, 128], strides = [1, 1]} : vector<512x8192xf32> to vector<512x128xf32>
    %add3A_1577 = vector.broadcast %broadcast_in_dim3A_876 : vector<512x1xf32> to vector<512x128xf32>
    %add3A_1578 = arith.addf %add3A_1577, %slice3A_1576 : vector<512x128xf32>
    %get3A_1579 = arith.constant 0 : index
    %get3A_1580 = arith.constant 6912 : index
    %get3A_1581 = vector.load %arg4[%get3A_1579, %get3A_1580] : memref<1x8192xf32, #tpu.memory_space<vmem>>, vector<1x128xf32>
    %add3A_1582 = vector.broadcast %get3A_1581 : vector<1x128xf32> to vector<512x128xf32>
    %add3A_1583 = arith.addf %add3A_1578, %add3A_1582 : vector<512x128xf32>
    %lt3A_1584 = arith.cmpf olt, %add3A_1583, %select_n3A_1572 : vector<512x128xf32>
    %select_n3A_1585 = arith.select %lt3A_1584, %add3A_1583, %select_n3A_1572 : vector<512x128xi1>, vector<512x128xf32>
    %jit3A_1586 = arith.constant 5.400000e+01 : f32
    %broadcast_in_dim3A_1587 = vector.broadcast %jit3A_1586 : f32 to vector<512x128xf32>
    %select_n3A_1588 = arith.select %lt3A_1584, %broadcast_in_dim3A_1587, %select_n3A_1575 : vector<512x128xi1>, vector<512x128xf32>
    %slice3A_1589 = vector.extract_strided_slice %dot_general3A_869 {offsets = [0, 7040], sizes = [512, 128], strides = [1, 1]} : vector<512x8192xf32> to vector<512x128xf32>
    %add3A_1590 = vector.broadcast %broadcast_in_dim3A_876 : vector<512x1xf32> to vector<512x128xf32>
    %add3A_1591 = arith.addf %add3A_1590, %slice3A_1589 : vector<512x128xf32>
    %get3A_1592 = arith.constant 0 : index
    %get3A_1593 = arith.constant 7040 : index
    %get3A_1594 = vector.load %arg4[%get3A_1592, %get3A_1593] : memref<1x8192xf32, #tpu.memory_space<vmem>>, vector<1x128xf32>
    %add3A_1595 = vector.broadcast %get3A_1594 : vector<1x128xf32> to vector<512x128xf32>
    %add3A_1596 = arith.addf %add3A_1591, %add3A_1595 : vector<512x128xf32>
    %lt3A_1597 = arith.cmpf olt, %add3A_1596, %select_n3A_1585 : vector<512x128xf32>
    %select_n3A_1598 = arith.select %lt3A_1597, %add3A_1596, %select_n3A_1585 : vector<512x128xi1>, vector<512x128xf32>
    %jit3A_1599 = arith.constant 5.500000e+01 : f32
    %broadcast_in_dim3A_1600 = vector.broadcast %jit3A_1599 : f32 to vector<512x128xf32>
    %select_n3A_1601 = arith.select %lt3A_1597, %broadcast_in_dim3A_1600, %select_n3A_1588 : vector<512x128xi1>, vector<512x128xf32>
    %slice3A_1602 = vector.extract_strided_slice %dot_general3A_869 {offsets = [0, 7168], sizes = [512, 128], strides = [1, 1]} : vector<512x8192xf32> to vector<512x128xf32>
    %add3A_1603 = vector.broadcast %broadcast_in_dim3A_876 : vector<512x1xf32> to vector<512x128xf32>
    %add3A_1604 = arith.addf %add3A_1603, %slice3A_1602 : vector<512x128xf32>
    %get3A_1605 = arith.constant 0 : index
    %get3A_1606 = arith.constant 7168 : index
    %get3A_1607 = vector.load %arg4[%get3A_1605, %get3A_1606] : memref<1x8192xf32, #tpu.memory_space<vmem>>, vector<1x128xf32>
    %add3A_1608 = vector.broadcast %get3A_1607 : vector<1x128xf32> to vector<512x128xf32>
    %add3A_1609 = arith.addf %add3A_1604, %add3A_1608 : vector<512x128xf32>
    %lt3A_1610 = arith.cmpf olt, %add3A_1609, %select_n3A_1598 : vector<512x128xf32>
    %select_n3A_1611 = arith.select %lt3A_1610, %add3A_1609, %select_n3A_1598 : vector<512x128xi1>, vector<512x128xf32>
    %jit3A_1612 = arith.constant 5.600000e+01 : f32
    %broadcast_in_dim3A_1613 = vector.broadcast %jit3A_1612 : f32 to vector<512x128xf32>
    %select_n3A_1614 = arith.select %lt3A_1610, %broadcast_in_dim3A_1613, %select_n3A_1601 : vector<512x128xi1>, vector<512x128xf32>
    %slice3A_1615 = vector.extract_strided_slice %dot_general3A_869 {offsets = [0, 7296], sizes = [512, 128], strides = [1, 1]} : vector<512x8192xf32> to vector<512x128xf32>
    %add3A_1616 = vector.broadcast %broadcast_in_dim3A_876 : vector<512x1xf32> to vector<512x128xf32>
    %add3A_1617 = arith.addf %add3A_1616, %slice3A_1615 : vector<512x128xf32>
    %get3A_1618 = arith.constant 0 : index
    %get3A_1619 = arith.constant 7296 : index
    %get3A_1620 = vector.load %arg4[%get3A_1618, %get3A_1619] : memref<1x8192xf32, #tpu.memory_space<vmem>>, vector<1x128xf32>
    %add3A_1621 = vector.broadcast %get3A_1620 : vector<1x128xf32> to vector<512x128xf32>
    %add3A_1622 = arith.addf %add3A_1617, %add3A_1621 : vector<512x128xf32>
    %lt3A_1623 = arith.cmpf olt, %add3A_1622, %select_n3A_1611 : vector<512x128xf32>
    %select_n3A_1624 = arith.select %lt3A_1623, %add3A_1622, %select_n3A_1611 : vector<512x128xi1>, vector<512x128xf32>
    %jit3A_1625 = arith.constant 5.700000e+01 : f32
    %broadcast_in_dim3A_1626 = vector.broadcast %jit3A_1625 : f32 to vector<512x128xf32>
    %select_n3A_1627 = arith.select %lt3A_1623, %broadcast_in_dim3A_1626, %select_n3A_1614 : vector<512x128xi1>, vector<512x128xf32>
    %slice3A_1628 = vector.extract_strided_slice %dot_general3A_869 {offsets = [0, 7424], sizes = [512, 128], strides = [1, 1]} : vector<512x8192xf32> to vector<512x128xf32>
    %add3A_1629 = vector.broadcast %broadcast_in_dim3A_876 : vector<512x1xf32> to vector<512x128xf32>
    %add3A_1630 = arith.addf %add3A_1629, %slice3A_1628 : vector<512x128xf32>
    %get3A_1631 = arith.constant 0 : index
    %get3A_1632 = arith.constant 7424 : index
    %get3A_1633 = vector.load %arg4[%get3A_1631, %get3A_1632] : memref<1x8192xf32, #tpu.memory_space<vmem>>, vector<1x128xf32>
    %add3A_1634 = vector.broadcast %get3A_1633 : vector<1x128xf32> to vector<512x128xf32>
    %add3A_1635 = arith.addf %add3A_1630, %add3A_1634 : vector<512x128xf32>
    %lt3A_1636 = arith.cmpf olt, %add3A_1635, %select_n3A_1624 : vector<512x128xf32>
    %select_n3A_1637 = arith.select %lt3A_1636, %add3A_1635, %select_n3A_1624 : vector<512x128xi1>, vector<512x128xf32>
    %jit3A_1638 = arith.constant 5.800000e+01 : f32
    %broadcast_in_dim3A_1639 = vector.broadcast %jit3A_1638 : f32 to vector<512x128xf32>
    %select_n3A_1640 = arith.select %lt3A_1636, %broadcast_in_dim3A_1639, %select_n3A_1627 : vector<512x128xi1>, vector<512x128xf32>
    %slice3A_1641 = vector.extract_strided_slice %dot_general3A_869 {offsets = [0, 7552], sizes = [512, 128], strides = [1, 1]} : vector<512x8192xf32> to vector<512x128xf32>
    %add3A_1642 = vector.broadcast %broadcast_in_dim3A_876 : vector<512x1xf32> to vector<512x128xf32>
    %add3A_1643 = arith.addf %add3A_1642, %slice3A_1641 : vector<512x128xf32>
    %get3A_1644 = arith.constant 0 : index
    %get3A_1645 = arith.constant 7552 : index
    %get3A_1646 = vector.load %arg4[%get3A_1644, %get3A_1645] : memref<1x8192xf32, #tpu.memory_space<vmem>>, vector<1x128xf32>
    %add3A_1647 = vector.broadcast %get3A_1646 : vector<1x128xf32> to vector<512x128xf32>
    %add3A_1648 = arith.addf %add3A_1643, %add3A_1647 : vector<512x128xf32>
    %lt3A_1649 = arith.cmpf olt, %add3A_1648, %select_n3A_1637 : vector<512x128xf32>
    %select_n3A_1650 = arith.select %lt3A_1649, %add3A_1648, %select_n3A_1637 : vector<512x128xi1>, vector<512x128xf32>
    %jit3A_1651 = arith.constant 5.900000e+01 : f32
    %broadcast_in_dim3A_1652 = vector.broadcast %jit3A_1651 : f32 to vector<512x128xf32>
    %select_n3A_1653 = arith.select %lt3A_1649, %broadcast_in_dim3A_1652, %select_n3A_1640 : vector<512x128xi1>, vector<512x128xf32>
    %slice3A_1654 = vector.extract_strided_slice %dot_general3A_869 {offsets = [0, 7680], sizes = [512, 128], strides = [1, 1]} : vector<512x8192xf32> to vector<512x128xf32>
    %add3A_1655 = vector.broadcast %broadcast_in_dim3A_876 : vector<512x1xf32> to vector<512x128xf32>
    %add3A_1656 = arith.addf %add3A_1655, %slice3A_1654 : vector<512x128xf32>
    %get3A_1657 = arith.constant 0 : index
    %get3A_1658 = arith.constant 7680 : index
    %get3A_1659 = vector.load %arg4[%get3A_1657, %get3A_1658] : memref<1x8192xf32, #tpu.memory_space<vmem>>, vector<1x128xf32>
    %add3A_1660 = vector.broadcast %get3A_1659 : vector<1x128xf32> to vector<512x128xf32>
    %add3A_1661 = arith.addf %add3A_1656, %add3A_1660 : vector<512x128xf32>
    %lt3A_1662 = arith.cmpf olt, %add3A_1661, %select_n3A_1650 : vector<512x128xf32>
    %select_n3A_1663 = arith.select %lt3A_1662, %add3A_1661, %select_n3A_1650 : vector<512x128xi1>, vector<512x128xf32>
    %jit3A_1664 = arith.constant 6.000000e+01 : f32
    %broadcast_in_dim3A_1665 = vector.broadcast %jit3A_1664 : f32 to vector<512x128xf32>
    %select_n3A_1666 = arith.select %lt3A_1662, %broadcast_in_dim3A_1665, %select_n3A_1653 : vector<512x128xi1>, vector<512x128xf32>
    %slice3A_1667 = vector.extract_strided_slice %dot_general3A_869 {offsets = [0, 7808], sizes = [512, 128], strides = [1, 1]} : vector<512x8192xf32> to vector<512x128xf32>
    %add3A_1668 = vector.broadcast %broadcast_in_dim3A_876 : vector<512x1xf32> to vector<512x128xf32>
    %add3A_1669 = arith.addf %add3A_1668, %slice3A_1667 : vector<512x128xf32>
    %get3A_1670 = arith.constant 0 : index
    %get3A_1671 = arith.constant 7808 : index
    %get3A_1672 = vector.load %arg4[%get3A_1670, %get3A_1671] : memref<1x8192xf32, #tpu.memory_space<vmem>>, vector<1x128xf32>
    %add3A_1673 = vector.broadcast %get3A_1672 : vector<1x128xf32> to vector<512x128xf32>
    %add3A_1674 = arith.addf %add3A_1669, %add3A_1673 : vector<512x128xf32>
    %lt3A_1675 = arith.cmpf olt, %add3A_1674, %select_n3A_1663 : vector<512x128xf32>
    %select_n3A_1676 = arith.select %lt3A_1675, %add3A_1674, %select_n3A_1663 : vector<512x128xi1>, vector<512x128xf32>
    %jit3A_1677 = arith.constant 6.100000e+01 : f32
    %broadcast_in_dim3A_1678 = vector.broadcast %jit3A_1677 : f32 to vector<512x128xf32>
    %select_n3A_1679 = arith.select %lt3A_1675, %broadcast_in_dim3A_1678, %select_n3A_1666 : vector<512x128xi1>, vector<512x128xf32>
    %slice3A_1680 = vector.extract_strided_slice %dot_general3A_869 {offsets = [0, 7936], sizes = [512, 128], strides = [1, 1]} : vector<512x8192xf32> to vector<512x128xf32>
    %add3A_1681 = vector.broadcast %broadcast_in_dim3A_876 : vector<512x1xf32> to vector<512x128xf32>
    %add3A_1682 = arith.addf %add3A_1681, %slice3A_1680 : vector<512x128xf32>
    %get3A_1683 = arith.constant 0 : index
    %get3A_1684 = arith.constant 7936 : index
    %get3A_1685 = vector.load %arg4[%get3A_1683, %get3A_1684] : memref<1x8192xf32, #tpu.memory_space<vmem>>, vector<1x128xf32>
    %add3A_1686 = vector.broadcast %get3A_1685 : vector<1x128xf32> to vector<512x128xf32>
    %add3A_1687 = arith.addf %add3A_1682, %add3A_1686 : vector<512x128xf32>
    %lt3A_1688 = arith.cmpf olt, %add3A_1687, %select_n3A_1676 : vector<512x128xf32>
    %select_n3A_1689 = arith.select %lt3A_1688, %add3A_1687, %select_n3A_1676 : vector<512x128xi1>, vector<512x128xf32>
    %jit3A_1690 = arith.constant 6.200000e+01 : f32
    %broadcast_in_dim3A_1691 = vector.broadcast %jit3A_1690 : f32 to vector<512x128xf32>
    %select_n3A_1692 = arith.select %lt3A_1688, %broadcast_in_dim3A_1691, %select_n3A_1679 : vector<512x128xi1>, vector<512x128xf32>
    %slice3A_1693 = vector.extract_strided_slice %dot_general3A_869 {offsets = [0, 8064], sizes = [512, 128], strides = [1, 1]} : vector<512x8192xf32> to vector<512x128xf32>
    %add3A_1694 = vector.broadcast %broadcast_in_dim3A_876 : vector<512x1xf32> to vector<512x128xf32>
    %add3A_1695 = arith.addf %add3A_1694, %slice3A_1693 : vector<512x128xf32>
    %get3A_1696 = arith.constant 0 : index
    %get3A_1697 = arith.constant 8064 : index
    %get3A_1698 = vector.load %arg4[%get3A_1696, %get3A_1697] : memref<1x8192xf32, #tpu.memory_space<vmem>>, vector<1x128xf32>
    %add3A_1699 = vector.broadcast %get3A_1698 : vector<1x128xf32> to vector<512x128xf32>
    %add3A_1700 = arith.addf %add3A_1695, %add3A_1699 : vector<512x128xf32>
    %lt3A_1701 = arith.cmpf olt, %add3A_1700, %select_n3A_1689 : vector<512x128xf32>
    %select_n3A_1702 = arith.select %lt3A_1701, %add3A_1700, %select_n3A_1689 : vector<512x128xi1>, vector<512x128xf32>
    %jit3A_1703 = arith.constant 6.300000e+01 : f32
    %broadcast_in_dim3A_1704 = vector.broadcast %jit3A_1703 : f32 to vector<512x128xf32>
    %select_n3A_1705 = arith.select %lt3A_1701, %broadcast_in_dim3A_1704, %select_n3A_1692 : vector<512x128xi1>, vector<512x128xf32>
    %reduce_min3A_1706 = arith.constant dense<0x7F800000> : vector<512xf32>
    %reduce_min3A_1707 = vector.multi_reduction <minimumf>, %select_n3A_1702, %reduce_min3A_1706 [1] : vector<512x128xf32> to vector<512xf32>
    %broadcast_in_dim3A_1708 = vector.shape_cast %reduce_min3A_1707 : vector<512xf32> to vector<512x1xf32>
    %mul3A_1709 = arith.constant 1.280000e+02 : f32
    %mul3A_1710 = vector.broadcast %mul3A_1709 : f32 to vector<512x128xf32>
    %mul3A_1711 = arith.mulf %select_n3A_1705, %mul3A_1710 : vector<512x128xf32>
    %get3A_1712 = arith.constant 0 : index
    %get3A_1713 = arith.constant 0 : index
    %get3A_1714 = vector.load %arg9[%get3A_1712, %get3A_1713] : memref<1x128xf32, #tpu.memory_space<vmem>>, vector<1x128xf32>
    %add3A_1715 = vector.broadcast %get3A_1714 : vector<1x128xf32> to vector<512x128xf32>
    %add3A_1716 = arith.addf %mul3A_1711, %add3A_1715 : vector<512x128xf32>
    %eq3A_1717 = vector.broadcast %broadcast_in_dim3A_1708 : vector<512x1xf32> to vector<512x128xf32>
    %eq3A_1718 = arith.cmpf oeq, %select_n3A_1702, %eq3A_1717 : vector<512x128xf32>
    %jit3A_1719 = arith.constant 8.192000e+03 : f32
    %broadcast_in_dim3A_1720 = vector.broadcast %jit3A_1719 : f32 to vector<512x128xf32>
    %select_n3A_1721 = arith.select %eq3A_1718, %add3A_1716, %broadcast_in_dim3A_1720 : vector<512x128xi1>, vector<512x128xf32>
    %reduce_min3A_1722 = arith.constant dense<0x7F800000> : vector<512xf32>
    %reduce_min3A_1723 = vector.multi_reduction <minimumf>, %select_n3A_1721, %reduce_min3A_1722 [1] : vector<512x128xf32> to vector<512xf32>
    %broadcast_in_dim3A_1724 = vector.shape_cast %reduce_min3A_1723 : vector<512xf32> to vector<512x1xf32>
    %get3A_1725 = arith.constant 1024 : index
    %get3A_1726 = arith.constant 0 : index
    %get3A_1727 = vector.load %arg2[%get3A_1725, %get3A_1726] : memref<2048x256xf32, #tpu.memory_space<vmem>>, vector<512x256xf32>
    %mul3A_1728 = arith.constant -2.000000e+00 : f32
    %mul3A_1729 = vector.broadcast %mul3A_1728 : f32 to vector<512x256xf32>
    %mul3A_1730 = arith.mulf %mul3A_1729, %get3A_1727 : vector<512x256xf32>
    %get3A_1731 = arith.constant 0 : index
    %get3A_1732 = arith.constant 0 : index
    %get3A_1733 = vector.load %arg3[%get3A_1731, %get3A_1732] : memref<8192x256xf32, #tpu.memory_space<vmem>>, vector<8192x256xf32>
    %dot_general3A_1734 = arith.constant dense<0.000000e+00> : vector<512x8192xf32>
    %dot_general3A_1735 = tpu.matmul %mul3A_1730, %get3A_1733, %dot_general3A_1734 {dimension_numbers = #tpu.dot_dimension_numbers<[1], [1], [0], [0], [0, 0, 1, 0], [], []>, transpose_lhs_hint = false} : vector<512x256xf32>, vector<8192x256xf32>, vector<512x8192xf32> -> vector<512x8192xf32>
    %get3A_1736 = arith.constant 1024 : index
    %get3A_1737 = arith.constant 0 : index
    %get3A_1738 = vector.load %arg2[%get3A_1736, %get3A_1737] : memref<2048x256xf32, #tpu.memory_space<vmem>>, vector<512x256xf32>
    %mul3A_1739 = arith.mulf %get3A_1738, %get3A_1738 : vector<512x256xf32>
    %reduce_sum3A_1740 = arith.constant dense<0.000000e+00> : vector<512xf32>
    %reduce_sum3A_1741 = vector.multi_reduction <add>, %mul3A_1739, %reduce_sum3A_1740 [1] : vector<512x256xf32> to vector<512xf32>
    %broadcast_in_dim3A_1742 = vector.shape_cast %reduce_sum3A_1741 : vector<512xf32> to vector<512x1xf32>
    %slice3A_1743 = vector.extract_strided_slice %dot_general3A_1735 {offsets = [0, 0], sizes = [512, 128], strides = [1, 1]} : vector<512x8192xf32> to vector<512x128xf32>
    %add3A_1744 = vector.broadcast %broadcast_in_dim3A_1742 : vector<512x1xf32> to vector<512x128xf32>
    %add3A_1745 = arith.addf %add3A_1744, %slice3A_1743 : vector<512x128xf32>
    %get3A_1746 = arith.constant 0 : index
    %get3A_1747 = arith.constant 0 : index
    %get3A_1748 = vector.load %arg4[%get3A_1746, %get3A_1747] : memref<1x8192xf32, #tpu.memory_space<vmem>>, vector<1x128xf32>
    %add3A_1749 = vector.broadcast %get3A_1748 : vector<1x128xf32> to vector<512x128xf32>
    %add3A_1750 = arith.addf %add3A_1745, %add3A_1749 : vector<512x128xf32>
    %broadcast_in_dim3A_1751 = arith.constant 0.000000e+00 : f32
    %broadcast_in_dim3A_1752 = vector.broadcast %broadcast_in_dim3A_1751 : f32 to vector<512x128xf32>
    %slice3A_1753 = vector.extract_strided_slice %dot_general3A_1735 {offsets = [0, 128], sizes = [512, 128], strides = [1, 1]} : vector<512x8192xf32> to vector<512x128xf32>
    %add3A_1754 = vector.broadcast %broadcast_in_dim3A_1742 : vector<512x1xf32> to vector<512x128xf32>
    %add3A_1755 = arith.addf %add3A_1754, %slice3A_1753 : vector<512x128xf32>
    %get3A_1756 = arith.constant 0 : index
    %get3A_1757 = arith.constant 128 : index
    %get3A_1758 = vector.load %arg4[%get3A_1756, %get3A_1757] : memref<1x8192xf32, #tpu.memory_space<vmem>>, vector<1x128xf32>
    %add3A_1759 = vector.broadcast %get3A_1758 : vector<1x128xf32> to vector<512x128xf32>
    %add3A_1760 = arith.addf %add3A_1755, %add3A_1759 : vector<512x128xf32>
    %lt3A_1761 = arith.cmpf olt, %add3A_1760, %add3A_1750 : vector<512x128xf32>
    %select_n3A_1762 = arith.select %lt3A_1761, %add3A_1760, %add3A_1750 : vector<512x128xi1>, vector<512x128xf32>
    %jit3A_1763 = arith.constant 1.000000e+00 : f32
    %broadcast_in_dim3A_1764 = vector.broadcast %jit3A_1763 : f32 to vector<512x128xf32>
    %select_n3A_1765 = arith.select %lt3A_1761, %broadcast_in_dim3A_1764, %broadcast_in_dim3A_1752 : vector<512x128xi1>, vector<512x128xf32>
    %slice3A_1766 = vector.extract_strided_slice %dot_general3A_1735 {offsets = [0, 256], sizes = [512, 128], strides = [1, 1]} : vector<512x8192xf32> to vector<512x128xf32>
    %add3A_1767 = vector.broadcast %broadcast_in_dim3A_1742 : vector<512x1xf32> to vector<512x128xf32>
    %add3A_1768 = arith.addf %add3A_1767, %slice3A_1766 : vector<512x128xf32>
    %get3A_1769 = arith.constant 0 : index
    %get3A_1770 = arith.constant 256 : index
    %get3A_1771 = vector.load %arg4[%get3A_1769, %get3A_1770] : memref<1x8192xf32, #tpu.memory_space<vmem>>, vector<1x128xf32>
    %add3A_1772 = vector.broadcast %get3A_1771 : vector<1x128xf32> to vector<512x128xf32>
    %add3A_1773 = arith.addf %add3A_1768, %add3A_1772 : vector<512x128xf32>
    %lt3A_1774 = arith.cmpf olt, %add3A_1773, %select_n3A_1762 : vector<512x128xf32>
    %select_n3A_1775 = arith.select %lt3A_1774, %add3A_1773, %select_n3A_1762 : vector<512x128xi1>, vector<512x128xf32>
    %jit3A_1776 = arith.constant 2.000000e+00 : f32
    %broadcast_in_dim3A_1777 = vector.broadcast %jit3A_1776 : f32 to vector<512x128xf32>
    %select_n3A_1778 = arith.select %lt3A_1774, %broadcast_in_dim3A_1777, %select_n3A_1765 : vector<512x128xi1>, vector<512x128xf32>
    %slice3A_1779 = vector.extract_strided_slice %dot_general3A_1735 {offsets = [0, 384], sizes = [512, 128], strides = [1, 1]} : vector<512x8192xf32> to vector<512x128xf32>
    %add3A_1780 = vector.broadcast %broadcast_in_dim3A_1742 : vector<512x1xf32> to vector<512x128xf32>
    %add3A_1781 = arith.addf %add3A_1780, %slice3A_1779 : vector<512x128xf32>
    %get3A_1782 = arith.constant 0 : index
    %get3A_1783 = arith.constant 384 : index
    %get3A_1784 = vector.load %arg4[%get3A_1782, %get3A_1783] : memref<1x8192xf32, #tpu.memory_space<vmem>>, vector<1x128xf32>
    %add3A_1785 = vector.broadcast %get3A_1784 : vector<1x128xf32> to vector<512x128xf32>
    %add3A_1786 = arith.addf %add3A_1781, %add3A_1785 : vector<512x128xf32>
    %lt3A_1787 = arith.cmpf olt, %add3A_1786, %select_n3A_1775 : vector<512x128xf32>
    %select_n3A_1788 = arith.select %lt3A_1787, %add3A_1786, %select_n3A_1775 : vector<512x128xi1>, vector<512x128xf32>
    %jit3A_1789 = arith.constant 3.000000e+00 : f32
    %broadcast_in_dim3A_1790 = vector.broadcast %jit3A_1789 : f32 to vector<512x128xf32>
    %select_n3A_1791 = arith.select %lt3A_1787, %broadcast_in_dim3A_1790, %select_n3A_1778 : vector<512x128xi1>, vector<512x128xf32>
    %slice3A_1792 = vector.extract_strided_slice %dot_general3A_1735 {offsets = [0, 512], sizes = [512, 128], strides = [1, 1]} : vector<512x8192xf32> to vector<512x128xf32>
    %add3A_1793 = vector.broadcast %broadcast_in_dim3A_1742 : vector<512x1xf32> to vector<512x128xf32>
    %add3A_1794 = arith.addf %add3A_1793, %slice3A_1792 : vector<512x128xf32>
    %get3A_1795 = arith.constant 0 : index
    %get3A_1796 = arith.constant 512 : index
    %get3A_1797 = vector.load %arg4[%get3A_1795, %get3A_1796] : memref<1x8192xf32, #tpu.memory_space<vmem>>, vector<1x128xf32>
    %add3A_1798 = vector.broadcast %get3A_1797 : vector<1x128xf32> to vector<512x128xf32>
    %add3A_1799 = arith.addf %add3A_1794, %add3A_1798 : vector<512x128xf32>
    %lt3A_1800 = arith.cmpf olt, %add3A_1799, %select_n3A_1788 : vector<512x128xf32>
    %select_n3A_1801 = arith.select %lt3A_1800, %add3A_1799, %select_n3A_1788 : vector<512x128xi1>, vector<512x128xf32>
    %jit3A_1802 = arith.constant 4.000000e+00 : f32
    %broadcast_in_dim3A_1803 = vector.broadcast %jit3A_1802 : f32 to vector<512x128xf32>
    %select_n3A_1804 = arith.select %lt3A_1800, %broadcast_in_dim3A_1803, %select_n3A_1791 : vector<512x128xi1>, vector<512x128xf32>
    %slice3A_1805 = vector.extract_strided_slice %dot_general3A_1735 {offsets = [0, 640], sizes = [512, 128], strides = [1, 1]} : vector<512x8192xf32> to vector<512x128xf32>
    %add3A_1806 = vector.broadcast %broadcast_in_dim3A_1742 : vector<512x1xf32> to vector<512x128xf32>
    %add3A_1807 = arith.addf %add3A_1806, %slice3A_1805 : vector<512x128xf32>
    %get3A_1808 = arith.constant 0 : index
    %get3A_1809 = arith.constant 640 : index
    %get3A_1810 = vector.load %arg4[%get3A_1808, %get3A_1809] : memref<1x8192xf32, #tpu.memory_space<vmem>>, vector<1x128xf32>
    %add3A_1811 = vector.broadcast %get3A_1810 : vector<1x128xf32> to vector<512x128xf32>
    %add3A_1812 = arith.addf %add3A_1807, %add3A_1811 : vector<512x128xf32>
    %lt3A_1813 = arith.cmpf olt, %add3A_1812, %select_n3A_1801 : vector<512x128xf32>
    %select_n3A_1814 = arith.select %lt3A_1813, %add3A_1812, %select_n3A_1801 : vector<512x128xi1>, vector<512x128xf32>
    %jit3A_1815 = arith.constant 5.000000e+00 : f32
    %broadcast_in_dim3A_1816 = vector.broadcast %jit3A_1815 : f32 to vector<512x128xf32>
    %select_n3A_1817 = arith.select %lt3A_1813, %broadcast_in_dim3A_1816, %select_n3A_1804 : vector<512x128xi1>, vector<512x128xf32>
    %slice3A_1818 = vector.extract_strided_slice %dot_general3A_1735 {offsets = [0, 768], sizes = [512, 128], strides = [1, 1]} : vector<512x8192xf32> to vector<512x128xf32>
    %add3A_1819 = vector.broadcast %broadcast_in_dim3A_1742 : vector<512x1xf32> to vector<512x128xf32>
    %add3A_1820 = arith.addf %add3A_1819, %slice3A_1818 : vector<512x128xf32>
    %get3A_1821 = arith.constant 0 : index
    %get3A_1822 = arith.constant 768 : index
    %get3A_1823 = vector.load %arg4[%get3A_1821, %get3A_1822] : memref<1x8192xf32, #tpu.memory_space<vmem>>, vector<1x128xf32>
    %add3A_1824 = vector.broadcast %get3A_1823 : vector<1x128xf32> to vector<512x128xf32>
    %add3A_1825 = arith.addf %add3A_1820, %add3A_1824 : vector<512x128xf32>
    %lt3A_1826 = arith.cmpf olt, %add3A_1825, %select_n3A_1814 : vector<512x128xf32>
    %select_n3A_1827 = arith.select %lt3A_1826, %add3A_1825, %select_n3A_1814 : vector<512x128xi1>, vector<512x128xf32>
    %jit3A_1828 = arith.constant 6.000000e+00 : f32
    %broadcast_in_dim3A_1829 = vector.broadcast %jit3A_1828 : f32 to vector<512x128xf32>
    %select_n3A_1830 = arith.select %lt3A_1826, %broadcast_in_dim3A_1829, %select_n3A_1817 : vector<512x128xi1>, vector<512x128xf32>
    %slice3A_1831 = vector.extract_strided_slice %dot_general3A_1735 {offsets = [0, 896], sizes = [512, 128], strides = [1, 1]} : vector<512x8192xf32> to vector<512x128xf32>
    %add3A_1832 = vector.broadcast %broadcast_in_dim3A_1742 : vector<512x1xf32> to vector<512x128xf32>
    %add3A_1833 = arith.addf %add3A_1832, %slice3A_1831 : vector<512x128xf32>
    %get3A_1834 = arith.constant 0 : index
    %get3A_1835 = arith.constant 896 : index
    %get3A_1836 = vector.load %arg4[%get3A_1834, %get3A_1835] : memref<1x8192xf32, #tpu.memory_space<vmem>>, vector<1x128xf32>
    %add3A_1837 = vector.broadcast %get3A_1836 : vector<1x128xf32> to vector<512x128xf32>
    %add3A_1838 = arith.addf %add3A_1833, %add3A_1837 : vector<512x128xf32>
    %lt3A_1839 = arith.cmpf olt, %add3A_1838, %select_n3A_1827 : vector<512x128xf32>
    %select_n3A_1840 = arith.select %lt3A_1839, %add3A_1838, %select_n3A_1827 : vector<512x128xi1>, vector<512x128xf32>
    %jit3A_1841 = arith.constant 7.000000e+00 : f32
    %broadcast_in_dim3A_1842 = vector.broadcast %jit3A_1841 : f32 to vector<512x128xf32>
    %select_n3A_1843 = arith.select %lt3A_1839, %broadcast_in_dim3A_1842, %select_n3A_1830 : vector<512x128xi1>, vector<512x128xf32>
    %slice3A_1844 = vector.extract_strided_slice %dot_general3A_1735 {offsets = [0, 1024], sizes = [512, 128], strides = [1, 1]} : vector<512x8192xf32> to vector<512x128xf32>
    %add3A_1845 = vector.broadcast %broadcast_in_dim3A_1742 : vector<512x1xf32> to vector<512x128xf32>
    %add3A_1846 = arith.addf %add3A_1845, %slice3A_1844 : vector<512x128xf32>
    %get3A_1847 = arith.constant 0 : index
    %get3A_1848 = arith.constant 1024 : index
    %get3A_1849 = vector.load %arg4[%get3A_1847, %get3A_1848] : memref<1x8192xf32, #tpu.memory_space<vmem>>, vector<1x128xf32>
    %add3A_1850 = vector.broadcast %get3A_1849 : vector<1x128xf32> to vector<512x128xf32>
    %add3A_1851 = arith.addf %add3A_1846, %add3A_1850 : vector<512x128xf32>
    %lt3A_1852 = arith.cmpf olt, %add3A_1851, %select_n3A_1840 : vector<512x128xf32>
    %select_n3A_1853 = arith.select %lt3A_1852, %add3A_1851, %select_n3A_1840 : vector<512x128xi1>, vector<512x128xf32>
    %jit3A_1854 = arith.constant 8.000000e+00 : f32
    %broadcast_in_dim3A_1855 = vector.broadcast %jit3A_1854 : f32 to vector<512x128xf32>
    %select_n3A_1856 = arith.select %lt3A_1852, %broadcast_in_dim3A_1855, %select_n3A_1843 : vector<512x128xi1>, vector<512x128xf32>
    %slice3A_1857 = vector.extract_strided_slice %dot_general3A_1735 {offsets = [0, 1152], sizes = [512, 128], strides = [1, 1]} : vector<512x8192xf32> to vector<512x128xf32>
    %add3A_1858 = vector.broadcast %broadcast_in_dim3A_1742 : vector<512x1xf32> to vector<512x128xf32>
    %add3A_1859 = arith.addf %add3A_1858, %slice3A_1857 : vector<512x128xf32>
    %get3A_1860 = arith.constant 0 : index
    %get3A_1861 = arith.constant 1152 : index
    %get3A_1862 = vector.load %arg4[%get3A_1860, %get3A_1861] : memref<1x8192xf32, #tpu.memory_space<vmem>>, vector<1x128xf32>
    %add3A_1863 = vector.broadcast %get3A_1862 : vector<1x128xf32> to vector<512x128xf32>
    %add3A_1864 = arith.addf %add3A_1859, %add3A_1863 : vector<512x128xf32>
    %lt3A_1865 = arith.cmpf olt, %add3A_1864, %select_n3A_1853 : vector<512x128xf32>
    %select_n3A_1866 = arith.select %lt3A_1865, %add3A_1864, %select_n3A_1853 : vector<512x128xi1>, vector<512x128xf32>
    %jit3A_1867 = arith.constant 9.000000e+00 : f32
    %broadcast_in_dim3A_1868 = vector.broadcast %jit3A_1867 : f32 to vector<512x128xf32>
    %select_n3A_1869 = arith.select %lt3A_1865, %broadcast_in_dim3A_1868, %select_n3A_1856 : vector<512x128xi1>, vector<512x128xf32>
    %slice3A_1870 = vector.extract_strided_slice %dot_general3A_1735 {offsets = [0, 1280], sizes = [512, 128], strides = [1, 1]} : vector<512x8192xf32> to vector<512x128xf32>
    %add3A_1871 = vector.broadcast %broadcast_in_dim3A_1742 : vector<512x1xf32> to vector<512x128xf32>
    %add3A_1872 = arith.addf %add3A_1871, %slice3A_1870 : vector<512x128xf32>
    %get3A_1873 = arith.constant 0 : index
    %get3A_1874 = arith.constant 1280 : index
    %get3A_1875 = vector.load %arg4[%get3A_1873, %get3A_1874] : memref<1x8192xf32, #tpu.memory_space<vmem>>, vector<1x128xf32>
    %add3A_1876 = vector.broadcast %get3A_1875 : vector<1x128xf32> to vector<512x128xf32>
    %add3A_1877 = arith.addf %add3A_1872, %add3A_1876 : vector<512x128xf32>
    %lt3A_1878 = arith.cmpf olt, %add3A_1877, %select_n3A_1866 : vector<512x128xf32>
    %select_n3A_1879 = arith.select %lt3A_1878, %add3A_1877, %select_n3A_1866 : vector<512x128xi1>, vector<512x128xf32>
    %jit3A_1880 = arith.constant 1.000000e+01 : f32
    %broadcast_in_dim3A_1881 = vector.broadcast %jit3A_1880 : f32 to vector<512x128xf32>
    %select_n3A_1882 = arith.select %lt3A_1878, %broadcast_in_dim3A_1881, %select_n3A_1869 : vector<512x128xi1>, vector<512x128xf32>
    %slice3A_1883 = vector.extract_strided_slice %dot_general3A_1735 {offsets = [0, 1408], sizes = [512, 128], strides = [1, 1]} : vector<512x8192xf32> to vector<512x128xf32>
    %add3A_1884 = vector.broadcast %broadcast_in_dim3A_1742 : vector<512x1xf32> to vector<512x128xf32>
    %add3A_1885 = arith.addf %add3A_1884, %slice3A_1883 : vector<512x128xf32>
    %get3A_1886 = arith.constant 0 : index
    %get3A_1887 = arith.constant 1408 : index
    %get3A_1888 = vector.load %arg4[%get3A_1886, %get3A_1887] : memref<1x8192xf32, #tpu.memory_space<vmem>>, vector<1x128xf32>
    %add3A_1889 = vector.broadcast %get3A_1888 : vector<1x128xf32> to vector<512x128xf32>
    %add3A_1890 = arith.addf %add3A_1885, %add3A_1889 : vector<512x128xf32>
    %lt3A_1891 = arith.cmpf olt, %add3A_1890, %select_n3A_1879 : vector<512x128xf32>
    %select_n3A_1892 = arith.select %lt3A_1891, %add3A_1890, %select_n3A_1879 : vector<512x128xi1>, vector<512x128xf32>
    %jit3A_1893 = arith.constant 1.100000e+01 : f32
    %broadcast_in_dim3A_1894 = vector.broadcast %jit3A_1893 : f32 to vector<512x128xf32>
    %select_n3A_1895 = arith.select %lt3A_1891, %broadcast_in_dim3A_1894, %select_n3A_1882 : vector<512x128xi1>, vector<512x128xf32>
    %slice3A_1896 = vector.extract_strided_slice %dot_general3A_1735 {offsets = [0, 1536], sizes = [512, 128], strides = [1, 1]} : vector<512x8192xf32> to vector<512x128xf32>
    %add3A_1897 = vector.broadcast %broadcast_in_dim3A_1742 : vector<512x1xf32> to vector<512x128xf32>
    %add3A_1898 = arith.addf %add3A_1897, %slice3A_1896 : vector<512x128xf32>
    %get3A_1899 = arith.constant 0 : index
    %get3A_1900 = arith.constant 1536 : index
    %get3A_1901 = vector.load %arg4[%get3A_1899, %get3A_1900] : memref<1x8192xf32, #tpu.memory_space<vmem>>, vector<1x128xf32>
    %add3A_1902 = vector.broadcast %get3A_1901 : vector<1x128xf32> to vector<512x128xf32>
    %add3A_1903 = arith.addf %add3A_1898, %add3A_1902 : vector<512x128xf32>
    %lt3A_1904 = arith.cmpf olt, %add3A_1903, %select_n3A_1892 : vector<512x128xf32>
    %select_n3A_1905 = arith.select %lt3A_1904, %add3A_1903, %select_n3A_1892 : vector<512x128xi1>, vector<512x128xf32>
    %jit3A_1906 = arith.constant 1.200000e+01 : f32
    %broadcast_in_dim3A_1907 = vector.broadcast %jit3A_1906 : f32 to vector<512x128xf32>
    %select_n3A_1908 = arith.select %lt3A_1904, %broadcast_in_dim3A_1907, %select_n3A_1895 : vector<512x128xi1>, vector<512x128xf32>
    %slice3A_1909 = vector.extract_strided_slice %dot_general3A_1735 {offsets = [0, 1664], sizes = [512, 128], strides = [1, 1]} : vector<512x8192xf32> to vector<512x128xf32>
    %add3A_1910 = vector.broadcast %broadcast_in_dim3A_1742 : vector<512x1xf32> to vector<512x128xf32>
    %add3A_1911 = arith.addf %add3A_1910, %slice3A_1909 : vector<512x128xf32>
    %get3A_1912 = arith.constant 0 : index
    %get3A_1913 = arith.constant 1664 : index
    %get3A_1914 = vector.load %arg4[%get3A_1912, %get3A_1913] : memref<1x8192xf32, #tpu.memory_space<vmem>>, vector<1x128xf32>
    %add3A_1915 = vector.broadcast %get3A_1914 : vector<1x128xf32> to vector<512x128xf32>
    %add3A_1916 = arith.addf %add3A_1911, %add3A_1915 : vector<512x128xf32>
    %lt3A_1917 = arith.cmpf olt, %add3A_1916, %select_n3A_1905 : vector<512x128xf32>
    %select_n3A_1918 = arith.select %lt3A_1917, %add3A_1916, %select_n3A_1905 : vector<512x128xi1>, vector<512x128xf32>
    %jit3A_1919 = arith.constant 1.300000e+01 : f32
    %broadcast_in_dim3A_1920 = vector.broadcast %jit3A_1919 : f32 to vector<512x128xf32>
    %select_n3A_1921 = arith.select %lt3A_1917, %broadcast_in_dim3A_1920, %select_n3A_1908 : vector<512x128xi1>, vector<512x128xf32>
    %slice3A_1922 = vector.extract_strided_slice %dot_general3A_1735 {offsets = [0, 1792], sizes = [512, 128], strides = [1, 1]} : vector<512x8192xf32> to vector<512x128xf32>
    %add3A_1923 = vector.broadcast %broadcast_in_dim3A_1742 : vector<512x1xf32> to vector<512x128xf32>
    %add3A_1924 = arith.addf %add3A_1923, %slice3A_1922 : vector<512x128xf32>
    %get3A_1925 = arith.constant 0 : index
    %get3A_1926 = arith.constant 1792 : index
    %get3A_1927 = vector.load %arg4[%get3A_1925, %get3A_1926] : memref<1x8192xf32, #tpu.memory_space<vmem>>, vector<1x128xf32>
    %add3A_1928 = vector.broadcast %get3A_1927 : vector<1x128xf32> to vector<512x128xf32>
    %add3A_1929 = arith.addf %add3A_1924, %add3A_1928 : vector<512x128xf32>
    %lt3A_1930 = arith.cmpf olt, %add3A_1929, %select_n3A_1918 : vector<512x128xf32>
    %select_n3A_1931 = arith.select %lt3A_1930, %add3A_1929, %select_n3A_1918 : vector<512x128xi1>, vector<512x128xf32>
    %jit3A_1932 = arith.constant 1.400000e+01 : f32
    %broadcast_in_dim3A_1933 = vector.broadcast %jit3A_1932 : f32 to vector<512x128xf32>
    %select_n3A_1934 = arith.select %lt3A_1930, %broadcast_in_dim3A_1933, %select_n3A_1921 : vector<512x128xi1>, vector<512x128xf32>
    %slice3A_1935 = vector.extract_strided_slice %dot_general3A_1735 {offsets = [0, 1920], sizes = [512, 128], strides = [1, 1]} : vector<512x8192xf32> to vector<512x128xf32>
    %add3A_1936 = vector.broadcast %broadcast_in_dim3A_1742 : vector<512x1xf32> to vector<512x128xf32>
    %add3A_1937 = arith.addf %add3A_1936, %slice3A_1935 : vector<512x128xf32>
    %get3A_1938 = arith.constant 0 : index
    %get3A_1939 = arith.constant 1920 : index
    %get3A_1940 = vector.load %arg4[%get3A_1938, %get3A_1939] : memref<1x8192xf32, #tpu.memory_space<vmem>>, vector<1x128xf32>
    %add3A_1941 = vector.broadcast %get3A_1940 : vector<1x128xf32> to vector<512x128xf32>
    %add3A_1942 = arith.addf %add3A_1937, %add3A_1941 : vector<512x128xf32>
    %lt3A_1943 = arith.cmpf olt, %add3A_1942, %select_n3A_1931 : vector<512x128xf32>
    %select_n3A_1944 = arith.select %lt3A_1943, %add3A_1942, %select_n3A_1931 : vector<512x128xi1>, vector<512x128xf32>
    %jit3A_1945 = arith.constant 1.500000e+01 : f32
    %broadcast_in_dim3A_1946 = vector.broadcast %jit3A_1945 : f32 to vector<512x128xf32>
    %select_n3A_1947 = arith.select %lt3A_1943, %broadcast_in_dim3A_1946, %select_n3A_1934 : vector<512x128xi1>, vector<512x128xf32>
    %slice3A_1948 = vector.extract_strided_slice %dot_general3A_1735 {offsets = [0, 2048], sizes = [512, 128], strides = [1, 1]} : vector<512x8192xf32> to vector<512x128xf32>
    %add3A_1949 = vector.broadcast %broadcast_in_dim3A_1742 : vector<512x1xf32> to vector<512x128xf32>
    %add3A_1950 = arith.addf %add3A_1949, %slice3A_1948 : vector<512x128xf32>
    %get3A_1951 = arith.constant 0 : index
    %get3A_1952 = arith.constant 2048 : index
    %get3A_1953 = vector.load %arg4[%get3A_1951, %get3A_1952] : memref<1x8192xf32, #tpu.memory_space<vmem>>, vector<1x128xf32>
    %add3A_1954 = vector.broadcast %get3A_1953 : vector<1x128xf32> to vector<512x128xf32>
    %add3A_1955 = arith.addf %add3A_1950, %add3A_1954 : vector<512x128xf32>
    %lt3A_1956 = arith.cmpf olt, %add3A_1955, %select_n3A_1944 : vector<512x128xf32>
    %select_n3A_1957 = arith.select %lt3A_1956, %add3A_1955, %select_n3A_1944 : vector<512x128xi1>, vector<512x128xf32>
    %jit3A_1958 = arith.constant 1.600000e+01 : f32
    %broadcast_in_dim3A_1959 = vector.broadcast %jit3A_1958 : f32 to vector<512x128xf32>
    %select_n3A_1960 = arith.select %lt3A_1956, %broadcast_in_dim3A_1959, %select_n3A_1947 : vector<512x128xi1>, vector<512x128xf32>
    %slice3A_1961 = vector.extract_strided_slice %dot_general3A_1735 {offsets = [0, 2176], sizes = [512, 128], strides = [1, 1]} : vector<512x8192xf32> to vector<512x128xf32>
    %add3A_1962 = vector.broadcast %broadcast_in_dim3A_1742 : vector<512x1xf32> to vector<512x128xf32>
    %add3A_1963 = arith.addf %add3A_1962, %slice3A_1961 : vector<512x128xf32>
    %get3A_1964 = arith.constant 0 : index
    %get3A_1965 = arith.constant 2176 : index
    %get3A_1966 = vector.load %arg4[%get3A_1964, %get3A_1965] : memref<1x8192xf32, #tpu.memory_space<vmem>>, vector<1x128xf32>
    %add3A_1967 = vector.broadcast %get3A_1966 : vector<1x128xf32> to vector<512x128xf32>
    %add3A_1968 = arith.addf %add3A_1963, %add3A_1967 : vector<512x128xf32>
    %lt3A_1969 = arith.cmpf olt, %add3A_1968, %select_n3A_1957 : vector<512x128xf32>
    %select_n3A_1970 = arith.select %lt3A_1969, %add3A_1968, %select_n3A_1957 : vector<512x128xi1>, vector<512x128xf32>
    %jit3A_1971 = arith.constant 1.700000e+01 : f32
    %broadcast_in_dim3A_1972 = vector.broadcast %jit3A_1971 : f32 to vector<512x128xf32>
    %select_n3A_1973 = arith.select %lt3A_1969, %broadcast_in_dim3A_1972, %select_n3A_1960 : vector<512x128xi1>, vector<512x128xf32>
    %slice3A_1974 = vector.extract_strided_slice %dot_general3A_1735 {offsets = [0, 2304], sizes = [512, 128], strides = [1, 1]} : vector<512x8192xf32> to vector<512x128xf32>
    %add3A_1975 = vector.broadcast %broadcast_in_dim3A_1742 : vector<512x1xf32> to vector<512x128xf32>
    %add3A_1976 = arith.addf %add3A_1975, %slice3A_1974 : vector<512x128xf32>
    %get3A_1977 = arith.constant 0 : index
    %get3A_1978 = arith.constant 2304 : index
    %get3A_1979 = vector.load %arg4[%get3A_1977, %get3A_1978] : memref<1x8192xf32, #tpu.memory_space<vmem>>, vector<1x128xf32>
    %add3A_1980 = vector.broadcast %get3A_1979 : vector<1x128xf32> to vector<512x128xf32>
    %add3A_1981 = arith.addf %add3A_1976, %add3A_1980 : vector<512x128xf32>
    %lt3A_1982 = arith.cmpf olt, %add3A_1981, %select_n3A_1970 : vector<512x128xf32>
    %select_n3A_1983 = arith.select %lt3A_1982, %add3A_1981, %select_n3A_1970 : vector<512x128xi1>, vector<512x128xf32>
    %jit3A_1984 = arith.constant 1.800000e+01 : f32
    %broadcast_in_dim3A_1985 = vector.broadcast %jit3A_1984 : f32 to vector<512x128xf32>
    %select_n3A_1986 = arith.select %lt3A_1982, %broadcast_in_dim3A_1985, %select_n3A_1973 : vector<512x128xi1>, vector<512x128xf32>
    %slice3A_1987 = vector.extract_strided_slice %dot_general3A_1735 {offsets = [0, 2432], sizes = [512, 128], strides = [1, 1]} : vector<512x8192xf32> to vector<512x128xf32>
    %add3A_1988 = vector.broadcast %broadcast_in_dim3A_1742 : vector<512x1xf32> to vector<512x128xf32>
    %add3A_1989 = arith.addf %add3A_1988, %slice3A_1987 : vector<512x128xf32>
    %get3A_1990 = arith.constant 0 : index
    %get3A_1991 = arith.constant 2432 : index
    %get3A_1992 = vector.load %arg4[%get3A_1990, %get3A_1991] : memref<1x8192xf32, #tpu.memory_space<vmem>>, vector<1x128xf32>
    %add3A_1993 = vector.broadcast %get3A_1992 : vector<1x128xf32> to vector<512x128xf32>
    %add3A_1994 = arith.addf %add3A_1989, %add3A_1993 : vector<512x128xf32>
    %lt3A_1995 = arith.cmpf olt, %add3A_1994, %select_n3A_1983 : vector<512x128xf32>
    %select_n3A_1996 = arith.select %lt3A_1995, %add3A_1994, %select_n3A_1983 : vector<512x128xi1>, vector<512x128xf32>
    %jit3A_1997 = arith.constant 1.900000e+01 : f32
    %broadcast_in_dim3A_1998 = vector.broadcast %jit3A_1997 : f32 to vector<512x128xf32>
    %select_n3A_1999 = arith.select %lt3A_1995, %broadcast_in_dim3A_1998, %select_n3A_1986 : vector<512x128xi1>, vector<512x128xf32>
    %slice3A_2000 = vector.extract_strided_slice %dot_general3A_1735 {offsets = [0, 2560], sizes = [512, 128], strides = [1, 1]} : vector<512x8192xf32> to vector<512x128xf32>
    %add3A_2001 = vector.broadcast %broadcast_in_dim3A_1742 : vector<512x1xf32> to vector<512x128xf32>
    %add3A_2002 = arith.addf %add3A_2001, %slice3A_2000 : vector<512x128xf32>
    %get3A_2003 = arith.constant 0 : index
    %get3A_2004 = arith.constant 2560 : index
    %get3A_2005 = vector.load %arg4[%get3A_2003, %get3A_2004] : memref<1x8192xf32, #tpu.memory_space<vmem>>, vector<1x128xf32>
    %add3A_2006 = vector.broadcast %get3A_2005 : vector<1x128xf32> to vector<512x128xf32>
    %add3A_2007 = arith.addf %add3A_2002, %add3A_2006 : vector<512x128xf32>
    %lt3A_2008 = arith.cmpf olt, %add3A_2007, %select_n3A_1996 : vector<512x128xf32>
    %select_n3A_2009 = arith.select %lt3A_2008, %add3A_2007, %select_n3A_1996 : vector<512x128xi1>, vector<512x128xf32>
    %jit3A_2010 = arith.constant 2.000000e+01 : f32
    %broadcast_in_dim3A_2011 = vector.broadcast %jit3A_2010 : f32 to vector<512x128xf32>
    %select_n3A_2012 = arith.select %lt3A_2008, %broadcast_in_dim3A_2011, %select_n3A_1999 : vector<512x128xi1>, vector<512x128xf32>
    %slice3A_2013 = vector.extract_strided_slice %dot_general3A_1735 {offsets = [0, 2688], sizes = [512, 128], strides = [1, 1]} : vector<512x8192xf32> to vector<512x128xf32>
    %add3A_2014 = vector.broadcast %broadcast_in_dim3A_1742 : vector<512x1xf32> to vector<512x128xf32>
    %add3A_2015 = arith.addf %add3A_2014, %slice3A_2013 : vector<512x128xf32>
    %get3A_2016 = arith.constant 0 : index
    %get3A_2017 = arith.constant 2688 : index
    %get3A_2018 = vector.load %arg4[%get3A_2016, %get3A_2017] : memref<1x8192xf32, #tpu.memory_space<vmem>>, vector<1x128xf32>
    %add3A_2019 = vector.broadcast %get3A_2018 : vector<1x128xf32> to vector<512x128xf32>
    %add3A_2020 = arith.addf %add3A_2015, %add3A_2019 : vector<512x128xf32>
    %lt3A_2021 = arith.cmpf olt, %add3A_2020, %select_n3A_2009 : vector<512x128xf32>
    %select_n3A_2022 = arith.select %lt3A_2021, %add3A_2020, %select_n3A_2009 : vector<512x128xi1>, vector<512x128xf32>
    %jit3A_2023 = arith.constant 2.100000e+01 : f32
    %broadcast_in_dim3A_2024 = vector.broadcast %jit3A_2023 : f32 to vector<512x128xf32>
    %select_n3A_2025 = arith.select %lt3A_2021, %broadcast_in_dim3A_2024, %select_n3A_2012 : vector<512x128xi1>, vector<512x128xf32>
    %slice3A_2026 = vector.extract_strided_slice %dot_general3A_1735 {offsets = [0, 2816], sizes = [512, 128], strides = [1, 1]} : vector<512x8192xf32> to vector<512x128xf32>
    %add3A_2027 = vector.broadcast %broadcast_in_dim3A_1742 : vector<512x1xf32> to vector<512x128xf32>
    %add3A_2028 = arith.addf %add3A_2027, %slice3A_2026 : vector<512x128xf32>
    %get3A_2029 = arith.constant 0 : index
    %get3A_2030 = arith.constant 2816 : index
    %get3A_2031 = vector.load %arg4[%get3A_2029, %get3A_2030] : memref<1x8192xf32, #tpu.memory_space<vmem>>, vector<1x128xf32>
    %add3A_2032 = vector.broadcast %get3A_2031 : vector<1x128xf32> to vector<512x128xf32>
    %add3A_2033 = arith.addf %add3A_2028, %add3A_2032 : vector<512x128xf32>
    %lt3A_2034 = arith.cmpf olt, %add3A_2033, %select_n3A_2022 : vector<512x128xf32>
    %select_n3A_2035 = arith.select %lt3A_2034, %add3A_2033, %select_n3A_2022 : vector<512x128xi1>, vector<512x128xf32>
    %jit3A_2036 = arith.constant 2.200000e+01 : f32
    %broadcast_in_dim3A_2037 = vector.broadcast %jit3A_2036 : f32 to vector<512x128xf32>
    %select_n3A_2038 = arith.select %lt3A_2034, %broadcast_in_dim3A_2037, %select_n3A_2025 : vector<512x128xi1>, vector<512x128xf32>
    %slice3A_2039 = vector.extract_strided_slice %dot_general3A_1735 {offsets = [0, 2944], sizes = [512, 128], strides = [1, 1]} : vector<512x8192xf32> to vector<512x128xf32>
    %add3A_2040 = vector.broadcast %broadcast_in_dim3A_1742 : vector<512x1xf32> to vector<512x128xf32>
    %add3A_2041 = arith.addf %add3A_2040, %slice3A_2039 : vector<512x128xf32>
    %get3A_2042 = arith.constant 0 : index
    %get3A_2043 = arith.constant 2944 : index
    %get3A_2044 = vector.load %arg4[%get3A_2042, %get3A_2043] : memref<1x8192xf32, #tpu.memory_space<vmem>>, vector<1x128xf32>
    %add3A_2045 = vector.broadcast %get3A_2044 : vector<1x128xf32> to vector<512x128xf32>
    %add3A_2046 = arith.addf %add3A_2041, %add3A_2045 : vector<512x128xf32>
    %lt3A_2047 = arith.cmpf olt, %add3A_2046, %select_n3A_2035 : vector<512x128xf32>
    %select_n3A_2048 = arith.select %lt3A_2047, %add3A_2046, %select_n3A_2035 : vector<512x128xi1>, vector<512x128xf32>
    %jit3A_2049 = arith.constant 2.300000e+01 : f32
    %broadcast_in_dim3A_2050 = vector.broadcast %jit3A_2049 : f32 to vector<512x128xf32>
    %select_n3A_2051 = arith.select %lt3A_2047, %broadcast_in_dim3A_2050, %select_n3A_2038 : vector<512x128xi1>, vector<512x128xf32>
    %slice3A_2052 = vector.extract_strided_slice %dot_general3A_1735 {offsets = [0, 3072], sizes = [512, 128], strides = [1, 1]} : vector<512x8192xf32> to vector<512x128xf32>
    %add3A_2053 = vector.broadcast %broadcast_in_dim3A_1742 : vector<512x1xf32> to vector<512x128xf32>
    %add3A_2054 = arith.addf %add3A_2053, %slice3A_2052 : vector<512x128xf32>
    %get3A_2055 = arith.constant 0 : index
    %get3A_2056 = arith.constant 3072 : index
    %get3A_2057 = vector.load %arg4[%get3A_2055, %get3A_2056] : memref<1x8192xf32, #tpu.memory_space<vmem>>, vector<1x128xf32>
    %add3A_2058 = vector.broadcast %get3A_2057 : vector<1x128xf32> to vector<512x128xf32>
    %add3A_2059 = arith.addf %add3A_2054, %add3A_2058 : vector<512x128xf32>
    %lt3A_2060 = arith.cmpf olt, %add3A_2059, %select_n3A_2048 : vector<512x128xf32>
    %select_n3A_2061 = arith.select %lt3A_2060, %add3A_2059, %select_n3A_2048 : vector<512x128xi1>, vector<512x128xf32>
    %jit3A_2062 = arith.constant 2.400000e+01 : f32
    %broadcast_in_dim3A_2063 = vector.broadcast %jit3A_2062 : f32 to vector<512x128xf32>
    %select_n3A_2064 = arith.select %lt3A_2060, %broadcast_in_dim3A_2063, %select_n3A_2051 : vector<512x128xi1>, vector<512x128xf32>
    %slice3A_2065 = vector.extract_strided_slice %dot_general3A_1735 {offsets = [0, 3200], sizes = [512, 128], strides = [1, 1]} : vector<512x8192xf32> to vector<512x128xf32>
    %add3A_2066 = vector.broadcast %broadcast_in_dim3A_1742 : vector<512x1xf32> to vector<512x128xf32>
    %add3A_2067 = arith.addf %add3A_2066, %slice3A_2065 : vector<512x128xf32>
    %get3A_2068 = arith.constant 0 : index
    %get3A_2069 = arith.constant 3200 : index
    %get3A_2070 = vector.load %arg4[%get3A_2068, %get3A_2069] : memref<1x8192xf32, #tpu.memory_space<vmem>>, vector<1x128xf32>
    %add3A_2071 = vector.broadcast %get3A_2070 : vector<1x128xf32> to vector<512x128xf32>
    %add3A_2072 = arith.addf %add3A_2067, %add3A_2071 : vector<512x128xf32>
    %lt3A_2073 = arith.cmpf olt, %add3A_2072, %select_n3A_2061 : vector<512x128xf32>
    %select_n3A_2074 = arith.select %lt3A_2073, %add3A_2072, %select_n3A_2061 : vector<512x128xi1>, vector<512x128xf32>
    %jit3A_2075 = arith.constant 2.500000e+01 : f32
    %broadcast_in_dim3A_2076 = vector.broadcast %jit3A_2075 : f32 to vector<512x128xf32>
    %select_n3A_2077 = arith.select %lt3A_2073, %broadcast_in_dim3A_2076, %select_n3A_2064 : vector<512x128xi1>, vector<512x128xf32>
    %slice3A_2078 = vector.extract_strided_slice %dot_general3A_1735 {offsets = [0, 3328], sizes = [512, 128], strides = [1, 1]} : vector<512x8192xf32> to vector<512x128xf32>
    %add3A_2079 = vector.broadcast %broadcast_in_dim3A_1742 : vector<512x1xf32> to vector<512x128xf32>
    %add3A_2080 = arith.addf %add3A_2079, %slice3A_2078 : vector<512x128xf32>
    %get3A_2081 = arith.constant 0 : index
    %get3A_2082 = arith.constant 3328 : index
    %get3A_2083 = vector.load %arg4[%get3A_2081, %get3A_2082] : memref<1x8192xf32, #tpu.memory_space<vmem>>, vector<1x128xf32>
    %add3A_2084 = vector.broadcast %get3A_2083 : vector<1x128xf32> to vector<512x128xf32>
    %add3A_2085 = arith.addf %add3A_2080, %add3A_2084 : vector<512x128xf32>
    %lt3A_2086 = arith.cmpf olt, %add3A_2085, %select_n3A_2074 : vector<512x128xf32>
    %select_n3A_2087 = arith.select %lt3A_2086, %add3A_2085, %select_n3A_2074 : vector<512x128xi1>, vector<512x128xf32>
    %jit3A_2088 = arith.constant 2.600000e+01 : f32
    %broadcast_in_dim3A_2089 = vector.broadcast %jit3A_2088 : f32 to vector<512x128xf32>
    %select_n3A_2090 = arith.select %lt3A_2086, %broadcast_in_dim3A_2089, %select_n3A_2077 : vector<512x128xi1>, vector<512x128xf32>
    %slice3A_2091 = vector.extract_strided_slice %dot_general3A_1735 {offsets = [0, 3456], sizes = [512, 128], strides = [1, 1]} : vector<512x8192xf32> to vector<512x128xf32>
    %add3A_2092 = vector.broadcast %broadcast_in_dim3A_1742 : vector<512x1xf32> to vector<512x128xf32>
    %add3A_2093 = arith.addf %add3A_2092, %slice3A_2091 : vector<512x128xf32>
    %get3A_2094 = arith.constant 0 : index
    %get3A_2095 = arith.constant 3456 : index
    %get3A_2096 = vector.load %arg4[%get3A_2094, %get3A_2095] : memref<1x8192xf32, #tpu.memory_space<vmem>>, vector<1x128xf32>
    %add3A_2097 = vector.broadcast %get3A_2096 : vector<1x128xf32> to vector<512x128xf32>
    %add3A_2098 = arith.addf %add3A_2093, %add3A_2097 : vector<512x128xf32>
    %lt3A_2099 = arith.cmpf olt, %add3A_2098, %select_n3A_2087 : vector<512x128xf32>
    %select_n3A_2100 = arith.select %lt3A_2099, %add3A_2098, %select_n3A_2087 : vector<512x128xi1>, vector<512x128xf32>
    %jit3A_2101 = arith.constant 2.700000e+01 : f32
    %broadcast_in_dim3A_2102 = vector.broadcast %jit3A_2101 : f32 to vector<512x128xf32>
    %select_n3A_2103 = arith.select %lt3A_2099, %broadcast_in_dim3A_2102, %select_n3A_2090 : vector<512x128xi1>, vector<512x128xf32>
    %slice3A_2104 = vector.extract_strided_slice %dot_general3A_1735 {offsets = [0, 3584], sizes = [512, 128], strides = [1, 1]} : vector<512x8192xf32> to vector<512x128xf32>
    %add3A_2105 = vector.broadcast %broadcast_in_dim3A_1742 : vector<512x1xf32> to vector<512x128xf32>
    %add3A_2106 = arith.addf %add3A_2105, %slice3A_2104 : vector<512x128xf32>
    %get3A_2107 = arith.constant 0 : index
    %get3A_2108 = arith.constant 3584 : index
    %get3A_2109 = vector.load %arg4[%get3A_2107, %get3A_2108] : memref<1x8192xf32, #tpu.memory_space<vmem>>, vector<1x128xf32>
    %add3A_2110 = vector.broadcast %get3A_2109 : vector<1x128xf32> to vector<512x128xf32>
    %add3A_2111 = arith.addf %add3A_2106, %add3A_2110 : vector<512x128xf32>
    %lt3A_2112 = arith.cmpf olt, %add3A_2111, %select_n3A_2100 : vector<512x128xf32>
    %select_n3A_2113 = arith.select %lt3A_2112, %add3A_2111, %select_n3A_2100 : vector<512x128xi1>, vector<512x128xf32>
    %jit3A_2114 = arith.constant 2.800000e+01 : f32
    %broadcast_in_dim3A_2115 = vector.broadcast %jit3A_2114 : f32 to vector<512x128xf32>
    %select_n3A_2116 = arith.select %lt3A_2112, %broadcast_in_dim3A_2115, %select_n3A_2103 : vector<512x128xi1>, vector<512x128xf32>
    %slice3A_2117 = vector.extract_strided_slice %dot_general3A_1735 {offsets = [0, 3712], sizes = [512, 128], strides = [1, 1]} : vector<512x8192xf32> to vector<512x128xf32>
    %add3A_2118 = vector.broadcast %broadcast_in_dim3A_1742 : vector<512x1xf32> to vector<512x128xf32>
    %add3A_2119 = arith.addf %add3A_2118, %slice3A_2117 : vector<512x128xf32>
    %get3A_2120 = arith.constant 0 : index
    %get3A_2121 = arith.constant 3712 : index
    %get3A_2122 = vector.load %arg4[%get3A_2120, %get3A_2121] : memref<1x8192xf32, #tpu.memory_space<vmem>>, vector<1x128xf32>
    %add3A_2123 = vector.broadcast %get3A_2122 : vector<1x128xf32> to vector<512x128xf32>
    %add3A_2124 = arith.addf %add3A_2119, %add3A_2123 : vector<512x128xf32>
    %lt3A_2125 = arith.cmpf olt, %add3A_2124, %select_n3A_2113 : vector<512x128xf32>
    %select_n3A_2126 = arith.select %lt3A_2125, %add3A_2124, %select_n3A_2113 : vector<512x128xi1>, vector<512x128xf32>
    %jit3A_2127 = arith.constant 2.900000e+01 : f32
    %broadcast_in_dim3A_2128 = vector.broadcast %jit3A_2127 : f32 to vector<512x128xf32>
    %select_n3A_2129 = arith.select %lt3A_2125, %broadcast_in_dim3A_2128, %select_n3A_2116 : vector<512x128xi1>, vector<512x128xf32>
    %slice3A_2130 = vector.extract_strided_slice %dot_general3A_1735 {offsets = [0, 3840], sizes = [512, 128], strides = [1, 1]} : vector<512x8192xf32> to vector<512x128xf32>
    %add3A_2131 = vector.broadcast %broadcast_in_dim3A_1742 : vector<512x1xf32> to vector<512x128xf32>
    %add3A_2132 = arith.addf %add3A_2131, %slice3A_2130 : vector<512x128xf32>
    %get3A_2133 = arith.constant 0 : index
    %get3A_2134 = arith.constant 3840 : index
    %get3A_2135 = vector.load %arg4[%get3A_2133, %get3A_2134] : memref<1x8192xf32, #tpu.memory_space<vmem>>, vector<1x128xf32>
    %add3A_2136 = vector.broadcast %get3A_2135 : vector<1x128xf32> to vector<512x128xf32>
    %add3A_2137 = arith.addf %add3A_2132, %add3A_2136 : vector<512x128xf32>
    %lt3A_2138 = arith.cmpf olt, %add3A_2137, %select_n3A_2126 : vector<512x128xf32>
    %select_n3A_2139 = arith.select %lt3A_2138, %add3A_2137, %select_n3A_2126 : vector<512x128xi1>, vector<512x128xf32>
    %jit3A_2140 = arith.constant 3.000000e+01 : f32
    %broadcast_in_dim3A_2141 = vector.broadcast %jit3A_2140 : f32 to vector<512x128xf32>
    %select_n3A_2142 = arith.select %lt3A_2138, %broadcast_in_dim3A_2141, %select_n3A_2129 : vector<512x128xi1>, vector<512x128xf32>
    %slice3A_2143 = vector.extract_strided_slice %dot_general3A_1735 {offsets = [0, 3968], sizes = [512, 128], strides = [1, 1]} : vector<512x8192xf32> to vector<512x128xf32>
    %add3A_2144 = vector.broadcast %broadcast_in_dim3A_1742 : vector<512x1xf32> to vector<512x128xf32>
    %add3A_2145 = arith.addf %add3A_2144, %slice3A_2143 : vector<512x128xf32>
    %get3A_2146 = arith.constant 0 : index
    %get3A_2147 = arith.constant 3968 : index
    %get3A_2148 = vector.load %arg4[%get3A_2146, %get3A_2147] : memref<1x8192xf32, #tpu.memory_space<vmem>>, vector<1x128xf32>
    %add3A_2149 = vector.broadcast %get3A_2148 : vector<1x128xf32> to vector<512x128xf32>
    %add3A_2150 = arith.addf %add3A_2145, %add3A_2149 : vector<512x128xf32>
    %lt3A_2151 = arith.cmpf olt, %add3A_2150, %select_n3A_2139 : vector<512x128xf32>
    %select_n3A_2152 = arith.select %lt3A_2151, %add3A_2150, %select_n3A_2139 : vector<512x128xi1>, vector<512x128xf32>
    %jit3A_2153 = arith.constant 3.100000e+01 : f32
    %broadcast_in_dim3A_2154 = vector.broadcast %jit3A_2153 : f32 to vector<512x128xf32>
    %select_n3A_2155 = arith.select %lt3A_2151, %broadcast_in_dim3A_2154, %select_n3A_2142 : vector<512x128xi1>, vector<512x128xf32>
    %slice3A_2156 = vector.extract_strided_slice %dot_general3A_1735 {offsets = [0, 4096], sizes = [512, 128], strides = [1, 1]} : vector<512x8192xf32> to vector<512x128xf32>
    %add3A_2157 = vector.broadcast %broadcast_in_dim3A_1742 : vector<512x1xf32> to vector<512x128xf32>
    %add3A_2158 = arith.addf %add3A_2157, %slice3A_2156 : vector<512x128xf32>
    %get3A_2159 = arith.constant 0 : index
    %get3A_2160 = arith.constant 4096 : index
    %get3A_2161 = vector.load %arg4[%get3A_2159, %get3A_2160] : memref<1x8192xf32, #tpu.memory_space<vmem>>, vector<1x128xf32>
    %add3A_2162 = vector.broadcast %get3A_2161 : vector<1x128xf32> to vector<512x128xf32>
    %add3A_2163 = arith.addf %add3A_2158, %add3A_2162 : vector<512x128xf32>
    %lt3A_2164 = arith.cmpf olt, %add3A_2163, %select_n3A_2152 : vector<512x128xf32>
    %select_n3A_2165 = arith.select %lt3A_2164, %add3A_2163, %select_n3A_2152 : vector<512x128xi1>, vector<512x128xf32>
    %jit3A_2166 = arith.constant 3.200000e+01 : f32
    %broadcast_in_dim3A_2167 = vector.broadcast %jit3A_2166 : f32 to vector<512x128xf32>
    %select_n3A_2168 = arith.select %lt3A_2164, %broadcast_in_dim3A_2167, %select_n3A_2155 : vector<512x128xi1>, vector<512x128xf32>
    %slice3A_2169 = vector.extract_strided_slice %dot_general3A_1735 {offsets = [0, 4224], sizes = [512, 128], strides = [1, 1]} : vector<512x8192xf32> to vector<512x128xf32>
    %add3A_2170 = vector.broadcast %broadcast_in_dim3A_1742 : vector<512x1xf32> to vector<512x128xf32>
    %add3A_2171 = arith.addf %add3A_2170, %slice3A_2169 : vector<512x128xf32>
    %get3A_2172 = arith.constant 0 : index
    %get3A_2173 = arith.constant 4224 : index
    %get3A_2174 = vector.load %arg4[%get3A_2172, %get3A_2173] : memref<1x8192xf32, #tpu.memory_space<vmem>>, vector<1x128xf32>
    %add3A_2175 = vector.broadcast %get3A_2174 : vector<1x128xf32> to vector<512x128xf32>
    %add3A_2176 = arith.addf %add3A_2171, %add3A_2175 : vector<512x128xf32>
    %lt3A_2177 = arith.cmpf olt, %add3A_2176, %select_n3A_2165 : vector<512x128xf32>
    %select_n3A_2178 = arith.select %lt3A_2177, %add3A_2176, %select_n3A_2165 : vector<512x128xi1>, vector<512x128xf32>
    %jit3A_2179 = arith.constant 3.300000e+01 : f32
    %broadcast_in_dim3A_2180 = vector.broadcast %jit3A_2179 : f32 to vector<512x128xf32>
    %select_n3A_2181 = arith.select %lt3A_2177, %broadcast_in_dim3A_2180, %select_n3A_2168 : vector<512x128xi1>, vector<512x128xf32>
    %slice3A_2182 = vector.extract_strided_slice %dot_general3A_1735 {offsets = [0, 4352], sizes = [512, 128], strides = [1, 1]} : vector<512x8192xf32> to vector<512x128xf32>
    %add3A_2183 = vector.broadcast %broadcast_in_dim3A_1742 : vector<512x1xf32> to vector<512x128xf32>
    %add3A_2184 = arith.addf %add3A_2183, %slice3A_2182 : vector<512x128xf32>
    %get3A_2185 = arith.constant 0 : index
    %get3A_2186 = arith.constant 4352 : index
    %get3A_2187 = vector.load %arg4[%get3A_2185, %get3A_2186] : memref<1x8192xf32, #tpu.memory_space<vmem>>, vector<1x128xf32>
    %add3A_2188 = vector.broadcast %get3A_2187 : vector<1x128xf32> to vector<512x128xf32>
    %add3A_2189 = arith.addf %add3A_2184, %add3A_2188 : vector<512x128xf32>
    %lt3A_2190 = arith.cmpf olt, %add3A_2189, %select_n3A_2178 : vector<512x128xf32>
    %select_n3A_2191 = arith.select %lt3A_2190, %add3A_2189, %select_n3A_2178 : vector<512x128xi1>, vector<512x128xf32>
    %jit3A_2192 = arith.constant 3.400000e+01 : f32
    %broadcast_in_dim3A_2193 = vector.broadcast %jit3A_2192 : f32 to vector<512x128xf32>
    %select_n3A_2194 = arith.select %lt3A_2190, %broadcast_in_dim3A_2193, %select_n3A_2181 : vector<512x128xi1>, vector<512x128xf32>
    %slice3A_2195 = vector.extract_strided_slice %dot_general3A_1735 {offsets = [0, 4480], sizes = [512, 128], strides = [1, 1]} : vector<512x8192xf32> to vector<512x128xf32>
    %add3A_2196 = vector.broadcast %broadcast_in_dim3A_1742 : vector<512x1xf32> to vector<512x128xf32>
    %add3A_2197 = arith.addf %add3A_2196, %slice3A_2195 : vector<512x128xf32>
    %get3A_2198 = arith.constant 0 : index
    %get3A_2199 = arith.constant 4480 : index
    %get3A_2200 = vector.load %arg4[%get3A_2198, %get3A_2199] : memref<1x8192xf32, #tpu.memory_space<vmem>>, vector<1x128xf32>
    %add3A_2201 = vector.broadcast %get3A_2200 : vector<1x128xf32> to vector<512x128xf32>
    %add3A_2202 = arith.addf %add3A_2197, %add3A_2201 : vector<512x128xf32>
    %lt3A_2203 = arith.cmpf olt, %add3A_2202, %select_n3A_2191 : vector<512x128xf32>
    %select_n3A_2204 = arith.select %lt3A_2203, %add3A_2202, %select_n3A_2191 : vector<512x128xi1>, vector<512x128xf32>
    %jit3A_2205 = arith.constant 3.500000e+01 : f32
    %broadcast_in_dim3A_2206 = vector.broadcast %jit3A_2205 : f32 to vector<512x128xf32>
    %select_n3A_2207 = arith.select %lt3A_2203, %broadcast_in_dim3A_2206, %select_n3A_2194 : vector<512x128xi1>, vector<512x128xf32>
    %slice3A_2208 = vector.extract_strided_slice %dot_general3A_1735 {offsets = [0, 4608], sizes = [512, 128], strides = [1, 1]} : vector<512x8192xf32> to vector<512x128xf32>
    %add3A_2209 = vector.broadcast %broadcast_in_dim3A_1742 : vector<512x1xf32> to vector<512x128xf32>
    %add3A_2210 = arith.addf %add3A_2209, %slice3A_2208 : vector<512x128xf32>
    %get3A_2211 = arith.constant 0 : index
    %get3A_2212 = arith.constant 4608 : index
    %get3A_2213 = vector.load %arg4[%get3A_2211, %get3A_2212] : memref<1x8192xf32, #tpu.memory_space<vmem>>, vector<1x128xf32>
    %add3A_2214 = vector.broadcast %get3A_2213 : vector<1x128xf32> to vector<512x128xf32>
    %add3A_2215 = arith.addf %add3A_2210, %add3A_2214 : vector<512x128xf32>
    %lt3A_2216 = arith.cmpf olt, %add3A_2215, %select_n3A_2204 : vector<512x128xf32>
    %select_n3A_2217 = arith.select %lt3A_2216, %add3A_2215, %select_n3A_2204 : vector<512x128xi1>, vector<512x128xf32>
    %jit3A_2218 = arith.constant 3.600000e+01 : f32
    %broadcast_in_dim3A_2219 = vector.broadcast %jit3A_2218 : f32 to vector<512x128xf32>
    %select_n3A_2220 = arith.select %lt3A_2216, %broadcast_in_dim3A_2219, %select_n3A_2207 : vector<512x128xi1>, vector<512x128xf32>
    %slice3A_2221 = vector.extract_strided_slice %dot_general3A_1735 {offsets = [0, 4736], sizes = [512, 128], strides = [1, 1]} : vector<512x8192xf32> to vector<512x128xf32>
    %add3A_2222 = vector.broadcast %broadcast_in_dim3A_1742 : vector<512x1xf32> to vector<512x128xf32>
    %add3A_2223 = arith.addf %add3A_2222, %slice3A_2221 : vector<512x128xf32>
    %get3A_2224 = arith.constant 0 : index
    %get3A_2225 = arith.constant 4736 : index
    %get3A_2226 = vector.load %arg4[%get3A_2224, %get3A_2225] : memref<1x8192xf32, #tpu.memory_space<vmem>>, vector<1x128xf32>
    %add3A_2227 = vector.broadcast %get3A_2226 : vector<1x128xf32> to vector<512x128xf32>
    %add3A_2228 = arith.addf %add3A_2223, %add3A_2227 : vector<512x128xf32>
    %lt3A_2229 = arith.cmpf olt, %add3A_2228, %select_n3A_2217 : vector<512x128xf32>
    %select_n3A_2230 = arith.select %lt3A_2229, %add3A_2228, %select_n3A_2217 : vector<512x128xi1>, vector<512x128xf32>
    %jit3A_2231 = arith.constant 3.700000e+01 : f32
    %broadcast_in_dim3A_2232 = vector.broadcast %jit3A_2231 : f32 to vector<512x128xf32>
    %select_n3A_2233 = arith.select %lt3A_2229, %broadcast_in_dim3A_2232, %select_n3A_2220 : vector<512x128xi1>, vector<512x128xf32>
    %slice3A_2234 = vector.extract_strided_slice %dot_general3A_1735 {offsets = [0, 4864], sizes = [512, 128], strides = [1, 1]} : vector<512x8192xf32> to vector<512x128xf32>
    %add3A_2235 = vector.broadcast %broadcast_in_dim3A_1742 : vector<512x1xf32> to vector<512x128xf32>
    %add3A_2236 = arith.addf %add3A_2235, %slice3A_2234 : vector<512x128xf32>
    %get3A_2237 = arith.constant 0 : index
    %get3A_2238 = arith.constant 4864 : index
    %get3A_2239 = vector.load %arg4[%get3A_2237, %get3A_2238] : memref<1x8192xf32, #tpu.memory_space<vmem>>, vector<1x128xf32>
    %add3A_2240 = vector.broadcast %get3A_2239 : vector<1x128xf32> to vector<512x128xf32>
    %add3A_2241 = arith.addf %add3A_2236, %add3A_2240 : vector<512x128xf32>
    %lt3A_2242 = arith.cmpf olt, %add3A_2241, %select_n3A_2230 : vector<512x128xf32>
    %select_n3A_2243 = arith.select %lt3A_2242, %add3A_2241, %select_n3A_2230 : vector<512x128xi1>, vector<512x128xf32>
    %jit3A_2244 = arith.constant 3.800000e+01 : f32
    %broadcast_in_dim3A_2245 = vector.broadcast %jit3A_2244 : f32 to vector<512x128xf32>
    %select_n3A_2246 = arith.select %lt3A_2242, %broadcast_in_dim3A_2245, %select_n3A_2233 : vector<512x128xi1>, vector<512x128xf32>
    %slice3A_2247 = vector.extract_strided_slice %dot_general3A_1735 {offsets = [0, 4992], sizes = [512, 128], strides = [1, 1]} : vector<512x8192xf32> to vector<512x128xf32>
    %add3A_2248 = vector.broadcast %broadcast_in_dim3A_1742 : vector<512x1xf32> to vector<512x128xf32>
    %add3A_2249 = arith.addf %add3A_2248, %slice3A_2247 : vector<512x128xf32>
    %get3A_2250 = arith.constant 0 : index
    %get3A_2251 = arith.constant 4992 : index
    %get3A_2252 = vector.load %arg4[%get3A_2250, %get3A_2251] : memref<1x8192xf32, #tpu.memory_space<vmem>>, vector<1x128xf32>
    %add3A_2253 = vector.broadcast %get3A_2252 : vector<1x128xf32> to vector<512x128xf32>
    %add3A_2254 = arith.addf %add3A_2249, %add3A_2253 : vector<512x128xf32>
    %lt3A_2255 = arith.cmpf olt, %add3A_2254, %select_n3A_2243 : vector<512x128xf32>
    %select_n3A_2256 = arith.select %lt3A_2255, %add3A_2254, %select_n3A_2243 : vector<512x128xi1>, vector<512x128xf32>
    %jit3A_2257 = arith.constant 3.900000e+01 : f32
    %broadcast_in_dim3A_2258 = vector.broadcast %jit3A_2257 : f32 to vector<512x128xf32>
    %select_n3A_2259 = arith.select %lt3A_2255, %broadcast_in_dim3A_2258, %select_n3A_2246 : vector<512x128xi1>, vector<512x128xf32>
    %slice3A_2260 = vector.extract_strided_slice %dot_general3A_1735 {offsets = [0, 5120], sizes = [512, 128], strides = [1, 1]} : vector<512x8192xf32> to vector<512x128xf32>
    %add3A_2261 = vector.broadcast %broadcast_in_dim3A_1742 : vector<512x1xf32> to vector<512x128xf32>
    %add3A_2262 = arith.addf %add3A_2261, %slice3A_2260 : vector<512x128xf32>
    %get3A_2263 = arith.constant 0 : index
    %get3A_2264 = arith.constant 5120 : index
    %get3A_2265 = vector.load %arg4[%get3A_2263, %get3A_2264] : memref<1x8192xf32, #tpu.memory_space<vmem>>, vector<1x128xf32>
    %add3A_2266 = vector.broadcast %get3A_2265 : vector<1x128xf32> to vector<512x128xf32>
    %add3A_2267 = arith.addf %add3A_2262, %add3A_2266 : vector<512x128xf32>
    %lt3A_2268 = arith.cmpf olt, %add3A_2267, %select_n3A_2256 : vector<512x128xf32>
    %select_n3A_2269 = arith.select %lt3A_2268, %add3A_2267, %select_n3A_2256 : vector<512x128xi1>, vector<512x128xf32>
    %jit3A_2270 = arith.constant 4.000000e+01 : f32
    %broadcast_in_dim3A_2271 = vector.broadcast %jit3A_2270 : f32 to vector<512x128xf32>
    %select_n3A_2272 = arith.select %lt3A_2268, %broadcast_in_dim3A_2271, %select_n3A_2259 : vector<512x128xi1>, vector<512x128xf32>
    %slice3A_2273 = vector.extract_strided_slice %dot_general3A_1735 {offsets = [0, 5248], sizes = [512, 128], strides = [1, 1]} : vector<512x8192xf32> to vector<512x128xf32>
    %add3A_2274 = vector.broadcast %broadcast_in_dim3A_1742 : vector<512x1xf32> to vector<512x128xf32>
    %add3A_2275 = arith.addf %add3A_2274, %slice3A_2273 : vector<512x128xf32>
    %get3A_2276 = arith.constant 0 : index
    %get3A_2277 = arith.constant 5248 : index
    %get3A_2278 = vector.load %arg4[%get3A_2276, %get3A_2277] : memref<1x8192xf32, #tpu.memory_space<vmem>>, vector<1x128xf32>
    %add3A_2279 = vector.broadcast %get3A_2278 : vector<1x128xf32> to vector<512x128xf32>
    %add3A_2280 = arith.addf %add3A_2275, %add3A_2279 : vector<512x128xf32>
    %lt3A_2281 = arith.cmpf olt, %add3A_2280, %select_n3A_2269 : vector<512x128xf32>
    %select_n3A_2282 = arith.select %lt3A_2281, %add3A_2280, %select_n3A_2269 : vector<512x128xi1>, vector<512x128xf32>
    %jit3A_2283 = arith.constant 4.100000e+01 : f32
    %broadcast_in_dim3A_2284 = vector.broadcast %jit3A_2283 : f32 to vector<512x128xf32>
    %select_n3A_2285 = arith.select %lt3A_2281, %broadcast_in_dim3A_2284, %select_n3A_2272 : vector<512x128xi1>, vector<512x128xf32>
    %slice3A_2286 = vector.extract_strided_slice %dot_general3A_1735 {offsets = [0, 5376], sizes = [512, 128], strides = [1, 1]} : vector<512x8192xf32> to vector<512x128xf32>
    %add3A_2287 = vector.broadcast %broadcast_in_dim3A_1742 : vector<512x1xf32> to vector<512x128xf32>
    %add3A_2288 = arith.addf %add3A_2287, %slice3A_2286 : vector<512x128xf32>
    %get3A_2289 = arith.constant 0 : index
    %get3A_2290 = arith.constant 5376 : index
    %get3A_2291 = vector.load %arg4[%get3A_2289, %get3A_2290] : memref<1x8192xf32, #tpu.memory_space<vmem>>, vector<1x128xf32>
    %add3A_2292 = vector.broadcast %get3A_2291 : vector<1x128xf32> to vector<512x128xf32>
    %add3A_2293 = arith.addf %add3A_2288, %add3A_2292 : vector<512x128xf32>
    %lt3A_2294 = arith.cmpf olt, %add3A_2293, %select_n3A_2282 : vector<512x128xf32>
    %select_n3A_2295 = arith.select %lt3A_2294, %add3A_2293, %select_n3A_2282 : vector<512x128xi1>, vector<512x128xf32>
    %jit3A_2296 = arith.constant 4.200000e+01 : f32
    %broadcast_in_dim3A_2297 = vector.broadcast %jit3A_2296 : f32 to vector<512x128xf32>
    %select_n3A_2298 = arith.select %lt3A_2294, %broadcast_in_dim3A_2297, %select_n3A_2285 : vector<512x128xi1>, vector<512x128xf32>
    %slice3A_2299 = vector.extract_strided_slice %dot_general3A_1735 {offsets = [0, 5504], sizes = [512, 128], strides = [1, 1]} : vector<512x8192xf32> to vector<512x128xf32>
    %add3A_2300 = vector.broadcast %broadcast_in_dim3A_1742 : vector<512x1xf32> to vector<512x128xf32>
    %add3A_2301 = arith.addf %add3A_2300, %slice3A_2299 : vector<512x128xf32>
    %get3A_2302 = arith.constant 0 : index
    %get3A_2303 = arith.constant 5504 : index
    %get3A_2304 = vector.load %arg4[%get3A_2302, %get3A_2303] : memref<1x8192xf32, #tpu.memory_space<vmem>>, vector<1x128xf32>
    %add3A_2305 = vector.broadcast %get3A_2304 : vector<1x128xf32> to vector<512x128xf32>
    %add3A_2306 = arith.addf %add3A_2301, %add3A_2305 : vector<512x128xf32>
    %lt3A_2307 = arith.cmpf olt, %add3A_2306, %select_n3A_2295 : vector<512x128xf32>
    %select_n3A_2308 = arith.select %lt3A_2307, %add3A_2306, %select_n3A_2295 : vector<512x128xi1>, vector<512x128xf32>
    %jit3A_2309 = arith.constant 4.300000e+01 : f32
    %broadcast_in_dim3A_2310 = vector.broadcast %jit3A_2309 : f32 to vector<512x128xf32>
    %select_n3A_2311 = arith.select %lt3A_2307, %broadcast_in_dim3A_2310, %select_n3A_2298 : vector<512x128xi1>, vector<512x128xf32>
    %slice3A_2312 = vector.extract_strided_slice %dot_general3A_1735 {offsets = [0, 5632], sizes = [512, 128], strides = [1, 1]} : vector<512x8192xf32> to vector<512x128xf32>
    %add3A_2313 = vector.broadcast %broadcast_in_dim3A_1742 : vector<512x1xf32> to vector<512x128xf32>
    %add3A_2314 = arith.addf %add3A_2313, %slice3A_2312 : vector<512x128xf32>
    %get3A_2315 = arith.constant 0 : index
    %get3A_2316 = arith.constant 5632 : index
    %get3A_2317 = vector.load %arg4[%get3A_2315, %get3A_2316] : memref<1x8192xf32, #tpu.memory_space<vmem>>, vector<1x128xf32>
    %add3A_2318 = vector.broadcast %get3A_2317 : vector<1x128xf32> to vector<512x128xf32>
    %add3A_2319 = arith.addf %add3A_2314, %add3A_2318 : vector<512x128xf32>
    %lt3A_2320 = arith.cmpf olt, %add3A_2319, %select_n3A_2308 : vector<512x128xf32>
    %select_n3A_2321 = arith.select %lt3A_2320, %add3A_2319, %select_n3A_2308 : vector<512x128xi1>, vector<512x128xf32>
    %jit3A_2322 = arith.constant 4.400000e+01 : f32
    %broadcast_in_dim3A_2323 = vector.broadcast %jit3A_2322 : f32 to vector<512x128xf32>
    %select_n3A_2324 = arith.select %lt3A_2320, %broadcast_in_dim3A_2323, %select_n3A_2311 : vector<512x128xi1>, vector<512x128xf32>
    %slice3A_2325 = vector.extract_strided_slice %dot_general3A_1735 {offsets = [0, 5760], sizes = [512, 128], strides = [1, 1]} : vector<512x8192xf32> to vector<512x128xf32>
    %add3A_2326 = vector.broadcast %broadcast_in_dim3A_1742 : vector<512x1xf32> to vector<512x128xf32>
    %add3A_2327 = arith.addf %add3A_2326, %slice3A_2325 : vector<512x128xf32>
    %get3A_2328 = arith.constant 0 : index
    %get3A_2329 = arith.constant 5760 : index
    %get3A_2330 = vector.load %arg4[%get3A_2328, %get3A_2329] : memref<1x8192xf32, #tpu.memory_space<vmem>>, vector<1x128xf32>
    %add3A_2331 = vector.broadcast %get3A_2330 : vector<1x128xf32> to vector<512x128xf32>
    %add3A_2332 = arith.addf %add3A_2327, %add3A_2331 : vector<512x128xf32>
    %lt3A_2333 = arith.cmpf olt, %add3A_2332, %select_n3A_2321 : vector<512x128xf32>
    %select_n3A_2334 = arith.select %lt3A_2333, %add3A_2332, %select_n3A_2321 : vector<512x128xi1>, vector<512x128xf32>
    %jit3A_2335 = arith.constant 4.500000e+01 : f32
    %broadcast_in_dim3A_2336 = vector.broadcast %jit3A_2335 : f32 to vector<512x128xf32>
    %select_n3A_2337 = arith.select %lt3A_2333, %broadcast_in_dim3A_2336, %select_n3A_2324 : vector<512x128xi1>, vector<512x128xf32>
    %slice3A_2338 = vector.extract_strided_slice %dot_general3A_1735 {offsets = [0, 5888], sizes = [512, 128], strides = [1, 1]} : vector<512x8192xf32> to vector<512x128xf32>
    %add3A_2339 = vector.broadcast %broadcast_in_dim3A_1742 : vector<512x1xf32> to vector<512x128xf32>
    %add3A_2340 = arith.addf %add3A_2339, %slice3A_2338 : vector<512x128xf32>
    %get3A_2341 = arith.constant 0 : index
    %get3A_2342 = arith.constant 5888 : index
    %get3A_2343 = vector.load %arg4[%get3A_2341, %get3A_2342] : memref<1x8192xf32, #tpu.memory_space<vmem>>, vector<1x128xf32>
    %add3A_2344 = vector.broadcast %get3A_2343 : vector<1x128xf32> to vector<512x128xf32>
    %add3A_2345 = arith.addf %add3A_2340, %add3A_2344 : vector<512x128xf32>
    %lt3A_2346 = arith.cmpf olt, %add3A_2345, %select_n3A_2334 : vector<512x128xf32>
    %select_n3A_2347 = arith.select %lt3A_2346, %add3A_2345, %select_n3A_2334 : vector<512x128xi1>, vector<512x128xf32>
    %jit3A_2348 = arith.constant 4.600000e+01 : f32
    %broadcast_in_dim3A_2349 = vector.broadcast %jit3A_2348 : f32 to vector<512x128xf32>
    %select_n3A_2350 = arith.select %lt3A_2346, %broadcast_in_dim3A_2349, %select_n3A_2337 : vector<512x128xi1>, vector<512x128xf32>
    %slice3A_2351 = vector.extract_strided_slice %dot_general3A_1735 {offsets = [0, 6016], sizes = [512, 128], strides = [1, 1]} : vector<512x8192xf32> to vector<512x128xf32>
    %add3A_2352 = vector.broadcast %broadcast_in_dim3A_1742 : vector<512x1xf32> to vector<512x128xf32>
    %add3A_2353 = arith.addf %add3A_2352, %slice3A_2351 : vector<512x128xf32>
    %get3A_2354 = arith.constant 0 : index
    %get3A_2355 = arith.constant 6016 : index
    %get3A_2356 = vector.load %arg4[%get3A_2354, %get3A_2355] : memref<1x8192xf32, #tpu.memory_space<vmem>>, vector<1x128xf32>
    %add3A_2357 = vector.broadcast %get3A_2356 : vector<1x128xf32> to vector<512x128xf32>
    %add3A_2358 = arith.addf %add3A_2353, %add3A_2357 : vector<512x128xf32>
    %lt3A_2359 = arith.cmpf olt, %add3A_2358, %select_n3A_2347 : vector<512x128xf32>
    %select_n3A_2360 = arith.select %lt3A_2359, %add3A_2358, %select_n3A_2347 : vector<512x128xi1>, vector<512x128xf32>
    %jit3A_2361 = arith.constant 4.700000e+01 : f32
    %broadcast_in_dim3A_2362 = vector.broadcast %jit3A_2361 : f32 to vector<512x128xf32>
    %select_n3A_2363 = arith.select %lt3A_2359, %broadcast_in_dim3A_2362, %select_n3A_2350 : vector<512x128xi1>, vector<512x128xf32>
    %slice3A_2364 = vector.extract_strided_slice %dot_general3A_1735 {offsets = [0, 6144], sizes = [512, 128], strides = [1, 1]} : vector<512x8192xf32> to vector<512x128xf32>
    %add3A_2365 = vector.broadcast %broadcast_in_dim3A_1742 : vector<512x1xf32> to vector<512x128xf32>
    %add3A_2366 = arith.addf %add3A_2365, %slice3A_2364 : vector<512x128xf32>
    %get3A_2367 = arith.constant 0 : index
    %get3A_2368 = arith.constant 6144 : index
    %get3A_2369 = vector.load %arg4[%get3A_2367, %get3A_2368] : memref<1x8192xf32, #tpu.memory_space<vmem>>, vector<1x128xf32>
    %add3A_2370 = vector.broadcast %get3A_2369 : vector<1x128xf32> to vector<512x128xf32>
    %add3A_2371 = arith.addf %add3A_2366, %add3A_2370 : vector<512x128xf32>
    %lt3A_2372 = arith.cmpf olt, %add3A_2371, %select_n3A_2360 : vector<512x128xf32>
    %select_n3A_2373 = arith.select %lt3A_2372, %add3A_2371, %select_n3A_2360 : vector<512x128xi1>, vector<512x128xf32>
    %jit3A_2374 = arith.constant 4.800000e+01 : f32
    %broadcast_in_dim3A_2375 = vector.broadcast %jit3A_2374 : f32 to vector<512x128xf32>
    %select_n3A_2376 = arith.select %lt3A_2372, %broadcast_in_dim3A_2375, %select_n3A_2363 : vector<512x128xi1>, vector<512x128xf32>
    %slice3A_2377 = vector.extract_strided_slice %dot_general3A_1735 {offsets = [0, 6272], sizes = [512, 128], strides = [1, 1]} : vector<512x8192xf32> to vector<512x128xf32>
    %add3A_2378 = vector.broadcast %broadcast_in_dim3A_1742 : vector<512x1xf32> to vector<512x128xf32>
    %add3A_2379 = arith.addf %add3A_2378, %slice3A_2377 : vector<512x128xf32>
    %get3A_2380 = arith.constant 0 : index
    %get3A_2381 = arith.constant 6272 : index
    %get3A_2382 = vector.load %arg4[%get3A_2380, %get3A_2381] : memref<1x8192xf32, #tpu.memory_space<vmem>>, vector<1x128xf32>
    %add3A_2383 = vector.broadcast %get3A_2382 : vector<1x128xf32> to vector<512x128xf32>
    %add3A_2384 = arith.addf %add3A_2379, %add3A_2383 : vector<512x128xf32>
    %lt3A_2385 = arith.cmpf olt, %add3A_2384, %select_n3A_2373 : vector<512x128xf32>
    %select_n3A_2386 = arith.select %lt3A_2385, %add3A_2384, %select_n3A_2373 : vector<512x128xi1>, vector<512x128xf32>
    %jit3A_2387 = arith.constant 4.900000e+01 : f32
    %broadcast_in_dim3A_2388 = vector.broadcast %jit3A_2387 : f32 to vector<512x128xf32>
    %select_n3A_2389 = arith.select %lt3A_2385, %broadcast_in_dim3A_2388, %select_n3A_2376 : vector<512x128xi1>, vector<512x128xf32>
    %slice3A_2390 = vector.extract_strided_slice %dot_general3A_1735 {offsets = [0, 6400], sizes = [512, 128], strides = [1, 1]} : vector<512x8192xf32> to vector<512x128xf32>
    %add3A_2391 = vector.broadcast %broadcast_in_dim3A_1742 : vector<512x1xf32> to vector<512x128xf32>
    %add3A_2392 = arith.addf %add3A_2391, %slice3A_2390 : vector<512x128xf32>
    %get3A_2393 = arith.constant 0 : index
    %get3A_2394 = arith.constant 6400 : index
    %get3A_2395 = vector.load %arg4[%get3A_2393, %get3A_2394] : memref<1x8192xf32, #tpu.memory_space<vmem>>, vector<1x128xf32>
    %add3A_2396 = vector.broadcast %get3A_2395 : vector<1x128xf32> to vector<512x128xf32>
    %add3A_2397 = arith.addf %add3A_2392, %add3A_2396 : vector<512x128xf32>
    %lt3A_2398 = arith.cmpf olt, %add3A_2397, %select_n3A_2386 : vector<512x128xf32>
    %select_n3A_2399 = arith.select %lt3A_2398, %add3A_2397, %select_n3A_2386 : vector<512x128xi1>, vector<512x128xf32>
    %jit3A_2400 = arith.constant 5.000000e+01 : f32
    %broadcast_in_dim3A_2401 = vector.broadcast %jit3A_2400 : f32 to vector<512x128xf32>
    %select_n3A_2402 = arith.select %lt3A_2398, %broadcast_in_dim3A_2401, %select_n3A_2389 : vector<512x128xi1>, vector<512x128xf32>
    %slice3A_2403 = vector.extract_strided_slice %dot_general3A_1735 {offsets = [0, 6528], sizes = [512, 128], strides = [1, 1]} : vector<512x8192xf32> to vector<512x128xf32>
    %add3A_2404 = vector.broadcast %broadcast_in_dim3A_1742 : vector<512x1xf32> to vector<512x128xf32>
    %add3A_2405 = arith.addf %add3A_2404, %slice3A_2403 : vector<512x128xf32>
    %get3A_2406 = arith.constant 0 : index
    %get3A_2407 = arith.constant 6528 : index
    %get3A_2408 = vector.load %arg4[%get3A_2406, %get3A_2407] : memref<1x8192xf32, #tpu.memory_space<vmem>>, vector<1x128xf32>
    %add3A_2409 = vector.broadcast %get3A_2408 : vector<1x128xf32> to vector<512x128xf32>
    %add3A_2410 = arith.addf %add3A_2405, %add3A_2409 : vector<512x128xf32>
    %lt3A_2411 = arith.cmpf olt, %add3A_2410, %select_n3A_2399 : vector<512x128xf32>
    %select_n3A_2412 = arith.select %lt3A_2411, %add3A_2410, %select_n3A_2399 : vector<512x128xi1>, vector<512x128xf32>
    %jit3A_2413 = arith.constant 5.100000e+01 : f32
    %broadcast_in_dim3A_2414 = vector.broadcast %jit3A_2413 : f32 to vector<512x128xf32>
    %select_n3A_2415 = arith.select %lt3A_2411, %broadcast_in_dim3A_2414, %select_n3A_2402 : vector<512x128xi1>, vector<512x128xf32>
    %slice3A_2416 = vector.extract_strided_slice %dot_general3A_1735 {offsets = [0, 6656], sizes = [512, 128], strides = [1, 1]} : vector<512x8192xf32> to vector<512x128xf32>
    %add3A_2417 = vector.broadcast %broadcast_in_dim3A_1742 : vector<512x1xf32> to vector<512x128xf32>
    %add3A_2418 = arith.addf %add3A_2417, %slice3A_2416 : vector<512x128xf32>
    %get3A_2419 = arith.constant 0 : index
    %get3A_2420 = arith.constant 6656 : index
    %get3A_2421 = vector.load %arg4[%get3A_2419, %get3A_2420] : memref<1x8192xf32, #tpu.memory_space<vmem>>, vector<1x128xf32>
    %add3A_2422 = vector.broadcast %get3A_2421 : vector<1x128xf32> to vector<512x128xf32>
    %add3A_2423 = arith.addf %add3A_2418, %add3A_2422 : vector<512x128xf32>
    %lt3A_2424 = arith.cmpf olt, %add3A_2423, %select_n3A_2412 : vector<512x128xf32>
    %select_n3A_2425 = arith.select %lt3A_2424, %add3A_2423, %select_n3A_2412 : vector<512x128xi1>, vector<512x128xf32>
    %jit3A_2426 = arith.constant 5.200000e+01 : f32
    %broadcast_in_dim3A_2427 = vector.broadcast %jit3A_2426 : f32 to vector<512x128xf32>
    %select_n3A_2428 = arith.select %lt3A_2424, %broadcast_in_dim3A_2427, %select_n3A_2415 : vector<512x128xi1>, vector<512x128xf32>
    %slice3A_2429 = vector.extract_strided_slice %dot_general3A_1735 {offsets = [0, 6784], sizes = [512, 128], strides = [1, 1]} : vector<512x8192xf32> to vector<512x128xf32>
    %add3A_2430 = vector.broadcast %broadcast_in_dim3A_1742 : vector<512x1xf32> to vector<512x128xf32>
    %add3A_2431 = arith.addf %add3A_2430, %slice3A_2429 : vector<512x128xf32>
    %get3A_2432 = arith.constant 0 : index
    %get3A_2433 = arith.constant 6784 : index
    %get3A_2434 = vector.load %arg4[%get3A_2432, %get3A_2433] : memref<1x8192xf32, #tpu.memory_space<vmem>>, vector<1x128xf32>
    %add3A_2435 = vector.broadcast %get3A_2434 : vector<1x128xf32> to vector<512x128xf32>
    %add3A_2436 = arith.addf %add3A_2431, %add3A_2435 : vector<512x128xf32>
    %lt3A_2437 = arith.cmpf olt, %add3A_2436, %select_n3A_2425 : vector<512x128xf32>
    %select_n3A_2438 = arith.select %lt3A_2437, %add3A_2436, %select_n3A_2425 : vector<512x128xi1>, vector<512x128xf32>
    %jit3A_2439 = arith.constant 5.300000e+01 : f32
    %broadcast_in_dim3A_2440 = vector.broadcast %jit3A_2439 : f32 to vector<512x128xf32>
    %select_n3A_2441 = arith.select %lt3A_2437, %broadcast_in_dim3A_2440, %select_n3A_2428 : vector<512x128xi1>, vector<512x128xf32>
    %slice3A_2442 = vector.extract_strided_slice %dot_general3A_1735 {offsets = [0, 6912], sizes = [512, 128], strides = [1, 1]} : vector<512x8192xf32> to vector<512x128xf32>
    %add3A_2443 = vector.broadcast %broadcast_in_dim3A_1742 : vector<512x1xf32> to vector<512x128xf32>
    %add3A_2444 = arith.addf %add3A_2443, %slice3A_2442 : vector<512x128xf32>
    %get3A_2445 = arith.constant 0 : index
    %get3A_2446 = arith.constant 6912 : index
    %get3A_2447 = vector.load %arg4[%get3A_2445, %get3A_2446] : memref<1x8192xf32, #tpu.memory_space<vmem>>, vector<1x128xf32>
    %add3A_2448 = vector.broadcast %get3A_2447 : vector<1x128xf32> to vector<512x128xf32>
    %add3A_2449 = arith.addf %add3A_2444, %add3A_2448 : vector<512x128xf32>
    %lt3A_2450 = arith.cmpf olt, %add3A_2449, %select_n3A_2438 : vector<512x128xf32>
    %select_n3A_2451 = arith.select %lt3A_2450, %add3A_2449, %select_n3A_2438 : vector<512x128xi1>, vector<512x128xf32>
    %jit3A_2452 = arith.constant 5.400000e+01 : f32
    %broadcast_in_dim3A_2453 = vector.broadcast %jit3A_2452 : f32 to vector<512x128xf32>
    %select_n3A_2454 = arith.select %lt3A_2450, %broadcast_in_dim3A_2453, %select_n3A_2441 : vector<512x128xi1>, vector<512x128xf32>
    %slice3A_2455 = vector.extract_strided_slice %dot_general3A_1735 {offsets = [0, 7040], sizes = [512, 128], strides = [1, 1]} : vector<512x8192xf32> to vector<512x128xf32>
    %add3A_2456 = vector.broadcast %broadcast_in_dim3A_1742 : vector<512x1xf32> to vector<512x128xf32>
    %add3A_2457 = arith.addf %add3A_2456, %slice3A_2455 : vector<512x128xf32>
    %get3A_2458 = arith.constant 0 : index
    %get3A_2459 = arith.constant 7040 : index
    %get3A_2460 = vector.load %arg4[%get3A_2458, %get3A_2459] : memref<1x8192xf32, #tpu.memory_space<vmem>>, vector<1x128xf32>
    %add3A_2461 = vector.broadcast %get3A_2460 : vector<1x128xf32> to vector<512x128xf32>
    %add3A_2462 = arith.addf %add3A_2457, %add3A_2461 : vector<512x128xf32>
    %lt3A_2463 = arith.cmpf olt, %add3A_2462, %select_n3A_2451 : vector<512x128xf32>
    %select_n3A_2464 = arith.select %lt3A_2463, %add3A_2462, %select_n3A_2451 : vector<512x128xi1>, vector<512x128xf32>
    %jit3A_2465 = arith.constant 5.500000e+01 : f32
    %broadcast_in_dim3A_2466 = vector.broadcast %jit3A_2465 : f32 to vector<512x128xf32>
    %select_n3A_2467 = arith.select %lt3A_2463, %broadcast_in_dim3A_2466, %select_n3A_2454 : vector<512x128xi1>, vector<512x128xf32>
    %slice3A_2468 = vector.extract_strided_slice %dot_general3A_1735 {offsets = [0, 7168], sizes = [512, 128], strides = [1, 1]} : vector<512x8192xf32> to vector<512x128xf32>
    %add3A_2469 = vector.broadcast %broadcast_in_dim3A_1742 : vector<512x1xf32> to vector<512x128xf32>
    %add3A_2470 = arith.addf %add3A_2469, %slice3A_2468 : vector<512x128xf32>
    %get3A_2471 = arith.constant 0 : index
    %get3A_2472 = arith.constant 7168 : index
    %get3A_2473 = vector.load %arg4[%get3A_2471, %get3A_2472] : memref<1x8192xf32, #tpu.memory_space<vmem>>, vector<1x128xf32>
    %add3A_2474 = vector.broadcast %get3A_2473 : vector<1x128xf32> to vector<512x128xf32>
    %add3A_2475 = arith.addf %add3A_2470, %add3A_2474 : vector<512x128xf32>
    %lt3A_2476 = arith.cmpf olt, %add3A_2475, %select_n3A_2464 : vector<512x128xf32>
    %select_n3A_2477 = arith.select %lt3A_2476, %add3A_2475, %select_n3A_2464 : vector<512x128xi1>, vector<512x128xf32>
    %jit3A_2478 = arith.constant 5.600000e+01 : f32
    %broadcast_in_dim3A_2479 = vector.broadcast %jit3A_2478 : f32 to vector<512x128xf32>
    %select_n3A_2480 = arith.select %lt3A_2476, %broadcast_in_dim3A_2479, %select_n3A_2467 : vector<512x128xi1>, vector<512x128xf32>
    %slice3A_2481 = vector.extract_strided_slice %dot_general3A_1735 {offsets = [0, 7296], sizes = [512, 128], strides = [1, 1]} : vector<512x8192xf32> to vector<512x128xf32>
    %add3A_2482 = vector.broadcast %broadcast_in_dim3A_1742 : vector<512x1xf32> to vector<512x128xf32>
    %add3A_2483 = arith.addf %add3A_2482, %slice3A_2481 : vector<512x128xf32>
    %get3A_2484 = arith.constant 0 : index
    %get3A_2485 = arith.constant 7296 : index
    %get3A_2486 = vector.load %arg4[%get3A_2484, %get3A_2485] : memref<1x8192xf32, #tpu.memory_space<vmem>>, vector<1x128xf32>
    %add3A_2487 = vector.broadcast %get3A_2486 : vector<1x128xf32> to vector<512x128xf32>
    %add3A_2488 = arith.addf %add3A_2483, %add3A_2487 : vector<512x128xf32>
    %lt3A_2489 = arith.cmpf olt, %add3A_2488, %select_n3A_2477 : vector<512x128xf32>
    %select_n3A_2490 = arith.select %lt3A_2489, %add3A_2488, %select_n3A_2477 : vector<512x128xi1>, vector<512x128xf32>
    %jit3A_2491 = arith.constant 5.700000e+01 : f32
    %broadcast_in_dim3A_2492 = vector.broadcast %jit3A_2491 : f32 to vector<512x128xf32>
    %select_n3A_2493 = arith.select %lt3A_2489, %broadcast_in_dim3A_2492, %select_n3A_2480 : vector<512x128xi1>, vector<512x128xf32>
    %slice3A_2494 = vector.extract_strided_slice %dot_general3A_1735 {offsets = [0, 7424], sizes = [512, 128], strides = [1, 1]} : vector<512x8192xf32> to vector<512x128xf32>
    %add3A_2495 = vector.broadcast %broadcast_in_dim3A_1742 : vector<512x1xf32> to vector<512x128xf32>
    %add3A_2496 = arith.addf %add3A_2495, %slice3A_2494 : vector<512x128xf32>
    %get3A_2497 = arith.constant 0 : index
    %get3A_2498 = arith.constant 7424 : index
    %get3A_2499 = vector.load %arg4[%get3A_2497, %get3A_2498] : memref<1x8192xf32, #tpu.memory_space<vmem>>, vector<1x128xf32>
    %add3A_2500 = vector.broadcast %get3A_2499 : vector<1x128xf32> to vector<512x128xf32>
    %add3A_2501 = arith.addf %add3A_2496, %add3A_2500 : vector<512x128xf32>
    %lt3A_2502 = arith.cmpf olt, %add3A_2501, %select_n3A_2490 : vector<512x128xf32>
    %select_n3A_2503 = arith.select %lt3A_2502, %add3A_2501, %select_n3A_2490 : vector<512x128xi1>, vector<512x128xf32>
    %jit3A_2504 = arith.constant 5.800000e+01 : f32
    %broadcast_in_dim3A_2505 = vector.broadcast %jit3A_2504 : f32 to vector<512x128xf32>
    %select_n3A_2506 = arith.select %lt3A_2502, %broadcast_in_dim3A_2505, %select_n3A_2493 : vector<512x128xi1>, vector<512x128xf32>
    %slice3A_2507 = vector.extract_strided_slice %dot_general3A_1735 {offsets = [0, 7552], sizes = [512, 128], strides = [1, 1]} : vector<512x8192xf32> to vector<512x128xf32>
    %add3A_2508 = vector.broadcast %broadcast_in_dim3A_1742 : vector<512x1xf32> to vector<512x128xf32>
    %add3A_2509 = arith.addf %add3A_2508, %slice3A_2507 : vector<512x128xf32>
    %get3A_2510 = arith.constant 0 : index
    %get3A_2511 = arith.constant 7552 : index
    %get3A_2512 = vector.load %arg4[%get3A_2510, %get3A_2511] : memref<1x8192xf32, #tpu.memory_space<vmem>>, vector<1x128xf32>
    %add3A_2513 = vector.broadcast %get3A_2512 : vector<1x128xf32> to vector<512x128xf32>
    %add3A_2514 = arith.addf %add3A_2509, %add3A_2513 : vector<512x128xf32>
    %lt3A_2515 = arith.cmpf olt, %add3A_2514, %select_n3A_2503 : vector<512x128xf32>
    %select_n3A_2516 = arith.select %lt3A_2515, %add3A_2514, %select_n3A_2503 : vector<512x128xi1>, vector<512x128xf32>
    %jit3A_2517 = arith.constant 5.900000e+01 : f32
    %broadcast_in_dim3A_2518 = vector.broadcast %jit3A_2517 : f32 to vector<512x128xf32>
    %select_n3A_2519 = arith.select %lt3A_2515, %broadcast_in_dim3A_2518, %select_n3A_2506 : vector<512x128xi1>, vector<512x128xf32>
    %slice3A_2520 = vector.extract_strided_slice %dot_general3A_1735 {offsets = [0, 7680], sizes = [512, 128], strides = [1, 1]} : vector<512x8192xf32> to vector<512x128xf32>
    %add3A_2521 = vector.broadcast %broadcast_in_dim3A_1742 : vector<512x1xf32> to vector<512x128xf32>
    %add3A_2522 = arith.addf %add3A_2521, %slice3A_2520 : vector<512x128xf32>
    %get3A_2523 = arith.constant 0 : index
    %get3A_2524 = arith.constant 7680 : index
    %get3A_2525 = vector.load %arg4[%get3A_2523, %get3A_2524] : memref<1x8192xf32, #tpu.memory_space<vmem>>, vector<1x128xf32>
    %add3A_2526 = vector.broadcast %get3A_2525 : vector<1x128xf32> to vector<512x128xf32>
    %add3A_2527 = arith.addf %add3A_2522, %add3A_2526 : vector<512x128xf32>
    %lt3A_2528 = arith.cmpf olt, %add3A_2527, %select_n3A_2516 : vector<512x128xf32>
    %select_n3A_2529 = arith.select %lt3A_2528, %add3A_2527, %select_n3A_2516 : vector<512x128xi1>, vector<512x128xf32>
    %jit3A_2530 = arith.constant 6.000000e+01 : f32
    %broadcast_in_dim3A_2531 = vector.broadcast %jit3A_2530 : f32 to vector<512x128xf32>
    %select_n3A_2532 = arith.select %lt3A_2528, %broadcast_in_dim3A_2531, %select_n3A_2519 : vector<512x128xi1>, vector<512x128xf32>
    %slice3A_2533 = vector.extract_strided_slice %dot_general3A_1735 {offsets = [0, 7808], sizes = [512, 128], strides = [1, 1]} : vector<512x8192xf32> to vector<512x128xf32>
    %add3A_2534 = vector.broadcast %broadcast_in_dim3A_1742 : vector<512x1xf32> to vector<512x128xf32>
    %add3A_2535 = arith.addf %add3A_2534, %slice3A_2533 : vector<512x128xf32>
    %get3A_2536 = arith.constant 0 : index
    %get3A_2537 = arith.constant 7808 : index
    %get3A_2538 = vector.load %arg4[%get3A_2536, %get3A_2537] : memref<1x8192xf32, #tpu.memory_space<vmem>>, vector<1x128xf32>
    %add3A_2539 = vector.broadcast %get3A_2538 : vector<1x128xf32> to vector<512x128xf32>
    %add3A_2540 = arith.addf %add3A_2535, %add3A_2539 : vector<512x128xf32>
    %lt3A_2541 = arith.cmpf olt, %add3A_2540, %select_n3A_2529 : vector<512x128xf32>
    %select_n3A_2542 = arith.select %lt3A_2541, %add3A_2540, %select_n3A_2529 : vector<512x128xi1>, vector<512x128xf32>
    %jit3A_2543 = arith.constant 6.100000e+01 : f32
    %broadcast_in_dim3A_2544 = vector.broadcast %jit3A_2543 : f32 to vector<512x128xf32>
    %select_n3A_2545 = arith.select %lt3A_2541, %broadcast_in_dim3A_2544, %select_n3A_2532 : vector<512x128xi1>, vector<512x128xf32>
    %slice3A_2546 = vector.extract_strided_slice %dot_general3A_1735 {offsets = [0, 7936], sizes = [512, 128], strides = [1, 1]} : vector<512x8192xf32> to vector<512x128xf32>
    %add3A_2547 = vector.broadcast %broadcast_in_dim3A_1742 : vector<512x1xf32> to vector<512x128xf32>
    %add3A_2548 = arith.addf %add3A_2547, %slice3A_2546 : vector<512x128xf32>
    %get3A_2549 = arith.constant 0 : index
    %get3A_2550 = arith.constant 7936 : index
    %get3A_2551 = vector.load %arg4[%get3A_2549, %get3A_2550] : memref<1x8192xf32, #tpu.memory_space<vmem>>, vector<1x128xf32>
    %add3A_2552 = vector.broadcast %get3A_2551 : vector<1x128xf32> to vector<512x128xf32>
    %add3A_2553 = arith.addf %add3A_2548, %add3A_2552 : vector<512x128xf32>
    %lt3A_2554 = arith.cmpf olt, %add3A_2553, %select_n3A_2542 : vector<512x128xf32>
    %select_n3A_2555 = arith.select %lt3A_2554, %add3A_2553, %select_n3A_2542 : vector<512x128xi1>, vector<512x128xf32>
    %jit3A_2556 = arith.constant 6.200000e+01 : f32
    %broadcast_in_dim3A_2557 = vector.broadcast %jit3A_2556 : f32 to vector<512x128xf32>
    %select_n3A_2558 = arith.select %lt3A_2554, %broadcast_in_dim3A_2557, %select_n3A_2545 : vector<512x128xi1>, vector<512x128xf32>
    %slice3A_2559 = vector.extract_strided_slice %dot_general3A_1735 {offsets = [0, 8064], sizes = [512, 128], strides = [1, 1]} : vector<512x8192xf32> to vector<512x128xf32>
    %add3A_2560 = vector.broadcast %broadcast_in_dim3A_1742 : vector<512x1xf32> to vector<512x128xf32>
    %add3A_2561 = arith.addf %add3A_2560, %slice3A_2559 : vector<512x128xf32>
    %get3A_2562 = arith.constant 0 : index
    %get3A_2563 = arith.constant 8064 : index
    %get3A_2564 = vector.load %arg4[%get3A_2562, %get3A_2563] : memref<1x8192xf32, #tpu.memory_space<vmem>>, vector<1x128xf32>
    %add3A_2565 = vector.broadcast %get3A_2564 : vector<1x128xf32> to vector<512x128xf32>
    %add3A_2566 = arith.addf %add3A_2561, %add3A_2565 : vector<512x128xf32>
    %lt3A_2567 = arith.cmpf olt, %add3A_2566, %select_n3A_2555 : vector<512x128xf32>
    %select_n3A_2568 = arith.select %lt3A_2567, %add3A_2566, %select_n3A_2555 : vector<512x128xi1>, vector<512x128xf32>
    %jit3A_2569 = arith.constant 6.300000e+01 : f32
    %broadcast_in_dim3A_2570 = vector.broadcast %jit3A_2569 : f32 to vector<512x128xf32>
    %select_n3A_2571 = arith.select %lt3A_2567, %broadcast_in_dim3A_2570, %select_n3A_2558 : vector<512x128xi1>, vector<512x128xf32>
    %reduce_min3A_2572 = arith.constant dense<0x7F800000> : vector<512xf32>
    %reduce_min3A_2573 = vector.multi_reduction <minimumf>, %select_n3A_2568, %reduce_min3A_2572 [1] : vector<512x128xf32> to vector<512xf32>
    %broadcast_in_dim3A_2574 = vector.shape_cast %reduce_min3A_2573 : vector<512xf32> to vector<512x1xf32>
    %mul3A_2575 = arith.constant 1.280000e+02 : f32
    %mul3A_2576 = vector.broadcast %mul3A_2575 : f32 to vector<512x128xf32>
    %mul3A_2577 = arith.mulf %select_n3A_2571, %mul3A_2576 : vector<512x128xf32>
    %get3A_2578 = arith.constant 0 : index
    %get3A_2579 = arith.constant 0 : index
    %get3A_2580 = vector.load %arg9[%get3A_2578, %get3A_2579] : memref<1x128xf32, #tpu.memory_space<vmem>>, vector<1x128xf32>
    %add3A_2581 = vector.broadcast %get3A_2580 : vector<1x128xf32> to vector<512x128xf32>
    %add3A_2582 = arith.addf %mul3A_2577, %add3A_2581 : vector<512x128xf32>
    %eq3A_2583 = vector.broadcast %broadcast_in_dim3A_2574 : vector<512x1xf32> to vector<512x128xf32>
    %eq3A_2584 = arith.cmpf oeq, %select_n3A_2568, %eq3A_2583 : vector<512x128xf32>
    %jit3A_2585 = arith.constant 8.192000e+03 : f32
    %broadcast_in_dim3A_2586 = vector.broadcast %jit3A_2585 : f32 to vector<512x128xf32>
    %select_n3A_2587 = arith.select %eq3A_2584, %add3A_2582, %broadcast_in_dim3A_2586 : vector<512x128xi1>, vector<512x128xf32>
    %reduce_min3A_2588 = arith.constant dense<0x7F800000> : vector<512xf32>
    %reduce_min3A_2589 = vector.multi_reduction <minimumf>, %select_n3A_2587, %reduce_min3A_2588 [1] : vector<512x128xf32> to vector<512xf32>
    %broadcast_in_dim3A_2590 = vector.shape_cast %reduce_min3A_2589 : vector<512xf32> to vector<512x1xf32>
    %get3A_2591 = arith.constant 1536 : index
    %get3A_2592 = arith.constant 0 : index
    %get3A_2593 = vector.load %arg2[%get3A_2591, %get3A_2592] : memref<2048x256xf32, #tpu.memory_space<vmem>>, vector<512x256xf32>
    %mul3A_2594 = arith.constant -2.000000e+00 : f32
    %mul3A_2595 = vector.broadcast %mul3A_2594 : f32 to vector<512x256xf32>
    %mul3A_2596 = arith.mulf %mul3A_2595, %get3A_2593 : vector<512x256xf32>
    %get3A_2597 = arith.constant 0 : index
    %get3A_2598 = arith.constant 0 : index
    %get3A_2599 = vector.load %arg3[%get3A_2597, %get3A_2598] : memref<8192x256xf32, #tpu.memory_space<vmem>>, vector<8192x256xf32>
    %dot_general3A_2600 = arith.constant dense<0.000000e+00> : vector<512x8192xf32>
    %dot_general3A_2601 = tpu.matmul %mul3A_2596, %get3A_2599, %dot_general3A_2600 {dimension_numbers = #tpu.dot_dimension_numbers<[1], [1], [0], [0], [0, 0, 1, 0], [], []>, transpose_lhs_hint = false} : vector<512x256xf32>, vector<8192x256xf32>, vector<512x8192xf32> -> vector<512x8192xf32>
    %get3A_2602 = arith.constant 1536 : index
    %get3A_2603 = arith.constant 0 : index
    %get3A_2604 = vector.load %arg2[%get3A_2602, %get3A_2603] : memref<2048x256xf32, #tpu.memory_space<vmem>>, vector<512x256xf32>
    %mul3A_2605 = arith.mulf %get3A_2604, %get3A_2604 : vector<512x256xf32>
    %reduce_sum3A_2606 = arith.constant dense<0.000000e+00> : vector<512xf32>
    %reduce_sum3A_2607 = vector.multi_reduction <add>, %mul3A_2605, %reduce_sum3A_2606 [1] : vector<512x256xf32> to vector<512xf32>
    %broadcast_in_dim3A_2608 = vector.shape_cast %reduce_sum3A_2607 : vector<512xf32> to vector<512x1xf32>
    %slice3A_2609 = vector.extract_strided_slice %dot_general3A_2601 {offsets = [0, 0], sizes = [512, 128], strides = [1, 1]} : vector<512x8192xf32> to vector<512x128xf32>
    %add3A_2610 = vector.broadcast %broadcast_in_dim3A_2608 : vector<512x1xf32> to vector<512x128xf32>
    %add3A_2611 = arith.addf %add3A_2610, %slice3A_2609 : vector<512x128xf32>
    %get3A_2612 = arith.constant 0 : index
    %get3A_2613 = arith.constant 0 : index
    %get3A_2614 = vector.load %arg4[%get3A_2612, %get3A_2613] : memref<1x8192xf32, #tpu.memory_space<vmem>>, vector<1x128xf32>
    %add3A_2615 = vector.broadcast %get3A_2614 : vector<1x128xf32> to vector<512x128xf32>
    %add3A_2616 = arith.addf %add3A_2611, %add3A_2615 : vector<512x128xf32>
    %broadcast_in_dim3A_2617 = arith.constant 0.000000e+00 : f32
    %broadcast_in_dim3A_2618 = vector.broadcast %broadcast_in_dim3A_2617 : f32 to vector<512x128xf32>
    %slice3A_2619 = vector.extract_strided_slice %dot_general3A_2601 {offsets = [0, 128], sizes = [512, 128], strides = [1, 1]} : vector<512x8192xf32> to vector<512x128xf32>
    %add3A_2620 = vector.broadcast %broadcast_in_dim3A_2608 : vector<512x1xf32> to vector<512x128xf32>
    %add3A_2621 = arith.addf %add3A_2620, %slice3A_2619 : vector<512x128xf32>
    %get3A_2622 = arith.constant 0 : index
    %get3A_2623 = arith.constant 128 : index
    %get3A_2624 = vector.load %arg4[%get3A_2622, %get3A_2623] : memref<1x8192xf32, #tpu.memory_space<vmem>>, vector<1x128xf32>
    %add3A_2625 = vector.broadcast %get3A_2624 : vector<1x128xf32> to vector<512x128xf32>
    %add3A_2626 = arith.addf %add3A_2621, %add3A_2625 : vector<512x128xf32>
    %lt3A_2627 = arith.cmpf olt, %add3A_2626, %add3A_2616 : vector<512x128xf32>
    %select_n3A_2628 = arith.select %lt3A_2627, %add3A_2626, %add3A_2616 : vector<512x128xi1>, vector<512x128xf32>
    %jit3A_2629 = arith.constant 1.000000e+00 : f32
    %broadcast_in_dim3A_2630 = vector.broadcast %jit3A_2629 : f32 to vector<512x128xf32>
    %select_n3A_2631 = arith.select %lt3A_2627, %broadcast_in_dim3A_2630, %broadcast_in_dim3A_2618 : vector<512x128xi1>, vector<512x128xf32>
    %slice3A_2632 = vector.extract_strided_slice %dot_general3A_2601 {offsets = [0, 256], sizes = [512, 128], strides = [1, 1]} : vector<512x8192xf32> to vector<512x128xf32>
    %add3A_2633 = vector.broadcast %broadcast_in_dim3A_2608 : vector<512x1xf32> to vector<512x128xf32>
    %add3A_2634 = arith.addf %add3A_2633, %slice3A_2632 : vector<512x128xf32>
    %get3A_2635 = arith.constant 0 : index
    %get3A_2636 = arith.constant 256 : index
    %get3A_2637 = vector.load %arg4[%get3A_2635, %get3A_2636] : memref<1x8192xf32, #tpu.memory_space<vmem>>, vector<1x128xf32>
    %add3A_2638 = vector.broadcast %get3A_2637 : vector<1x128xf32> to vector<512x128xf32>
    %add3A_2639 = arith.addf %add3A_2634, %add3A_2638 : vector<512x128xf32>
    %lt3A_2640 = arith.cmpf olt, %add3A_2639, %select_n3A_2628 : vector<512x128xf32>
    %select_n3A_2641 = arith.select %lt3A_2640, %add3A_2639, %select_n3A_2628 : vector<512x128xi1>, vector<512x128xf32>
    %jit3A_2642 = arith.constant 2.000000e+00 : f32
    %broadcast_in_dim3A_2643 = vector.broadcast %jit3A_2642 : f32 to vector<512x128xf32>
    %select_n3A_2644 = arith.select %lt3A_2640, %broadcast_in_dim3A_2643, %select_n3A_2631 : vector<512x128xi1>, vector<512x128xf32>
    %slice3A_2645 = vector.extract_strided_slice %dot_general3A_2601 {offsets = [0, 384], sizes = [512, 128], strides = [1, 1]} : vector<512x8192xf32> to vector<512x128xf32>
    %add3A_2646 = vector.broadcast %broadcast_in_dim3A_2608 : vector<512x1xf32> to vector<512x128xf32>
    %add3A_2647 = arith.addf %add3A_2646, %slice3A_2645 : vector<512x128xf32>
    %get3A_2648 = arith.constant 0 : index
    %get3A_2649 = arith.constant 384 : index
    %get3A_2650 = vector.load %arg4[%get3A_2648, %get3A_2649] : memref<1x8192xf32, #tpu.memory_space<vmem>>, vector<1x128xf32>
    %add3A_2651 = vector.broadcast %get3A_2650 : vector<1x128xf32> to vector<512x128xf32>
    %add3A_2652 = arith.addf %add3A_2647, %add3A_2651 : vector<512x128xf32>
    %lt3A_2653 = arith.cmpf olt, %add3A_2652, %select_n3A_2641 : vector<512x128xf32>
    %select_n3A_2654 = arith.select %lt3A_2653, %add3A_2652, %select_n3A_2641 : vector<512x128xi1>, vector<512x128xf32>
    %jit3A_2655 = arith.constant 3.000000e+00 : f32
    %broadcast_in_dim3A_2656 = vector.broadcast %jit3A_2655 : f32 to vector<512x128xf32>
    %select_n3A_2657 = arith.select %lt3A_2653, %broadcast_in_dim3A_2656, %select_n3A_2644 : vector<512x128xi1>, vector<512x128xf32>
    %slice3A_2658 = vector.extract_strided_slice %dot_general3A_2601 {offsets = [0, 512], sizes = [512, 128], strides = [1, 1]} : vector<512x8192xf32> to vector<512x128xf32>
    %add3A_2659 = vector.broadcast %broadcast_in_dim3A_2608 : vector<512x1xf32> to vector<512x128xf32>
    %add3A_2660 = arith.addf %add3A_2659, %slice3A_2658 : vector<512x128xf32>
    %get3A_2661 = arith.constant 0 : index
    %get3A_2662 = arith.constant 512 : index
    %get3A_2663 = vector.load %arg4[%get3A_2661, %get3A_2662] : memref<1x8192xf32, #tpu.memory_space<vmem>>, vector<1x128xf32>
    %add3A_2664 = vector.broadcast %get3A_2663 : vector<1x128xf32> to vector<512x128xf32>
    %add3A_2665 = arith.addf %add3A_2660, %add3A_2664 : vector<512x128xf32>
    %lt3A_2666 = arith.cmpf olt, %add3A_2665, %select_n3A_2654 : vector<512x128xf32>
    %select_n3A_2667 = arith.select %lt3A_2666, %add3A_2665, %select_n3A_2654 : vector<512x128xi1>, vector<512x128xf32>
    %jit3A_2668 = arith.constant 4.000000e+00 : f32
    %broadcast_in_dim3A_2669 = vector.broadcast %jit3A_2668 : f32 to vector<512x128xf32>
    %select_n3A_2670 = arith.select %lt3A_2666, %broadcast_in_dim3A_2669, %select_n3A_2657 : vector<512x128xi1>, vector<512x128xf32>
    %slice3A_2671 = vector.extract_strided_slice %dot_general3A_2601 {offsets = [0, 640], sizes = [512, 128], strides = [1, 1]} : vector<512x8192xf32> to vector<512x128xf32>
    %add3A_2672 = vector.broadcast %broadcast_in_dim3A_2608 : vector<512x1xf32> to vector<512x128xf32>
    %add3A_2673 = arith.addf %add3A_2672, %slice3A_2671 : vector<512x128xf32>
    %get3A_2674 = arith.constant 0 : index
    %get3A_2675 = arith.constant 640 : index
    %get3A_2676 = vector.load %arg4[%get3A_2674, %get3A_2675] : memref<1x8192xf32, #tpu.memory_space<vmem>>, vector<1x128xf32>
    %add3A_2677 = vector.broadcast %get3A_2676 : vector<1x128xf32> to vector<512x128xf32>
    %add3A_2678 = arith.addf %add3A_2673, %add3A_2677 : vector<512x128xf32>
    %lt3A_2679 = arith.cmpf olt, %add3A_2678, %select_n3A_2667 : vector<512x128xf32>
    %select_n3A_2680 = arith.select %lt3A_2679, %add3A_2678, %select_n3A_2667 : vector<512x128xi1>, vector<512x128xf32>
    %jit3A_2681 = arith.constant 5.000000e+00 : f32
    %broadcast_in_dim3A_2682 = vector.broadcast %jit3A_2681 : f32 to vector<512x128xf32>
    %select_n3A_2683 = arith.select %lt3A_2679, %broadcast_in_dim3A_2682, %select_n3A_2670 : vector<512x128xi1>, vector<512x128xf32>
    %slice3A_2684 = vector.extract_strided_slice %dot_general3A_2601 {offsets = [0, 768], sizes = [512, 128], strides = [1, 1]} : vector<512x8192xf32> to vector<512x128xf32>
    %add3A_2685 = vector.broadcast %broadcast_in_dim3A_2608 : vector<512x1xf32> to vector<512x128xf32>
    %add3A_2686 = arith.addf %add3A_2685, %slice3A_2684 : vector<512x128xf32>
    %get3A_2687 = arith.constant 0 : index
    %get3A_2688 = arith.constant 768 : index
    %get3A_2689 = vector.load %arg4[%get3A_2687, %get3A_2688] : memref<1x8192xf32, #tpu.memory_space<vmem>>, vector<1x128xf32>
    %add3A_2690 = vector.broadcast %get3A_2689 : vector<1x128xf32> to vector<512x128xf32>
    %add3A_2691 = arith.addf %add3A_2686, %add3A_2690 : vector<512x128xf32>
    %lt3A_2692 = arith.cmpf olt, %add3A_2691, %select_n3A_2680 : vector<512x128xf32>
    %select_n3A_2693 = arith.select %lt3A_2692, %add3A_2691, %select_n3A_2680 : vector<512x128xi1>, vector<512x128xf32>
    %jit3A_2694 = arith.constant 6.000000e+00 : f32
    %broadcast_in_dim3A_2695 = vector.broadcast %jit3A_2694 : f32 to vector<512x128xf32>
    %select_n3A_2696 = arith.select %lt3A_2692, %broadcast_in_dim3A_2695, %select_n3A_2683 : vector<512x128xi1>, vector<512x128xf32>
    %slice3A_2697 = vector.extract_strided_slice %dot_general3A_2601 {offsets = [0, 896], sizes = [512, 128], strides = [1, 1]} : vector<512x8192xf32> to vector<512x128xf32>
    %add3A_2698 = vector.broadcast %broadcast_in_dim3A_2608 : vector<512x1xf32> to vector<512x128xf32>
    %add3A_2699 = arith.addf %add3A_2698, %slice3A_2697 : vector<512x128xf32>
    %get3A_2700 = arith.constant 0 : index
    %get3A_2701 = arith.constant 896 : index
    %get3A_2702 = vector.load %arg4[%get3A_2700, %get3A_2701] : memref<1x8192xf32, #tpu.memory_space<vmem>>, vector<1x128xf32>
    %add3A_2703 = vector.broadcast %get3A_2702 : vector<1x128xf32> to vector<512x128xf32>
    %add3A_2704 = arith.addf %add3A_2699, %add3A_2703 : vector<512x128xf32>
    %lt3A_2705 = arith.cmpf olt, %add3A_2704, %select_n3A_2693 : vector<512x128xf32>
    %select_n3A_2706 = arith.select %lt3A_2705, %add3A_2704, %select_n3A_2693 : vector<512x128xi1>, vector<512x128xf32>
    %jit3A_2707 = arith.constant 7.000000e+00 : f32
    %broadcast_in_dim3A_2708 = vector.broadcast %jit3A_2707 : f32 to vector<512x128xf32>
    %select_n3A_2709 = arith.select %lt3A_2705, %broadcast_in_dim3A_2708, %select_n3A_2696 : vector<512x128xi1>, vector<512x128xf32>
    %slice3A_2710 = vector.extract_strided_slice %dot_general3A_2601 {offsets = [0, 1024], sizes = [512, 128], strides = [1, 1]} : vector<512x8192xf32> to vector<512x128xf32>
    %add3A_2711 = vector.broadcast %broadcast_in_dim3A_2608 : vector<512x1xf32> to vector<512x128xf32>
    %add3A_2712 = arith.addf %add3A_2711, %slice3A_2710 : vector<512x128xf32>
    %get3A_2713 = arith.constant 0 : index
    %get3A_2714 = arith.constant 1024 : index
    %get3A_2715 = vector.load %arg4[%get3A_2713, %get3A_2714] : memref<1x8192xf32, #tpu.memory_space<vmem>>, vector<1x128xf32>
    %add3A_2716 = vector.broadcast %get3A_2715 : vector<1x128xf32> to vector<512x128xf32>
    %add3A_2717 = arith.addf %add3A_2712, %add3A_2716 : vector<512x128xf32>
    %lt3A_2718 = arith.cmpf olt, %add3A_2717, %select_n3A_2706 : vector<512x128xf32>
    %select_n3A_2719 = arith.select %lt3A_2718, %add3A_2717, %select_n3A_2706 : vector<512x128xi1>, vector<512x128xf32>
    %jit3A_2720 = arith.constant 8.000000e+00 : f32
    %broadcast_in_dim3A_2721 = vector.broadcast %jit3A_2720 : f32 to vector<512x128xf32>
    %select_n3A_2722 = arith.select %lt3A_2718, %broadcast_in_dim3A_2721, %select_n3A_2709 : vector<512x128xi1>, vector<512x128xf32>
    %slice3A_2723 = vector.extract_strided_slice %dot_general3A_2601 {offsets = [0, 1152], sizes = [512, 128], strides = [1, 1]} : vector<512x8192xf32> to vector<512x128xf32>
    %add3A_2724 = vector.broadcast %broadcast_in_dim3A_2608 : vector<512x1xf32> to vector<512x128xf32>
    %add3A_2725 = arith.addf %add3A_2724, %slice3A_2723 : vector<512x128xf32>
    %get3A_2726 = arith.constant 0 : index
    %get3A_2727 = arith.constant 1152 : index
    %get3A_2728 = vector.load %arg4[%get3A_2726, %get3A_2727] : memref<1x8192xf32, #tpu.memory_space<vmem>>, vector<1x128xf32>
    %add3A_2729 = vector.broadcast %get3A_2728 : vector<1x128xf32> to vector<512x128xf32>
    %add3A_2730 = arith.addf %add3A_2725, %add3A_2729 : vector<512x128xf32>
    %lt3A_2731 = arith.cmpf olt, %add3A_2730, %select_n3A_2719 : vector<512x128xf32>
    %select_n3A_2732 = arith.select %lt3A_2731, %add3A_2730, %select_n3A_2719 : vector<512x128xi1>, vector<512x128xf32>
    %jit3A_2733 = arith.constant 9.000000e+00 : f32
    %broadcast_in_dim3A_2734 = vector.broadcast %jit3A_2733 : f32 to vector<512x128xf32>
    %select_n3A_2735 = arith.select %lt3A_2731, %broadcast_in_dim3A_2734, %select_n3A_2722 : vector<512x128xi1>, vector<512x128xf32>
    %slice3A_2736 = vector.extract_strided_slice %dot_general3A_2601 {offsets = [0, 1280], sizes = [512, 128], strides = [1, 1]} : vector<512x8192xf32> to vector<512x128xf32>
    %add3A_2737 = vector.broadcast %broadcast_in_dim3A_2608 : vector<512x1xf32> to vector<512x128xf32>
    %add3A_2738 = arith.addf %add3A_2737, %slice3A_2736 : vector<512x128xf32>
    %get3A_2739 = arith.constant 0 : index
    %get3A_2740 = arith.constant 1280 : index
    %get3A_2741 = vector.load %arg4[%get3A_2739, %get3A_2740] : memref<1x8192xf32, #tpu.memory_space<vmem>>, vector<1x128xf32>
    %add3A_2742 = vector.broadcast %get3A_2741 : vector<1x128xf32> to vector<512x128xf32>
    %add3A_2743 = arith.addf %add3A_2738, %add3A_2742 : vector<512x128xf32>
    %lt3A_2744 = arith.cmpf olt, %add3A_2743, %select_n3A_2732 : vector<512x128xf32>
    %select_n3A_2745 = arith.select %lt3A_2744, %add3A_2743, %select_n3A_2732 : vector<512x128xi1>, vector<512x128xf32>
    %jit3A_2746 = arith.constant 1.000000e+01 : f32
    %broadcast_in_dim3A_2747 = vector.broadcast %jit3A_2746 : f32 to vector<512x128xf32>
    %select_n3A_2748 = arith.select %lt3A_2744, %broadcast_in_dim3A_2747, %select_n3A_2735 : vector<512x128xi1>, vector<512x128xf32>
    %slice3A_2749 = vector.extract_strided_slice %dot_general3A_2601 {offsets = [0, 1408], sizes = [512, 128], strides = [1, 1]} : vector<512x8192xf32> to vector<512x128xf32>
    %add3A_2750 = vector.broadcast %broadcast_in_dim3A_2608 : vector<512x1xf32> to vector<512x128xf32>
    %add3A_2751 = arith.addf %add3A_2750, %slice3A_2749 : vector<512x128xf32>
    %get3A_2752 = arith.constant 0 : index
    %get3A_2753 = arith.constant 1408 : index
    %get3A_2754 = vector.load %arg4[%get3A_2752, %get3A_2753] : memref<1x8192xf32, #tpu.memory_space<vmem>>, vector<1x128xf32>
    %add3A_2755 = vector.broadcast %get3A_2754 : vector<1x128xf32> to vector<512x128xf32>
    %add3A_2756 = arith.addf %add3A_2751, %add3A_2755 : vector<512x128xf32>
    %lt3A_2757 = arith.cmpf olt, %add3A_2756, %select_n3A_2745 : vector<512x128xf32>
    %select_n3A_2758 = arith.select %lt3A_2757, %add3A_2756, %select_n3A_2745 : vector<512x128xi1>, vector<512x128xf32>
    %jit3A_2759 = arith.constant 1.100000e+01 : f32
    %broadcast_in_dim3A_2760 = vector.broadcast %jit3A_2759 : f32 to vector<512x128xf32>
    %select_n3A_2761 = arith.select %lt3A_2757, %broadcast_in_dim3A_2760, %select_n3A_2748 : vector<512x128xi1>, vector<512x128xf32>
    %slice3A_2762 = vector.extract_strided_slice %dot_general3A_2601 {offsets = [0, 1536], sizes = [512, 128], strides = [1, 1]} : vector<512x8192xf32> to vector<512x128xf32>
    %add3A_2763 = vector.broadcast %broadcast_in_dim3A_2608 : vector<512x1xf32> to vector<512x128xf32>
    %add3A_2764 = arith.addf %add3A_2763, %slice3A_2762 : vector<512x128xf32>
    %get3A_2765 = arith.constant 0 : index
    %get3A_2766 = arith.constant 1536 : index
    %get3A_2767 = vector.load %arg4[%get3A_2765, %get3A_2766] : memref<1x8192xf32, #tpu.memory_space<vmem>>, vector<1x128xf32>
    %add3A_2768 = vector.broadcast %get3A_2767 : vector<1x128xf32> to vector<512x128xf32>
    %add3A_2769 = arith.addf %add3A_2764, %add3A_2768 : vector<512x128xf32>
    %lt3A_2770 = arith.cmpf olt, %add3A_2769, %select_n3A_2758 : vector<512x128xf32>
    %select_n3A_2771 = arith.select %lt3A_2770, %add3A_2769, %select_n3A_2758 : vector<512x128xi1>, vector<512x128xf32>
    %jit3A_2772 = arith.constant 1.200000e+01 : f32
    %broadcast_in_dim3A_2773 = vector.broadcast %jit3A_2772 : f32 to vector<512x128xf32>
    %select_n3A_2774 = arith.select %lt3A_2770, %broadcast_in_dim3A_2773, %select_n3A_2761 : vector<512x128xi1>, vector<512x128xf32>
    %slice3A_2775 = vector.extract_strided_slice %dot_general3A_2601 {offsets = [0, 1664], sizes = [512, 128], strides = [1, 1]} : vector<512x8192xf32> to vector<512x128xf32>
    %add3A_2776 = vector.broadcast %broadcast_in_dim3A_2608 : vector<512x1xf32> to vector<512x128xf32>
    %add3A_2777 = arith.addf %add3A_2776, %slice3A_2775 : vector<512x128xf32>
    %get3A_2778 = arith.constant 0 : index
    %get3A_2779 = arith.constant 1664 : index
    %get3A_2780 = vector.load %arg4[%get3A_2778, %get3A_2779] : memref<1x8192xf32, #tpu.memory_space<vmem>>, vector<1x128xf32>
    %add3A_2781 = vector.broadcast %get3A_2780 : vector<1x128xf32> to vector<512x128xf32>
    %add3A_2782 = arith.addf %add3A_2777, %add3A_2781 : vector<512x128xf32>
    %lt3A_2783 = arith.cmpf olt, %add3A_2782, %select_n3A_2771 : vector<512x128xf32>
    %select_n3A_2784 = arith.select %lt3A_2783, %add3A_2782, %select_n3A_2771 : vector<512x128xi1>, vector<512x128xf32>
    %jit3A_2785 = arith.constant 1.300000e+01 : f32
    %broadcast_in_dim3A_2786 = vector.broadcast %jit3A_2785 : f32 to vector<512x128xf32>
    %select_n3A_2787 = arith.select %lt3A_2783, %broadcast_in_dim3A_2786, %select_n3A_2774 : vector<512x128xi1>, vector<512x128xf32>
    %slice3A_2788 = vector.extract_strided_slice %dot_general3A_2601 {offsets = [0, 1792], sizes = [512, 128], strides = [1, 1]} : vector<512x8192xf32> to vector<512x128xf32>
    %add3A_2789 = vector.broadcast %broadcast_in_dim3A_2608 : vector<512x1xf32> to vector<512x128xf32>
    %add3A_2790 = arith.addf %add3A_2789, %slice3A_2788 : vector<512x128xf32>
    %get3A_2791 = arith.constant 0 : index
    %get3A_2792 = arith.constant 1792 : index
    %get3A_2793 = vector.load %arg4[%get3A_2791, %get3A_2792] : memref<1x8192xf32, #tpu.memory_space<vmem>>, vector<1x128xf32>
    %add3A_2794 = vector.broadcast %get3A_2793 : vector<1x128xf32> to vector<512x128xf32>
    %add3A_2795 = arith.addf %add3A_2790, %add3A_2794 : vector<512x128xf32>
    %lt3A_2796 = arith.cmpf olt, %add3A_2795, %select_n3A_2784 : vector<512x128xf32>
    %select_n3A_2797 = arith.select %lt3A_2796, %add3A_2795, %select_n3A_2784 : vector<512x128xi1>, vector<512x128xf32>
    %jit3A_2798 = arith.constant 1.400000e+01 : f32
    %broadcast_in_dim3A_2799 = vector.broadcast %jit3A_2798 : f32 to vector<512x128xf32>
    %select_n3A_2800 = arith.select %lt3A_2796, %broadcast_in_dim3A_2799, %select_n3A_2787 : vector<512x128xi1>, vector<512x128xf32>
    %slice3A_2801 = vector.extract_strided_slice %dot_general3A_2601 {offsets = [0, 1920], sizes = [512, 128], strides = [1, 1]} : vector<512x8192xf32> to vector<512x128xf32>
    %add3A_2802 = vector.broadcast %broadcast_in_dim3A_2608 : vector<512x1xf32> to vector<512x128xf32>
    %add3A_2803 = arith.addf %add3A_2802, %slice3A_2801 : vector<512x128xf32>
    %get3A_2804 = arith.constant 0 : index
    %get3A_2805 = arith.constant 1920 : index
    %get3A_2806 = vector.load %arg4[%get3A_2804, %get3A_2805] : memref<1x8192xf32, #tpu.memory_space<vmem>>, vector<1x128xf32>
    %add3A_2807 = vector.broadcast %get3A_2806 : vector<1x128xf32> to vector<512x128xf32>
    %add3A_2808 = arith.addf %add3A_2803, %add3A_2807 : vector<512x128xf32>
    %lt3A_2809 = arith.cmpf olt, %add3A_2808, %select_n3A_2797 : vector<512x128xf32>
    %select_n3A_2810 = arith.select %lt3A_2809, %add3A_2808, %select_n3A_2797 : vector<512x128xi1>, vector<512x128xf32>
    %jit3A_2811 = arith.constant 1.500000e+01 : f32
    %broadcast_in_dim3A_2812 = vector.broadcast %jit3A_2811 : f32 to vector<512x128xf32>
    %select_n3A_2813 = arith.select %lt3A_2809, %broadcast_in_dim3A_2812, %select_n3A_2800 : vector<512x128xi1>, vector<512x128xf32>
    %slice3A_2814 = vector.extract_strided_slice %dot_general3A_2601 {offsets = [0, 2048], sizes = [512, 128], strides = [1, 1]} : vector<512x8192xf32> to vector<512x128xf32>
    %add3A_2815 = vector.broadcast %broadcast_in_dim3A_2608 : vector<512x1xf32> to vector<512x128xf32>
    %add3A_2816 = arith.addf %add3A_2815, %slice3A_2814 : vector<512x128xf32>
    %get3A_2817 = arith.constant 0 : index
    %get3A_2818 = arith.constant 2048 : index
    %get3A_2819 = vector.load %arg4[%get3A_2817, %get3A_2818] : memref<1x8192xf32, #tpu.memory_space<vmem>>, vector<1x128xf32>
    %add3A_2820 = vector.broadcast %get3A_2819 : vector<1x128xf32> to vector<512x128xf32>
    %add3A_2821 = arith.addf %add3A_2816, %add3A_2820 : vector<512x128xf32>
    %lt3A_2822 = arith.cmpf olt, %add3A_2821, %select_n3A_2810 : vector<512x128xf32>
    %select_n3A_2823 = arith.select %lt3A_2822, %add3A_2821, %select_n3A_2810 : vector<512x128xi1>, vector<512x128xf32>
    %jit3A_2824 = arith.constant 1.600000e+01 : f32
    %broadcast_in_dim3A_2825 = vector.broadcast %jit3A_2824 : f32 to vector<512x128xf32>
    %select_n3A_2826 = arith.select %lt3A_2822, %broadcast_in_dim3A_2825, %select_n3A_2813 : vector<512x128xi1>, vector<512x128xf32>
    %slice3A_2827 = vector.extract_strided_slice %dot_general3A_2601 {offsets = [0, 2176], sizes = [512, 128], strides = [1, 1]} : vector<512x8192xf32> to vector<512x128xf32>
    %add3A_2828 = vector.broadcast %broadcast_in_dim3A_2608 : vector<512x1xf32> to vector<512x128xf32>
    %add3A_2829 = arith.addf %add3A_2828, %slice3A_2827 : vector<512x128xf32>
    %get3A_2830 = arith.constant 0 : index
    %get3A_2831 = arith.constant 2176 : index
    %get3A_2832 = vector.load %arg4[%get3A_2830, %get3A_2831] : memref<1x8192xf32, #tpu.memory_space<vmem>>, vector<1x128xf32>
    %add3A_2833 = vector.broadcast %get3A_2832 : vector<1x128xf32> to vector<512x128xf32>
    %add3A_2834 = arith.addf %add3A_2829, %add3A_2833 : vector<512x128xf32>
    %lt3A_2835 = arith.cmpf olt, %add3A_2834, %select_n3A_2823 : vector<512x128xf32>
    %select_n3A_2836 = arith.select %lt3A_2835, %add3A_2834, %select_n3A_2823 : vector<512x128xi1>, vector<512x128xf32>
    %jit3A_2837 = arith.constant 1.700000e+01 : f32
    %broadcast_in_dim3A_2838 = vector.broadcast %jit3A_2837 : f32 to vector<512x128xf32>
    %select_n3A_2839 = arith.select %lt3A_2835, %broadcast_in_dim3A_2838, %select_n3A_2826 : vector<512x128xi1>, vector<512x128xf32>
    %slice3A_2840 = vector.extract_strided_slice %dot_general3A_2601 {offsets = [0, 2304], sizes = [512, 128], strides = [1, 1]} : vector<512x8192xf32> to vector<512x128xf32>
    %add3A_2841 = vector.broadcast %broadcast_in_dim3A_2608 : vector<512x1xf32> to vector<512x128xf32>
    %add3A_2842 = arith.addf %add3A_2841, %slice3A_2840 : vector<512x128xf32>
    %get3A_2843 = arith.constant 0 : index
    %get3A_2844 = arith.constant 2304 : index
    %get3A_2845 = vector.load %arg4[%get3A_2843, %get3A_2844] : memref<1x8192xf32, #tpu.memory_space<vmem>>, vector<1x128xf32>
    %add3A_2846 = vector.broadcast %get3A_2845 : vector<1x128xf32> to vector<512x128xf32>
    %add3A_2847 = arith.addf %add3A_2842, %add3A_2846 : vector<512x128xf32>
    %lt3A_2848 = arith.cmpf olt, %add3A_2847, %select_n3A_2836 : vector<512x128xf32>
    %select_n3A_2849 = arith.select %lt3A_2848, %add3A_2847, %select_n3A_2836 : vector<512x128xi1>, vector<512x128xf32>
    %jit3A_2850 = arith.constant 1.800000e+01 : f32
    %broadcast_in_dim3A_2851 = vector.broadcast %jit3A_2850 : f32 to vector<512x128xf32>
    %select_n3A_2852 = arith.select %lt3A_2848, %broadcast_in_dim3A_2851, %select_n3A_2839 : vector<512x128xi1>, vector<512x128xf32>
    %slice3A_2853 = vector.extract_strided_slice %dot_general3A_2601 {offsets = [0, 2432], sizes = [512, 128], strides = [1, 1]} : vector<512x8192xf32> to vector<512x128xf32>
    %add3A_2854 = vector.broadcast %broadcast_in_dim3A_2608 : vector<512x1xf32> to vector<512x128xf32>
    %add3A_2855 = arith.addf %add3A_2854, %slice3A_2853 : vector<512x128xf32>
    %get3A_2856 = arith.constant 0 : index
    %get3A_2857 = arith.constant 2432 : index
    %get3A_2858 = vector.load %arg4[%get3A_2856, %get3A_2857] : memref<1x8192xf32, #tpu.memory_space<vmem>>, vector<1x128xf32>
    %add3A_2859 = vector.broadcast %get3A_2858 : vector<1x128xf32> to vector<512x128xf32>
    %add3A_2860 = arith.addf %add3A_2855, %add3A_2859 : vector<512x128xf32>
    %lt3A_2861 = arith.cmpf olt, %add3A_2860, %select_n3A_2849 : vector<512x128xf32>
    %select_n3A_2862 = arith.select %lt3A_2861, %add3A_2860, %select_n3A_2849 : vector<512x128xi1>, vector<512x128xf32>
    %jit3A_2863 = arith.constant 1.900000e+01 : f32
    %broadcast_in_dim3A_2864 = vector.broadcast %jit3A_2863 : f32 to vector<512x128xf32>
    %select_n3A_2865 = arith.select %lt3A_2861, %broadcast_in_dim3A_2864, %select_n3A_2852 : vector<512x128xi1>, vector<512x128xf32>
    %slice3A_2866 = vector.extract_strided_slice %dot_general3A_2601 {offsets = [0, 2560], sizes = [512, 128], strides = [1, 1]} : vector<512x8192xf32> to vector<512x128xf32>
    %add3A_2867 = vector.broadcast %broadcast_in_dim3A_2608 : vector<512x1xf32> to vector<512x128xf32>
    %add3A_2868 = arith.addf %add3A_2867, %slice3A_2866 : vector<512x128xf32>
    %get3A_2869 = arith.constant 0 : index
    %get3A_2870 = arith.constant 2560 : index
    %get3A_2871 = vector.load %arg4[%get3A_2869, %get3A_2870] : memref<1x8192xf32, #tpu.memory_space<vmem>>, vector<1x128xf32>
    %add3A_2872 = vector.broadcast %get3A_2871 : vector<1x128xf32> to vector<512x128xf32>
    %add3A_2873 = arith.addf %add3A_2868, %add3A_2872 : vector<512x128xf32>
    %lt3A_2874 = arith.cmpf olt, %add3A_2873, %select_n3A_2862 : vector<512x128xf32>
    %select_n3A_2875 = arith.select %lt3A_2874, %add3A_2873, %select_n3A_2862 : vector<512x128xi1>, vector<512x128xf32>
    %jit3A_2876 = arith.constant 2.000000e+01 : f32
    %broadcast_in_dim3A_2877 = vector.broadcast %jit3A_2876 : f32 to vector<512x128xf32>
    %select_n3A_2878 = arith.select %lt3A_2874, %broadcast_in_dim3A_2877, %select_n3A_2865 : vector<512x128xi1>, vector<512x128xf32>
    %slice3A_2879 = vector.extract_strided_slice %dot_general3A_2601 {offsets = [0, 2688], sizes = [512, 128], strides = [1, 1]} : vector<512x8192xf32> to vector<512x128xf32>
    %add3A_2880 = vector.broadcast %broadcast_in_dim3A_2608 : vector<512x1xf32> to vector<512x128xf32>
    %add3A_2881 = arith.addf %add3A_2880, %slice3A_2879 : vector<512x128xf32>
    %get3A_2882 = arith.constant 0 : index
    %get3A_2883 = arith.constant 2688 : index
    %get3A_2884 = vector.load %arg4[%get3A_2882, %get3A_2883] : memref<1x8192xf32, #tpu.memory_space<vmem>>, vector<1x128xf32>
    %add3A_2885 = vector.broadcast %get3A_2884 : vector<1x128xf32> to vector<512x128xf32>
    %add3A_2886 = arith.addf %add3A_2881, %add3A_2885 : vector<512x128xf32>
    %lt3A_2887 = arith.cmpf olt, %add3A_2886, %select_n3A_2875 : vector<512x128xf32>
    %select_n3A_2888 = arith.select %lt3A_2887, %add3A_2886, %select_n3A_2875 : vector<512x128xi1>, vector<512x128xf32>
    %jit3A_2889 = arith.constant 2.100000e+01 : f32
    %broadcast_in_dim3A_2890 = vector.broadcast %jit3A_2889 : f32 to vector<512x128xf32>
    %select_n3A_2891 = arith.select %lt3A_2887, %broadcast_in_dim3A_2890, %select_n3A_2878 : vector<512x128xi1>, vector<512x128xf32>
    %slice3A_2892 = vector.extract_strided_slice %dot_general3A_2601 {offsets = [0, 2816], sizes = [512, 128], strides = [1, 1]} : vector<512x8192xf32> to vector<512x128xf32>
    %add3A_2893 = vector.broadcast %broadcast_in_dim3A_2608 : vector<512x1xf32> to vector<512x128xf32>
    %add3A_2894 = arith.addf %add3A_2893, %slice3A_2892 : vector<512x128xf32>
    %get3A_2895 = arith.constant 0 : index
    %get3A_2896 = arith.constant 2816 : index
    %get3A_2897 = vector.load %arg4[%get3A_2895, %get3A_2896] : memref<1x8192xf32, #tpu.memory_space<vmem>>, vector<1x128xf32>
    %add3A_2898 = vector.broadcast %get3A_2897 : vector<1x128xf32> to vector<512x128xf32>
    %add3A_2899 = arith.addf %add3A_2894, %add3A_2898 : vector<512x128xf32>
    %lt3A_2900 = arith.cmpf olt, %add3A_2899, %select_n3A_2888 : vector<512x128xf32>
    %select_n3A_2901 = arith.select %lt3A_2900, %add3A_2899, %select_n3A_2888 : vector<512x128xi1>, vector<512x128xf32>
    %jit3A_2902 = arith.constant 2.200000e+01 : f32
    %broadcast_in_dim3A_2903 = vector.broadcast %jit3A_2902 : f32 to vector<512x128xf32>
    %select_n3A_2904 = arith.select %lt3A_2900, %broadcast_in_dim3A_2903, %select_n3A_2891 : vector<512x128xi1>, vector<512x128xf32>
    %slice3A_2905 = vector.extract_strided_slice %dot_general3A_2601 {offsets = [0, 2944], sizes = [512, 128], strides = [1, 1]} : vector<512x8192xf32> to vector<512x128xf32>
    %add3A_2906 = vector.broadcast %broadcast_in_dim3A_2608 : vector<512x1xf32> to vector<512x128xf32>
    %add3A_2907 = arith.addf %add3A_2906, %slice3A_2905 : vector<512x128xf32>
    %get3A_2908 = arith.constant 0 : index
    %get3A_2909 = arith.constant 2944 : index
    %get3A_2910 = vector.load %arg4[%get3A_2908, %get3A_2909] : memref<1x8192xf32, #tpu.memory_space<vmem>>, vector<1x128xf32>
    %add3A_2911 = vector.broadcast %get3A_2910 : vector<1x128xf32> to vector<512x128xf32>
    %add3A_2912 = arith.addf %add3A_2907, %add3A_2911 : vector<512x128xf32>
    %lt3A_2913 = arith.cmpf olt, %add3A_2912, %select_n3A_2901 : vector<512x128xf32>
    %select_n3A_2914 = arith.select %lt3A_2913, %add3A_2912, %select_n3A_2901 : vector<512x128xi1>, vector<512x128xf32>
    %jit3A_2915 = arith.constant 2.300000e+01 : f32
    %broadcast_in_dim3A_2916 = vector.broadcast %jit3A_2915 : f32 to vector<512x128xf32>
    %select_n3A_2917 = arith.select %lt3A_2913, %broadcast_in_dim3A_2916, %select_n3A_2904 : vector<512x128xi1>, vector<512x128xf32>
    %slice3A_2918 = vector.extract_strided_slice %dot_general3A_2601 {offsets = [0, 3072], sizes = [512, 128], strides = [1, 1]} : vector<512x8192xf32> to vector<512x128xf32>
    %add3A_2919 = vector.broadcast %broadcast_in_dim3A_2608 : vector<512x1xf32> to vector<512x128xf32>
    %add3A_2920 = arith.addf %add3A_2919, %slice3A_2918 : vector<512x128xf32>
    %get3A_2921 = arith.constant 0 : index
    %get3A_2922 = arith.constant 3072 : index
    %get3A_2923 = vector.load %arg4[%get3A_2921, %get3A_2922] : memref<1x8192xf32, #tpu.memory_space<vmem>>, vector<1x128xf32>
    %add3A_2924 = vector.broadcast %get3A_2923 : vector<1x128xf32> to vector<512x128xf32>
    %add3A_2925 = arith.addf %add3A_2920, %add3A_2924 : vector<512x128xf32>
    %lt3A_2926 = arith.cmpf olt, %add3A_2925, %select_n3A_2914 : vector<512x128xf32>
    %select_n3A_2927 = arith.select %lt3A_2926, %add3A_2925, %select_n3A_2914 : vector<512x128xi1>, vector<512x128xf32>
    %jit3A_2928 = arith.constant 2.400000e+01 : f32
    %broadcast_in_dim3A_2929 = vector.broadcast %jit3A_2928 : f32 to vector<512x128xf32>
    %select_n3A_2930 = arith.select %lt3A_2926, %broadcast_in_dim3A_2929, %select_n3A_2917 : vector<512x128xi1>, vector<512x128xf32>
    %slice3A_2931 = vector.extract_strided_slice %dot_general3A_2601 {offsets = [0, 3200], sizes = [512, 128], strides = [1, 1]} : vector<512x8192xf32> to vector<512x128xf32>
    %add3A_2932 = vector.broadcast %broadcast_in_dim3A_2608 : vector<512x1xf32> to vector<512x128xf32>
    %add3A_2933 = arith.addf %add3A_2932, %slice3A_2931 : vector<512x128xf32>
    %get3A_2934 = arith.constant 0 : index
    %get3A_2935 = arith.constant 3200 : index
    %get3A_2936 = vector.load %arg4[%get3A_2934, %get3A_2935] : memref<1x8192xf32, #tpu.memory_space<vmem>>, vector<1x128xf32>
    %add3A_2937 = vector.broadcast %get3A_2936 : vector<1x128xf32> to vector<512x128xf32>
    %add3A_2938 = arith.addf %add3A_2933, %add3A_2937 : vector<512x128xf32>
    %lt3A_2939 = arith.cmpf olt, %add3A_2938, %select_n3A_2927 : vector<512x128xf32>
    %select_n3A_2940 = arith.select %lt3A_2939, %add3A_2938, %select_n3A_2927 : vector<512x128xi1>, vector<512x128xf32>
    %jit3A_2941 = arith.constant 2.500000e+01 : f32
    %broadcast_in_dim3A_2942 = vector.broadcast %jit3A_2941 : f32 to vector<512x128xf32>
    %select_n3A_2943 = arith.select %lt3A_2939, %broadcast_in_dim3A_2942, %select_n3A_2930 : vector<512x128xi1>, vector<512x128xf32>
    %slice3A_2944 = vector.extract_strided_slice %dot_general3A_2601 {offsets = [0, 3328], sizes = [512, 128], strides = [1, 1]} : vector<512x8192xf32> to vector<512x128xf32>
    %add3A_2945 = vector.broadcast %broadcast_in_dim3A_2608 : vector<512x1xf32> to vector<512x128xf32>
    %add3A_2946 = arith.addf %add3A_2945, %slice3A_2944 : vector<512x128xf32>
    %get3A_2947 = arith.constant 0 : index
    %get3A_2948 = arith.constant 3328 : index
    %get3A_2949 = vector.load %arg4[%get3A_2947, %get3A_2948] : memref<1x8192xf32, #tpu.memory_space<vmem>>, vector<1x128xf32>
    %add3A_2950 = vector.broadcast %get3A_2949 : vector<1x128xf32> to vector<512x128xf32>
    %add3A_2951 = arith.addf %add3A_2946, %add3A_2950 : vector<512x128xf32>
    %lt3A_2952 = arith.cmpf olt, %add3A_2951, %select_n3A_2940 : vector<512x128xf32>
    %select_n3A_2953 = arith.select %lt3A_2952, %add3A_2951, %select_n3A_2940 : vector<512x128xi1>, vector<512x128xf32>
    %jit3A_2954 = arith.constant 2.600000e+01 : f32
    %broadcast_in_dim3A_2955 = vector.broadcast %jit3A_2954 : f32 to vector<512x128xf32>
    %select_n3A_2956 = arith.select %lt3A_2952, %broadcast_in_dim3A_2955, %select_n3A_2943 : vector<512x128xi1>, vector<512x128xf32>
    %slice3A_2957 = vector.extract_strided_slice %dot_general3A_2601 {offsets = [0, 3456], sizes = [512, 128], strides = [1, 1]} : vector<512x8192xf32> to vector<512x128xf32>
    %add3A_2958 = vector.broadcast %broadcast_in_dim3A_2608 : vector<512x1xf32> to vector<512x128xf32>
    %add3A_2959 = arith.addf %add3A_2958, %slice3A_2957 : vector<512x128xf32>
    %get3A_2960 = arith.constant 0 : index
    %get3A_2961 = arith.constant 3456 : index
    %get3A_2962 = vector.load %arg4[%get3A_2960, %get3A_2961] : memref<1x8192xf32, #tpu.memory_space<vmem>>, vector<1x128xf32>
    %add3A_2963 = vector.broadcast %get3A_2962 : vector<1x128xf32> to vector<512x128xf32>
    %add3A_2964 = arith.addf %add3A_2959, %add3A_2963 : vector<512x128xf32>
    %lt3A_2965 = arith.cmpf olt, %add3A_2964, %select_n3A_2953 : vector<512x128xf32>
    %select_n3A_2966 = arith.select %lt3A_2965, %add3A_2964, %select_n3A_2953 : vector<512x128xi1>, vector<512x128xf32>
    %jit3A_2967 = arith.constant 2.700000e+01 : f32
    %broadcast_in_dim3A_2968 = vector.broadcast %jit3A_2967 : f32 to vector<512x128xf32>
    %select_n3A_2969 = arith.select %lt3A_2965, %broadcast_in_dim3A_2968, %select_n3A_2956 : vector<512x128xi1>, vector<512x128xf32>
    %slice3A_2970 = vector.extract_strided_slice %dot_general3A_2601 {offsets = [0, 3584], sizes = [512, 128], strides = [1, 1]} : vector<512x8192xf32> to vector<512x128xf32>
    %add3A_2971 = vector.broadcast %broadcast_in_dim3A_2608 : vector<512x1xf32> to vector<512x128xf32>
    %add3A_2972 = arith.addf %add3A_2971, %slice3A_2970 : vector<512x128xf32>
    %get3A_2973 = arith.constant 0 : index
    %get3A_2974 = arith.constant 3584 : index
    %get3A_2975 = vector.load %arg4[%get3A_2973, %get3A_2974] : memref<1x8192xf32, #tpu.memory_space<vmem>>, vector<1x128xf32>
    %add3A_2976 = vector.broadcast %get3A_2975 : vector<1x128xf32> to vector<512x128xf32>
    %add3A_2977 = arith.addf %add3A_2972, %add3A_2976 : vector<512x128xf32>
    %lt3A_2978 = arith.cmpf olt, %add3A_2977, %select_n3A_2966 : vector<512x128xf32>
    %select_n3A_2979 = arith.select %lt3A_2978, %add3A_2977, %select_n3A_2966 : vector<512x128xi1>, vector<512x128xf32>
    %jit3A_2980 = arith.constant 2.800000e+01 : f32
    %broadcast_in_dim3A_2981 = vector.broadcast %jit3A_2980 : f32 to vector<512x128xf32>
    %select_n3A_2982 = arith.select %lt3A_2978, %broadcast_in_dim3A_2981, %select_n3A_2969 : vector<512x128xi1>, vector<512x128xf32>
    %slice3A_2983 = vector.extract_strided_slice %dot_general3A_2601 {offsets = [0, 3712], sizes = [512, 128], strides = [1, 1]} : vector<512x8192xf32> to vector<512x128xf32>
    %add3A_2984 = vector.broadcast %broadcast_in_dim3A_2608 : vector<512x1xf32> to vector<512x128xf32>
    %add3A_2985 = arith.addf %add3A_2984, %slice3A_2983 : vector<512x128xf32>
    %get3A_2986 = arith.constant 0 : index
    %get3A_2987 = arith.constant 3712 : index
    %get3A_2988 = vector.load %arg4[%get3A_2986, %get3A_2987] : memref<1x8192xf32, #tpu.memory_space<vmem>>, vector<1x128xf32>
    %add3A_2989 = vector.broadcast %get3A_2988 : vector<1x128xf32> to vector<512x128xf32>
    %add3A_2990 = arith.addf %add3A_2985, %add3A_2989 : vector<512x128xf32>
    %lt3A_2991 = arith.cmpf olt, %add3A_2990, %select_n3A_2979 : vector<512x128xf32>
    %select_n3A_2992 = arith.select %lt3A_2991, %add3A_2990, %select_n3A_2979 : vector<512x128xi1>, vector<512x128xf32>
    %jit3A_2993 = arith.constant 2.900000e+01 : f32
    %broadcast_in_dim3A_2994 = vector.broadcast %jit3A_2993 : f32 to vector<512x128xf32>
    %select_n3A_2995 = arith.select %lt3A_2991, %broadcast_in_dim3A_2994, %select_n3A_2982 : vector<512x128xi1>, vector<512x128xf32>
    %slice3A_2996 = vector.extract_strided_slice %dot_general3A_2601 {offsets = [0, 3840], sizes = [512, 128], strides = [1, 1]} : vector<512x8192xf32> to vector<512x128xf32>
    %add3A_2997 = vector.broadcast %broadcast_in_dim3A_2608 : vector<512x1xf32> to vector<512x128xf32>
    %add3A_2998 = arith.addf %add3A_2997, %slice3A_2996 : vector<512x128xf32>
    %get3A_2999 = arith.constant 0 : index
    %get3A_3000 = arith.constant 3840 : index
    %get3A_3001 = vector.load %arg4[%get3A_2999, %get3A_3000] : memref<1x8192xf32, #tpu.memory_space<vmem>>, vector<1x128xf32>
    %add3A_3002 = vector.broadcast %get3A_3001 : vector<1x128xf32> to vector<512x128xf32>
    %add3A_3003 = arith.addf %add3A_2998, %add3A_3002 : vector<512x128xf32>
    %lt3A_3004 = arith.cmpf olt, %add3A_3003, %select_n3A_2992 : vector<512x128xf32>
    %select_n3A_3005 = arith.select %lt3A_3004, %add3A_3003, %select_n3A_2992 : vector<512x128xi1>, vector<512x128xf32>
    %jit3A_3006 = arith.constant 3.000000e+01 : f32
    %broadcast_in_dim3A_3007 = vector.broadcast %jit3A_3006 : f32 to vector<512x128xf32>
    %select_n3A_3008 = arith.select %lt3A_3004, %broadcast_in_dim3A_3007, %select_n3A_2995 : vector<512x128xi1>, vector<512x128xf32>
    %slice3A_3009 = vector.extract_strided_slice %dot_general3A_2601 {offsets = [0, 3968], sizes = [512, 128], strides = [1, 1]} : vector<512x8192xf32> to vector<512x128xf32>
    %add3A_3010 = vector.broadcast %broadcast_in_dim3A_2608 : vector<512x1xf32> to vector<512x128xf32>
    %add3A_3011 = arith.addf %add3A_3010, %slice3A_3009 : vector<512x128xf32>
    %get3A_3012 = arith.constant 0 : index
    %get3A_3013 = arith.constant 3968 : index
    %get3A_3014 = vector.load %arg4[%get3A_3012, %get3A_3013] : memref<1x8192xf32, #tpu.memory_space<vmem>>, vector<1x128xf32>
    %add3A_3015 = vector.broadcast %get3A_3014 : vector<1x128xf32> to vector<512x128xf32>
    %add3A_3016 = arith.addf %add3A_3011, %add3A_3015 : vector<512x128xf32>
    %lt3A_3017 = arith.cmpf olt, %add3A_3016, %select_n3A_3005 : vector<512x128xf32>
    %select_n3A_3018 = arith.select %lt3A_3017, %add3A_3016, %select_n3A_3005 : vector<512x128xi1>, vector<512x128xf32>
    %jit3A_3019 = arith.constant 3.100000e+01 : f32
    %broadcast_in_dim3A_3020 = vector.broadcast %jit3A_3019 : f32 to vector<512x128xf32>
    %select_n3A_3021 = arith.select %lt3A_3017, %broadcast_in_dim3A_3020, %select_n3A_3008 : vector<512x128xi1>, vector<512x128xf32>
    %slice3A_3022 = vector.extract_strided_slice %dot_general3A_2601 {offsets = [0, 4096], sizes = [512, 128], strides = [1, 1]} : vector<512x8192xf32> to vector<512x128xf32>
    %add3A_3023 = vector.broadcast %broadcast_in_dim3A_2608 : vector<512x1xf32> to vector<512x128xf32>
    %add3A_3024 = arith.addf %add3A_3023, %slice3A_3022 : vector<512x128xf32>
    %get3A_3025 = arith.constant 0 : index
    %get3A_3026 = arith.constant 4096 : index
    %get3A_3027 = vector.load %arg4[%get3A_3025, %get3A_3026] : memref<1x8192xf32, #tpu.memory_space<vmem>>, vector<1x128xf32>
    %add3A_3028 = vector.broadcast %get3A_3027 : vector<1x128xf32> to vector<512x128xf32>
    %add3A_3029 = arith.addf %add3A_3024, %add3A_3028 : vector<512x128xf32>
    %lt3A_3030 = arith.cmpf olt, %add3A_3029, %select_n3A_3018 : vector<512x128xf32>
    %select_n3A_3031 = arith.select %lt3A_3030, %add3A_3029, %select_n3A_3018 : vector<512x128xi1>, vector<512x128xf32>
    %jit3A_3032 = arith.constant 3.200000e+01 : f32
    %broadcast_in_dim3A_3033 = vector.broadcast %jit3A_3032 : f32 to vector<512x128xf32>
    %select_n3A_3034 = arith.select %lt3A_3030, %broadcast_in_dim3A_3033, %select_n3A_3021 : vector<512x128xi1>, vector<512x128xf32>
    %slice3A_3035 = vector.extract_strided_slice %dot_general3A_2601 {offsets = [0, 4224], sizes = [512, 128], strides = [1, 1]} : vector<512x8192xf32> to vector<512x128xf32>
    %add3A_3036 = vector.broadcast %broadcast_in_dim3A_2608 : vector<512x1xf32> to vector<512x128xf32>
    %add3A_3037 = arith.addf %add3A_3036, %slice3A_3035 : vector<512x128xf32>
    %get3A_3038 = arith.constant 0 : index
    %get3A_3039 = arith.constant 4224 : index
    %get3A_3040 = vector.load %arg4[%get3A_3038, %get3A_3039] : memref<1x8192xf32, #tpu.memory_space<vmem>>, vector<1x128xf32>
    %add3A_3041 = vector.broadcast %get3A_3040 : vector<1x128xf32> to vector<512x128xf32>
    %add3A_3042 = arith.addf %add3A_3037, %add3A_3041 : vector<512x128xf32>
    %lt3A_3043 = arith.cmpf olt, %add3A_3042, %select_n3A_3031 : vector<512x128xf32>
    %select_n3A_3044 = arith.select %lt3A_3043, %add3A_3042, %select_n3A_3031 : vector<512x128xi1>, vector<512x128xf32>
    %jit3A_3045 = arith.constant 3.300000e+01 : f32
    %broadcast_in_dim3A_3046 = vector.broadcast %jit3A_3045 : f32 to vector<512x128xf32>
    %select_n3A_3047 = arith.select %lt3A_3043, %broadcast_in_dim3A_3046, %select_n3A_3034 : vector<512x128xi1>, vector<512x128xf32>
    %slice3A_3048 = vector.extract_strided_slice %dot_general3A_2601 {offsets = [0, 4352], sizes = [512, 128], strides = [1, 1]} : vector<512x8192xf32> to vector<512x128xf32>
    %add3A_3049 = vector.broadcast %broadcast_in_dim3A_2608 : vector<512x1xf32> to vector<512x128xf32>
    %add3A_3050 = arith.addf %add3A_3049, %slice3A_3048 : vector<512x128xf32>
    %get3A_3051 = arith.constant 0 : index
    %get3A_3052 = arith.constant 4352 : index
    %get3A_3053 = vector.load %arg4[%get3A_3051, %get3A_3052] : memref<1x8192xf32, #tpu.memory_space<vmem>>, vector<1x128xf32>
    %add3A_3054 = vector.broadcast %get3A_3053 : vector<1x128xf32> to vector<512x128xf32>
    %add3A_3055 = arith.addf %add3A_3050, %add3A_3054 : vector<512x128xf32>
    %lt3A_3056 = arith.cmpf olt, %add3A_3055, %select_n3A_3044 : vector<512x128xf32>
    %select_n3A_3057 = arith.select %lt3A_3056, %add3A_3055, %select_n3A_3044 : vector<512x128xi1>, vector<512x128xf32>
    %jit3A_3058 = arith.constant 3.400000e+01 : f32
    %broadcast_in_dim3A_3059 = vector.broadcast %jit3A_3058 : f32 to vector<512x128xf32>
    %select_n3A_3060 = arith.select %lt3A_3056, %broadcast_in_dim3A_3059, %select_n3A_3047 : vector<512x128xi1>, vector<512x128xf32>
    %slice3A_3061 = vector.extract_strided_slice %dot_general3A_2601 {offsets = [0, 4480], sizes = [512, 128], strides = [1, 1]} : vector<512x8192xf32> to vector<512x128xf32>
    %add3A_3062 = vector.broadcast %broadcast_in_dim3A_2608 : vector<512x1xf32> to vector<512x128xf32>
    %add3A_3063 = arith.addf %add3A_3062, %slice3A_3061 : vector<512x128xf32>
    %get3A_3064 = arith.constant 0 : index
    %get3A_3065 = arith.constant 4480 : index
    %get3A_3066 = vector.load %arg4[%get3A_3064, %get3A_3065] : memref<1x8192xf32, #tpu.memory_space<vmem>>, vector<1x128xf32>
    %add3A_3067 = vector.broadcast %get3A_3066 : vector<1x128xf32> to vector<512x128xf32>
    %add3A_3068 = arith.addf %add3A_3063, %add3A_3067 : vector<512x128xf32>
    %lt3A_3069 = arith.cmpf olt, %add3A_3068, %select_n3A_3057 : vector<512x128xf32>
    %select_n3A_3070 = arith.select %lt3A_3069, %add3A_3068, %select_n3A_3057 : vector<512x128xi1>, vector<512x128xf32>
    %jit3A_3071 = arith.constant 3.500000e+01 : f32
    %broadcast_in_dim3A_3072 = vector.broadcast %jit3A_3071 : f32 to vector<512x128xf32>
    %select_n3A_3073 = arith.select %lt3A_3069, %broadcast_in_dim3A_3072, %select_n3A_3060 : vector<512x128xi1>, vector<512x128xf32>
    %slice3A_3074 = vector.extract_strided_slice %dot_general3A_2601 {offsets = [0, 4608], sizes = [512, 128], strides = [1, 1]} : vector<512x8192xf32> to vector<512x128xf32>
    %add3A_3075 = vector.broadcast %broadcast_in_dim3A_2608 : vector<512x1xf32> to vector<512x128xf32>
    %add3A_3076 = arith.addf %add3A_3075, %slice3A_3074 : vector<512x128xf32>
    %get3A_3077 = arith.constant 0 : index
    %get3A_3078 = arith.constant 4608 : index
    %get3A_3079 = vector.load %arg4[%get3A_3077, %get3A_3078] : memref<1x8192xf32, #tpu.memory_space<vmem>>, vector<1x128xf32>
    %add3A_3080 = vector.broadcast %get3A_3079 : vector<1x128xf32> to vector<512x128xf32>
    %add3A_3081 = arith.addf %add3A_3076, %add3A_3080 : vector<512x128xf32>
    %lt3A_3082 = arith.cmpf olt, %add3A_3081, %select_n3A_3070 : vector<512x128xf32>
    %select_n3A_3083 = arith.select %lt3A_3082, %add3A_3081, %select_n3A_3070 : vector<512x128xi1>, vector<512x128xf32>
    %jit3A_3084 = arith.constant 3.600000e+01 : f32
    %broadcast_in_dim3A_3085 = vector.broadcast %jit3A_3084 : f32 to vector<512x128xf32>
    %select_n3A_3086 = arith.select %lt3A_3082, %broadcast_in_dim3A_3085, %select_n3A_3073 : vector<512x128xi1>, vector<512x128xf32>
    %slice3A_3087 = vector.extract_strided_slice %dot_general3A_2601 {offsets = [0, 4736], sizes = [512, 128], strides = [1, 1]} : vector<512x8192xf32> to vector<512x128xf32>
    %add3A_3088 = vector.broadcast %broadcast_in_dim3A_2608 : vector<512x1xf32> to vector<512x128xf32>
    %add3A_3089 = arith.addf %add3A_3088, %slice3A_3087 : vector<512x128xf32>
    %get3A_3090 = arith.constant 0 : index
    %get3A_3091 = arith.constant 4736 : index
    %get3A_3092 = vector.load %arg4[%get3A_3090, %get3A_3091] : memref<1x8192xf32, #tpu.memory_space<vmem>>, vector<1x128xf32>
    %add3A_3093 = vector.broadcast %get3A_3092 : vector<1x128xf32> to vector<512x128xf32>
    %add3A_3094 = arith.addf %add3A_3089, %add3A_3093 : vector<512x128xf32>
    %lt3A_3095 = arith.cmpf olt, %add3A_3094, %select_n3A_3083 : vector<512x128xf32>
    %select_n3A_3096 = arith.select %lt3A_3095, %add3A_3094, %select_n3A_3083 : vector<512x128xi1>, vector<512x128xf32>
    %jit3A_3097 = arith.constant 3.700000e+01 : f32
    %broadcast_in_dim3A_3098 = vector.broadcast %jit3A_3097 : f32 to vector<512x128xf32>
    %select_n3A_3099 = arith.select %lt3A_3095, %broadcast_in_dim3A_3098, %select_n3A_3086 : vector<512x128xi1>, vector<512x128xf32>
    %slice3A_3100 = vector.extract_strided_slice %dot_general3A_2601 {offsets = [0, 4864], sizes = [512, 128], strides = [1, 1]} : vector<512x8192xf32> to vector<512x128xf32>
    %add3A_3101 = vector.broadcast %broadcast_in_dim3A_2608 : vector<512x1xf32> to vector<512x128xf32>
    %add3A_3102 = arith.addf %add3A_3101, %slice3A_3100 : vector<512x128xf32>
    %get3A_3103 = arith.constant 0 : index
    %get3A_3104 = arith.constant 4864 : index
    %get3A_3105 = vector.load %arg4[%get3A_3103, %get3A_3104] : memref<1x8192xf32, #tpu.memory_space<vmem>>, vector<1x128xf32>
    %add3A_3106 = vector.broadcast %get3A_3105 : vector<1x128xf32> to vector<512x128xf32>
    %add3A_3107 = arith.addf %add3A_3102, %add3A_3106 : vector<512x128xf32>
    %lt3A_3108 = arith.cmpf olt, %add3A_3107, %select_n3A_3096 : vector<512x128xf32>
    %select_n3A_3109 = arith.select %lt3A_3108, %add3A_3107, %select_n3A_3096 : vector<512x128xi1>, vector<512x128xf32>
    %jit3A_3110 = arith.constant 3.800000e+01 : f32
    %broadcast_in_dim3A_3111 = vector.broadcast %jit3A_3110 : f32 to vector<512x128xf32>
    %select_n3A_3112 = arith.select %lt3A_3108, %broadcast_in_dim3A_3111, %select_n3A_3099 : vector<512x128xi1>, vector<512x128xf32>
    %slice3A_3113 = vector.extract_strided_slice %dot_general3A_2601 {offsets = [0, 4992], sizes = [512, 128], strides = [1, 1]} : vector<512x8192xf32> to vector<512x128xf32>
    %add3A_3114 = vector.broadcast %broadcast_in_dim3A_2608 : vector<512x1xf32> to vector<512x128xf32>
    %add3A_3115 = arith.addf %add3A_3114, %slice3A_3113 : vector<512x128xf32>
    %get3A_3116 = arith.constant 0 : index
    %get3A_3117 = arith.constant 4992 : index
    %get3A_3118 = vector.load %arg4[%get3A_3116, %get3A_3117] : memref<1x8192xf32, #tpu.memory_space<vmem>>, vector<1x128xf32>
    %add3A_3119 = vector.broadcast %get3A_3118 : vector<1x128xf32> to vector<512x128xf32>
    %add3A_3120 = arith.addf %add3A_3115, %add3A_3119 : vector<512x128xf32>
    %lt3A_3121 = arith.cmpf olt, %add3A_3120, %select_n3A_3109 : vector<512x128xf32>
    %select_n3A_3122 = arith.select %lt3A_3121, %add3A_3120, %select_n3A_3109 : vector<512x128xi1>, vector<512x128xf32>
    %jit3A_3123 = arith.constant 3.900000e+01 : f32
    %broadcast_in_dim3A_3124 = vector.broadcast %jit3A_3123 : f32 to vector<512x128xf32>
    %select_n3A_3125 = arith.select %lt3A_3121, %broadcast_in_dim3A_3124, %select_n3A_3112 : vector<512x128xi1>, vector<512x128xf32>
    %slice3A_3126 = vector.extract_strided_slice %dot_general3A_2601 {offsets = [0, 5120], sizes = [512, 128], strides = [1, 1]} : vector<512x8192xf32> to vector<512x128xf32>
    %add3A_3127 = vector.broadcast %broadcast_in_dim3A_2608 : vector<512x1xf32> to vector<512x128xf32>
    %add3A_3128 = arith.addf %add3A_3127, %slice3A_3126 : vector<512x128xf32>
    %get3A_3129 = arith.constant 0 : index
    %get3A_3130 = arith.constant 5120 : index
    %get3A_3131 = vector.load %arg4[%get3A_3129, %get3A_3130] : memref<1x8192xf32, #tpu.memory_space<vmem>>, vector<1x128xf32>
    %add3A_3132 = vector.broadcast %get3A_3131 : vector<1x128xf32> to vector<512x128xf32>
    %add3A_3133 = arith.addf %add3A_3128, %add3A_3132 : vector<512x128xf32>
    %lt3A_3134 = arith.cmpf olt, %add3A_3133, %select_n3A_3122 : vector<512x128xf32>
    %select_n3A_3135 = arith.select %lt3A_3134, %add3A_3133, %select_n3A_3122 : vector<512x128xi1>, vector<512x128xf32>
    %jit3A_3136 = arith.constant 4.000000e+01 : f32
    %broadcast_in_dim3A_3137 = vector.broadcast %jit3A_3136 : f32 to vector<512x128xf32>
    %select_n3A_3138 = arith.select %lt3A_3134, %broadcast_in_dim3A_3137, %select_n3A_3125 : vector<512x128xi1>, vector<512x128xf32>
    %slice3A_3139 = vector.extract_strided_slice %dot_general3A_2601 {offsets = [0, 5248], sizes = [512, 128], strides = [1, 1]} : vector<512x8192xf32> to vector<512x128xf32>
    %add3A_3140 = vector.broadcast %broadcast_in_dim3A_2608 : vector<512x1xf32> to vector<512x128xf32>
    %add3A_3141 = arith.addf %add3A_3140, %slice3A_3139 : vector<512x128xf32>
    %get3A_3142 = arith.constant 0 : index
    %get3A_3143 = arith.constant 5248 : index
    %get3A_3144 = vector.load %arg4[%get3A_3142, %get3A_3143] : memref<1x8192xf32, #tpu.memory_space<vmem>>, vector<1x128xf32>
    %add3A_3145 = vector.broadcast %get3A_3144 : vector<1x128xf32> to vector<512x128xf32>
    %add3A_3146 = arith.addf %add3A_3141, %add3A_3145 : vector<512x128xf32>
    %lt3A_3147 = arith.cmpf olt, %add3A_3146, %select_n3A_3135 : vector<512x128xf32>
    %select_n3A_3148 = arith.select %lt3A_3147, %add3A_3146, %select_n3A_3135 : vector<512x128xi1>, vector<512x128xf32>
    %jit3A_3149 = arith.constant 4.100000e+01 : f32
    %broadcast_in_dim3A_3150 = vector.broadcast %jit3A_3149 : f32 to vector<512x128xf32>
    %select_n3A_3151 = arith.select %lt3A_3147, %broadcast_in_dim3A_3150, %select_n3A_3138 : vector<512x128xi1>, vector<512x128xf32>
    %slice3A_3152 = vector.extract_strided_slice %dot_general3A_2601 {offsets = [0, 5376], sizes = [512, 128], strides = [1, 1]} : vector<512x8192xf32> to vector<512x128xf32>
    %add3A_3153 = vector.broadcast %broadcast_in_dim3A_2608 : vector<512x1xf32> to vector<512x128xf32>
    %add3A_3154 = arith.addf %add3A_3153, %slice3A_3152 : vector<512x128xf32>
    %get3A_3155 = arith.constant 0 : index
    %get3A_3156 = arith.constant 5376 : index
    %get3A_3157 = vector.load %arg4[%get3A_3155, %get3A_3156] : memref<1x8192xf32, #tpu.memory_space<vmem>>, vector<1x128xf32>
    %add3A_3158 = vector.broadcast %get3A_3157 : vector<1x128xf32> to vector<512x128xf32>
    %add3A_3159 = arith.addf %add3A_3154, %add3A_3158 : vector<512x128xf32>
    %lt3A_3160 = arith.cmpf olt, %add3A_3159, %select_n3A_3148 : vector<512x128xf32>
    %select_n3A_3161 = arith.select %lt3A_3160, %add3A_3159, %select_n3A_3148 : vector<512x128xi1>, vector<512x128xf32>
    %jit3A_3162 = arith.constant 4.200000e+01 : f32
    %broadcast_in_dim3A_3163 = vector.broadcast %jit3A_3162 : f32 to vector<512x128xf32>
    %select_n3A_3164 = arith.select %lt3A_3160, %broadcast_in_dim3A_3163, %select_n3A_3151 : vector<512x128xi1>, vector<512x128xf32>
    %slice3A_3165 = vector.extract_strided_slice %dot_general3A_2601 {offsets = [0, 5504], sizes = [512, 128], strides = [1, 1]} : vector<512x8192xf32> to vector<512x128xf32>
    %add3A_3166 = vector.broadcast %broadcast_in_dim3A_2608 : vector<512x1xf32> to vector<512x128xf32>
    %add3A_3167 = arith.addf %add3A_3166, %slice3A_3165 : vector<512x128xf32>
    %get3A_3168 = arith.constant 0 : index
    %get3A_3169 = arith.constant 5504 : index
    %get3A_3170 = vector.load %arg4[%get3A_3168, %get3A_3169] : memref<1x8192xf32, #tpu.memory_space<vmem>>, vector<1x128xf32>
    %add3A_3171 = vector.broadcast %get3A_3170 : vector<1x128xf32> to vector<512x128xf32>
    %add3A_3172 = arith.addf %add3A_3167, %add3A_3171 : vector<512x128xf32>
    %lt3A_3173 = arith.cmpf olt, %add3A_3172, %select_n3A_3161 : vector<512x128xf32>
    %select_n3A_3174 = arith.select %lt3A_3173, %add3A_3172, %select_n3A_3161 : vector<512x128xi1>, vector<512x128xf32>
    %jit3A_3175 = arith.constant 4.300000e+01 : f32
    %broadcast_in_dim3A_3176 = vector.broadcast %jit3A_3175 : f32 to vector<512x128xf32>
    %select_n3A_3177 = arith.select %lt3A_3173, %broadcast_in_dim3A_3176, %select_n3A_3164 : vector<512x128xi1>, vector<512x128xf32>
    %slice3A_3178 = vector.extract_strided_slice %dot_general3A_2601 {offsets = [0, 5632], sizes = [512, 128], strides = [1, 1]} : vector<512x8192xf32> to vector<512x128xf32>
    %add3A_3179 = vector.broadcast %broadcast_in_dim3A_2608 : vector<512x1xf32> to vector<512x128xf32>
    %add3A_3180 = arith.addf %add3A_3179, %slice3A_3178 : vector<512x128xf32>
    %get3A_3181 = arith.constant 0 : index
    %get3A_3182 = arith.constant 5632 : index
    %get3A_3183 = vector.load %arg4[%get3A_3181, %get3A_3182] : memref<1x8192xf32, #tpu.memory_space<vmem>>, vector<1x128xf32>
    %add3A_3184 = vector.broadcast %get3A_3183 : vector<1x128xf32> to vector<512x128xf32>
    %add3A_3185 = arith.addf %add3A_3180, %add3A_3184 : vector<512x128xf32>
    %lt3A_3186 = arith.cmpf olt, %add3A_3185, %select_n3A_3174 : vector<512x128xf32>
    %select_n3A_3187 = arith.select %lt3A_3186, %add3A_3185, %select_n3A_3174 : vector<512x128xi1>, vector<512x128xf32>
    %jit3A_3188 = arith.constant 4.400000e+01 : f32
    %broadcast_in_dim3A_3189 = vector.broadcast %jit3A_3188 : f32 to vector<512x128xf32>
    %select_n3A_3190 = arith.select %lt3A_3186, %broadcast_in_dim3A_3189, %select_n3A_3177 : vector<512x128xi1>, vector<512x128xf32>
    %slice3A_3191 = vector.extract_strided_slice %dot_general3A_2601 {offsets = [0, 5760], sizes = [512, 128], strides = [1, 1]} : vector<512x8192xf32> to vector<512x128xf32>
    %add3A_3192 = vector.broadcast %broadcast_in_dim3A_2608 : vector<512x1xf32> to vector<512x128xf32>
    %add3A_3193 = arith.addf %add3A_3192, %slice3A_3191 : vector<512x128xf32>
    %get3A_3194 = arith.constant 0 : index
    %get3A_3195 = arith.constant 5760 : index
    %get3A_3196 = vector.load %arg4[%get3A_3194, %get3A_3195] : memref<1x8192xf32, #tpu.memory_space<vmem>>, vector<1x128xf32>
    %add3A_3197 = vector.broadcast %get3A_3196 : vector<1x128xf32> to vector<512x128xf32>
    %add3A_3198 = arith.addf %add3A_3193, %add3A_3197 : vector<512x128xf32>
    %lt3A_3199 = arith.cmpf olt, %add3A_3198, %select_n3A_3187 : vector<512x128xf32>
    %select_n3A_3200 = arith.select %lt3A_3199, %add3A_3198, %select_n3A_3187 : vector<512x128xi1>, vector<512x128xf32>
    %jit3A_3201 = arith.constant 4.500000e+01 : f32
    %broadcast_in_dim3A_3202 = vector.broadcast %jit3A_3201 : f32 to vector<512x128xf32>
    %select_n3A_3203 = arith.select %lt3A_3199, %broadcast_in_dim3A_3202, %select_n3A_3190 : vector<512x128xi1>, vector<512x128xf32>
    %slice3A_3204 = vector.extract_strided_slice %dot_general3A_2601 {offsets = [0, 5888], sizes = [512, 128], strides = [1, 1]} : vector<512x8192xf32> to vector<512x128xf32>
    %add3A_3205 = vector.broadcast %broadcast_in_dim3A_2608 : vector<512x1xf32> to vector<512x128xf32>
    %add3A_3206 = arith.addf %add3A_3205, %slice3A_3204 : vector<512x128xf32>
    %get3A_3207 = arith.constant 0 : index
    %get3A_3208 = arith.constant 5888 : index
    %get3A_3209 = vector.load %arg4[%get3A_3207, %get3A_3208] : memref<1x8192xf32, #tpu.memory_space<vmem>>, vector<1x128xf32>
    %add3A_3210 = vector.broadcast %get3A_3209 : vector<1x128xf32> to vector<512x128xf32>
    %add3A_3211 = arith.addf %add3A_3206, %add3A_3210 : vector<512x128xf32>
    %lt3A_3212 = arith.cmpf olt, %add3A_3211, %select_n3A_3200 : vector<512x128xf32>
    %select_n3A_3213 = arith.select %lt3A_3212, %add3A_3211, %select_n3A_3200 : vector<512x128xi1>, vector<512x128xf32>
    %jit3A_3214 = arith.constant 4.600000e+01 : f32
    %broadcast_in_dim3A_3215 = vector.broadcast %jit3A_3214 : f32 to vector<512x128xf32>
    %select_n3A_3216 = arith.select %lt3A_3212, %broadcast_in_dim3A_3215, %select_n3A_3203 : vector<512x128xi1>, vector<512x128xf32>
    %slice3A_3217 = vector.extract_strided_slice %dot_general3A_2601 {offsets = [0, 6016], sizes = [512, 128], strides = [1, 1]} : vector<512x8192xf32> to vector<512x128xf32>
    %add3A_3218 = vector.broadcast %broadcast_in_dim3A_2608 : vector<512x1xf32> to vector<512x128xf32>
    %add3A_3219 = arith.addf %add3A_3218, %slice3A_3217 : vector<512x128xf32>
    %get3A_3220 = arith.constant 0 : index
    %get3A_3221 = arith.constant 6016 : index
    %get3A_3222 = vector.load %arg4[%get3A_3220, %get3A_3221] : memref<1x8192xf32, #tpu.memory_space<vmem>>, vector<1x128xf32>
    %add3A_3223 = vector.broadcast %get3A_3222 : vector<1x128xf32> to vector<512x128xf32>
    %add3A_3224 = arith.addf %add3A_3219, %add3A_3223 : vector<512x128xf32>
    %lt3A_3225 = arith.cmpf olt, %add3A_3224, %select_n3A_3213 : vector<512x128xf32>
    %select_n3A_3226 = arith.select %lt3A_3225, %add3A_3224, %select_n3A_3213 : vector<512x128xi1>, vector<512x128xf32>
    %jit3A_3227 = arith.constant 4.700000e+01 : f32
    %broadcast_in_dim3A_3228 = vector.broadcast %jit3A_3227 : f32 to vector<512x128xf32>
    %select_n3A_3229 = arith.select %lt3A_3225, %broadcast_in_dim3A_3228, %select_n3A_3216 : vector<512x128xi1>, vector<512x128xf32>
    %slice3A_3230 = vector.extract_strided_slice %dot_general3A_2601 {offsets = [0, 6144], sizes = [512, 128], strides = [1, 1]} : vector<512x8192xf32> to vector<512x128xf32>
    %add3A_3231 = vector.broadcast %broadcast_in_dim3A_2608 : vector<512x1xf32> to vector<512x128xf32>
    %add3A_3232 = arith.addf %add3A_3231, %slice3A_3230 : vector<512x128xf32>
    %get3A_3233 = arith.constant 0 : index
    %get3A_3234 = arith.constant 6144 : index
    %get3A_3235 = vector.load %arg4[%get3A_3233, %get3A_3234] : memref<1x8192xf32, #tpu.memory_space<vmem>>, vector<1x128xf32>
    %add3A_3236 = vector.broadcast %get3A_3235 : vector<1x128xf32> to vector<512x128xf32>
    %add3A_3237 = arith.addf %add3A_3232, %add3A_3236 : vector<512x128xf32>
    %lt3A_3238 = arith.cmpf olt, %add3A_3237, %select_n3A_3226 : vector<512x128xf32>
    %select_n3A_3239 = arith.select %lt3A_3238, %add3A_3237, %select_n3A_3226 : vector<512x128xi1>, vector<512x128xf32>
    %jit3A_3240 = arith.constant 4.800000e+01 : f32
    %broadcast_in_dim3A_3241 = vector.broadcast %jit3A_3240 : f32 to vector<512x128xf32>
    %select_n3A_3242 = arith.select %lt3A_3238, %broadcast_in_dim3A_3241, %select_n3A_3229 : vector<512x128xi1>, vector<512x128xf32>
    %slice3A_3243 = vector.extract_strided_slice %dot_general3A_2601 {offsets = [0, 6272], sizes = [512, 128], strides = [1, 1]} : vector<512x8192xf32> to vector<512x128xf32>
    %add3A_3244 = vector.broadcast %broadcast_in_dim3A_2608 : vector<512x1xf32> to vector<512x128xf32>
    %add3A_3245 = arith.addf %add3A_3244, %slice3A_3243 : vector<512x128xf32>
    %get3A_3246 = arith.constant 0 : index
    %get3A_3247 = arith.constant 6272 : index
    %get3A_3248 = vector.load %arg4[%get3A_3246, %get3A_3247] : memref<1x8192xf32, #tpu.memory_space<vmem>>, vector<1x128xf32>
    %add3A_3249 = vector.broadcast %get3A_3248 : vector<1x128xf32> to vector<512x128xf32>
    %add3A_3250 = arith.addf %add3A_3245, %add3A_3249 : vector<512x128xf32>
    %lt3A_3251 = arith.cmpf olt, %add3A_3250, %select_n3A_3239 : vector<512x128xf32>
    %select_n3A_3252 = arith.select %lt3A_3251, %add3A_3250, %select_n3A_3239 : vector<512x128xi1>, vector<512x128xf32>
    %jit3A_3253 = arith.constant 4.900000e+01 : f32
    %broadcast_in_dim3A_3254 = vector.broadcast %jit3A_3253 : f32 to vector<512x128xf32>
    %select_n3A_3255 = arith.select %lt3A_3251, %broadcast_in_dim3A_3254, %select_n3A_3242 : vector<512x128xi1>, vector<512x128xf32>
    %slice3A_3256 = vector.extract_strided_slice %dot_general3A_2601 {offsets = [0, 6400], sizes = [512, 128], strides = [1, 1]} : vector<512x8192xf32> to vector<512x128xf32>
    %add3A_3257 = vector.broadcast %broadcast_in_dim3A_2608 : vector<512x1xf32> to vector<512x128xf32>
    %add3A_3258 = arith.addf %add3A_3257, %slice3A_3256 : vector<512x128xf32>
    %get3A_3259 = arith.constant 0 : index
    %get3A_3260 = arith.constant 6400 : index
    %get3A_3261 = vector.load %arg4[%get3A_3259, %get3A_3260] : memref<1x8192xf32, #tpu.memory_space<vmem>>, vector<1x128xf32>
    %add3A_3262 = vector.broadcast %get3A_3261 : vector<1x128xf32> to vector<512x128xf32>
    %add3A_3263 = arith.addf %add3A_3258, %add3A_3262 : vector<512x128xf32>
    %lt3A_3264 = arith.cmpf olt, %add3A_3263, %select_n3A_3252 : vector<512x128xf32>
    %select_n3A_3265 = arith.select %lt3A_3264, %add3A_3263, %select_n3A_3252 : vector<512x128xi1>, vector<512x128xf32>
    %jit3A_3266 = arith.constant 5.000000e+01 : f32
    %broadcast_in_dim3A_3267 = vector.broadcast %jit3A_3266 : f32 to vector<512x128xf32>
    %select_n3A_3268 = arith.select %lt3A_3264, %broadcast_in_dim3A_3267, %select_n3A_3255 : vector<512x128xi1>, vector<512x128xf32>
    %slice3A_3269 = vector.extract_strided_slice %dot_general3A_2601 {offsets = [0, 6528], sizes = [512, 128], strides = [1, 1]} : vector<512x8192xf32> to vector<512x128xf32>
    %add3A_3270 = vector.broadcast %broadcast_in_dim3A_2608 : vector<512x1xf32> to vector<512x128xf32>
    %add3A_3271 = arith.addf %add3A_3270, %slice3A_3269 : vector<512x128xf32>
    %get3A_3272 = arith.constant 0 : index
    %get3A_3273 = arith.constant 6528 : index
    %get3A_3274 = vector.load %arg4[%get3A_3272, %get3A_3273] : memref<1x8192xf32, #tpu.memory_space<vmem>>, vector<1x128xf32>
    %add3A_3275 = vector.broadcast %get3A_3274 : vector<1x128xf32> to vector<512x128xf32>
    %add3A_3276 = arith.addf %add3A_3271, %add3A_3275 : vector<512x128xf32>
    %lt3A_3277 = arith.cmpf olt, %add3A_3276, %select_n3A_3265 : vector<512x128xf32>
    %select_n3A_3278 = arith.select %lt3A_3277, %add3A_3276, %select_n3A_3265 : vector<512x128xi1>, vector<512x128xf32>
    %jit3A_3279 = arith.constant 5.100000e+01 : f32
    %broadcast_in_dim3A_3280 = vector.broadcast %jit3A_3279 : f32 to vector<512x128xf32>
    %select_n3A_3281 = arith.select %lt3A_3277, %broadcast_in_dim3A_3280, %select_n3A_3268 : vector<512x128xi1>, vector<512x128xf32>
    %slice3A_3282 = vector.extract_strided_slice %dot_general3A_2601 {offsets = [0, 6656], sizes = [512, 128], strides = [1, 1]} : vector<512x8192xf32> to vector<512x128xf32>
    %add3A_3283 = vector.broadcast %broadcast_in_dim3A_2608 : vector<512x1xf32> to vector<512x128xf32>
    %add3A_3284 = arith.addf %add3A_3283, %slice3A_3282 : vector<512x128xf32>
    %get3A_3285 = arith.constant 0 : index
    %get3A_3286 = arith.constant 6656 : index
    %get3A_3287 = vector.load %arg4[%get3A_3285, %get3A_3286] : memref<1x8192xf32, #tpu.memory_space<vmem>>, vector<1x128xf32>
    %add3A_3288 = vector.broadcast %get3A_3287 : vector<1x128xf32> to vector<512x128xf32>
    %add3A_3289 = arith.addf %add3A_3284, %add3A_3288 : vector<512x128xf32>
    %lt3A_3290 = arith.cmpf olt, %add3A_3289, %select_n3A_3278 : vector<512x128xf32>
    %select_n3A_3291 = arith.select %lt3A_3290, %add3A_3289, %select_n3A_3278 : vector<512x128xi1>, vector<512x128xf32>
    %jit3A_3292 = arith.constant 5.200000e+01 : f32
    %broadcast_in_dim3A_3293 = vector.broadcast %jit3A_3292 : f32 to vector<512x128xf32>
    %select_n3A_3294 = arith.select %lt3A_3290, %broadcast_in_dim3A_3293, %select_n3A_3281 : vector<512x128xi1>, vector<512x128xf32>
    %slice3A_3295 = vector.extract_strided_slice %dot_general3A_2601 {offsets = [0, 6784], sizes = [512, 128], strides = [1, 1]} : vector<512x8192xf32> to vector<512x128xf32>
    %add3A_3296 = vector.broadcast %broadcast_in_dim3A_2608 : vector<512x1xf32> to vector<512x128xf32>
    %add3A_3297 = arith.addf %add3A_3296, %slice3A_3295 : vector<512x128xf32>
    %get3A_3298 = arith.constant 0 : index
    %get3A_3299 = arith.constant 6784 : index
    %get3A_3300 = vector.load %arg4[%get3A_3298, %get3A_3299] : memref<1x8192xf32, #tpu.memory_space<vmem>>, vector<1x128xf32>
    %add3A_3301 = vector.broadcast %get3A_3300 : vector<1x128xf32> to vector<512x128xf32>
    %add3A_3302 = arith.addf %add3A_3297, %add3A_3301 : vector<512x128xf32>
    %lt3A_3303 = arith.cmpf olt, %add3A_3302, %select_n3A_3291 : vector<512x128xf32>
    %select_n3A_3304 = arith.select %lt3A_3303, %add3A_3302, %select_n3A_3291 : vector<512x128xi1>, vector<512x128xf32>
    %jit3A_3305 = arith.constant 5.300000e+01 : f32
    %broadcast_in_dim3A_3306 = vector.broadcast %jit3A_3305 : f32 to vector<512x128xf32>
    %select_n3A_3307 = arith.select %lt3A_3303, %broadcast_in_dim3A_3306, %select_n3A_3294 : vector<512x128xi1>, vector<512x128xf32>
    %slice3A_3308 = vector.extract_strided_slice %dot_general3A_2601 {offsets = [0, 6912], sizes = [512, 128], strides = [1, 1]} : vector<512x8192xf32> to vector<512x128xf32>
    %add3A_3309 = vector.broadcast %broadcast_in_dim3A_2608 : vector<512x1xf32> to vector<512x128xf32>
    %add3A_3310 = arith.addf %add3A_3309, %slice3A_3308 : vector<512x128xf32>
    %get3A_3311 = arith.constant 0 : index
    %get3A_3312 = arith.constant 6912 : index
    %get3A_3313 = vector.load %arg4[%get3A_3311, %get3A_3312] : memref<1x8192xf32, #tpu.memory_space<vmem>>, vector<1x128xf32>
    %add3A_3314 = vector.broadcast %get3A_3313 : vector<1x128xf32> to vector<512x128xf32>
    %add3A_3315 = arith.addf %add3A_3310, %add3A_3314 : vector<512x128xf32>
    %lt3A_3316 = arith.cmpf olt, %add3A_3315, %select_n3A_3304 : vector<512x128xf32>
    %select_n3A_3317 = arith.select %lt3A_3316, %add3A_3315, %select_n3A_3304 : vector<512x128xi1>, vector<512x128xf32>
    %jit3A_3318 = arith.constant 5.400000e+01 : f32
    %broadcast_in_dim3A_3319 = vector.broadcast %jit3A_3318 : f32 to vector<512x128xf32>
    %select_n3A_3320 = arith.select %lt3A_3316, %broadcast_in_dim3A_3319, %select_n3A_3307 : vector<512x128xi1>, vector<512x128xf32>
    %slice3A_3321 = vector.extract_strided_slice %dot_general3A_2601 {offsets = [0, 7040], sizes = [512, 128], strides = [1, 1]} : vector<512x8192xf32> to vector<512x128xf32>
    %add3A_3322 = vector.broadcast %broadcast_in_dim3A_2608 : vector<512x1xf32> to vector<512x128xf32>
    %add3A_3323 = arith.addf %add3A_3322, %slice3A_3321 : vector<512x128xf32>
    %get3A_3324 = arith.constant 0 : index
    %get3A_3325 = arith.constant 7040 : index
    %get3A_3326 = vector.load %arg4[%get3A_3324, %get3A_3325] : memref<1x8192xf32, #tpu.memory_space<vmem>>, vector<1x128xf32>
    %add3A_3327 = vector.broadcast %get3A_3326 : vector<1x128xf32> to vector<512x128xf32>
    %add3A_3328 = arith.addf %add3A_3323, %add3A_3327 : vector<512x128xf32>
    %lt3A_3329 = arith.cmpf olt, %add3A_3328, %select_n3A_3317 : vector<512x128xf32>
    %select_n3A_3330 = arith.select %lt3A_3329, %add3A_3328, %select_n3A_3317 : vector<512x128xi1>, vector<512x128xf32>
    %jit3A_3331 = arith.constant 5.500000e+01 : f32
    %broadcast_in_dim3A_3332 = vector.broadcast %jit3A_3331 : f32 to vector<512x128xf32>
    %select_n3A_3333 = arith.select %lt3A_3329, %broadcast_in_dim3A_3332, %select_n3A_3320 : vector<512x128xi1>, vector<512x128xf32>
    %slice3A_3334 = vector.extract_strided_slice %dot_general3A_2601 {offsets = [0, 7168], sizes = [512, 128], strides = [1, 1]} : vector<512x8192xf32> to vector<512x128xf32>
    %add3A_3335 = vector.broadcast %broadcast_in_dim3A_2608 : vector<512x1xf32> to vector<512x128xf32>
    %add3A_3336 = arith.addf %add3A_3335, %slice3A_3334 : vector<512x128xf32>
    %get3A_3337 = arith.constant 0 : index
    %get3A_3338 = arith.constant 7168 : index
    %get3A_3339 = vector.load %arg4[%get3A_3337, %get3A_3338] : memref<1x8192xf32, #tpu.memory_space<vmem>>, vector<1x128xf32>
    %add3A_3340 = vector.broadcast %get3A_3339 : vector<1x128xf32> to vector<512x128xf32>
    %add3A_3341 = arith.addf %add3A_3336, %add3A_3340 : vector<512x128xf32>
    %lt3A_3342 = arith.cmpf olt, %add3A_3341, %select_n3A_3330 : vector<512x128xf32>
    %select_n3A_3343 = arith.select %lt3A_3342, %add3A_3341, %select_n3A_3330 : vector<512x128xi1>, vector<512x128xf32>
    %jit3A_3344 = arith.constant 5.600000e+01 : f32
    %broadcast_in_dim3A_3345 = vector.broadcast %jit3A_3344 : f32 to vector<512x128xf32>
    %select_n3A_3346 = arith.select %lt3A_3342, %broadcast_in_dim3A_3345, %select_n3A_3333 : vector<512x128xi1>, vector<512x128xf32>
    %slice3A_3347 = vector.extract_strided_slice %dot_general3A_2601 {offsets = [0, 7296], sizes = [512, 128], strides = [1, 1]} : vector<512x8192xf32> to vector<512x128xf32>
    %add3A_3348 = vector.broadcast %broadcast_in_dim3A_2608 : vector<512x1xf32> to vector<512x128xf32>
    %add3A_3349 = arith.addf %add3A_3348, %slice3A_3347 : vector<512x128xf32>
    %get3A_3350 = arith.constant 0 : index
    %get3A_3351 = arith.constant 7296 : index
    %get3A_3352 = vector.load %arg4[%get3A_3350, %get3A_3351] : memref<1x8192xf32, #tpu.memory_space<vmem>>, vector<1x128xf32>
    %add3A_3353 = vector.broadcast %get3A_3352 : vector<1x128xf32> to vector<512x128xf32>
    %add3A_3354 = arith.addf %add3A_3349, %add3A_3353 : vector<512x128xf32>
    %lt3A_3355 = arith.cmpf olt, %add3A_3354, %select_n3A_3343 : vector<512x128xf32>
    %select_n3A_3356 = arith.select %lt3A_3355, %add3A_3354, %select_n3A_3343 : vector<512x128xi1>, vector<512x128xf32>
    %jit3A_3357 = arith.constant 5.700000e+01 : f32
    %broadcast_in_dim3A_3358 = vector.broadcast %jit3A_3357 : f32 to vector<512x128xf32>
    %select_n3A_3359 = arith.select %lt3A_3355, %broadcast_in_dim3A_3358, %select_n3A_3346 : vector<512x128xi1>, vector<512x128xf32>
    %slice3A_3360 = vector.extract_strided_slice %dot_general3A_2601 {offsets = [0, 7424], sizes = [512, 128], strides = [1, 1]} : vector<512x8192xf32> to vector<512x128xf32>
    %add3A_3361 = vector.broadcast %broadcast_in_dim3A_2608 : vector<512x1xf32> to vector<512x128xf32>
    %add3A_3362 = arith.addf %add3A_3361, %slice3A_3360 : vector<512x128xf32>
    %get3A_3363 = arith.constant 0 : index
    %get3A_3364 = arith.constant 7424 : index
    %get3A_3365 = vector.load %arg4[%get3A_3363, %get3A_3364] : memref<1x8192xf32, #tpu.memory_space<vmem>>, vector<1x128xf32>
    %add3A_3366 = vector.broadcast %get3A_3365 : vector<1x128xf32> to vector<512x128xf32>
    %add3A_3367 = arith.addf %add3A_3362, %add3A_3366 : vector<512x128xf32>
    %lt3A_3368 = arith.cmpf olt, %add3A_3367, %select_n3A_3356 : vector<512x128xf32>
    %select_n3A_3369 = arith.select %lt3A_3368, %add3A_3367, %select_n3A_3356 : vector<512x128xi1>, vector<512x128xf32>
    %jit3A_3370 = arith.constant 5.800000e+01 : f32
    %broadcast_in_dim3A_3371 = vector.broadcast %jit3A_3370 : f32 to vector<512x128xf32>
    %select_n3A_3372 = arith.select %lt3A_3368, %broadcast_in_dim3A_3371, %select_n3A_3359 : vector<512x128xi1>, vector<512x128xf32>
    %slice3A_3373 = vector.extract_strided_slice %dot_general3A_2601 {offsets = [0, 7552], sizes = [512, 128], strides = [1, 1]} : vector<512x8192xf32> to vector<512x128xf32>
    %add3A_3374 = vector.broadcast %broadcast_in_dim3A_2608 : vector<512x1xf32> to vector<512x128xf32>
    %add3A_3375 = arith.addf %add3A_3374, %slice3A_3373 : vector<512x128xf32>
    %get3A_3376 = arith.constant 0 : index
    %get3A_3377 = arith.constant 7552 : index
    %get3A_3378 = vector.load %arg4[%get3A_3376, %get3A_3377] : memref<1x8192xf32, #tpu.memory_space<vmem>>, vector<1x128xf32>
    %add3A_3379 = vector.broadcast %get3A_3378 : vector<1x128xf32> to vector<512x128xf32>
    %add3A_3380 = arith.addf %add3A_3375, %add3A_3379 : vector<512x128xf32>
    %lt3A_3381 = arith.cmpf olt, %add3A_3380, %select_n3A_3369 : vector<512x128xf32>
    %select_n3A_3382 = arith.select %lt3A_3381, %add3A_3380, %select_n3A_3369 : vector<512x128xi1>, vector<512x128xf32>
    %jit3A_3383 = arith.constant 5.900000e+01 : f32
    %broadcast_in_dim3A_3384 = vector.broadcast %jit3A_3383 : f32 to vector<512x128xf32>
    %select_n3A_3385 = arith.select %lt3A_3381, %broadcast_in_dim3A_3384, %select_n3A_3372 : vector<512x128xi1>, vector<512x128xf32>
    %slice3A_3386 = vector.extract_strided_slice %dot_general3A_2601 {offsets = [0, 7680], sizes = [512, 128], strides = [1, 1]} : vector<512x8192xf32> to vector<512x128xf32>
    %add3A_3387 = vector.broadcast %broadcast_in_dim3A_2608 : vector<512x1xf32> to vector<512x128xf32>
    %add3A_3388 = arith.addf %add3A_3387, %slice3A_3386 : vector<512x128xf32>
    %get3A_3389 = arith.constant 0 : index
    %get3A_3390 = arith.constant 7680 : index
    %get3A_3391 = vector.load %arg4[%get3A_3389, %get3A_3390] : memref<1x8192xf32, #tpu.memory_space<vmem>>, vector<1x128xf32>
    %add3A_3392 = vector.broadcast %get3A_3391 : vector<1x128xf32> to vector<512x128xf32>
    %add3A_3393 = arith.addf %add3A_3388, %add3A_3392 : vector<512x128xf32>
    %lt3A_3394 = arith.cmpf olt, %add3A_3393, %select_n3A_3382 : vector<512x128xf32>
    %select_n3A_3395 = arith.select %lt3A_3394, %add3A_3393, %select_n3A_3382 : vector<512x128xi1>, vector<512x128xf32>
    %jit3A_3396 = arith.constant 6.000000e+01 : f32
    %broadcast_in_dim3A_3397 = vector.broadcast %jit3A_3396 : f32 to vector<512x128xf32>
    %select_n3A_3398 = arith.select %lt3A_3394, %broadcast_in_dim3A_3397, %select_n3A_3385 : vector<512x128xi1>, vector<512x128xf32>
    %slice3A_3399 = vector.extract_strided_slice %dot_general3A_2601 {offsets = [0, 7808], sizes = [512, 128], strides = [1, 1]} : vector<512x8192xf32> to vector<512x128xf32>
    %add3A_3400 = vector.broadcast %broadcast_in_dim3A_2608 : vector<512x1xf32> to vector<512x128xf32>
    %add3A_3401 = arith.addf %add3A_3400, %slice3A_3399 : vector<512x128xf32>
    %get3A_3402 = arith.constant 0 : index
    %get3A_3403 = arith.constant 7808 : index
    %get3A_3404 = vector.load %arg4[%get3A_3402, %get3A_3403] : memref<1x8192xf32, #tpu.memory_space<vmem>>, vector<1x128xf32>
    %add3A_3405 = vector.broadcast %get3A_3404 : vector<1x128xf32> to vector<512x128xf32>
    %add3A_3406 = arith.addf %add3A_3401, %add3A_3405 : vector<512x128xf32>
    %lt3A_3407 = arith.cmpf olt, %add3A_3406, %select_n3A_3395 : vector<512x128xf32>
    %select_n3A_3408 = arith.select %lt3A_3407, %add3A_3406, %select_n3A_3395 : vector<512x128xi1>, vector<512x128xf32>
    %jit3A_3409 = arith.constant 6.100000e+01 : f32
    %broadcast_in_dim3A_3410 = vector.broadcast %jit3A_3409 : f32 to vector<512x128xf32>
    %select_n3A_3411 = arith.select %lt3A_3407, %broadcast_in_dim3A_3410, %select_n3A_3398 : vector<512x128xi1>, vector<512x128xf32>
    %slice3A_3412 = vector.extract_strided_slice %dot_general3A_2601 {offsets = [0, 7936], sizes = [512, 128], strides = [1, 1]} : vector<512x8192xf32> to vector<512x128xf32>
    %add3A_3413 = vector.broadcast %broadcast_in_dim3A_2608 : vector<512x1xf32> to vector<512x128xf32>
    %add3A_3414 = arith.addf %add3A_3413, %slice3A_3412 : vector<512x128xf32>
    %get3A_3415 = arith.constant 0 : index
    %get3A_3416 = arith.constant 7936 : index
    %get3A_3417 = vector.load %arg4[%get3A_3415, %get3A_3416] : memref<1x8192xf32, #tpu.memory_space<vmem>>, vector<1x128xf32>
    %add3A_3418 = vector.broadcast %get3A_3417 : vector<1x128xf32> to vector<512x128xf32>
    %add3A_3419 = arith.addf %add3A_3414, %add3A_3418 : vector<512x128xf32>
    %lt3A_3420 = arith.cmpf olt, %add3A_3419, %select_n3A_3408 : vector<512x128xf32>
    %select_n3A_3421 = arith.select %lt3A_3420, %add3A_3419, %select_n3A_3408 : vector<512x128xi1>, vector<512x128xf32>
    %jit3A_3422 = arith.constant 6.200000e+01 : f32
    %broadcast_in_dim3A_3423 = vector.broadcast %jit3A_3422 : f32 to vector<512x128xf32>
    %select_n3A_3424 = arith.select %lt3A_3420, %broadcast_in_dim3A_3423, %select_n3A_3411 : vector<512x128xi1>, vector<512x128xf32>
    %slice3A_3425 = vector.extract_strided_slice %dot_general3A_2601 {offsets = [0, 8064], sizes = [512, 128], strides = [1, 1]} : vector<512x8192xf32> to vector<512x128xf32>
    %add3A_3426 = vector.broadcast %broadcast_in_dim3A_2608 : vector<512x1xf32> to vector<512x128xf32>
    %add3A_3427 = arith.addf %add3A_3426, %slice3A_3425 : vector<512x128xf32>
    %get3A_3428 = arith.constant 0 : index
    %get3A_3429 = arith.constant 8064 : index
    %get3A_3430 = vector.load %arg4[%get3A_3428, %get3A_3429] : memref<1x8192xf32, #tpu.memory_space<vmem>>, vector<1x128xf32>
    %add3A_3431 = vector.broadcast %get3A_3430 : vector<1x128xf32> to vector<512x128xf32>
    %add3A_3432 = arith.addf %add3A_3427, %add3A_3431 : vector<512x128xf32>
    %lt3A_3433 = arith.cmpf olt, %add3A_3432, %select_n3A_3421 : vector<512x128xf32>
    %select_n3A_3434 = arith.select %lt3A_3433, %add3A_3432, %select_n3A_3421 : vector<512x128xi1>, vector<512x128xf32>
    %jit3A_3435 = arith.constant 6.300000e+01 : f32
    %broadcast_in_dim3A_3436 = vector.broadcast %jit3A_3435 : f32 to vector<512x128xf32>
    %select_n3A_3437 = arith.select %lt3A_3433, %broadcast_in_dim3A_3436, %select_n3A_3424 : vector<512x128xi1>, vector<512x128xf32>
    %reduce_min3A_3438 = arith.constant dense<0x7F800000> : vector<512xf32>
    %reduce_min3A_3439 = vector.multi_reduction <minimumf>, %select_n3A_3434, %reduce_min3A_3438 [1] : vector<512x128xf32> to vector<512xf32>
    %broadcast_in_dim3A_3440 = vector.shape_cast %reduce_min3A_3439 : vector<512xf32> to vector<512x1xf32>
    %mul3A_3441 = arith.constant 1.280000e+02 : f32
    %mul3A_3442 = vector.broadcast %mul3A_3441 : f32 to vector<512x128xf32>
    %mul3A_3443 = arith.mulf %select_n3A_3437, %mul3A_3442 : vector<512x128xf32>
    %get3A_3444 = arith.constant 0 : index
    %get3A_3445 = arith.constant 0 : index
    %get3A_3446 = vector.load %arg9[%get3A_3444, %get3A_3445] : memref<1x128xf32, #tpu.memory_space<vmem>>, vector<1x128xf32>
    %add3A_3447 = vector.broadcast %get3A_3446 : vector<1x128xf32> to vector<512x128xf32>
    %add3A_3448 = arith.addf %mul3A_3443, %add3A_3447 : vector<512x128xf32>
    %eq3A_3449 = vector.broadcast %broadcast_in_dim3A_3440 : vector<512x1xf32> to vector<512x128xf32>
    %eq3A_3450 = arith.cmpf oeq, %select_n3A_3434, %eq3A_3449 : vector<512x128xf32>
    %jit3A_3451 = arith.constant 8.192000e+03 : f32
    %broadcast_in_dim3A_3452 = vector.broadcast %jit3A_3451 : f32 to vector<512x128xf32>
    %select_n3A_3453 = arith.select %eq3A_3450, %add3A_3448, %broadcast_in_dim3A_3452 : vector<512x128xi1>, vector<512x128xf32>
    %reduce_min3A_3454 = arith.constant dense<0x7F800000> : vector<512xf32>
    %reduce_min3A_3455 = vector.multi_reduction <minimumf>, %select_n3A_3453, %reduce_min3A_3454 [1] : vector<512x128xf32> to vector<512xf32>
    %broadcast_in_dim3A_3456 = vector.shape_cast %reduce_min3A_3455 : vector<512xf32> to vector<512x1xf32>
    %concatenate3A = tpu.concatenate %broadcast_in_dim3A_842, %broadcast_in_dim3A_1708, %broadcast_in_dim3A_2574, %broadcast_in_dim3A_3440 in 0 : vector<512x1xf32>, vector<512x1xf32>, vector<512x1xf32>, vector<512x1xf32> -> vector<2048x1xf32>
    %concatenate3A_3457 = tpu.concatenate %broadcast_in_dim3A_858, %broadcast_in_dim3A_1724, %broadcast_in_dim3A_2590, %broadcast_in_dim3A_3456 in 0 : vector<512x1xf32>, vector<512x1xf32>, vector<512x1xf32>, vector<512x1xf32> -> vector<2048x1xf32>
    %mul3A_3458 = arith.constant 8192 : i32
    %mul3A_3459 = arith.muli %arg1, %mul3A_3458 : i32
    %convert_element_type3A_3460 = arith.sitofp %mul3A_3459 : i32 to f32
    %add3A_3461 = vector.broadcast %convert_element_type3A_3460 : f32 to vector<2048x1xf32>
    %add3A_3462 = arith.addf %concatenate3A_3457, %add3A_3461 : vector<2048x1xf32>
    %eq3A_3463 = arith.constant 0 : i32
    %eq3A_3464 = arith.cmpi eq, %arg1, %eq3A_3463 : i32
    %convert_element_type3A_3465 = arith.extui %eq3A_3464 : i1 to i32
    %cond3A_3466 = arith.constant 0 : i32
    %cond3A_3467 = arith.cmpi ne, %convert_element_type3A_3465, %cond3A_3466 : i32
    scf.if %cond3A_3467 {
      %swap3A = arith.constant 0 : index
      %swap3A_3477 = arith.constant 0 : index
      %swap3A_3478 = vector.load %arg7[%swap3A, %swap3A_3477] : memref<2048x1xf32, #tpu.memory_space<vmem>>, vector<2048x1xf32>
      tpu.vector_store %arg7[%swap3A, %swap3A_3477], %concatenate3A {strides = array<i32>} : memref<2048x1xf32, #tpu.memory_space<vmem>>, vector<2048x1xf32>,
      %swap3A_3479 = arith.constant 0 : index
      %swap3A_3480 = arith.constant 0 : index
      %swap3A_3481 = vector.load %arg8[%swap3A_3479, %swap3A_3480] : memref<2048x1xf32, #tpu.memory_space<vmem>>, vector<2048x1xf32>
      tpu.vector_store %arg8[%swap3A_3479, %swap3A_3480], %add3A_3462 {strides = array<i32>} : memref<2048x1xf32, #tpu.memory_space<vmem>>, vector<2048x1xf32>,
    } else {
    }
    %gt3A = arith.constant 0 : i32
    %gt3A_3468 = arith.cmpi sgt, %arg1, %gt3A : i32
    %convert_element_type3A_3469 = arith.extui %gt3A_3468 : i1 to i32
    %cond3A_3470 = arith.constant 0 : i32
    %cond3A_3471 = arith.cmpi ne, %convert_element_type3A_3469, %cond3A_3470 : i32
    scf.if %cond3A_3471 {
      %get3A_3477 = arith.constant 0 : index
      %get3A_3478 = arith.constant 0 : index
      %get3A_3479 = vector.load %arg7[%get3A_3477, %get3A_3478] : memref<2048x1xf32, #tpu.memory_space<vmem>>, vector<2048x1xf32>
      %lt3A_3480 = arith.cmpf olt, %concatenate3A, %get3A_3479 : vector<2048x1xf32>
      %get3A_3481 = arith.constant 0 : index
      %get3A_3482 = arith.constant 0 : index
      %get3A_3483 = vector.load %arg8[%get3A_3481, %get3A_3482] : memref<2048x1xf32, #tpu.memory_space<vmem>>, vector<2048x1xf32>
      %select_n3A_3484 = arith.select %lt3A_3480, %add3A_3462, %get3A_3483 : vector<2048x1xi1>, vector<2048x1xf32>
      %swap3A = arith.constant 0 : index
      %swap3A_3485 = arith.constant 0 : index
      %swap3A_3486 = vector.load %arg8[%swap3A, %swap3A_3485] : memref<2048x1xf32, #tpu.memory_space<vmem>>, vector<2048x1xf32>
      tpu.vector_store %arg8[%swap3A, %swap3A_3485], %select_n3A_3484 {strides = array<i32>} : memref<2048x1xf32, #tpu.memory_space<vmem>>, vector<2048x1xf32>,
      %get3A_3487 = arith.constant 0 : index
      %get3A_3488 = arith.constant 0 : index
      %get3A_3489 = vector.load %arg7[%get3A_3487, %get3A_3488] : memref<2048x1xf32, #tpu.memory_space<vmem>>, vector<2048x1xf32>
      %select_n3A_3490 = arith.select %lt3A_3480, %concatenate3A, %get3A_3489 : vector<2048x1xi1>, vector<2048x1xf32>
      %swap3A_3491 = arith.constant 0 : index
      %swap3A_3492 = arith.constant 0 : index
      %swap3A_3493 = vector.load %arg7[%swap3A_3491, %swap3A_3492] : memref<2048x1xf32, #tpu.memory_space<vmem>>, vector<2048x1xf32>
      tpu.vector_store %arg7[%swap3A_3491, %swap3A_3492], %select_n3A_3490 {strides = array<i32>} : memref<2048x1xf32, #tpu.memory_space<vmem>>, vector<2048x1xf32>,
    } else {
    }
    %eq3A_3472 = arith.constant 0 : i32
    %eq3A_3473 = arith.cmpi eq, %arg1, %eq3A_3472 : i32
    %convert_element_type3A_3474 = arith.extui %eq3A_3473 : i1 to i32
    %cond3A_3475 = arith.constant 0 : i32
    %cond3A_3476 = arith.cmpi ne, %convert_element_type3A_3474, %cond3A_3475 : i32
    scf.if %cond3A_3476 {
      %get3A_3477 = arith.constant 0 : index
      %get3A_3478 = arith.constant 0 : index
      %get3A_3479 = vector.load %arg8[%get3A_3477, %get3A_3478] : memref<2048x1xf32, #tpu.memory_space<vmem>>, vector<2048x1xf32>
      %convert_element_type3A_3480 = arith.fptosi %get3A_3479 : vector<2048x1xf32> to vector<2048x1xi32>
      %swap3A = arith.constant 0 : index
      %swap3A_3481 = arith.constant 0 : index
      %swap3A_3482 = vector.load %arg5[%swap3A, %swap3A_3481] : memref<2048x1xi32, #tpu.memory_space<vmem>>, vector<2048x1xi32>
      tpu.vector_store %arg5[%swap3A, %swap3A_3481], %convert_element_type3A_3480 {strides = array<i32>} : memref<2048x1xi32, #tpu.memory_space<vmem>>, vector<2048x1xi32>,
      %get3A_3483 = arith.constant 0 : index
      %get3A_3484 = arith.constant 0 : index
      %get3A_3485 = vector.load %arg7[%get3A_3483, %get3A_3484] : memref<2048x1xf32, #tpu.memory_space<vmem>>, vector<2048x1xf32>
      %reduce_sum3A_3486 = vector.shape_cast %get3A_3485 : vector<2048x1xf32> to vector<1x2048x1xf32>
      %reduce_sum3A_3487 = arith.constant dense<0.000000e+00> : vector<1xf32>
      %reduce_sum3A_3488 = vector.multi_reduction <add>, %reduce_sum3A_3486, %reduce_sum3A_3487 [1, 2] : vector<1x2048x1xf32> to vector<1xf32>
      %reduce_sum3A_3489 = vector.shape_cast %reduce_sum3A_3488 : vector<1xf32> to vector<1x1x1xf32>
      %reduce_sum3A_3490 = vector.extract %reduce_sum3A_3489[0, 0, 0] : f32 from vector<1x1x1xf32>
      %broadcast_in_dim3A_3491 = vector.broadcast %reduce_sum3A_3490 : f32 to vector<1x1xf32>
      %eq3A_3492 = arith.constant 0 : i32
      %eq3A_3493 = arith.cmpi eq, %arg0, %eq3A_3492 : i32
      %convert_element_type3A_3494 = arith.extui %eq3A_3493 : i1 to i32
      %cond3A_3495 = arith.constant 0 : i32
      %cond3A_3496 = arith.cmpi ne, %convert_element_type3A_3494, %cond3A_3495 : i32
      scf.if %cond3A_3496 {
        %swap3A_3502 = arith.constant 0 : index
        %swap3A_3503 = arith.constant 0 : index
        %swap3A_3504 = vector.load %arg6[%swap3A_3502, %swap3A_3503] : memref<1x1xf32, #tpu.memory_space<vmem>>, vector<1x1xf32>
        tpu.vector_store %arg6[%swap3A_3502, %swap3A_3503], %broadcast_in_dim3A_3491 {strides = array<i32>} : memref<1x1xf32, #tpu.memory_space<vmem>>, vector<1x1xf32>,
      } else {
      }
      %gt3A_3497 = arith.constant 0 : i32
      %gt3A_3498 = arith.cmpi sgt, %arg0, %gt3A_3497 : i32
      %convert_element_type3A_3499 = arith.extui %gt3A_3498 : i1 to i32
      %cond3A_3500 = arith.constant 0 : i32
      %cond3A_3501 = arith.cmpi ne, %convert_element_type3A_3499, %cond3A_3500 : i32
      scf.if %cond3A_3501 {
        %get3A_3502 = arith.constant 0 : index
        %get3A_3503 = arith.constant 0 : index
        %get3A_3504 = vector.load %arg6[%get3A_3502, %get3A_3503] : memref<1x1xf32, #tpu.memory_space<vmem>>, vector<1x1xf32>
        %add3A_3505 = arith.addf %get3A_3504, %broadcast_in_dim3A_3491 : vector<1x1xf32>
        %swap3A_3506 = arith.constant 0 : index
        %swap3A_3507 = arith.constant 0 : index
        %swap3A_3508 = vector.load %arg6[%swap3A_3506, %swap3A_3507] : memref<1x1xf32, #tpu.memory_space<vmem>>, vector<1x1xf32>
        tpu.vector_store %arg6[%swap3A_3506, %swap3A_3507], %add3A_3505 {strides = array<i32>} : memref<1x1xf32, #tpu.memory_space<vmem>>, vector<1x1xf32>,
      } else {
      }
    } else {
    }
    return
  }
  func.func @transform_0(%arg0: i32, %arg1: i32) -> (i32, i32) {
    %c0_i32 = arith.constant 0 : i32
    %c0_i32_0 = arith.constant 0 : i32
    return %arg0, %c0_i32 : i32, i32
  }
  func.func @transform_1(%arg0: i32, %arg1: i32) -> (i32, i32) {
    %c0_i32 = arith.constant 0 : i32
    %c0_i32_0 = arith.constant 0 : i32
    return %arg1, %c0_i32 : i32, i32
  }
  func.func @transform_2(%arg0: i32, %arg1: i32) -> (i32, i32) {
    %c0_i32 = arith.constant 0 : i32
    %c0_i32_0 = arith.constant 0 : i32
    return %c0_i32, %arg1 : i32, i32
  }
  func.func @transform_3(%arg0: i32, %arg1: i32) -> (i32, i32) {
    %c0_i32 = arith.constant 0 : i32
    %c0_i32_0 = arith.constant 0 : i32
    return %arg0, %c0_i32 : i32, i32
  }
  func.func @transform_4(%arg0: i32, %arg1: i32) -> (i32, i32) {
    %c0_i32 = arith.constant 0 : i32
    %c0_i32_0 = arith.constant 0 : i32
    %c0_i32_1 = arith.constant 0 : i32
    return %c0_i32, %c0_i32_0 : i32, i32
  }
}

</mosaic_0001>

<sc_bundles>
// kernel: kernel.5.cloned.1.call-start
scs
__scs_entry_jumppad:
0x0: {  	(pc) =	sbr.rel $0x88, $3  }
0x1: {  	(tag) =	ssettag $0x0;
	lr =	simm.s32 $0x1  }
0x2: {  	[smem:$0x3F9E] =	sst lr;
	_ =	strace $0xD0000000  }
0x3: {  	_ = 	snop  }
0x4: {  	_ = 	snop  }
0x5: {  	_ = 	snop  }
0x6: {  	_ = 	snop  }
0x7: {  	_ = 	snop  }
__scs_overlays_trampoline_lowered:
0x8: {  	[smem:$0x3FAD] =	sst s0  }
0x9: {  	[smem:$0x3FAE] =	sst s1  }
0xa: {  	[smem:$0x3FAF] =	sst s2  }
0xb: {  	[smem:$0x3FB0] =	sst s3  }
0xc: {  	[smem:$0x3FB1] =	sst s4  }
0xd: {  	[smem:$0x3FB2] =	sst s5  }
0xe: {  	[smem:$0x3FB3] =	sst s6  }
0xf: {  	[smem:$0x3FB4] =	sst s7  }
0x10: {  	[smem:$0x3FB5] =	sst s8  }
0x11: {  	[smem:$0x3FB6] =	sst s9;
	s0 =	simm.s32 @!p0 $0x0  }
0x12: {  	s1 =	sld [smem:$0x3F9C];
	s0 =	simm.s32 @p0 $0x1  }
0x13: {  	[smem:$0x3FB7] =	sst s0;
	s0 =	simm.s32 @!p1 $0x0  }
0x14: {  	s2 =	sld [smem:$0x3F9B];
	s0 =	simm.s32 @p1 $0x1  }
0x15: {  	[smem:$0x3FB8] =	sst s0;
	s0 =	simm.s32 @!p2 $0x0  }
0x16: {  	s3 =	sld [smem:$0x3FDB];
	s0 =	simm.s32 @p2 $0x1  }
0x17: {  	s4 =	simm.s32 $0x1BF5;
	[smem:$0x3FBA] =	sst s0  }
0x18: {  	s0 =	sld [smem:$0x3F9D];
	_ =	swait.ge [sflag:s4], $0x0  }
0x19: {  	s7 =	sld [smem:$0x3F9E]  }
0x1a: {  	s8 =	sadd.s32 $0xFFFFE003, lr  }
0x1b: {  	s9 =	sadd.s32 $0xFFFFFEF7, lr;
	s5 =	simm.s32 $0xFFFFFFFF;
	p2 =	slt.u32 s8, $0xFFFFF086  }
0x1c: {  	p1 =	slt.u32 s9, $0xF7A;
	s5 =	simm.s32 @!p2 $0x0  }
0x1d: {  	s5 =	simm.s32 @p1 $0x1;
	p0 =	seq.s32 s7, s2  }
0x1e: {  	s7 =	smul.u32 @!p0 $0xF7A, s2;
	p2 =	seq.s32 @!p0 s5, $0x0  }
0x1f: {  	s9 =	smul.u32 $0xF7A, s1;
	s8 =	simm.s32 @!p0 $0x1BF5;
	p2 =	por !p2, p0  }
0x20: {  	[sflag:s8] =	ssyncset.s32 @!p0 $0xFFFFF086;
	s6 =	sadd.s32 @!p0 s3, s7;
	s7 =	simm.s32 @!p0 $0x108  }
0x21: {  	s3 =	sadd.s32 s3, s9;
	s6 =	sadd.s32 @!p0 $0x88, s6;
	s7 =	simm.s32 @p2 $0x1082  }
0x22: {  	[simem:s7], [sflag:s8] =	dma.local @!p0 [hbm:s6], $0xF7A  }
0x23: {  	s9 =	sor.u32 $0xD0000000, s2;
	s6 =	simm.s32 $0x108;
	_ =	swait.ge @!p0 [sflag:s8], $0x0  }
0x24: {  	s3 =	sadd.s32 $0x88, s3;
	s6 =	simm.s32 @!p1 $0x1082;
	[sflag:s4] =	ssyncset.s32 $0xFFFFF086  }
0x25: {  	[simem:s6], [sflag:s4] =	dma.local [hbm:s3], $0xF7A  }
0x26: {  	[smem:$0x3F9E] =	sst s1;
	(tag) =	ssettag s2;
	_ =	strace s9  }
0x27: {  	s1 =	sld [smem:$0x3FAE]  }
0x28: {  	s2 =	sld [smem:$0x3FAF]  }
0x29: {  	s4 =	sld [smem:$0x3FB1]  }
0x2a: {  	p0 =	seq.s32 s5, $0x0;
	s5 =	sld [smem:$0x3FB2]  }
0x2b: {  	s6 =	sld [smem:$0x3FB3]  }
0x2c: {  	s7 =	sld [smem:$0x3FB4]  }
0x2d: {  	s3 =	simm.s32 $0x108;
	s8 =	sld [smem:$0x3FB5]  }
0x2e: {  	s3 =	simm.s32 @!p0 $0x1082;
	s9 =	sld [smem:$0x3FB6]  }
0x2f: {  	lr =	sadd.s32 s0, s3;
	s0 =	sld [smem:$0x3FAD]  }
0x30: {  	s3 =	sld [smem:$0x3FB0]  }
0x31: {  	[smem:$0x3FB9] =	sst s10  }
0x32: {  	s10 =	sld [smem:$0x3FB7];
	_ =	sdelay $0x3  }
0x33: {  	p0 =	seq.s32 s10, $0x1;
	s10 =	sld [smem:$0x3FB9];
	_ =	sdelay $0x3  }
0x34: {  	[smem:$0x3FB9] =	sst s10  }
0x35: {  	s10 =	sld [smem:$0x3FB8];
	_ =	sdelay $0x3  }
0x36: {  	p1 =	seq.s32 s10, $0x1;
	s10 =	sld [smem:$0x3FB9];
	_ =	sdelay $0x3  }
0x37: {  	[smem:$0x3FB9] =	sst s10  }
0x38: {  	s10 =	sld [smem:$0x3FBA]  }
0x39: {  	_ = 	snop;
	(pc) =	sbr.ind lr, $3  }
0x3a: {  	_ = 	snop  }
0x3b: {  	_ = 	snop  }
0x3c: {  	p2 =	seq.s32 s10, $0x1;
	s10 =	sld [smem:$0x3FB9]  }
0x3d: {  	_ =	shalt  }
0x3e: {  	_ =	shalt  }
0x3f: {  	_ =	shalt  }
0x40: {  	_ =	shalt  }
0x41: {  	_ =	shalt  }
0x42: {  	_ =	shalt  }
0x43: {  	_ =	shalt  }
0x44: {  	_ =	shalt  }
0x45: {  	_ =	shalt  }
0x46: {  	_ =	shalt  }
0x47: {  	_ =	shalt  }
0x48: {  	_ =	shalt  }
0x49: {  	_ =	shalt  }
0x4a: {  	_ =	shalt  }
0x4b: {  	_ =	shalt  }
0x4c: {  	_ =	shalt  }
0x4d: {  	_ =	shalt  }
0x4e: {  	_ =	shalt  }
0x4f: {  	_ =	shalt  }
0x50: {  	_ =	shalt  }
0x51: {  	_ =	shalt  }
0x52: {  	_ =	shalt  }
0x53: {  	_ =	shalt  }
0x54: {  	_ =	shalt  }
0x55: {  	_ =	shalt  }
0x56: {  	_ =	shalt  }
0x57: {  	_ =	shalt  }
0x58: {  	_ =	shalt  }
0x59: {  	_ =	shalt  }
0x5a: {  	_ =	shalt  }
0x5b: {  	_ =	shalt  }
0x5c: {  	_ =	shalt  }
0x5d: {  	_ =	shalt  }
0x5e: {  	_ =	shalt  }
0x5f: {  	_ =	shalt  }
0x60: {  	_ =	shalt  }
0x61: {  	_ =	shalt  }
0x62: {  	_ =	shalt  }
0x63: {  	_ =	shalt  }
0x64: {  	_ =	shalt  }
0x65: {  	_ =	shalt  }
0x66: {  	_ =	shalt  }
0x67: {  	_ =	shalt  }
0x68: {  	_ =	shalt  }
0x69: {  	_ =	shalt  }
0x6a: {  	_ =	shalt  }
0x6b: {  	_ =	shalt  }
0x6c: {  	_ =	shalt  }
0x6d: {  	_ =	shalt  }
0x6e: {  	_ =	shalt  }
0x6f: {  	_ =	shalt  }
0x70: {  	_ =	shalt  }
0x71: {  	_ =	shalt  }
0x72: {  	_ =	shalt  }
0x73: {  	_ =	shalt  }
0x74: {  	_ =	shalt  }
0x75: {  	_ =	shalt  }
0x76: {  	_ =	shalt  }
0x77: {  	_ =	shalt  }
0x78: {  	_ =	shalt  }
0x79: {  	_ =	shalt  }
0x7a: {  	_ =	shalt  }
0x7b: {  	_ =	shalt  }
0x7c: {  	_ =	shalt  }
0x7d: {  	_ =	shalt  }
0x7e: {  	_ =	shalt  }
0x7f: {  	_ =	shalt  }
0x80: {  	_ =	shalt  }
0x81: {  	_ =	shalt  }
0x82: {  	_ =	shalt  }
0x83: {  	_ =	shalt  }
0x84: {  	_ =	shalt  }
0x85: {  	_ =	shalt  }
0x86: {  	_ =	shalt  }
0x87: {  	_ =	shalt  }
.Lfunc_end0:
.L_simem_size_0:
called_computation_lowered:
.L_overlay_start_0:
0x88: {  	s2 =	sld [smem:$0x3FD9]  }
0x89: {  	s3 =	sld [smem:$0x3FFE];
	_ =	sdelay $0x1  }
0x8a: {  	s1 =	srdreg.scid  }
0x8b: {  	s0 =	sand.u32 $0x1, s1  }
0x8c: {  	s14 =	sshll.u32 s0, $0xA;
	s2 =	sadd.s32 s3, s2  }
0x8d: {  	s2 =	sadd.s32 s2, s14  }
0x8e: {  	[smem:$0x3FC5] =	sst s2  }
0x8f: {  	_ = 	snop  }
0x90: {  	s2 =	sld [smem:$0x3FD0];
	_ =	sdelay $0x2  }
0x91: {  	s15 =	simm.s32 $0xA;
	s4 =	simm.s32 $0x10  }
0x92: {  	[smem:s4], [sflag:s15] =	dma.local [hbm:s2], $0x1  }
0x93: {  	_ =	swait.eq [sflag:s15], $0x1  }
0x94: {  	[sflag:s15] =	ssyncset.done $0x0  }
0x95: {  	[sflag:s15] =	ssyncadd.s32 $0xFFFFFFFF  }
0x96: {  	s16 =	sld [smem:$0x10];
	(tm) =	ssettm $0x1  }
0x97: {  	s17 =	sld [smem:$0x3FFB];
	_ =	sdelay $0x3  }
0x98: {  	_ =	strace s17  }
0x99: {  	s3 =	sld [smem:$0x3FFC];
	_ =	sdelay $0x3  }
0x9a: {  	_ =	strace s3  }
0x9b: {  	s3 =	sld [smem:$0x3FFD];
	_ =	sdelay $0x3  }
0x9c: {  	_ =	strace s3  }
0x9d: {  	_ =	strace $0x8FFFFFFF  }
0x9e: {  	s18 =	sld [smem:$0x3FDB];
	_ =	sdelay $0x1  }
0x9f: {  	s19 =	simm.s32 $_scs_section_size  }
0xa0: {  	s5 =	simm.s32 $_size__tile_overlayer_lowered;
	s6 =	simm.s32 $_tile_overlayer_lowered  }
0xa1: {  	s22 =	simm.s32 $0x1BFF;
	s21 =	sshll.u32 s6, $0x1;
	s3 =	sadd.s32 s19, s18  }
0xa2: {  	s7 =	simm.s32 $0x0;
	s20 =	sshll.u32 s5, $0x1;
	s5 =	sadd.s32 s21, s3  }
0xa3: {  	[timem:s7], [sflag:s22] =	dma.local [hbm:s5], s20  }
0xa4: {  	_ =	swait.ge [sflag:s22], s20  }
0xa5: {  	s4 =	ssub.s32 $0x0, s20;
	[sflag:s22] =	ssyncset.done $0x0  }
0xa6: {  	[sflag:s22] =	ssyncadd.s32 s4;
	_ =	sdelay $0x1  }
0xa7: {  	s23 =	simm.s32 $0x1B8B  }
0xa8: {  	_ =	swait.ge [sflag:s23], $0x1  }
0xa9: {  	[sflag:s23] =	ssyncset.done $0x0  }
0xaa: {  	s25 =	simm.s32 $0x1B8E;
	s24 =	sld [smem:$0x3FFE];
	[sflag:s23] =	ssyncadd.s32 $0xFFFFFFFF  }
0xab: {  	s26 =	simm.s32 $execute0_lowered;
	[smem:$0x3FD2] =	sst s25  }
0xac: {  	s5 =	sshll.u32 s26, $0x1;
	_ =	strace $0x80000046;
	[dreg:$0x1] =	wrdreg $0xFFFFFFFF  }
0xad: {  	s28 =	simm.s32 $_size_execute0_lowered;
	s3 =	sadd.s32 s3, s5;
	[dreg:$0x0] =	wrdreg $0x0  }
0xae: {  	s5 =	sshll.u32 s28, $0x1;
	[dreg:$0x2] =	wrdreg s3  }
0xaf: {  	[dreg:$0x3] =	wrdreg s5  }
0xb0: {  	[dreg:$0x4] =	wrdreg $0xC0  }
0xb1: {  	_ =	task [dreg:s7], $0x5FFFF  }
0xb2: {  	[dreg:$0x1] =	wrdreg $0xFFFFFFFF  }
0xb3: {  	[dreg:$0x0] =	wrdreg $0x60  }
0xb4: {  	[dreg:$0x2] =	wrdreg s24  }
0xb5: {  	[dreg:$0x3] =	wrdreg s16  }
0xb6: {  	[dreg:$0x4] =	wrdreg $0x101800  }
0xb7: {  	[dreg:$0x5] =	wrdreg $0x9  }
0xb8: {  	_ =	task.clear_ibuf [dreg:s7], $0x6FFFF;
	_ =	strace $0x90000046  }
0xb9: {  	s29 =	simm.s32 $0x9;
	_ =	strace $0x80000048  }
0xba: {  	_ =	swait.ge [sflag:s29], $0x1  }
0xbb: {  	[sflag:s29] =	ssyncadd.s32 $0xFFFFFFFF  }
0xbc: {  	_ =	strace $0x90000048  }
0xbd: {  	_ =	sfence  }
0xbe: {  	s30 =	sld [smem:$0x0];
	_ =	sdelay $0x2  }
0xbf: {  	s31 =	sshll.u32 s1, $0xD;
	s1 =	sshrl.u32 s1, $0x2  }
0xc0: {  	s3 =	sand.u32 $0x4000, s31;
	s1 =	sadd.s32 s1, s30  }
0xc1: {  	s0 =	sor.u32 s3, s0;
	s1 =	sshll.u32 s1, $0x11  }
0xc2: {  	s0 =	sor.u32 s1, s0  }
0xc3: {  	s0 =	sadd.s32 $0x8F2B, s0  }
0xc4: {  	[sflag:s0] =	ssyncadd.remote.s32 $0x1  }
0xc5: {  	_ =	sfence.sel $0xFFFF  }
0xc6: {  	[dreg:$0x0] =	wrdreg $0xFFFFFFFF;
	(pc) =	sbr.abs _section_cstart, $3  }
0xc7: {  	[dreg:$0x1] =	wrdreg $0xFFFFFFFF  }
0xc8: {  	_ =	task.clear_ibuf [dreg:s7], $0x2FFFF;
	_ =	strace $0x9FFFFFFF  }
0xc9: {  	(tm) =	ssettm $0x7FFFFFFF  }
tec
execute0_lowered:
.L_overlay_start_1:
0x0: {  	(tag) =	ssettag $0x1  }
0x1: {  	s3 =	rddreg [dreg:$0x0]  }
0x2: {  	s4 =	rddreg [dreg:$0x1]  }
0x3: {  	s1 =	rddreg [dreg:$0x2];
	s2 =	simm.s32 $0x0  }
0x4: {  	[smem:$0x7FF] =	sst s2;
	s8 =	sadd.s32 $0x40E00, s3  }
0x5: {  	s30 =	sadd.s32 $0x40C00, s3;
	_ =	strace $0x80000047;
	[dreg:$0x4] =	wrdreg s8  }
0x6: {  	s13 =	simm.s32 $0x1100;
	[dreg:$0x5] =	wrdreg s30  }
0x7: {  	s14 =	simm.s32 $0x1900;
	[dreg:$0xc] =	wrdreg s13  }
0x8: {  	s15 =	simm.s32 $0x2100;
	[dreg:$0xd] =	wrdreg s14  }
0x9: {  	s16 =	simm.s32 $0x2900;
	[dreg:$0xe] =	wrdreg s15  }
0xa: {  	s17 =	simm.s32 $0x3100;
	[dreg:$0xf] =	wrdreg s16  }
0xb: {  	s18 =	simm.s32 $0x3900;
	[dreg:$0x10] =	wrdreg s17  }
0xc: {  	s5 =	srdreg.scid;
	s19 =	simm.s32 $0x4100;
	[dreg:$0x11] =	wrdreg s18  }
0xd: {  	s7 =	stileid.u32;
	s20 =	simm.s32 $0x4900;
	[dreg:$0x12] =	wrdreg s19  }
0xe: {  	s21 =	simm.s32 $0x5100;
	s23 =	simm.s32 $0x5900;
	[dreg:$0x13] =	wrdreg s20  }
0xf: {  	s24 =	simm.s32 $0x6100;
	s25 =	simm.s32 $0x6900;
	[dreg:$0x14] =	wrdreg s21  }
0x10: {  	s26 =	simm.s32 $0x7100;
	s28 =	simm.s32 $0x7900;
	[dreg:$0x15] =	wrdreg s23  }
0x11: {  	s29 =	simm.s32 $0x8900;
	s6 =	sadd.s32 $0x40800, s3;
	[dreg:$0x16] =	wrdreg s24  }
0x12: {  	s5 =	sand.u32 $0x1, s5;
	s9 =	sshll.u32 s7, $0x9;
	[dreg:$0x17] =	wrdreg s25  }
0x13: {  	p0 =	sne.s32 s7, $0x0;
	s7 =	simm.s32 $0x100;
	[dreg:$0x18] =	wrdreg s26  }
0x14: {  	s10 =	sshll.u32 s5, $0x8;
	s11 =	sshll.u32 s5, $0x4;
	[dreg:$0x19] =	wrdreg s28  }
0x15: {  	s5 =	ssub.s32 $0x2, s5;
	[dreg:$0x1a] =	wrdreg s29;
	s30 =	simm.s32 $0x9100  }
0x16: {  	s13 =	simm.s32 $0xC100;
	s14 =	simm.s32 $0xC900;
	s15 =	simm.s32 $0xD100  }
0x17: {  	s16 =	simm.s32 $0xD900;
	s17 =	simm.s32 $0xE100;
	s18 =	simm.s32 $0xE900  }
0x18: {  	s19 =	simm.s32 $0xF100;
	s20 =	simm.s32 $0xF900;
	s21 =	simm.s32 $0x10100  }
0x19: {  	s23 =	simm.s32 $0x2;
	s24 =	simm.s32 $0x3;
	s9 =	sor.u32 s10, s9  }
0x1a: {  	s25 =	simm.s32 $0x4;
	s22 =	sshrl.u32 s5, $0x1;
	s31 =	sshrl.u32 s9, $0x3  }
0x1b: {  	[dreg:$0x1b] =	wrdreg s30;
	s10 =	sor.u32 $0x80, s9;
	s8 =	sadd.s32 s6, s31  }
0x1c: {  	s12 =	sshrl.u32 s10, $0x3;
	s31 =	simm.s32 $0x9900;
	[dreg:$0x6] =	wrdreg s8  }
0x1d: {  	s0 =	sshll.u32 s9, $0x5;
	s6 =	sadd.s32 s6, s12;
	[dreg:$0x1c] =	wrdreg s31  }
0x1e: {  	s9 =	sshll.u32 s10, $0x5;
	s8 =	sadd.s32 s4, s0;
	[dreg:$0x7] =	wrdreg s6  }
0x1f: {  	s10 =	sadd.s32 s11, s3;
	s4 =	sadd.s32 s4, s9;
	[dreg:$0x8] =	wrdreg s8  }
0x20: {  	s5 =	ssub.s32 s5, s22;
	s11 =	sadd.s32 $0x41200, s10;
	[dreg:$0x9] =	wrdreg s4  }
0x21: {  	s22 =	simm.s32 $0x1;
	s12 =	simm.s32 $0x900;
	[dreg:$0xa] =	wrdreg s11  }
0x22: {  	v2 =	vlaneseq.u32;
	s3 =	sadd.s32 $0x800, s3;
	s10 =	simm.s32 $0xA900;
	[dreg:$0xb] =	wrdreg s12  }
0x23: {  	vm0 =	vmmov $0xffff;
	v1 =	vshrl.u32 v2, $0x3;
	s4 =	smax.u32 s5, $0x1;
	s5 =	simm.s32 $0x5;
	s6 =	simm.s32 $0x80  }
0x24: {  	v0 =	vand.u32 $0x7, v2;
	v2 =	vor.u32 $0x8, v2;
	v1 =	vmul.u32 $0x8, v1;
	s8 =	simm.s32 $0x8100;
	s11 =	simm.s32 $0xB100;
	s12 =	simm.s32 $0xB900  }
.LBB2_1:
0x25: {  	s26 =	rddreg [dreg:$0x6]  }
0x26: {  	[tilespmem:s2], [sflag:$0x5] =	stream.linear.gather [hbm4b:s26+s2], $0x80, $0x38;
	[tilespmem:$0x10380] =	vst v63  }
0x27: {  	_ =	swait.ge [sflag:s5], $0x80  }
0x28: {  	[sflag:s5] =	ssyncset.done $0x0  }
0x29: {  	s9 =	rddreg [dreg:$0x7];
	[sflag:s5] =	ssyncadd.s32 $0xFFFFFF80  }
0x2a: {  	[tilespmem:s6], [sflag:$0x5] =	stream.linear.gather [hbm4b:s9+s2], $0x80, $0x38;
	[tilespmem:$0x10380] =	vst v63  }
0x2b: {  	_ =	swait.ge [sflag:s5], $0x80  }
0x2c: {  	[sflag:s5] =	ssyncset.done $0x0  }
0x2d: {  	[sflag:s5] =	ssyncadd.s32 $0xFFFFFF80  }
0x2e: {  	v3 =	vld [tilespmem:$0x0];
	_ =	sdelay $0x4  }
0x2f: {  	v4 =	vshll.u32 v3, $0x1  }
0x30: {  	v3 =	vand.u32 $0x7, v3;
	v4 =	vand.u32 $0xFFFFFFF0, v4  }
0x31: {  	v3 =	vor.u32 v3, v4  }
0x32: {  	v4 =	vperm.xlane v3, v0;
	_ =	sdelay $0x1  }
0x33: {  	v3 =	vperm.xlane v3, v2;
	v4 =	vadd.s32 v1, v4;
	_ =	sdelay $0x1  }
0x34: {  	v3 =	vadd.s32 v1, v3;
	_ =	sdelay $0x2  }
0x35: {  	[tilespmem:s7], [sflag:$0x1] =	stream.indirect_vreg.gather [hbm4b:s3+s2], $0x80, v4, vm0, $0xb8;
	[tilespmem:$0x10380] =	vst v63  }
0x36: {  	s28 =	rddreg [dreg:$0xb]  }
0x37: {  	[tilespmem:s28], [sflag:$0x1] =	stream.indirect_vreg.gather [hbm4b:s3+s2], $0x80, v3, vm0, $0xb8;
	[tilespmem:$0x10380] =	vst v63  }
0x38: {  	v3 =	vld [tilespmem:$0x10];
	_ =	sdelay $0x4  }
0x39: {  	v49 =	vshll.u32 v3, $0x1  }
0x3a: {  	v3 =	vand.u32 $0x7, v3;
	v4 =	vand.u32 $0xFFFFFFF0, v49  }
0x3b: {  	v3 =	vor.u32 v3, v4  }
0x3c: {  	v4 =	vperm.xlane v3, v0;
	_ =	sdelay $0x1  }
0x3d: {  	v3 =	vperm.xlane v3, v2;
	v4 =	vadd.s32 v1, v4;
	_ =	sdelay $0x1  }
0x3e: {  	v3 =	vadd.s32 v1, v3;
	_ =	sdelay $0x1  }
0x3f: {  	s29 =	rddreg [dreg:$0xc]  }
0x40: {  	[tilespmem:s29], [sflag:$0x1] =	stream.indirect_vreg.gather [hbm4b:s3+s2], $0x80, v4, vm0, $0xb8;
	[tilespmem:$0x10380] =	vst v63  }
0x41: {  	s28 =	rddreg [dreg:$0xd]  }
0x42: {  	[tilespmem:s28], [sflag:$0x1] =	stream.indirect_vreg.gather [hbm4b:s3+s2], $0x80, v3, vm0, $0xb8;
	[tilespmem:$0x10380] =	vst v63  }
0x43: {  	v3 =	vld [tilespmem:$0x20];
	_ =	sdelay $0x4  }
0x44: {  	v50 =	vshll.u32 v3, $0x1  }
0x45: {  	v3 =	vand.u32 $0x7, v3;
	v4 =	vand.u32 $0xFFFFFFF0, v50  }
0x46: {  	v3 =	vor.u32 v3, v4  }
0x47: {  	v4 =	vperm.xlane v3, v0;
	_ =	sdelay $0x1  }
0x48: {  	v3 =	vperm.xlane v3, v2;
	v4 =	vadd.s32 v1, v4;
	_ =	sdelay $0x1  }
0x49: {  	v3 =	vadd.s32 v1, v3;
	_ =	sdelay $0x1  }
0x4a: {  	s30 =	rddreg [dreg:$0xe]  }
0x4b: {  	[tilespmem:s30], [sflag:$0x1] =	stream.indirect_vreg.gather [hbm4b:s3+s2], $0x80, v4, vm0, $0xb8;
	[tilespmem:$0x10380] =	vst v63  }
0x4c: {  	s31 =	rddreg [dreg:$0xf]  }
0x4d: {  	[tilespmem:s31], [sflag:$0x1] =	stream.indirect_vreg.gather [hbm4b:s3+s2], $0x80, v3, vm0, $0xb8;
	[tilespmem:$0x10380] =	vst v63  }
0x4e: {  	v3 =	vld [tilespmem:$0x30];
	_ =	sdelay $0x4  }
0x4f: {  	v51 =	vshll.u32 v3, $0x1  }
0x50: {  	v3 =	vand.u32 $0x7, v3;
	v4 =	vand.u32 $0xFFFFFFF0, v51  }
0x51: {  	v3 =	vor.u32 v3, v4  }
0x52: {  	v4 =	vperm.xlane v3, v0;
	_ =	sdelay $0x1  }
0x53: {  	v3 =	vperm.xlane v3, v2;
	v4 =	vadd.s32 v1, v4;
	_ =	sdelay $0x1  }
0x54: {  	v3 =	vadd.s32 v1, v3;
	_ =	sdelay $0x1  }
0x55: {  	s0 =	rddreg [dreg:$0x10]  }
0x56: {  	[tilespmem:s0], [sflag:$0x1] =	stream.indirect_vreg.gather [hbm4b:s3+s2], $0x80, v4, vm0, $0xb8;
	[tilespmem:$0x10380] =	vst v63  }
0x57: {  	s9 =	rddreg [dreg:$0x11]  }
0x58: {  	[tilespmem:s9], [sflag:$0x1] =	stream.indirect_vreg.gather [hbm4b:s3+s2], $0x80, v3, vm0, $0xb8;
	[tilespmem:$0x10380] =	vst v63  }
0x59: {  	v3 =	vld [tilespmem:$0x40];
	_ =	sdelay $0x4  }
0x5a: {  	v52 =	vshll.u32 v3, $0x1  }
0x5b: {  	v3 =	vand.u32 $0x7, v3;
	v4 =	vand.u32 $0xFFFFFFF0, v52  }
0x5c: {  	v3 =	vor.u32 v3, v4  }
0x5d: {  	v4 =	vperm.xlane v3, v0;
	_ =	sdelay $0x1  }
0x5e: {  	v3 =	vperm.xlane v3, v2;
	v4 =	vadd.s32 v1, v4;
	_ =	sdelay $0x1  }
0x5f: {  	v3 =	vadd.s32 v1, v3;
	_ =	sdelay $0x1  }
0x60: {  	s29 =	rddreg [dreg:$0x12]  }
0x61: {  	[tilespmem:s29], [sflag:$0x1] =	stream.indirect_vreg.gather [hbm4b:s3+s2], $0x80, v4, vm0, $0xb8;
	[tilespmem:$0x10380] =	vst v63  }
0x62: {  	s30 =	rddreg [dreg:$0x13]  }
0x63: {  	[tilespmem:s30], [sflag:$0x1] =	stream.indirect_vreg.gather [hbm4b:s3+s2], $0x80, v3, vm0, $0xb8;
	[tilespmem:$0x10380] =	vst v63  }
0x64: {  	v3 =	vld [tilespmem:$0x50];
	_ =	sdelay $0x4  }
0x65: {  	v53 =	vshll.u32 v3, $0x1  }
0x66: {  	v3 =	vand.u32 $0x7, v3;
	v4 =	vand.u32 $0xFFFFFFF0, v53  }
0x67: {  	v3 =	vor.u32 v3, v4  }
0x68: {  	v4 =	vperm.xlane v3, v0;
	_ =	sdelay $0x1  }
0x69: {  	v3 =	vperm.xlane v3, v2;
	v4 =	vadd.s32 v1, v4;
	_ =	sdelay $0x1  }
0x6a: {  	v3 =	vadd.s32 v1, v3;
	_ =	sdelay $0x1  }
0x6b: {  	s31 =	rddreg [dreg:$0x14]  }
0x6c: {  	[tilespmem:s31], [sflag:$0x1] =	stream.indirect_vreg.gather [hbm4b:s3+s2], $0x80, v4, vm0, $0xb8;
	[tilespmem:$0x10380] =	vst v63  }
0x6d: {  	s0 =	rddreg [dreg:$0x15]  }
0x6e: {  	[tilespmem:s0], [sflag:$0x1] =	stream.indirect_vreg.gather [hbm4b:s3+s2], $0x80, v3, vm0, $0xb8;
	[tilespmem:$0x10380] =	vst v63  }
0x6f: {  	v3 =	vld [tilespmem:$0x60];
	_ =	sdelay $0x4  }
0x70: {  	v54 =	vshll.u32 v3, $0x1  }
0x71: {  	v3 =	vand.u32 $0x7, v3;
	v4 =	vand.u32 $0xFFFFFFF0, v54  }
0x72: {  	v3 =	vor.u32 v3, v4  }
0x73: {  	v4 =	vperm.xlane v3, v0;
	_ =	sdelay $0x1  }
0x74: {  	v3 =	vperm.xlane v3, v2;
	v4 =	vadd.s32 v1, v4;
	_ =	sdelay $0x1  }
0x75: {  	v3 =	vadd.s32 v1, v3;
	_ =	sdelay $0x1  }
0x76: {  	s9 =	rddreg [dreg:$0x16]  }
0x77: {  	[tilespmem:s9], [sflag:$0x1] =	stream.indirect_vreg.gather [hbm4b:s3+s2], $0x80, v4, vm0, $0xb8;
	[tilespmem:$0x10380] =	vst v63  }
0x78: {  	s29 =	rddreg [dreg:$0x17]  }
0x79: {  	[tilespmem:s29], [sflag:$0x1] =	stream.indirect_vreg.gather [hbm4b:s3+s2], $0x80, v3, vm0, $0xb8;
	[tilespmem:$0x10380] =	vst v63  }
0x7a: {  	v3 =	vld [tilespmem:$0x70];
	_ =	sdelay $0x4  }
0x7b: {  	v55 =	vshll.u32 v3, $0x1  }
0x7c: {  	v3 =	vand.u32 $0x7, v3;
	v4 =	vand.u32 $0xFFFFFFF0, v55  }
0x7d: {  	v3 =	vor.u32 v3, v4  }
0x7e: {  	v4 =	vperm.xlane v3, v0;
	_ =	sdelay $0x1  }
0x7f: {  	v3 =	vperm.xlane v3, v2;
	v4 =	vadd.s32 v1, v4;
	_ =	sdelay $0x1  }
0x80: {  	v3 =	vadd.s32 v1, v3;
	_ =	sdelay $0x1  }
0x81: {  	s30 =	rddreg [dreg:$0x18]  }
0x82: {  	[tilespmem:s30], [sflag:$0x1] =	stream.indirect_vreg.gather [hbm4b:s3+s2], $0x80, v4, vm0, $0xb8;
	[tilespmem:$0x10380] =	vst v63  }
0x83: {  	s31 =	rddreg [dreg:$0x19]  }
0x84: {  	[tilespmem:s31], [sflag:$0x1] =	stream.indirect_vreg.gather [hbm4b:s3+s2], $0x80, v3, vm0, $0xb8;
	[tilespmem:$0x10380] =	vst v63  }
0x85: {  	v3 =	vld [tilespmem:$0x80];
	_ =	sdelay $0x4  }
0x86: {  	v56 =	vshll.u32 v3, $0x1  }
0x87: {  	v3 =	vand.u32 $0x7, v3;
	v4 =	vand.u32 $0xFFFFFFF0, v56  }
0x88: {  	v3 =	vor.u32 v3, v4  }
0x89: {  	v4 =	vperm.xlane v3, v0;
	_ =	sdelay $0x1  }
0x8a: {  	v3 =	vperm.xlane v3, v2;
	v4 =	vadd.s32 v1, v4;
	_ =	sdelay $0x1  }
0x8b: {  	v3 =	vadd.s32 v1, v3;
	_ =	sdelay $0x2  }
0x8c: {  	[tilespmem:s8], [sflag:$0x2] =	stream.indirect_vreg.gather [hbm4b:s3+s2], $0x80, v4, vm0, $0xb8;
	[tilespmem:$0x10380] =	vst v63  }
0x8d: {  	s0 =	rddreg [dreg:$0x1a]  }
0x8e: {  	[tilespmem:s0], [sflag:$0x2] =	stream.indirect_vreg.gather [hbm4b:s3+s2], $0x80, v3, vm0, $0xb8;
	[tilespmem:$0x10380] =	vst v63  }
0x8f: {  	v3 =	vld [tilespmem:$0x90];
	_ =	sdelay $0x4  }
0x90: {  	v57 =	vshll.u32 v3, $0x1  }
0x91: {  	v3 =	vand.u32 $0x7, v3;
	v4 =	vand.u32 $0xFFFFFFF0, v57  }
0x92: {  	v3 =	vor.u32 v3, v4  }
0x93: {  	v4 =	vperm.xlane v3, v0;
	_ =	sdelay $0x1  }
0x94: {  	v3 =	vperm.xlane v3, v2;
	v4 =	vadd.s32 v1, v4;
	_ =	sdelay $0x1  }
0x95: {  	v3 =	vadd.s32 v1, v3;
	_ =	sdelay $0x1  }
0x96: {  	s9 =	rddreg [dreg:$0x1b]  }
0x97: {  	[tilespmem:s9], [sflag:$0x2] =	stream.indirect_vreg.gather [hbm4b:s3+s2], $0x80, v4, vm0, $0xb8;
	[tilespmem:$0x10380] =	vst v63  }
0x98: {  	s29 =	rddreg [dreg:$0x1c]  }
0x99: {  	[tilespmem:s29], [sflag:$0x2] =	stream.indirect_vreg.gather [hbm4b:s3+s2], $0x80, v3, vm0, $0xb8;
	[tilespmem:$0x10380] =	vst v63  }
0x9a: {  	v3 =	vld [tilespmem:$0xA0];
	_ =	sdelay $0x4  }
0x9b: {  	v58 =	vshll.u32 v3, $0x1  }
0x9c: {  	v3 =	vand.u32 $0x7, v3;
	v4 =	vand.u32 $0xFFFFFFF0, v58  }
0x9d: {  	v3 =	vor.u32 v3, v4  }
0x9e: {  	v4 =	vperm.xlane v3, v0;
	_ =	sdelay $0x1  }
0x9f: {  	v3 =	vperm.xlane v3, v2;
	v4 =	vadd.s32 v1, v4;
	_ =	sdelay $0x1  }
0xa0: {  	v3 =	vadd.s32 v1, v3;
	_ =	sdelay $0x1  }
0xa1: {  	s0 =	simm.s32 $0xA100  }
0xa2: {  	[tilespmem:s0], [sflag:$0x2] =	stream.indirect_vreg.gather [hbm4b:s3+s2], $0x80, v4, vm0, $0xb8;
	[tilespmem:$0x10380] =	vst v63  }
0xa3: {  	_ = 	snop  }
0xa4: {  	[tilespmem:s10], [sflag:$0x2] =	stream.indirect_vreg.gather [hbm4b:s3+s2], $0x80, v3, vm0, $0xb8;
	[tilespmem:$0x10380] =	vst v63  }
0xa5: {  	v3 =	vld [tilespmem:$0xB0];
	_ =	sdelay $0x4  }
0xa6: {  	v59 =	vshll.u32 v3, $0x1  }
0xa7: {  	v3 =	vand.u32 $0x7, v3;
	v4 =	vand.u32 $0xFFFFFFF0, v59  }
0xa8: {  	v3 =	vor.u32 v3, v4  }
0xa9: {  	v4 =	vperm.xlane v3, v0;
	_ =	sdelay $0x1  }
0xaa: {  	v3 =	vperm.xlane v3, v2;
	v4 =	vadd.s32 v1, v4;
	_ =	sdelay $0x1  }
0xab: {  	v3 =	vadd.s32 v1, v3;
	_ =	sdelay $0x2  }
0xac: {  	[tilespmem:s11], [sflag:$0x2] =	stream.indirect_vreg.gather [hbm4b:s3+s2], $0x80, v4, vm0, $0xb8;
	[tilespmem:$0x10380] =	vst v63  }
0xad: {  	_ = 	snop  }
0xae: {  	[tilespmem:s12], [sflag:$0x2] =	stream.indirect_vreg.gather [hbm4b:s3+s2], $0x80, v3, vm0, $0xb8;
	[tilespmem:$0x10380] =	vst v63  }
0xaf: {  	v3 =	vld [tilespmem:$0xC0];
	_ =	sdelay $0x4  }
0xb0: {  	v60 =	vshll.u32 v3, $0x1  }
0xb1: {  	v3 =	vand.u32 $0x7, v3;
	v4 =	vand.u32 $0xFFFFFFF0, v60  }
0xb2: {  	v3 =	vor.u32 v3, v4  }
0xb3: {  	v4 =	vperm.xlane v3, v0;
	_ =	sdelay $0x1  }
0xb4: {  	v3 =	vperm.xlane v3, v2;
	v4 =	vadd.s32 v1, v4;
	_ =	sdelay $0x1  }
0xb5: {  	v3 =	vadd.s32 v1, v3;
	_ =	sdelay $0x2  }
0xb6: {  	[tilespmem:s13], [sflag:$0x2] =	stream.indirect_vreg.gather [hbm4b:s3+s2], $0x80, v4, vm0, $0xb8;
	[tilespmem:$0x10380] =	vst v63  }
0xb7: {  	_ = 	snop  }
0xb8: {  	[tilespmem:s14], [sflag:$0x2] =	stream.indirect_vreg.gather [hbm4b:s3+s2], $0x80, v3, vm0, $0xb8;
	[tilespmem:$0x10380] =	vst v63  }
0xb9: {  	v3 =	vld [tilespmem:$0xD0];
	_ =	sdelay $0x4  }
0xba: {  	v61 =	vshll.u32 v3, $0x1  }
0xbb: {  	v3 =	vand.u32 $0x7, v3;
	v4 =	vand.u32 $0xFFFFFFF0, v61  }
0xbc: {  	v3 =	vor.u32 v3, v4  }
0xbd: {  	v4 =	vperm.xlane v3, v0;
	_ =	sdelay $0x1  }
0xbe: {  	v3 =	vperm.xlane v3, v2;
	v4 =	vadd.s32 v1, v4;
	_ =	sdelay $0x1  }
0xbf: {  	v3 =	vadd.s32 v1, v3;
	_ =	sdelay $0x2  }
0xc0: {  	[tilespmem:s15], [sflag:$0x2] =	stream.indirect_vreg.gather [hbm4b:s3+s2], $0x80, v4, vm0, $0xb8;
	[tilespmem:$0x10380] =	vst v63  }
0xc1: {  	_ = 	snop  }
0xc2: {  	[tilespmem:s16], [sflag:$0x2] =	stream.indirect_vreg.gather [hbm4b:s3+s2], $0x80, v3, vm0, $0xb8;
	[tilespmem:$0x10380] =	vst v63  }
0xc3: {  	v3 =	vld [tilespmem:$0xE0];
	_ =	sdelay $0x4  }
0xc4: {  	v62 =	vshll.u32 v3, $0x1  }
0xc5: {  	v3 =	vand.u32 $0x7, v3;
	v4 =	vand.u32 $0xFFFFFFF0, v62  }
0xc6: {  	v3 =	vor.u32 v3, v4  }
0xc7: {  	v4 =	vperm.xlane v3, v0;
	_ =	sdelay $0x1  }
0xc8: {  	v3 =	vperm.xlane v3, v2;
	v4 =	vadd.s32 v1, v4;
	_ =	sdelay $0x1  }
0xc9: {  	v3 =	vadd.s32 v1, v3;
	_ =	sdelay $0x2  }
0xca: {  	[tilespmem:s17], [sflag:$0x2] =	stream.indirect_vreg.gather [hbm4b:s3+s2], $0x80, v4, vm0, $0xb8;
	[tilespmem:$0x10380] =	vst v63  }
0xcb: {  	_ = 	snop  }
0xcc: {  	[tilespmem:s18], [sflag:$0x2] =	stream.indirect_vreg.gather [hbm4b:s3+s2], $0x80, v3, vm0, $0xb8;
	[tilespmem:$0x10380] =	vst v63  }
0xcd: {  	v3 =	vld [tilespmem:$0xF0];
	_ =	sdelay $0x4  }
0xce: {  	v63 =	vshll.u32 v3, $0x1  }
0xcf: {  	v3 =	vand.u32 $0x7, v3;
	v4 =	vand.u32 $0xFFFFFFF0, v63  }
0xd0: {  	v3 =	vor.u32 v3, v4  }
0xd1: {  	v4 =	vperm.xlane v3, v0;
	_ =	sdelay $0x1  }
0xd2: {  	v3 =	vperm.xlane v3, v2;
	v4 =	vadd.s32 v1, v4;
	_ =	sdelay $0x1  }
0xd3: {  	v3 =	vadd.s32 v1, v3;
	_ =	sdelay $0x2  }
0xd4: {  	[tilespmem:s19], [sflag:$0x2] =	stream.indirect_vreg.gather [hbm4b:s3+s2], $0x80, v4, vm0, $0xb8;
	[tilespmem:$0x10380] =	vst v63  }
0xd5: {  	_ = 	snop  }
0xd6: {  	[tilespmem:s20], [sflag:$0x2] =	stream.indirect_vreg.gather [hbm4b:s3+s2], $0x80, v3, vm0, $0xb8;
	[tilespmem:$0x10380] =	vst v63  }
0xd7: {  	s30 =	rddreg [dreg:$0x5]  }
0xd8: {  	[tilespmem:s21], [sflag:$0x5] =	stream.linear.gather [hbm4b:s30+s2], $0x80, $0x38;
	[tilespmem:$0x10380] =	vst v63  }
0xd9: {  	_ =	swait.ge [sflag:s5], $0x80  }
0xda: {  	s28 =	sshrl.u32 @!p0 s1, $0x3;
	[sflag:s5] =	ssyncset.done $0x0  }
0xdb: {  	s29 =	simm.s32 @!p0 $0x1C05;
	s26 =	rddreg [dreg:$0x4];
	[sflag:s5] =	ssyncadd.s32 $0xFFFFFF80  }
0xdc: {  	[spmem:s28], [sflag:s29] =	dma.local @!p0 [hbm:s26], $0x400  }
0xdd: {  	s26 =	simm.s32 @!p0 $0x5  }
0xde: {  	_ =	swait.ge @!p0 [sflag:s26], $0x400  }
0xdf: {  	[sflag:s26] =	ssyncset.done @!p0 $0x0  }
0xe0: {  	[sflag:s26] =	ssyncadd.s32 @!p0 $0xFFFFFC00  }
0xe1: {  	_ =	swait.ge [sflag:s22], $0x8000  }
0xe2: {  	[sflag:s22] =	ssyncset.done $0x0  }
0xe3: {  	s30 =	rddreg [dreg:$0x8];
	[sflag:s22] =	ssyncadd.s32 $0xFFFF8000  }
0xe4: {  	[hbm4b:s30+s2] =	stream.linear.scatter [tilespmem:s7], [sflag:$0x3], $0x8000, $0x38;
	[tilespmem:$0x10380] =	vst v63  }
0xe5: {  	_ =	swait.ge [sflag:s23], $0x8000  }
0xe6: {  	[sflag:s23] =	ssyncset.done $0x0  }
0xe7: {  	s31 =	rddreg [dreg:$0x9];
	[sflag:s23] =	ssyncadd.s32 $0xFFFF8000  }
0xe8: {  	[hbm4b:s31+s2] =	stream.linear.scatter [tilespmem:s8], [sflag:$0x4], $0x8000, $0x38;
	[tilespmem:$0x10380] =	vst v63  }
0xe9: {  	[bflag:$0x0] =	sbarrier.arrive $0xFFFF  }
0xea: {  	[spmem:s1] =	stream.indirect.scatter.add.f32 [tilespmem:s21], [sflag:$0x5], $0x1, s2, s6, $0xb8;
	[tilespmem:$0x10380] =	vst v63  }
0xeb: {  	_ =	swait.ge [sflag:s5], $0x80  }
0xec: {  	[sflag:s5] =	ssyncset.done $0x0  }
0xed: {  	[sflag:s5] =	ssyncadd.s32 $0xFFFFFF80  }
0xee: {  	[spmem:s1] =	stream.indirect.scatter.add.f32 [tilespmem:s21], [sflag:$0x5], $0x1, s6, s6, $0xb8;
	[tilespmem:$0x10380] =	vst v63  }
0xef: {  	_ =	swait.ge [sflag:s5], $0x80  }
0xf0: {  	[sflag:s5] =	ssyncset.done $0x0  }
0xf1: {  	[sflag:s5] =	ssyncadd.s32 $0xFFFFFF80  }
0xf2: {  	s9 =	simm.s32 @!p0 $0x10;
	[bflag:$0x0] =	sbarrier.arrive $0xFFFF  }
0xf3: {  	s0 =	simm.s32 @!p0 $0x20;
	s31 =	simm.s32 @!p0 $0x1;
	s30 =	rddreg [dreg:$0xa]  }
0xf4: {  	[hbm:s30@s0], [sflag:s29] =	dma.strided @!p0 [spmem:s28@s9], $0x400, s31, $0x10   }
0xf5: {  	_ =	swait.ge @!p0 [sflag:s26], $0x400  }
0xf6: {  	[sflag:s26] =	ssyncset.done @!p0 $0x0  }
0xf7: {  	s4 =	sadd.s32 $0xFFFFFFFF, s4;
	[sflag:s26] =	ssyncadd.s32 @!p0 $0xFFFFFC00  }
0xf8: {  	p1 =	sne.s32 s4, $0x0;
	_ =	swait.ge [sflag:s24], $0x8000  }
.Ltmp0:
0xf9: {  	[sflag:s24] =	ssyncset.done $0x0;
	(pc) =	sbr.rel @p1 .LBB2_1-.Ltmp0, $4  }
0xfa: {  	[sflag:s24] =	ssyncadd.s32 $0xFFFF8000  }
0xfb: {  	_ =	swait.ge [sflag:s25], $0x8000  }
0xfc: {  	[sflag:s25] =	ssyncset.done $0x0  }
0xfd: {  	[sflag:s25] =	ssyncadd.s32 $0xFFFF8000  }
0xfe: {  	_ =	sfence.sel $0x180000  }
0xff: {  	[bflag:$0x0] =	sbarrier.arrive $0xFFFF  }
0x100: {  	_ =	strace $0x90000047  }
0x101: {  	[bflag:$0x2] =	sbarrier.arrive $0xFFFF  }
0x102: {  	s0 =	rddreg [dreg:$0x3]  }
0x103: {  	s0 =	sadd.s32 @!p0 $0x100000, s0  }
0x104: {  	[sflag:s0] =	ssyncadd.tile.s32 @!p0 $0x1;
	_ =	shalt  }
.Lfunc_end2:
_tile_overlayer_lowered:
.L_overlay_start_2:
0x105: {  	(tag) =	ssettag $0x2  }
0x106: {  	s0 =	rddreg [dreg:$0x0];
	s2 =	stileid.u32  }
0x107: {  	s1 =	rddreg [dreg:$0x1];
	p0 =	sne.s32 s2, $0x0  }
0x108: {  	s3 =	rddreg [dreg:$0x2];
	[bflag:$0x3] =	sbarrier.arrive $0xFFFF;
	s2 =	simm.s32 @!p0 $0x1C05  }
0x109: {  	[timem:s3], [sflag:s2] =	dma.local @!p0 [hbm:s0], s1  }
0x10a: {  	s0 =	simm.s32 @!p0 $0x5  }
0x10b: {  	_ =	swait.ge @!p0 [sflag:s0], s1  }
0x10c: {  	s1 =	ssub.s32 @!p0 $0x0, s1;
	[sflag:s0] =	ssyncset.done @!p0 $0x0  }
0x10d: {  	[sflag:s0] =	ssyncadd.s32 @!p0 s1  }
0x10e: {  	[bflag:$0x3] =	sbarrier.arrive $0xFFFF  }
0x10f: {  	_ =	shalt  }

</sc_bundles>
